<compile_context>
chip_gen: v7x
topology: tpu7x:2x2x1
jax: 0.10.2.dev20260603
libtpu: 0.0.44.dev20260713+nightly
codegen_flags: <defaults>
</compile_context>

<pallas_src>
import functools

import jax
import jax.numpy as jnp
from jax import lax
from jax.experimental import pallas as pl
from jax.experimental.pallas import tpu as pltpu
from jax.experimental.pallas import tpu_sc as plsc

N = 10000
D = 128
H = 128
G = 64
S = 32
C = 2
E = 320000

NC = 2
NS = 16
NW = NC * NS

PT = 10368
EP = PT * NW
K = 96
NCHUNK = PT // K
NCHUNK0 = 144
NCHUNK1 = 2 * NCHUNK - NCHUNK0
PT0 = NCHUNK0 * K
PT1 = NCHUNK1 * K
NB = 3
PF = 2
RS = 6
PFI = 4
KD = 128
NCHUNKD = PT // KD
NBD = 3

NPAD = 10240
ZR = NPAD // NS

_mesh = plsc.VectorSubcoreMesh(
    core_axis_name="c", subcore_axis_name="s", num_cores=NC, num_subcores=NS)



@functools.partial(
    pl.kernel,
    out_type=jax.ShapeDtypeStruct((NC, NPAD, 16), jnp.float32),
    mesh=_mesh,
    scratch_types=[
        pltpu.VMEM((NCHUNKD, KD), jnp.int32),
        pltpu.VMEM((KD, 16), jnp.float32),
        [pltpu.SemaphoreType.DMA] * NBD,
        pltpu.VMEM_SHARED((NPAD, 16), jnp.float32),
    ],
)
def _sc_degree(dst_hbm, zeros16_hbm, ones16_hbm, out_hbm, idx_v, ones_v,
               sems, acc_sh):
    c = lax.axis_index("c")
    s = lax.axis_index("s")
    pltpu.sync_copy(zeros16_hbm, acc_sh.at[pl.ds(s * ZR, ZR)])
    pltpu.sync_copy(ones16_hbm, ones_v)
    pltpu.sync_copy(dst_hbm.at[c * NS + s], idx_v)
    plsc.subcore_barrier()

    def group(g, _):
        for b in range(NBD):
            j = g * NBD + b
            @pl.when(g > 0)
            def _wait():
                pltpu.make_async_copy(ones_v, acc_sh.at[idx_v.at[0]],
                                      sems[b]).wait()
            pltpu.async_copy(ones_v, acc_sh.at[idx_v.at[j]], sems[b], add=True)
        return _

    lax.fori_loop(0, NCHUNKD // NBD, group, None)
    for b in range(NBD):
        pltpu.make_async_copy(ones_v, acc_sh.at[idx_v.at[0]], sems[b]).wait()
    plsc.subcore_barrier()
    pltpu.sync_copy(acc_sh.at[pl.ds(s * ZR, ZR)], out_hbm.at[c, pl.ds(s * ZR, ZR)])


@functools.partial(
    pl.kernel,
    out_type=jax.ShapeDtypeStruct((NC, NPAD, H), jnp.float32),
    mesh=_mesh,
    scratch_types=[
        [pltpu.VMEM((K,), jnp.int32)] * RS,
        [pltpu.VMEM((K,), jnp.int32)] * RS,
        [pltpu.VMEM((K, H), jnp.float32)] * NB,
        [pltpu.SemaphoreType.DMA] * RS,
        [pltpu.SemaphoreType.DMA] * NB,
        [pltpu.SemaphoreType.DMA] * NB,
        pltpu.VMEM_SHARED((NPAD, H), jnp.float32),
    ],
)
def _sc_scatter(hs_hbm, idx_hbm, zeros_hbm, out_hbm,
                sstage, dstage, rows, isem, gsem, ssem, acc_sh):
    c = lax.axis_index("c")
    s = lax.axis_index("s")
    wid = c * NS + s
    ptc = jnp.where(c == 0, PT0, PT1)
    ngroups = jnp.where(c == 0, NCHUNK0 // RS, NCHUNK1 // RS)
    nchunk = ngroups * RS
    pltpu.sync_copy(zeros_hbm, acc_sh.at[pl.ds(s * ZR, ZR)])
    plsc.subcore_barrier()

    ibase = wid * (2 * PT0)

    def fire_idx(ji, r):
        pltpu.async_copy(idx_hbm.at[pl.ds(ibase + K * ji, K)], sstage[r],
                         isem[r])
        pltpu.async_copy(idx_hbm.at[pl.ds(ibase + ptc + K * ji, K)],
                         dstage[r], isem[r])

    def wait_idx(r):
        pltpu.make_async_copy(idx_hbm.at[pl.ds(0, K)], sstage[r],
                              isem[r]).wait()
        pltpu.make_async_copy(idx_hbm.at[pl.ds(0, K)], dstage[r],
                              isem[r]).wait()

    for r in range(PFI):
        fire_idx(r, r)
    for b in range(PF):
        wait_idx(b)
        pltpu.async_copy(hs_hbm.at[sstage[b]], rows[b], gsem[b])

    def group(g, _):
        for u in range(RS):
            j = g * RS + u
            b = u % NB
            r = u
            rp = (u + PF) % RS
            bp = (b + PF) % NB
            ri = (u + PFI) % RS
            @pl.when(j + PFI < nchunk)
            def _pf_idx():
                fire_idx(j + PFI, ri)
            @pl.when(j + PF < nchunk)
            def _pf_gather():
                @pl.when(j + PF >= NB)
                def _wait_scatter():
                    pltpu.make_async_copy(rows[bp], acc_sh.at[dstage[rp]],
                                          ssem[bp]).wait()
                wait_idx(rp)
                pltpu.async_copy(hs_hbm.at[sstage[rp]], rows[bp], gsem[bp])
            pltpu.make_async_copy(hs_hbm.at[sstage[r]], rows[b],
                                  gsem[b]).wait()
            pltpu.async_copy(rows[b], acc_sh.at[dstage[r]], ssem[b], add=True)
        return _

    lax.fori_loop(0, ngroups, group, None)
    for b in range(NB):
        pltpu.make_async_copy(rows[b], acc_sh.at[dstage[b]], ssem[b]).wait()
    plsc.subcore_barrier()
    pltpu.sync_copy(acc_sh.at[pl.ds(s * ZR, ZR)], out_hbm.at[c, pl.ds(s * ZR, ZR)])



def _tc_pre_body(d0_ref, d1_ref, x_ref, w1_ref, stat_ref, ws_ref, bs_ref,
                 dinv_ref, hs1_ref, statout_ref):
    deg = d0_ref[:N, 0:1] + d1_ref[:N, 0:1]
    dinv = lax.rsqrt(deg)
    dinv_ref[...] = dinv
    h = jnp.dot(x_ref[...], w1_ref[...], preferred_element_type=jnp.float32)
    hs1_ref[...] = h * dinv
    st = jnp.dot(stat_ref[...], ws_ref[...], preferred_element_type=jnp.float32)
    statout_ref[...] = jnp.maximum(st + bs_ref[...], 0.0)


def _tc_mid_body(a0_ref, a1_ref, dinv_ref, b_ref, wn_ref, batch_ref,
                 hsn_ref, pool_ref):
    dinv = dinv_ref[...]
    xl = dinv * (a0_ref[:N, :] + a1_ref[:N, :]) + b_ref[...]
    xr = jnp.maximum(xl, 0.0)
    gid = lax.broadcasted_iota(jnp.int32, (N, G), 1)
    onehot = jnp.where(batch_ref[...] == gid, 1.0, 0.0)
    pool_ref[...] = lax.dot_general(
        onehot, xr, (((0,), (0,)), ((), ())),
        preferred_element_type=jnp.float32)
    hsn_ref[...] = jnp.dot(
        xl, wn_ref[...], preferred_element_type=jnp.float32) * dinv


def _tc_final_body(a0_ref, a1_ref, dinv_ref, b3_ref, batch_ref, p1_ref,
                   p2_ref, stat_ref, wc_ref, bc_ref, out_ref):
    dinv = dinv_ref[...]
    x3 = dinv * (a0_ref[:N, :] + a1_ref[:N, :]) + b3_ref[...]
    x3r = jnp.maximum(x3, 0.0)
    gid = lax.broadcasted_iota(jnp.int32, (N, G), 1)
    onehot = jnp.where(batch_ref[...] == gid, 1.0, 0.0)
    pool3 = lax.dot_general(onehot, x3r, (((0,), (0,)), ((), ())),
                            preferred_element_type=jnp.float32)
    cnt = lax.dot_general(onehot, jnp.ones((N, 1), jnp.float32),
                          (((0,), (0,)), ((), ())),
                          preferred_element_type=jnp.float32)
    rc = 1.0 / jnp.maximum(cnt, 1.0)
    comb = jnp.concatenate(
        [p1_ref[...] * rc, p2_ref[...] * rc, pool3 * rc, stat_ref[...]], axis=1)
    out_ref[...] = jnp.dot(
        comb, wc_ref[...], preferred_element_type=jnp.float32) + bc_ref[...]


_f32 = jnp.float32

_tc_pre = pl.pallas_call(
    _tc_pre_body,
    out_shape=[
        jax.ShapeDtypeStruct((N, 1), _f32),
        jax.ShapeDtypeStruct((N, H), _f32),
        jax.ShapeDtypeStruct((G, H), _f32),
    ],
)

_tc_mid = pl.pallas_call(
    _tc_mid_body,
    out_shape=[
        jax.ShapeDtypeStruct((N, H), _f32),
        jax.ShapeDtypeStruct((G, H), _f32),
    ],
)

_tc_final = pl.pallas_call(
    _tc_final_body,
    out_shape=jax.ShapeDtypeStruct((G, C), _f32),
)


def kernel(x, edge_index, statistical, batch, W1, b1, W2, b2, W3, b3,
           Ws, bs, Wc, bc):
    ei = edge_index.astype(jnp.int32)
    si = jnp.arange(N, dtype=jnp.int32)
    npadjunk = EP - E - N
    srcf = jnp.concatenate([ei[0], si, jnp.zeros((npadjunk,), jnp.int32)])
    junk = N + jnp.arange(npadjunk, dtype=jnp.int32) % (NPAD - N)
    dstf = jnp.concatenate([ei[1], si, junk])
    e0 = NS * PT0
    s0 = srcf[:e0].reshape(NS, PT0)
    d0 = dstf[:e0].reshape(NS, PT0)
    s1 = srcf[e0:].reshape(NS, PT1)
    d1 = dstf[e0:].reshape(NS, PT1)
    pad1 = jnp.zeros((NS, PT0 - PT1), jnp.int32)
    idxp = jnp.concatenate([
        jnp.concatenate([s0, d0], axis=1),
        jnp.concatenate([s1, d1, pad1, pad1], axis=1)], axis=0).reshape(-1)
    dstd = dstf.reshape(NW, NCHUNKD, KD)

    zeros16 = jnp.zeros((ZR, 16), _f32)
    ones16 = jnp.ones((KD, 16), _f32)
    zrows = jnp.zeros((ZR, H), _f32)
    batch2d = batch.astype(jnp.int32).reshape(N, 1)

    degp = _sc_degree(dstd, zeros16, ones16)
    dinv, hs1, stat = _tc_pre(degp[0], degp[1], x, W1, statistical, Ws,
                              bs.reshape(1, H))

    acc1 = _sc_scatter(hs1, idxp, zrows)
    hs2, pool1 = _tc_mid(acc1[0], acc1[1], dinv, b1.reshape(1, H), W2, batch2d)

    acc2 = _sc_scatter(hs2, idxp, zrows)
    hs3, pool2 = _tc_mid(acc2[0], acc2[1], dinv, b2.reshape(1, H), W3, batch2d)

    acc3 = _sc_scatter(hs3, idxp, zrows)
    out = _tc_final(acc3[0], acc3[1], dinv, b3.reshape(1, H), batch2d,
                    pool1, pool2, stat, Wc, bc.reshape(1, C))
    return out

# --- scband reference (transcript-rebuilt; emitter-appended) ---
"""Pipeline reference for scband-gcn-multi-scale-5446018531914 (READ-ONLY COPY).

The authoritative reference and input builder live on the scoring server;
editing this copy changes nothing except your own understanding.
"""

import jax, jax.numpy as jnp
import numpy as np

N = 10000
E = 320000
D = 128
H = 128
G = 64
S = 32
C = 2


def setup_inputs(seed: int = 0) -> dict:
    key = jax.random.key(seed)
    ks = jax.random.split(key, 16)
    x = jax.random.normal(ks[0], (N, D), dtype=jnp.float32)
    edge_index = jax.random.randint(ks[1], (2, E), 0, N)
    batch = jnp.sort(jax.random.randint(ks[2], (N,), 0, G))
    statistical = jax.random.normal(ks[3], (G, S), dtype=jnp.float32)
    W1 = jax.random.normal(ks[4], (D, H), dtype=jnp.float32) * 0.05
    b1 = jnp.zeros((H,), dtype=jnp.float32)
    W2 = jax.random.normal(ks[5], (H, H), dtype=jnp.float32) * 0.05
    b2 = jnp.zeros((H,), dtype=jnp.float32)
    W3 = jax.random.normal(ks[6], (H, H), dtype=jnp.float32) * 0.05
    b3 = jnp.zeros((H,), dtype=jnp.float32)
    Ws = jax.random.normal(ks[7], (S, H), dtype=jnp.float32) * 0.05
    bs = jnp.zeros((H,), dtype=jnp.float32)
    Wc = jax.random.normal(ks[8], (4 * H, C), dtype=jnp.float32) * 0.05
    bc = jnp.zeros((C,), dtype=jnp.float32)
    return {"x": x, "edge_index": edge_index, "statistical": statistical, "batch": batch,
            "W1": W1, "b1": b1, "W2": W2, "b2": b2, "W3": W3, "b3": b3,
            "Ws": Ws, "bs": bs, "Wc": Wc, "bc": bc}


def _gcn_conv(x, edge_index, W, b):
    # PyG GCNConv: add self-loops, symmetric normalization, linear transform
    si = jnp.arange(N, dtype=edge_index.dtype)
    src = jnp.concatenate([edge_index[0], si])
    dst = jnp.concatenate([edge_index[1], si])
    h = x @ W
    deg = jnp.zeros((N,), h.dtype).at[dst].add(1.0)
    dinv = jnp.where(deg > 0, deg ** -0.5, 0.0)
    norm = dinv[src] * dinv[dst]
    msgs = h[src] * norm[:, None]
    out = jnp.zeros((N, W.shape[1]), h.dtype).at[dst].add(msgs)
    return out + b


def _global_mean_pool(v, batch):
    sums = jax.ops.segment_sum(v, batch, num_segments=G)
    cnt = jax.ops.segment_sum(jnp.ones((v.shape[0],), v.dtype), batch, num_segments=G)
    return sums / jnp.maximum(cnt, 1.0)[:, None]


def reference(x, edge_index, statistical, batch, W1, b1, W2, b2, W3, b3, Ws, bs, Wc, bc):
    # NOTE: x passed to the next conv is PRE-relu (matches original aliasing)
    x1 = _gcn_conv(x, edge_index, W1, b1)
    x1r = jax.nn.relu(x1)
    x2 = _gcn_conv(x1, edge_index, W2, b2)
    x2r = jax.nn.relu(x2)
    x3 = _gcn_conv(x2, edge_index, W3, b3)
    x3r = jax.nn.relu(x3)
    p1 = _global_mean_pool(x1r, batch)
    p2 = _global_mean_pool(x2r, batch)
    p3 = _global_mean_pool(x3r, batch)
    x1x2x3 = jnp.concatenate([p1, p2, p3], axis=1)
    stat = jax.nn.relu(statistical @ Ws + bs)
    comb = jnp.concatenate([x1x2x3, stat], axis=1)
    return comb @ Wc + bc

if __name__ == "__main__":
    import jax
    _d = setup_inputs()
    print(jax.jit(kernel)(*tuple(_d.values())))

</pallas_src>

<mosaic_0001>
#map = affine_map<(d0, d1) -> (0, 0, 0)>
#map1 = affine_map<(d0, d1) -> (0, 0)>
module attributes {stable_mosaic.version = 14 : i64} {
  func.func @_sc_degree(%arg0: i32, %arg1: i32, %arg2: memref<32x81x128xi32, #tpu.memory_space<hbm>>, %arg3: memref<640x16xf32, #tpu.memory_space<hbm>>, %arg4: memref<128x16xf32, #tpu.memory_space<hbm>>, %arg5: memref<2x10240x16xf32, #tpu.memory_space<hbm>>, %arg6: memref<81x128xi32, #tpu.memory_space<vmem>>, %arg7: memref<128x16xf32, #tpu.memory_space<vmem>>, %arg8: memref<!tpu.dma_semaphore, #tpu.memory_space<semaphore_mem>>, %arg9: memref<!tpu.dma_semaphore, #tpu.memory_space<semaphore_mem>>, %arg10: memref<!tpu.dma_semaphore, #tpu.memory_space<semaphore_mem>>, %arg11: memref<10240x16xf32, #tpu.memory_space<vmem_shared>>) attributes {dimension_semantics = [#tpu.dimension_semantics<core_parallel>, #tpu.dimension_semantics<subcore_parallel>], iteration_bounds = array<i64: 2, 16>, scalar_prefetch = 0 : i64, scratch_operands = 6 : i64, tpu.core_type = #tpu.core_type<sc_vector_subcore>, window_params = [{transform_indices = #map}, {transform_indices = #map1}, {transform_indices = #map1}, {transform_indices = #map}]} {
    %mul3A = arith.constant 640 : i32
    %mul3A_0 = arith.muli %arg1, %mul3A : i32
    "tpu.region"() ({
      %run_scoped3A = tpu.sem_alloc : memref<!tpu.dma_semaphore, #tpu.memory_space<semaphore_mem>>
      %dma_start3A = arith.constant 0 : i32
      %dma_start3A_32 = tpu.memref_slice %arg11[%mul3A_0, %dma_start3A] : memref<10240x16xf32, #tpu.memory_space<vmem_shared>> -> memref<640x16xf32, #tpu.memory_space<vmem_shared>>
      tpu.enqueue_dma source(%arg3 : memref<640x16xf32, #tpu.memory_space<hbm>>) target(%dma_start3A_32 : memref<640x16xf32, #tpu.memory_space<vmem_shared>>) target_semaphore(%run_scoped3A : memref<!tpu.dma_semaphore, #tpu.memory_space<semaphore_mem>>)
      %dma_wait3A_33 = arith.constant 0 : i32
      %dma_wait3A_34 = tpu.memref_slice %arg11[%mul3A_0, %dma_wait3A_33] : memref<10240x16xf32, #tpu.memory_space<vmem_shared>> -> memref<640x16xf32, #tpu.memory_space<vmem_shared>>
      tpu.wait_dma2 semaphore(%run_scoped3A : memref<!tpu.dma_semaphore, #tpu.memory_space<semaphore_mem>>) src(%arg3 : memref<640x16xf32, #tpu.memory_space<hbm>>) dst(%dma_wait3A_34 : memref<640x16xf32, #tpu.memory_space<vmem_shared>>)
      tpu.yield
    }) : () -> ()
    "tpu.region"() ({
      %run_scoped3A = tpu.sem_alloc : memref<!tpu.dma_semaphore, #tpu.memory_space<semaphore_mem>>
      tpu.enqueue_dma source(%arg4 : memref<128x16xf32, #tpu.memory_space<hbm>>) target(%arg7 : memref<128x16xf32, #tpu.memory_space<vmem>>) target_semaphore(%run_scoped3A : memref<!tpu.dma_semaphore, #tpu.memory_space<semaphore_mem>>)
      tpu.wait_dma2 semaphore(%run_scoped3A : memref<!tpu.dma_semaphore, #tpu.memory_space<semaphore_mem>>) src(%arg4 : memref<128x16xf32, #tpu.memory_space<hbm>>) dst(%arg7 : memref<128x16xf32, #tpu.memory_space<vmem>>)
      tpu.yield
    }) : () -> ()
    %mul3A_1 = arith.constant 16 : i32
    %mul3A_2 = arith.muli %arg0, %mul3A_1 : i32
    %add3A = arith.addi %mul3A_2, %arg1 : i32
    "tpu.region"() ({
      %run_scoped3A = tpu.sem_alloc : memref<!tpu.dma_semaphore, #tpu.memory_space<semaphore_mem>>
      %dma_start3A = arith.constant 0 : i32
      %dma_start3A_32 = arith.constant 0 : i32
      %dma_start3A_33 = tpu.memref_slice %arg2[%add3A, %dma_start3A, %dma_start3A_32] : memref<32x81x128xi32, #tpu.memory_space<hbm>> -> memref<1x81x128xi32, #tpu.memory_space<hbm>>
      %dma_start3A_34 = tpu.memref_squeeze %dma_start3A_33 : memref<1x81x128xi32, #tpu.memory_space<hbm>> -> memref<81x128xi32, #tpu.memory_space<hbm>>
      %dma_start3A_35 = arith.constant 0 : i32
      %dma_start3A_36 = arith.constant 0 : i32
      %dma_start3A_37 = tpu.memref_slice %arg2[%add3A, %dma_start3A_35, %dma_start3A_36] : memref<32x81x128xi32, #tpu.memory_space<hbm>> -> memref<1x81x128xi32, #tpu.memory_space<hbm>>
      %dma_start3A_38 = tpu.memref_squeeze %dma_start3A_37 : memref<1x81x128xi32, #tpu.memory_space<hbm>> -> memref<81x128xi32, #tpu.memory_space<hbm>>
      tpu.enqueue_dma source(%dma_start3A_38 : memref<81x128xi32, #tpu.memory_space<hbm>>) target(%arg6 : memref<81x128xi32, #tpu.memory_space<vmem>>) target_semaphore(%run_scoped3A : memref<!tpu.dma_semaphore, #tpu.memory_space<semaphore_mem>>)
      %dma_wait3A_39 = arith.constant 0 : i32
      %dma_wait3A_40 = arith.constant 0 : i32
      %dma_wait3A_41 = tpu.memref_slice %arg2[%add3A, %dma_wait3A_39, %dma_wait3A_40] : memref<32x81x128xi32, #tpu.memory_space<hbm>> -> memref<1x81x128xi32, #tpu.memory_space<hbm>>
      %dma_wait3A_42 = tpu.memref_squeeze %dma_wait3A_41 : memref<1x81x128xi32, #tpu.memory_space<hbm>> -> memref<81x128xi32, #tpu.memory_space<hbm>>
      %dma_wait3A_43 = arith.constant 0 : i32
      %dma_wait3A_44 = arith.constant 0 : i32
      %dma_wait3A_45 = tpu.memref_slice %arg2[%add3A, %dma_wait3A_43, %dma_wait3A_44] : memref<32x81x128xi32, #tpu.memory_space<hbm>> -> memref<1x81x128xi32, #tpu.memory_space<hbm>>
      %dma_wait3A_46 = tpu.memref_squeeze %dma_wait3A_45 : memref<1x81x128xi32, #tpu.memory_space<hbm>> -> memref<81x128xi32, #tpu.memory_space<hbm>>
      tpu.wait_dma2 semaphore(%run_scoped3A : memref<!tpu.dma_semaphore, #tpu.memory_space<semaphore_mem>>) src(%dma_wait3A_46 : memref<81x128xi32, #tpu.memory_space<hbm>>) dst(%arg6 : memref<81x128xi32, #tpu.memory_space<vmem>>)
      tpu.yield
    }) : () -> ()
    %barrier3A = arith.constant 0 : index
    tpu.barrier barrier_id(%barrier3A)
    %scan3A = arith.constant 0 : i32
    %scan3A_3 = arith.constant 27 : i32
    %scan3A_4 = arith.addi %scan3A, %scan3A_3 : i32
    %scan3A_5 = arith.constant 1 : i32
    scf.for %scan3A_32 = %scan3A to %scan3A_4 step %scan3A_5  : i32 {
      %mul3A_33 = arith.constant 3 : i32
      %mul3A_34 = arith.muli %scan3A_32, %mul3A_33 : i32
      %add3A_35 = arith.constant 0 : i32
      %add3A_36 = arith.addi %mul3A_34, %add3A_35 : i32
      %gt3A = arith.constant 0 : i32
      %gt3A_37 = arith.cmpi sgt, %scan3A_32, %gt3A : i32
      %convert_element_type3A = arith.extui %gt3A_37 : i1 to i32
      %cond3A = arith.constant 0 : i32
      %cond3A_38 = arith.cmpi ne, %convert_element_type3A, %cond3A : i32
      scf.if %cond3A_38 {
        %dma_wait3A_74 = arith.constant 0 : i32
        %dma_wait3A_75 = arith.constant 0 : i32
        %dma_wait3A_76 = tpu.memref_slice %arg6[%dma_wait3A_74, %dma_wait3A_75] : memref<81x128xi32, #tpu.memory_space<vmem>> -> memref<1x128xi32, #tpu.memory_space<vmem>>
        %dma_wait3A_77 = tpu.memref_squeeze %dma_wait3A_76 : memref<1x128xi32, #tpu.memory_space<vmem>> -> memref<128xi32, #tpu.memory_space<vmem>>
        %dma_wait3A_78 = arith.constant 0 : i32
        %dma_wait3A_79 = arith.constant 0 : i32
        %dma_wait3A_80 = tpu.memref_slice %arg11[%dma_wait3A_78, %dma_wait3A_79] : memref<10240x16xf32, #tpu.memory_space<vmem_shared>> -> memref<10240x16xf32, #tpu.memory_space<vmem_shared>>
        tpu.wait_indirect_dma semaphore(%arg8 : memref<!tpu.dma_semaphore, #tpu.memory_space<semaphore_mem>>) src(%arg7 : memref<128x16xf32, #tpu.memory_space<vmem>>) dst(%dma_wait3A_80 : memref<10240x16xf32, #tpu.memory_space<vmem_shared>>)
      } else {
      }
      %dma_start3A = arith.constant 0 : i32
      %dma_start3A_39 = tpu.memref_slice %arg6[%add3A_36, %dma_start3A] : memref<81x128xi32, #tpu.memory_space<vmem>> -> memref<1x128xi32, #tpu.memory_space<vmem>>
      %dma_start3A_40 = tpu.memref_squeeze %dma_start3A_39 : memref<1x128xi32, #tpu.memory_space<vmem>> -> memref<128xi32, #tpu.memory_space<vmem>>
      %dma_start3A_41 = arith.constant 0 : i32
      %dma_start3A_42 = arith.constant 0 : i32
      %dma_start3A_43 = tpu.memref_slice %arg11[%dma_start3A_41, %dma_start3A_42] : memref<10240x16xf32, #tpu.memory_space<vmem_shared>> -> memref<10240x16xf32, #tpu.memory_space<vmem_shared>>
      tpu.enqueue_indirect_dma source(%arg7 : memref<128x16xf32, #tpu.memory_space<vmem>>) target(%dma_start3A_43 : memref<10240x16xf32, #tpu.memory_space<vmem_shared>>) offsets(%dma_start3A_40 : memref<128xi32, #tpu.memory_space<vmem>>) semaphore(%arg8 : memref<!tpu.dma_semaphore, #tpu.memory_space<semaphore_mem>>) {add = true}
      %mul3A_44 = arith.constant 3 : i32
      %mul3A_45 = arith.muli %scan3A_32, %mul3A_44 : i32
      %add3A_46 = arith.constant 1 : i32
      %add3A_47 = arith.addi %mul3A_45, %add3A_46 : i32
      %gt3A_48 = arith.constant 0 : i32
      %gt3A_49 = arith.cmpi sgt, %scan3A_32, %gt3A_48 : i32
      %convert_element_type3A_50 = arith.extui %gt3A_49 : i1 to i32
      %cond3A_51 = arith.constant 0 : i32
      %cond3A_52 = arith.cmpi ne, %convert_element_type3A_50, %cond3A_51 : i32
      scf.if %cond3A_52 {
        %dma_wait3A_74 = arith.constant 0 : i32
        %dma_wait3A_75 = arith.constant 0 : i32
        %dma_wait3A_76 = tpu.memref_slice %arg6[%dma_wait3A_74, %dma_wait3A_75] : memref<81x128xi32, #tpu.memory_space<vmem>> -> memref<1x128xi32, #tpu.memory_space<vmem>>
        %dma_wait3A_77 = tpu.memref_squeeze %dma_wait3A_76 : memref<1x128xi32, #tpu.memory_space<vmem>> -> memref<128xi32, #tpu.memory_space<vmem>>
        %dma_wait3A_78 = arith.constant 0 : i32
        %dma_wait3A_79 = arith.constant 0 : i32
        %dma_wait3A_80 = tpu.memref_slice %arg11[%dma_wait3A_78, %dma_wait3A_79] : memref<10240x16xf32, #tpu.memory_space<vmem_shared>> -> memref<10240x16xf32, #tpu.memory_space<vmem_shared>>
        tpu.wait_indirect_dma semaphore(%arg9 : memref<!tpu.dma_semaphore, #tpu.memory_space<semaphore_mem>>) src(%arg7 : memref<128x16xf32, #tpu.memory_space<vmem>>) dst(%dma_wait3A_80 : memref<10240x16xf32, #tpu.memory_space<vmem_shared>>)
      } else {
      }
      %dma_start3A_53 = arith.constant 0 : i32
      %dma_start3A_54 = tpu.memref_slice %arg6[%add3A_47, %dma_start3A_53] : memref<81x128xi32, #tpu.memory_space<vmem>> -> memref<1x128xi32, #tpu.memory_space<vmem>>
      %dma_start3A_55 = tpu.memref_squeeze %dma_start3A_54 : memref<1x128xi32, #tpu.memory_space<vmem>> -> memref<128xi32, #tpu.memory_space<vmem>>
      %dma_start3A_56 = arith.constant 0 : i32
      %dma_start3A_57 = arith.constant 0 : i32
      %dma_start3A_58 = tpu.memref_slice %arg11[%dma_start3A_56, %dma_start3A_57] : memref<10240x16xf32, #tpu.memory_space<vmem_shared>> -> memref<10240x16xf32, #tpu.memory_space<vmem_shared>>
      tpu.enqueue_indirect_dma source(%arg7 : memref<128x16xf32, #tpu.memory_space<vmem>>) target(%dma_start3A_58 : memref<10240x16xf32, #tpu.memory_space<vmem_shared>>) offsets(%dma_start3A_55 : memref<128xi32, #tpu.memory_space<vmem>>) semaphore(%arg9 : memref<!tpu.dma_semaphore, #tpu.memory_space<semaphore_mem>>) {add = true}
      %mul3A_59 = arith.constant 3 : i32
      %mul3A_60 = arith.muli %scan3A_32, %mul3A_59 : i32
      %add3A_61 = arith.constant 2 : i32
      %add3A_62 = arith.addi %mul3A_60, %add3A_61 : i32
      %gt3A_63 = arith.constant 0 : i32
      %gt3A_64 = arith.cmpi sgt, %scan3A_32, %gt3A_63 : i32
      %convert_element_type3A_65 = arith.extui %gt3A_64 : i1 to i32
      %cond3A_66 = arith.constant 0 : i32
      %cond3A_67 = arith.cmpi ne, %convert_element_type3A_65, %cond3A_66 : i32
      scf.if %cond3A_67 {
        %dma_wait3A_74 = arith.constant 0 : i32
        %dma_wait3A_75 = arith.constant 0 : i32
        %dma_wait3A_76 = tpu.memref_slice %arg6[%dma_wait3A_74, %dma_wait3A_75] : memref<81x128xi32, #tpu.memory_space<vmem>> -> memref<1x128xi32, #tpu.memory_space<vmem>>
        %dma_wait3A_77 = tpu.memref_squeeze %dma_wait3A_76 : memref<1x128xi32, #tpu.memory_space<vmem>> -> memref<128xi32, #tpu.memory_space<vmem>>
        %dma_wait3A_78 = arith.constant 0 : i32
        %dma_wait3A_79 = arith.constant 0 : i32
        %dma_wait3A_80 = tpu.memref_slice %arg11[%dma_wait3A_78, %dma_wait3A_79] : memref<10240x16xf32, #tpu.memory_space<vmem_shared>> -> memref<10240x16xf32, #tpu.memory_space<vmem_shared>>
        tpu.wait_indirect_dma semaphore(%arg10 : memref<!tpu.dma_semaphore, #tpu.memory_space<semaphore_mem>>) src(%arg7 : memref<128x16xf32, #tpu.memory_space<vmem>>) dst(%dma_wait3A_80 : memref<10240x16xf32, #tpu.memory_space<vmem_shared>>)
      } else {
      }
      %dma_start3A_68 = arith.constant 0 : i32
      %dma_start3A_69 = tpu.memref_slice %arg6[%add3A_62, %dma_start3A_68] : memref<81x128xi32, #tpu.memory_space<vmem>> -> memref<1x128xi32, #tpu.memory_space<vmem>>
      %dma_start3A_70 = tpu.memref_squeeze %dma_start3A_69 : memref<1x128xi32, #tpu.memory_space<vmem>> -> memref<128xi32, #tpu.memory_space<vmem>>
      %dma_start3A_71 = arith.constant 0 : i32
      %dma_start3A_72 = arith.constant 0 : i32
      %dma_start3A_73 = tpu.memref_slice %arg11[%dma_start3A_71, %dma_start3A_72] : memref<10240x16xf32, #tpu.memory_space<vmem_shared>> -> memref<10240x16xf32, #tpu.memory_space<vmem_shared>>
      tpu.enqueue_indirect_dma source(%arg7 : memref<128x16xf32, #tpu.memory_space<vmem>>) target(%dma_start3A_73 : memref<10240x16xf32, #tpu.memory_space<vmem_shared>>) offsets(%dma_start3A_70 : memref<128xi32, #tpu.memory_space<vmem>>) semaphore(%arg10 : memref<!tpu.dma_semaphore, #tpu.memory_space<semaphore_mem>>) {add = true}
    }
    %scan3A_6 = arith.constant 27 : i32
    %dma_wait3A = arith.constant 0 : i32
    %dma_wait3A_7 = arith.constant 0 : i32
    %dma_wait3A_8 = tpu.memref_slice %arg6[%dma_wait3A, %dma_wait3A_7] : memref<81x128xi32, #tpu.memory_space<vmem>> -> memref<1x128xi32, #tpu.memory_space<vmem>>
    %dma_wait3A_9 = tpu.memref_squeeze %dma_wait3A_8 : memref<1x128xi32, #tpu.memory_space<vmem>> -> memref<128xi32, #tpu.memory_space<vmem>>
    %dma_wait3A_10 = arith.constant 0 : i32
    %dma_wait3A_11 = arith.constant 0 : i32
    %dma_wait3A_12 = tpu.memref_slice %arg11[%dma_wait3A_10, %dma_wait3A_11] : memref<10240x16xf32, #tpu.memory_space<vmem_shared>> -> memref<10240x16xf32, #tpu.memory_space<vmem_shared>>
    tpu.wait_indirect_dma semaphore(%arg8 : memref<!tpu.dma_semaphore, #tpu.memory_space<semaphore_mem>>) src(%arg7 : memref<128x16xf32, #tpu.memory_space<vmem>>) dst(%dma_wait3A_12 : memref<10240x16xf32, #tpu.memory_space<vmem_shared>>)
    %dma_wait3A_13 = arith.constant 0 : i32
    %dma_wait3A_14 = arith.constant 0 : i32
    %dma_wait3A_15 = tpu.memref_slice %arg6[%dma_wait3A_13, %dma_wait3A_14] : memref<81x128xi32, #tpu.memory_space<vmem>> -> memref<1x128xi32, #tpu.memory_space<vmem>>
    %dma_wait3A_16 = tpu.memref_squeeze %dma_wait3A_15 : memref<1x128xi32, #tpu.memory_space<vmem>> -> memref<128xi32, #tpu.memory_space<vmem>>
    %dma_wait3A_17 = arith.constant 0 : i32
    %dma_wait3A_18 = arith.constant 0 : i32
    %dma_wait3A_19 = tpu.memref_slice %arg11[%dma_wait3A_17, %dma_wait3A_18] : memref<10240x16xf32, #tpu.memory_space<vmem_shared>> -> memref<10240x16xf32, #tpu.memory_space<vmem_shared>>
    tpu.wait_indirect_dma semaphore(%arg9 : memref<!tpu.dma_semaphore, #tpu.memory_space<semaphore_mem>>) src(%arg7 : memref<128x16xf32, #tpu.memory_space<vmem>>) dst(%dma_wait3A_19 : memref<10240x16xf32, #tpu.memory_space<vmem_shared>>)
    %dma_wait3A_20 = arith.constant 0 : i32
    %dma_wait3A_21 = arith.constant 0 : i32
    %dma_wait3A_22 = tpu.memref_slice %arg6[%dma_wait3A_20, %dma_wait3A_21] : memref<81x128xi32, #tpu.memory_space<vmem>> -> memref<1x128xi32, #tpu.memory_space<vmem>>
    %dma_wait3A_23 = tpu.memref_squeeze %dma_wait3A_22 : memref<1x128xi32, #tpu.memory_space<vmem>> -> memref<128xi32, #tpu.memory_space<vmem>>
    %dma_wait3A_24 = arith.constant 0 : i32
    %dma_wait3A_25 = arith.constant 0 : i32
    %dma_wait3A_26 = tpu.memref_slice %arg11[%dma_wait3A_24, %dma_wait3A_25] : memref<10240x16xf32, #tpu.memory_space<vmem_shared>> -> memref<10240x16xf32, #tpu.memory_space<vmem_shared>>
    tpu.wait_indirect_dma semaphore(%arg10 : memref<!tpu.dma_semaphore, #tpu.memory_space<semaphore_mem>>) src(%arg7 : memref<128x16xf32, #tpu.memory_space<vmem>>) dst(%dma_wait3A_26 : memref<10240x16xf32, #tpu.memory_space<vmem_shared>>)
    %barrier3A_27 = arith.constant 0 : index
    tpu.barrier barrier_id(%barrier3A_27)
    %mul3A_28 = arith.constant 640 : i32
    %mul3A_29 = arith.muli %arg1, %mul3A_28 : i32
    %mul3A_30 = arith.constant 640 : i32
    %mul3A_31 = arith.muli %arg1, %mul3A_30 : i32
    "tpu.region"() ({
      %run_scoped3A = tpu.sem_alloc : memref<!tpu.dma_semaphore, #tpu.memory_space<semaphore_mem>>
      %dma_start3A = arith.constant 0 : i32
      %dma_start3A_32 = tpu.memref_slice %arg5[%arg0, %mul3A_31, %dma_start3A] : memref<2x10240x16xf32, #tpu.memory_space<hbm>> -> memref<1x640x16xf32, #tpu.memory_space<hbm>>
      %dma_start3A_33 = tpu.memref_squeeze %dma_start3A_32 : memref<1x640x16xf32, #tpu.memory_space<hbm>> -> memref<640x16xf32, #tpu.memory_space<hbm>>
      %dma_start3A_34 = arith.constant 0 : i32
      %dma_start3A_35 = tpu.memref_slice %arg11[%mul3A_29, %dma_start3A_34] : memref<10240x16xf32, #tpu.memory_space<vmem_shared>> -> memref<640x16xf32, #tpu.memory_space<vmem_shared>>
      tpu.enqueue_dma source(%dma_start3A_35 : memref<640x16xf32, #tpu.memory_space<vmem_shared>>) target(%dma_start3A_33 : memref<640x16xf32, #tpu.memory_space<hbm>>) target_semaphore(%run_scoped3A : memref<!tpu.dma_semaphore, #tpu.memory_space<semaphore_mem>>)
      %dma_wait3A_36 = arith.constant 0 : i32
      %dma_wait3A_37 = tpu.memref_slice %arg5[%arg0, %mul3A_31, %dma_wait3A_36] : memref<2x10240x16xf32, #tpu.memory_space<hbm>> -> memref<1x640x16xf32, #tpu.memory_space<hbm>>
      %dma_wait3A_38 = tpu.memref_squeeze %dma_wait3A_37 : memref<1x640x16xf32, #tpu.memory_space<hbm>> -> memref<640x16xf32, #tpu.memory_space<hbm>>
      %dma_wait3A_39 = arith.constant 0 : i32
      %dma_wait3A_40 = tpu.memref_slice %arg11[%mul3A_29, %dma_wait3A_39] : memref<10240x16xf32, #tpu.memory_space<vmem_shared>> -> memref<640x16xf32, #tpu.memory_space<vmem_shared>>
      tpu.wait_dma2 semaphore(%run_scoped3A : memref<!tpu.dma_semaphore, #tpu.memory_space<semaphore_mem>>) src(%dma_wait3A_40 : memref<640x16xf32, #tpu.memory_space<vmem_shared>>) dst(%dma_wait3A_38 : memref<640x16xf32, #tpu.memory_space<hbm>>)
      tpu.yield
    }) : () -> ()
    return
  }
}

#map = affine_map<(d0, d1) -> (0, 0)>
#map1 = affine_map<(d0, d1) -> (0)>
#map2 = affine_map<(d0, d1) -> (0, 0, 0)>
module attributes {stable_mosaic.version = 14 : i64} {
  func.func @_sc_scatter(%arg0: i32, %arg1: i32, %arg2: memref<10000x128xf32, #tpu.memory_space<hbm>>, %arg3: memref<884736xi32, #tpu.memory_space<hbm>>, %arg4: memref<640x128xf32, #tpu.memory_space<hbm>>, %arg5: memref<2x10240x128xf32, #tpu.memory_space<hbm>>, %arg6: memref<96xi32, #tpu.memory_space<vmem>>, %arg7: memref<96xi32, #tpu.memory_space<vmem>>, %arg8: memref<96xi32, #tpu.memory_space<vmem>>, %arg9: memref<96xi32, #tpu.memory_space<vmem>>, %arg10: memref<96xi32, #tpu.memory_space<vmem>>, %arg11: memref<96xi32, #tpu.memory_space<vmem>>, %arg12: memref<96xi32, #tpu.memory_space<vmem>>, %arg13: memref<96xi32, #tpu.memory_space<vmem>>, %arg14: memref<96xi32, #tpu.memory_space<vmem>>, %arg15: memref<96xi32, #tpu.memory_space<vmem>>, %arg16: memref<96xi32, #tpu.memory_space<vmem>>, %arg17: memref<96xi32, #tpu.memory_space<vmem>>, %arg18: memref<96x128xf32, #tpu.memory_space<vmem>>, %arg19: memref<96x128xf32, #tpu.memory_space<vmem>>, %arg20: memref<96x128xf32, #tpu.memory_space<vmem>>, %arg21: memref<!tpu.dma_semaphore, #tpu.memory_space<semaphore_mem>>, %arg22: memref<!tpu.dma_semaphore, #tpu.memory_space<semaphore_mem>>, %arg23: memref<!tpu.dma_semaphore, #tpu.memory_space<semaphore_mem>>, %arg24: memref<!tpu.dma_semaphore, #tpu.memory_space<semaphore_mem>>, %arg25: memref<!tpu.dma_semaphore, #tpu.memory_space<semaphore_mem>>, %arg26: memref<!tpu.dma_semaphore, #tpu.memory_space<semaphore_mem>>, %arg27: memref<!tpu.dma_semaphore, #tpu.memory_space<semaphore_mem>>, %arg28: memref<!tpu.dma_semaphore, #tpu.memory_space<semaphore_mem>>, %arg29: memref<!tpu.dma_semaphore, #tpu.memory_space<semaphore_mem>>, %arg30: memref<!tpu.dma_semaphore, #tpu.memory_space<semaphore_mem>>, %arg31: memref<!tpu.dma_semaphore, #tpu.memory_space<semaphore_mem>>, %arg32: memref<!tpu.dma_semaphore, #tpu.memory_space<semaphore_mem>>, %arg33: memref<10240x128xf32, #tpu.memory_space<vmem_shared>>) attributes {dimension_semantics = [#tpu.dimension_semantics<core_parallel>, #tpu.dimension_semantics<subcore_parallel>], iteration_bounds = array<i64: 2, 16>, scalar_prefetch = 0 : i64, scratch_operands = 28 : i64, tpu.core_type = #tpu.core_type<sc_vector_subcore>, window_params = [{transform_indices = #map}, {transform_indices = #map1}, {transform_indices = #map}, {transform_indices = #map2}]} {
    %mul3A = arith.constant 16 : i32
    %mul3A_0 = arith.muli %arg0, %mul3A : i32
    %add3A = arith.addi %mul3A_0, %arg1 : i32
    %eq3A = arith.constant 0 : i32
    %eq3A_1 = arith.cmpi eq, %arg0, %eq3A : i32
    %jit3A = arith.constant 13824 : i32
    %jit3A_2 = arith.constant 6912 : i32
    %select_n3A = arith.select %eq3A_1, %jit3A, %jit3A_2 : i32
    %eq3A_3 = arith.constant 0 : i32
    %eq3A_4 = arith.cmpi eq, %arg0, %eq3A_3 : i32
    %jit3A_5 = arith.constant 24 : i32
    %jit3A_6 = arith.constant 12 : i32
    %select_n3A_7 = arith.select %eq3A_4, %jit3A_5, %jit3A_6 : i32
    %mul3A_8 = arith.constant 6 : i32
    %mul3A_9 = arith.muli %select_n3A_7, %mul3A_8 : i32
    %mul3A_10 = arith.constant 640 : i32
    %mul3A_11 = arith.muli %arg1, %mul3A_10 : i32
    "tpu.region"() ({
      %run_scoped3A = tpu.sem_alloc : memref<!tpu.dma_semaphore, #tpu.memory_space<semaphore_mem>>
      %dma_start3A_92 = arith.constant 0 : i32
      %dma_start3A_93 = tpu.memref_slice %arg33[%mul3A_11, %dma_start3A_92] : memref<10240x128xf32, #tpu.memory_space<vmem_shared>> -> memref<640x128xf32, #tpu.memory_space<vmem_shared>>
      tpu.enqueue_dma source(%arg4 : memref<640x128xf32, #tpu.memory_space<hbm>>) target(%dma_start3A_93 : memref<640x128xf32, #tpu.memory_space<vmem_shared>>) target_semaphore(%run_scoped3A : memref<!tpu.dma_semaphore, #tpu.memory_space<semaphore_mem>>)
      %dma_wait3A_94 = arith.constant 0 : i32
      %dma_wait3A_95 = tpu.memref_slice %arg33[%mul3A_11, %dma_wait3A_94] : memref<10240x128xf32, #tpu.memory_space<vmem_shared>> -> memref<640x128xf32, #tpu.memory_space<vmem_shared>>
      tpu.wait_dma2 semaphore(%run_scoped3A : memref<!tpu.dma_semaphore, #tpu.memory_space<semaphore_mem>>) src(%arg4 : memref<640x128xf32, #tpu.memory_space<hbm>>) dst(%dma_wait3A_95 : memref<640x128xf32, #tpu.memory_space<vmem_shared>>)
      tpu.yield
    }) : () -> ()
    %barrier3A = arith.constant 0 : index
    tpu.barrier barrier_id(%barrier3A)
    %mul3A_12 = arith.constant 27648 : i32
    %mul3A_13 = arith.muli %add3A, %mul3A_12 : i32
    %add3A_14 = arith.constant 0 : i32
    %add3A_15 = arith.addi %mul3A_13, %add3A_14 : i32
    %dma_start3A = tpu.memref_slice %arg3[%add3A_15] : memref<884736xi32, #tpu.memory_space<hbm>> -> memref<96xi32, #tpu.memory_space<hbm>>
    %dma_start3A_16 = tpu.memref_slice %arg3[%add3A_15] : memref<884736xi32, #tpu.memory_space<hbm>> -> memref<96xi32, #tpu.memory_space<hbm>>
    tpu.enqueue_dma source(%dma_start3A_16 : memref<96xi32, #tpu.memory_space<hbm>>) target(%arg6 : memref<96xi32, #tpu.memory_space<vmem>>) target_semaphore(%arg21 : memref<!tpu.dma_semaphore, #tpu.memory_space<semaphore_mem>>)
    %add3A_17 = arith.addi %mul3A_13, %select_n3A : i32
    %add3A_18 = arith.constant 0 : i32
    %add3A_19 = arith.addi %add3A_17, %add3A_18 : i32
    %dma_start3A_20 = tpu.memref_slice %arg3[%add3A_19] : memref<884736xi32, #tpu.memory_space<hbm>> -> memref<96xi32, #tpu.memory_space<hbm>>
    %dma_start3A_21 = tpu.memref_slice %arg3[%add3A_19] : memref<884736xi32, #tpu.memory_space<hbm>> -> memref<96xi32, #tpu.memory_space<hbm>>
    tpu.enqueue_dma source(%dma_start3A_21 : memref<96xi32, #tpu.memory_space<hbm>>) target(%arg12 : memref<96xi32, #tpu.memory_space<vmem>>) target_semaphore(%arg21 : memref<!tpu.dma_semaphore, #tpu.memory_space<semaphore_mem>>)
    %add3A_22 = arith.constant 96 : i32
    %add3A_23 = arith.addi %mul3A_13, %add3A_22 : i32
    %dma_start3A_24 = tpu.memref_slice %arg3[%add3A_23] : memref<884736xi32, #tpu.memory_space<hbm>> -> memref<96xi32, #tpu.memory_space<hbm>>
    %dma_start3A_25 = tpu.memref_slice %arg3[%add3A_23] : memref<884736xi32, #tpu.memory_space<hbm>> -> memref<96xi32, #tpu.memory_space<hbm>>
    tpu.enqueue_dma source(%dma_start3A_25 : memref<96xi32, #tpu.memory_space<hbm>>) target(%arg7 : memref<96xi32, #tpu.memory_space<vmem>>) target_semaphore(%arg22 : memref<!tpu.dma_semaphore, #tpu.memory_space<semaphore_mem>>)
    %add3A_26 = arith.addi %mul3A_13, %select_n3A : i32
    %add3A_27 = arith.constant 96 : i32
    %add3A_28 = arith.addi %add3A_26, %add3A_27 : i32
    %dma_start3A_29 = tpu.memref_slice %arg3[%add3A_28] : memref<884736xi32, #tpu.memory_space<hbm>> -> memref<96xi32, #tpu.memory_space<hbm>>
    %dma_start3A_30 = tpu.memref_slice %arg3[%add3A_28] : memref<884736xi32, #tpu.memory_space<hbm>> -> memref<96xi32, #tpu.memory_space<hbm>>
    tpu.enqueue_dma source(%dma_start3A_30 : memref<96xi32, #tpu.memory_space<hbm>>) target(%arg13 : memref<96xi32, #tpu.memory_space<vmem>>) target_semaphore(%arg22 : memref<!tpu.dma_semaphore, #tpu.memory_space<semaphore_mem>>)
    %add3A_31 = arith.constant 192 : i32
    %add3A_32 = arith.addi %mul3A_13, %add3A_31 : i32
    %dma_start3A_33 = tpu.memref_slice %arg3[%add3A_32] : memref<884736xi32, #tpu.memory_space<hbm>> -> memref<96xi32, #tpu.memory_space<hbm>>
    %dma_start3A_34 = tpu.memref_slice %arg3[%add3A_32] : memref<884736xi32, #tpu.memory_space<hbm>> -> memref<96xi32, #tpu.memory_space<hbm>>
    tpu.enqueue_dma source(%dma_start3A_34 : memref<96xi32, #tpu.memory_space<hbm>>) target(%arg8 : memref<96xi32, #tpu.memory_space<vmem>>) target_semaphore(%arg23 : memref<!tpu.dma_semaphore, #tpu.memory_space<semaphore_mem>>)
    %add3A_35 = arith.addi %mul3A_13, %select_n3A : i32
    %add3A_36 = arith.constant 192 : i32
    %add3A_37 = arith.addi %add3A_35, %add3A_36 : i32
    %dma_start3A_38 = tpu.memref_slice %arg3[%add3A_37] : memref<884736xi32, #tpu.memory_space<hbm>> -> memref<96xi32, #tpu.memory_space<hbm>>
    %dma_start3A_39 = tpu.memref_slice %arg3[%add3A_37] : memref<884736xi32, #tpu.memory_space<hbm>> -> memref<96xi32, #tpu.memory_space<hbm>>
    tpu.enqueue_dma source(%dma_start3A_39 : memref<96xi32, #tpu.memory_space<hbm>>) target(%arg14 : memref<96xi32, #tpu.memory_space<vmem>>) target_semaphore(%arg23 : memref<!tpu.dma_semaphore, #tpu.memory_space<semaphore_mem>>)
    %add3A_40 = arith.constant 288 : i32
    %add3A_41 = arith.addi %mul3A_13, %add3A_40 : i32
    %dma_start3A_42 = tpu.memref_slice %arg3[%add3A_41] : memref<884736xi32, #tpu.memory_space<hbm>> -> memref<96xi32, #tpu.memory_space<hbm>>
    %dma_start3A_43 = tpu.memref_slice %arg3[%add3A_41] : memref<884736xi32, #tpu.memory_space<hbm>> -> memref<96xi32, #tpu.memory_space<hbm>>
    tpu.enqueue_dma source(%dma_start3A_43 : memref<96xi32, #tpu.memory_space<hbm>>) target(%arg9 : memref<96xi32, #tpu.memory_space<vmem>>) target_semaphore(%arg24 : memref<!tpu.dma_semaphore, #tpu.memory_space<semaphore_mem>>)
    %add3A_44 = arith.addi %mul3A_13, %select_n3A : i32
    %add3A_45 = arith.constant 288 : i32
    %add3A_46 = arith.addi %add3A_44, %add3A_45 : i32
    %dma_start3A_47 = tpu.memref_slice %arg3[%add3A_46] : memref<884736xi32, #tpu.memory_space<hbm>> -> memref<96xi32, #tpu.memory_space<hbm>>
    %dma_start3A_48 = tpu.memref_slice %arg3[%add3A_46] : memref<884736xi32, #tpu.memory_space<hbm>> -> memref<96xi32, #tpu.memory_space<hbm>>
    tpu.enqueue_dma source(%dma_start3A_48 : memref<96xi32, #tpu.memory_space<hbm>>) target(%arg15 : memref<96xi32, #tpu.memory_space<vmem>>) target_semaphore(%arg24 : memref<!tpu.dma_semaphore, #tpu.memory_space<semaphore_mem>>)
    %dma_wait3A = arith.constant 0 : i32
    %dma_wait3A_49 = tpu.memref_slice %arg3[%dma_wait3A] : memref<884736xi32, #tpu.memory_space<hbm>> -> memref<96xi32, #tpu.memory_space<hbm>>
    %dma_wait3A_50 = arith.constant 0 : i32
    %dma_wait3A_51 = tpu.memref_slice %arg3[%dma_wait3A_50] : memref<884736xi32, #tpu.memory_space<hbm>> -> memref<96xi32, #tpu.memory_space<hbm>>
    tpu.wait_dma2 semaphore(%arg21 : memref<!tpu.dma_semaphore, #tpu.memory_space<semaphore_mem>>) src(%dma_wait3A_51 : memref<96xi32, #tpu.memory_space<hbm>>) dst(%arg6 : memref<96xi32, #tpu.memory_space<vmem>>)
    %dma_wait3A_52 = arith.constant 0 : i32
    %dma_wait3A_53 = tpu.memref_slice %arg3[%dma_wait3A_52] : memref<884736xi32, #tpu.memory_space<hbm>> -> memref<96xi32, #tpu.memory_space<hbm>>
    %dma_wait3A_54 = arith.constant 0 : i32
    %dma_wait3A_55 = tpu.memref_slice %arg3[%dma_wait3A_54] : memref<884736xi32, #tpu.memory_space<hbm>> -> memref<96xi32, #tpu.memory_space<hbm>>
    tpu.wait_dma2 semaphore(%arg21 : memref<!tpu.dma_semaphore, #tpu.memory_space<semaphore_mem>>) src(%dma_wait3A_55 : memref<96xi32, #tpu.memory_space<hbm>>) dst(%arg12 : memref<96xi32, #tpu.memory_space<vmem>>)
    %dma_start3A_56 = arith.constant 0 : i32
    %dma_start3A_57 = arith.constant 0 : i32
    %dma_start3A_58 = tpu.memref_slice %arg2[%dma_start3A_56, %dma_start3A_57] : memref<10000x128xf32, #tpu.memory_space<hbm>> -> memref<10000x128xf32, #tpu.memory_space<hbm>>
    tpu.enqueue_indirect_dma source(%dma_start3A_58 : memref<10000x128xf32, #tpu.memory_space<hbm>>) target(%arg18 : memref<96x128xf32, #tpu.memory_space<vmem>>) offsets(%arg6 : memref<96xi32, #tpu.memory_space<vmem>>) semaphore(%arg27 : memref<!tpu.dma_semaphore, #tpu.memory_space<semaphore_mem>>)
    %dma_wait3A_59 = arith.constant 0 : i32
    %dma_wait3A_60 = tpu.memref_slice %arg3[%dma_wait3A_59] : memref<884736xi32, #tpu.memory_space<hbm>> -> memref<96xi32, #tpu.memory_space<hbm>>
    %dma_wait3A_61 = arith.constant 0 : i32
    %dma_wait3A_62 = tpu.memref_slice %arg3[%dma_wait3A_61] : memref<884736xi32, #tpu.memory_space<hbm>> -> memref<96xi32, #tpu.memory_space<hbm>>
    tpu.wait_dma2 semaphore(%arg22 : memref<!tpu.dma_semaphore, #tpu.memory_space<semaphore_mem>>) src(%dma_wait3A_62 : memref<96xi32, #tpu.memory_space<hbm>>) dst(%arg7 : memref<96xi32, #tpu.memory_space<vmem>>)
    %dma_wait3A_63 = arith.constant 0 : i32
    %dma_wait3A_64 = tpu.memref_slice %arg3[%dma_wait3A_63] : memref<884736xi32, #tpu.memory_space<hbm>> -> memref<96xi32, #tpu.memory_space<hbm>>
    %dma_wait3A_65 = arith.constant 0 : i32
    %dma_wait3A_66 = tpu.memref_slice %arg3[%dma_wait3A_65] : memref<884736xi32, #tpu.memory_space<hbm>> -> memref<96xi32, #tpu.memory_space<hbm>>
    tpu.wait_dma2 semaphore(%arg22 : memref<!tpu.dma_semaphore, #tpu.memory_space<semaphore_mem>>) src(%dma_wait3A_66 : memref<96xi32, #tpu.memory_space<hbm>>) dst(%arg13 : memref<96xi32, #tpu.memory_space<vmem>>)
    %dma_start3A_67 = arith.constant 0 : i32
    %dma_start3A_68 = arith.constant 0 : i32
    %dma_start3A_69 = tpu.memref_slice %arg2[%dma_start3A_67, %dma_start3A_68] : memref<10000x128xf32, #tpu.memory_space<hbm>> -> memref<10000x128xf32, #tpu.memory_space<hbm>>
    tpu.enqueue_indirect_dma source(%dma_start3A_69 : memref<10000x128xf32, #tpu.memory_space<hbm>>) target(%arg19 : memref<96x128xf32, #tpu.memory_space<vmem>>) offsets(%arg7 : memref<96xi32, #tpu.memory_space<vmem>>) semaphore(%arg28 : memref<!tpu.dma_semaphore, #tpu.memory_space<semaphore_mem>>)
    %while3A = arith.constant 0 : i32
    %while3A_70 = arith.subi %select_n3A_7, %while3A : i32
    %while3A_71 = arith.addi %while3A, %while3A_70 : i32
    %while3A_72 = arith.constant 1 : i32
    %while3A_73 = arith.divsi %while3A_70, %while3A_72 : i32
    %while3A_74 = arith.muli %while3A_73, %while3A_72 : i32
    %while3A_75 = arith.addi %while3A, %while3A_74 : i32
    %while3A_76 = arith.constant 1 : i32
    scf.for %while3A_92 = %while3A to %while3A_75 step %while3A_76  : i32 {
      %mul3A_93 = arith.constant 6 : i32
      %mul3A_94 = arith.muli %while3A_92, %mul3A_93 : i32
      %add3A_95 = arith.constant 0 : i32
      %add3A_96 = arith.addi %mul3A_94, %add3A_95 : i32
      %add3A_97 = arith.constant 4 : i32
      %add3A_98 = arith.addi %add3A_96, %add3A_97 : i32
      %lt3A = arith.cmpi slt, %add3A_98, %mul3A_9 : i32
      %convert_element_type3A = arith.extui %lt3A : i1 to i32
      %cond3A = arith.constant 0 : i32
      %cond3A_99 = arith.cmpi ne, %convert_element_type3A, %cond3A : i32
      scf.if %cond3A_99 {
        %add3A_222 = arith.constant 4 : i32
        %add3A_223 = arith.addi %add3A_96, %add3A_222 : i32
        %mul3A_224 = arith.constant 96 : i32
        %mul3A_225 = arith.muli %mul3A_224, %add3A_223 : i32
        %add3A_226 = arith.addi %mul3A_13, %mul3A_225 : i32
        %dma_start3A_227 = tpu.memref_slice %arg3[%add3A_226] : memref<884736xi32, #tpu.memory_space<hbm>> -> memref<96xi32, #tpu.memory_space<hbm>>
        %dma_start3A_228 = tpu.memref_slice %arg3[%add3A_226] : memref<884736xi32, #tpu.memory_space<hbm>> -> memref<96xi32, #tpu.memory_space<hbm>>
        tpu.enqueue_dma source(%dma_start3A_228 : memref<96xi32, #tpu.memory_space<hbm>>) target(%arg10 : memref<96xi32, #tpu.memory_space<vmem>>) target_semaphore(%arg25 : memref<!tpu.dma_semaphore, #tpu.memory_space<semaphore_mem>>)
        %add3A_229 = arith.addi %mul3A_13, %select_n3A : i32
        %mul3A_230 = arith.constant 96 : i32
        %mul3A_231 = arith.muli %mul3A_230, %add3A_223 : i32
        %add3A_232 = arith.addi %add3A_229, %mul3A_231 : i32
        %dma_start3A_233 = tpu.memref_slice %arg3[%add3A_232] : memref<884736xi32, #tpu.memory_space<hbm>> -> memref<96xi32, #tpu.memory_space<hbm>>
        %dma_start3A_234 = tpu.memref_slice %arg3[%add3A_232] : memref<884736xi32, #tpu.memory_space<hbm>> -> memref<96xi32, #tpu.memory_space<hbm>>
        tpu.enqueue_dma source(%dma_start3A_234 : memref<96xi32, #tpu.memory_space<hbm>>) target(%arg16 : memref<96xi32, #tpu.memory_space<vmem>>) target_semaphore(%arg25 : memref<!tpu.dma_semaphore, #tpu.memory_space<semaphore_mem>>)
      } else {
      }
      %add3A_100 = arith.constant 2 : i32
      %add3A_101 = arith.addi %add3A_96, %add3A_100 : i32
      %lt3A_102 = arith.cmpi slt, %add3A_101, %mul3A_9 : i32
      %convert_element_type3A_103 = arith.extui %lt3A_102 : i1 to i32
      %cond3A_104 = arith.constant 0 : i32
      %cond3A_105 = arith.cmpi ne, %convert_element_type3A_103, %cond3A_104 : i32
      scf.if %cond3A_105 {
        %add3A_222 = arith.constant 2 : i32
        %add3A_223 = arith.addi %add3A_96, %add3A_222 : i32
        %ge3A = arith.constant 3 : i32
        %ge3A_224 = arith.cmpi sge, %add3A_223, %ge3A : i32
        %convert_element_type3A_225 = arith.extui %ge3A_224 : i1 to i32
        %cond3A_226 = arith.constant 0 : i32
        %cond3A_227 = arith.cmpi ne, %convert_element_type3A_225, %cond3A_226 : i32
        scf.if %cond3A_227 {
          %dma_wait3A_239 = arith.constant 0 : i32
          %dma_wait3A_240 = arith.constant 0 : i32
          %dma_wait3A_241 = tpu.memref_slice %arg33[%dma_wait3A_239, %dma_wait3A_240] : memref<10240x128xf32, #tpu.memory_space<vmem_shared>> -> memref<10240x128xf32, #tpu.memory_space<vmem_shared>>
          tpu.wait_indirect_dma semaphore(%arg32 : memref<!tpu.dma_semaphore, #tpu.memory_space<semaphore_mem>>) src(%arg20 : memref<96x128xf32, #tpu.memory_space<vmem>>) dst(%dma_wait3A_241 : memref<10240x128xf32, #tpu.memory_space<vmem_shared>>)
        } else {
        }
        %dma_wait3A_228 = arith.constant 0 : i32
        %dma_wait3A_229 = tpu.memref_slice %arg3[%dma_wait3A_228] : memref<884736xi32, #tpu.memory_space<hbm>> -> memref<96xi32, #tpu.memory_space<hbm>>
        %dma_wait3A_230 = arith.constant 0 : i32
        %dma_wait3A_231 = tpu.memref_slice %arg3[%dma_wait3A_230] : memref<884736xi32, #tpu.memory_space<hbm>> -> memref<96xi32, #tpu.memory_space<hbm>>
        tpu.wait_dma2 semaphore(%arg23 : memref<!tpu.dma_semaphore, #tpu.memory_space<semaphore_mem>>) src(%dma_wait3A_231 : memref<96xi32, #tpu.memory_space<hbm>>) dst(%arg8 : memref<96xi32, #tpu.memory_space<vmem>>)
        %dma_wait3A_232 = arith.constant 0 : i32
        %dma_wait3A_233 = tpu.memref_slice %arg3[%dma_wait3A_232] : memref<884736xi32, #tpu.memory_space<hbm>> -> memref<96xi32, #tpu.memory_space<hbm>>
        %dma_wait3A_234 = arith.constant 0 : i32
        %dma_wait3A_235 = tpu.memref_slice %arg3[%dma_wait3A_234] : memref<884736xi32, #tpu.memory_space<hbm>> -> memref<96xi32, #tpu.memory_space<hbm>>
        tpu.wait_dma2 semaphore(%arg23 : memref<!tpu.dma_semaphore, #tpu.memory_space<semaphore_mem>>) src(%dma_wait3A_235 : memref<96xi32, #tpu.memory_space<hbm>>) dst(%arg14 : memref<96xi32, #tpu.memory_space<vmem>>)
        %dma_start3A_236 = arith.constant 0 : i32
        %dma_start3A_237 = arith.constant 0 : i32
        %dma_start3A_238 = tpu.memref_slice %arg2[%dma_start3A_236, %dma_start3A_237] : memref<10000x128xf32, #tpu.memory_space<hbm>> -> memref<10000x128xf32, #tpu.memory_space<hbm>>
        tpu.enqueue_indirect_dma source(%dma_start3A_238 : memref<10000x128xf32, #tpu.memory_space<hbm>>) target(%arg20 : memref<96x128xf32, #tpu.memory_space<vmem>>) offsets(%arg8 : memref<96xi32, #tpu.memory_space<vmem>>) semaphore(%arg29 : memref<!tpu.dma_semaphore, #tpu.memory_space<semaphore_mem>>)
      } else {
      }
      %dma_wait3A_106 = arith.constant 0 : i32
      %dma_wait3A_107 = arith.constant 0 : i32
      %dma_wait3A_108 = tpu.memref_slice %arg2[%dma_wait3A_106, %dma_wait3A_107] : memref<10000x128xf32, #tpu.memory_space<hbm>> -> memref<10000x128xf32, #tpu.memory_space<hbm>>
      tpu.wait_indirect_dma semaphore(%arg27 : memref<!tpu.dma_semaphore, #tpu.memory_space<semaphore_mem>>) src(%dma_wait3A_108 : memref<10000x128xf32, #tpu.memory_space<hbm>>) dst(%arg18 : memref<96x128xf32, #tpu.memory_space<vmem>>)
      %dma_start3A_109 = arith.constant 0 : i32
      %dma_start3A_110 = arith.constant 0 : i32
      %dma_start3A_111 = tpu.memref_slice %arg33[%dma_start3A_109, %dma_start3A_110] : memref<10240x128xf32, #tpu.memory_space<vmem_shared>> -> memref<10240x128xf32, #tpu.memory_space<vmem_shared>>
      tpu.enqueue_indirect_dma source(%arg18 : memref<96x128xf32, #tpu.memory_space<vmem>>) target(%dma_start3A_111 : memref<10240x128xf32, #tpu.memory_space<vmem_shared>>) offsets(%arg12 : memref<96xi32, #tpu.memory_space<vmem>>) semaphore(%arg30 : memref<!tpu.dma_semaphore, #tpu.memory_space<semaphore_mem>>) {add = true}
      %mul3A_112 = arith.constant 6 : i32
      %mul3A_113 = arith.muli %while3A_92, %mul3A_112 : i32
      %add3A_114 = arith.constant 1 : i32
      %add3A_115 = arith.addi %mul3A_113, %add3A_114 : i32
      %add3A_116 = arith.constant 4 : i32
      %add3A_117 = arith.addi %add3A_115, %add3A_116 : i32
      %lt3A_118 = arith.cmpi slt, %add3A_117, %mul3A_9 : i32
      %convert_element_type3A_119 = arith.extui %lt3A_118 : i1 to i32
      %cond3A_120 = arith.constant 0 : i32
      %cond3A_121 = arith.cmpi ne, %convert_element_type3A_119, %cond3A_120 : i32
      scf.if %cond3A_121 {
        %add3A_222 = arith.constant 4 : i32
        %add3A_223 = arith.addi %add3A_115, %add3A_222 : i32
        %mul3A_224 = arith.constant 96 : i32
        %mul3A_225 = arith.muli %mul3A_224, %add3A_223 : i32
        %add3A_226 = arith.addi %mul3A_13, %mul3A_225 : i32
        %dma_start3A_227 = tpu.memref_slice %arg3[%add3A_226] : memref<884736xi32, #tpu.memory_space<hbm>> -> memref<96xi32, #tpu.memory_space<hbm>>
        %dma_start3A_228 = tpu.memref_slice %arg3[%add3A_226] : memref<884736xi32, #tpu.memory_space<hbm>> -> memref<96xi32, #tpu.memory_space<hbm>>
        tpu.enqueue_dma source(%dma_start3A_228 : memref<96xi32, #tpu.memory_space<hbm>>) target(%arg11 : memref<96xi32, #tpu.memory_space<vmem>>) target_semaphore(%arg26 : memref<!tpu.dma_semaphore, #tpu.memory_space<semaphore_mem>>)
        %add3A_229 = arith.addi %mul3A_13, %select_n3A : i32
        %mul3A_230 = arith.constant 96 : i32
        %mul3A_231 = arith.muli %mul3A_230, %add3A_223 : i32
        %add3A_232 = arith.addi %add3A_229, %mul3A_231 : i32
        %dma_start3A_233 = tpu.memref_slice %arg3[%add3A_232] : memref<884736xi32, #tpu.memory_space<hbm>> -> memref<96xi32, #tpu.memory_space<hbm>>
        %dma_start3A_234 = tpu.memref_slice %arg3[%add3A_232] : memref<884736xi32, #tpu.memory_space<hbm>> -> memref<96xi32, #tpu.memory_space<hbm>>
        tpu.enqueue_dma source(%dma_start3A_234 : memref<96xi32, #tpu.memory_space<hbm>>) target(%arg17 : memref<96xi32, #tpu.memory_space<vmem>>) target_semaphore(%arg26 : memref<!tpu.dma_semaphore, #tpu.memory_space<semaphore_mem>>)
      } else {
      }
      %add3A_122 = arith.constant 2 : i32
      %add3A_123 = arith.addi %add3A_115, %add3A_122 : i32
      %lt3A_124 = arith.cmpi slt, %add3A_123, %mul3A_9 : i32
      %convert_element_type3A_125 = arith.extui %lt3A_124 : i1 to i32
      %cond3A_126 = arith.constant 0 : i32
      %cond3A_127 = arith.cmpi ne, %convert_element_type3A_125, %cond3A_126 : i32
      scf.if %cond3A_127 {
        %add3A_222 = arith.constant 2 : i32
        %add3A_223 = arith.addi %add3A_115, %add3A_222 : i32
        %ge3A = arith.constant 3 : i32
        %ge3A_224 = arith.cmpi sge, %add3A_223, %ge3A : i32
        %convert_element_type3A_225 = arith.extui %ge3A_224 : i1 to i32
        %cond3A_226 = arith.constant 0 : i32
        %cond3A_227 = arith.cmpi ne, %convert_element_type3A_225, %cond3A_226 : i32
        scf.if %cond3A_227 {
          %dma_wait3A_239 = arith.constant 0 : i32
          %dma_wait3A_240 = arith.constant 0 : i32
          %dma_wait3A_241 = tpu.memref_slice %arg33[%dma_wait3A_239, %dma_wait3A_240] : memref<10240x128xf32, #tpu.memory_space<vmem_shared>> -> memref<10240x128xf32, #tpu.memory_space<vmem_shared>>
          tpu.wait_indirect_dma semaphore(%arg30 : memref<!tpu.dma_semaphore, #tpu.memory_space<semaphore_mem>>) src(%arg18 : memref<96x128xf32, #tpu.memory_space<vmem>>) dst(%dma_wait3A_241 : memref<10240x128xf32, #tpu.memory_space<vmem_shared>>)
        } else {
        }
        %dma_wait3A_228 = arith.constant 0 : i32
        %dma_wait3A_229 = tpu.memref_slice %arg3[%dma_wait3A_228] : memref<884736xi32, #tpu.memory_space<hbm>> -> memref<96xi32, #tpu.memory_space<hbm>>
        %dma_wait3A_230 = arith.constant 0 : i32
        %dma_wait3A_231 = tpu.memref_slice %arg3[%dma_wait3A_230] : memref<884736xi32, #tpu.memory_space<hbm>> -> memref<96xi32, #tpu.memory_space<hbm>>
        tpu.wait_dma2 semaphore(%arg24 : memref<!tpu.dma_semaphore, #tpu.memory_space<semaphore_mem>>) src(%dma_wait3A_231 : memref<96xi32, #tpu.memory_space<hbm>>) dst(%arg9 : memref<96xi32, #tpu.memory_space<vmem>>)
        %dma_wait3A_232 = arith.constant 0 : i32
        %dma_wait3A_233 = tpu.memref_slice %arg3[%dma_wait3A_232] : memref<884736xi32, #tpu.memory_space<hbm>> -> memref<96xi32, #tpu.memory_space<hbm>>
        %dma_wait3A_234 = arith.constant 0 : i32
        %dma_wait3A_235 = tpu.memref_slice %arg3[%dma_wait3A_234] : memref<884736xi32, #tpu.memory_space<hbm>> -> memref<96xi32, #tpu.memory_space<hbm>>
        tpu.wait_dma2 semaphore(%arg24 : memref<!tpu.dma_semaphore, #tpu.memory_space<semaphore_mem>>) src(%dma_wait3A_235 : memref<96xi32, #tpu.memory_space<hbm>>) dst(%arg15 : memref<96xi32, #tpu.memory_space<vmem>>)
        %dma_start3A_236 = arith.constant 0 : i32
        %dma_start3A_237 = arith.constant 0 : i32
        %dma_start3A_238 = tpu.memref_slice %arg2[%dma_start3A_236, %dma_start3A_237] : memref<10000x128xf32, #tpu.memory_space<hbm>> -> memref<10000x128xf32, #tpu.memory_space<hbm>>
        tpu.enqueue_indirect_dma source(%dma_start3A_238 : memref<10000x128xf32, #tpu.memory_space<hbm>>) target(%arg18 : memref<96x128xf32, #tpu.memory_space<vmem>>) offsets(%arg9 : memref<96xi32, #tpu.memory_space<vmem>>) semaphore(%arg27 : memref<!tpu.dma_semaphore, #tpu.memory_space<semaphore_mem>>)
      } else {
      }
      %dma_wait3A_128 = arith.constant 0 : i32
      %dma_wait3A_129 = arith.constant 0 : i32
      %dma_wait3A_130 = tpu.memref_slice %arg2[%dma_wait3A_128, %dma_wait3A_129] : memref<10000x128xf32, #tpu.memory_space<hbm>> -> memref<10000x128xf32, #tpu.memory_space<hbm>>
      tpu.wait_indirect_dma semaphore(%arg28 : memref<!tpu.dma_semaphore, #tpu.memory_space<semaphore_mem>>) src(%dma_wait3A_130 : memref<10000x128xf32, #tpu.memory_space<hbm>>) dst(%arg19 : memref<96x128xf32, #tpu.memory_space<vmem>>)
      %dma_start3A_131 = arith.constant 0 : i32
      %dma_start3A_132 = arith.constant 0 : i32
      %dma_start3A_133 = tpu.memref_slice %arg33[%dma_start3A_131, %dma_start3A_132] : memref<10240x128xf32, #tpu.memory_space<vmem_shared>> -> memref<10240x128xf32, #tpu.memory_space<vmem_shared>>
      tpu.enqueue_indirect_dma source(%arg19 : memref<96x128xf32, #tpu.memory_space<vmem>>) target(%dma_start3A_133 : memref<10240x128xf32, #tpu.memory_space<vmem_shared>>) offsets(%arg13 : memref<96xi32, #tpu.memory_space<vmem>>) semaphore(%arg31 : memref<!tpu.dma_semaphore, #tpu.memory_space<semaphore_mem>>) {add = true}
      %mul3A_134 = arith.constant 6 : i32
      %mul3A_135 = arith.muli %while3A_92, %mul3A_134 : i32
      %add3A_136 = arith.constant 2 : i32
      %add3A_137 = arith.addi %mul3A_135, %add3A_136 : i32
      %add3A_138 = arith.constant 4 : i32
      %add3A_139 = arith.addi %add3A_137, %add3A_138 : i32
      %lt3A_140 = arith.cmpi slt, %add3A_139, %mul3A_9 : i32
      %convert_element_type3A_141 = arith.extui %lt3A_140 : i1 to i32
      %cond3A_142 = arith.constant 0 : i32
      %cond3A_143 = arith.cmpi ne, %convert_element_type3A_141, %cond3A_142 : i32
      scf.if %cond3A_143 {
        %add3A_222 = arith.constant 4 : i32
        %add3A_223 = arith.addi %add3A_137, %add3A_222 : i32
        %mul3A_224 = arith.constant 96 : i32
        %mul3A_225 = arith.muli %mul3A_224, %add3A_223 : i32
        %add3A_226 = arith.addi %mul3A_13, %mul3A_225 : i32
        %dma_start3A_227 = tpu.memref_slice %arg3[%add3A_226] : memref<884736xi32, #tpu.memory_space<hbm>> -> memref<96xi32, #tpu.memory_space<hbm>>
        %dma_start3A_228 = tpu.memref_slice %arg3[%add3A_226] : memref<884736xi32, #tpu.memory_space<hbm>> -> memref<96xi32, #tpu.memory_space<hbm>>
        tpu.enqueue_dma source(%dma_start3A_228 : memref<96xi32, #tpu.memory_space<hbm>>) target(%arg6 : memref<96xi32, #tpu.memory_space<vmem>>) target_semaphore(%arg21 : memref<!tpu.dma_semaphore, #tpu.memory_space<semaphore_mem>>)
        %add3A_229 = arith.addi %mul3A_13, %select_n3A : i32
        %mul3A_230 = arith.constant 96 : i32
        %mul3A_231 = arith.muli %mul3A_230, %add3A_223 : i32
        %add3A_232 = arith.addi %add3A_229, %mul3A_231 : i32
        %dma_start3A_233 = tpu.memref_slice %arg3[%add3A_232] : memref<884736xi32, #tpu.memory_space<hbm>> -> memref<96xi32, #tpu.memory_space<hbm>>
        %dma_start3A_234 = tpu.memref_slice %arg3[%add3A_232] : memref<884736xi32, #tpu.memory_space<hbm>> -> memref<96xi32, #tpu.memory_space<hbm>>
        tpu.enqueue_dma source(%dma_start3A_234 : memref<96xi32, #tpu.memory_space<hbm>>) target(%arg12 : memref<96xi32, #tpu.memory_space<vmem>>) target_semaphore(%arg21 : memref<!tpu.dma_semaphore, #tpu.memory_space<semaphore_mem>>)
      } else {
      }
      %add3A_144 = arith.constant 2 : i32
      %add3A_145 = arith.addi %add3A_137, %add3A_144 : i32
      %lt3A_146 = arith.cmpi slt, %add3A_145, %mul3A_9 : i32
      %convert_element_type3A_147 = arith.extui %lt3A_146 : i1 to i32
      %cond3A_148 = arith.constant 0 : i32
      %cond3A_149 = arith.cmpi ne, %convert_element_type3A_147, %cond3A_148 : i32
      scf.if %cond3A_149 {
        %add3A_222 = arith.constant 2 : i32
        %add3A_223 = arith.addi %add3A_137, %add3A_222 : i32
        %ge3A = arith.constant 3 : i32
        %ge3A_224 = arith.cmpi sge, %add3A_223, %ge3A : i32
        %convert_element_type3A_225 = arith.extui %ge3A_224 : i1 to i32
        %cond3A_226 = arith.constant 0 : i32
        %cond3A_227 = arith.cmpi ne, %convert_element_type3A_225, %cond3A_226 : i32
        scf.if %cond3A_227 {
          %dma_wait3A_239 = arith.constant 0 : i32
          %dma_wait3A_240 = arith.constant 0 : i32
          %dma_wait3A_241 = tpu.memref_slice %arg33[%dma_wait3A_239, %dma_wait3A_240] : memref<10240x128xf32, #tpu.memory_space<vmem_shared>> -> memref<10240x128xf32, #tpu.memory_space<vmem_shared>>
          tpu.wait_indirect_dma semaphore(%arg31 : memref<!tpu.dma_semaphore, #tpu.memory_space<semaphore_mem>>) src(%arg19 : memref<96x128xf32, #tpu.memory_space<vmem>>) dst(%dma_wait3A_241 : memref<10240x128xf32, #tpu.memory_space<vmem_shared>>)
        } else {
        }
        %dma_wait3A_228 = arith.constant 0 : i32
        %dma_wait3A_229 = tpu.memref_slice %arg3[%dma_wait3A_228] : memref<884736xi32, #tpu.memory_space<hbm>> -> memref<96xi32, #tpu.memory_space<hbm>>
        %dma_wait3A_230 = arith.constant 0 : i32
        %dma_wait3A_231 = tpu.memref_slice %arg3[%dma_wait3A_230] : memref<884736xi32, #tpu.memory_space<hbm>> -> memref<96xi32, #tpu.memory_space<hbm>>
        tpu.wait_dma2 semaphore(%arg25 : memref<!tpu.dma_semaphore, #tpu.memory_space<semaphore_mem>>) src(%dma_wait3A_231 : memref<96xi32, #tpu.memory_space<hbm>>) dst(%arg10 : memref<96xi32, #tpu.memory_space<vmem>>)
        %dma_wait3A_232 = arith.constant 0 : i32
        %dma_wait3A_233 = tpu.memref_slice %arg3[%dma_wait3A_232] : memref<884736xi32, #tpu.memory_space<hbm>> -> memref<96xi32, #tpu.memory_space<hbm>>
        %dma_wait3A_234 = arith.constant 0 : i32
        %dma_wait3A_235 = tpu.memref_slice %arg3[%dma_wait3A_234] : memref<884736xi32, #tpu.memory_space<hbm>> -> memref<96xi32, #tpu.memory_space<hbm>>
        tpu.wait_dma2 semaphore(%arg25 : memref<!tpu.dma_semaphore, #tpu.memory_space<semaphore_mem>>) src(%dma_wait3A_235 : memref<96xi32, #tpu.memory_space<hbm>>) dst(%arg16 : memref<96xi32, #tpu.memory_space<vmem>>)
        %dma_start3A_236 = arith.constant 0 : i32
        %dma_start3A_237 = arith.constant 0 : i32
        %dma_start3A_238 = tpu.memref_slice %arg2[%dma_start3A_236, %dma_start3A_237] : memref<10000x128xf32, #tpu.memory_space<hbm>> -> memref<10000x128xf32, #tpu.memory_space<hbm>>
        tpu.enqueue_indirect_dma source(%dma_start3A_238 : memref<10000x128xf32, #tpu.memory_space<hbm>>) target(%arg19 : memref<96x128xf32, #tpu.memory_space<vmem>>) offsets(%arg10 : memref<96xi32, #tpu.memory_space<vmem>>) semaphore(%arg28 : memref<!tpu.dma_semaphore, #tpu.memory_space<semaphore_mem>>)
      } else {
      }
      %dma_wait3A_150 = arith.constant 0 : i32
      %dma_wait3A_151 = arith.constant 0 : i32
      %dma_wait3A_152 = tpu.memref_slice %arg2[%dma_wait3A_150, %dma_wait3A_151] : memref<10000x128xf32, #tpu.memory_space<hbm>> -> memref<10000x128xf32, #tpu.memory_space<hbm>>
      tpu.wait_indirect_dma semaphore(%arg29 : memref<!tpu.dma_semaphore, #tpu.memory_space<semaphore_mem>>) src(%dma_wait3A_152 : memref<10000x128xf32, #tpu.memory_space<hbm>>) dst(%arg20 : memref<96x128xf32, #tpu.memory_space<vmem>>)
      %dma_start3A_153 = arith.constant 0 : i32
      %dma_start3A_154 = arith.constant 0 : i32
      %dma_start3A_155 = tpu.memref_slice %arg33[%dma_start3A_153, %dma_start3A_154] : memref<10240x128xf32, #tpu.memory_space<vmem_shared>> -> memref<10240x128xf32, #tpu.memory_space<vmem_shared>>
      tpu.enqueue_indirect_dma source(%arg20 : memref<96x128xf32, #tpu.memory_space<vmem>>) target(%dma_start3A_155 : memref<10240x128xf32, #tpu.memory_space<vmem_shared>>) offsets(%arg14 : memref<96xi32, #tpu.memory_space<vmem>>) semaphore(%arg32 : memref<!tpu.dma_semaphore, #tpu.memory_space<semaphore_mem>>) {add = true}
      %mul3A_156 = arith.constant 6 : i32
      %mul3A_157 = arith.muli %while3A_92, %mul3A_156 : i32
      %add3A_158 = arith.constant 3 : i32
      %add3A_159 = arith.addi %mul3A_157, %add3A_158 : i32
      %add3A_160 = arith.constant 4 : i32
      %add3A_161 = arith.addi %add3A_159, %add3A_160 : i32
      %lt3A_162 = arith.cmpi slt, %add3A_161, %mul3A_9 : i32
      %convert_element_type3A_163 = arith.extui %lt3A_162 : i1 to i32
      %cond3A_164 = arith.constant 0 : i32
      %cond3A_165 = arith.cmpi ne, %convert_element_type3A_163, %cond3A_164 : i32
      scf.if %cond3A_165 {
        %add3A_222 = arith.constant 4 : i32
        %add3A_223 = arith.addi %add3A_159, %add3A_222 : i32
        %mul3A_224 = arith.constant 96 : i32
        %mul3A_225 = arith.muli %mul3A_224, %add3A_223 : i32
        %add3A_226 = arith.addi %mul3A_13, %mul3A_225 : i32
        %dma_start3A_227 = tpu.memref_slice %arg3[%add3A_226] : memref<884736xi32, #tpu.memory_space<hbm>> -> memref<96xi32, #tpu.memory_space<hbm>>
        %dma_start3A_228 = tpu.memref_slice %arg3[%add3A_226] : memref<884736xi32, #tpu.memory_space<hbm>> -> memref<96xi32, #tpu.memory_space<hbm>>
        tpu.enqueue_dma source(%dma_start3A_228 : memref<96xi32, #tpu.memory_space<hbm>>) target(%arg7 : memref<96xi32, #tpu.memory_space<vmem>>) target_semaphore(%arg22 : memref<!tpu.dma_semaphore, #tpu.memory_space<semaphore_mem>>)
        %add3A_229 = arith.addi %mul3A_13, %select_n3A : i32
        %mul3A_230 = arith.constant 96 : i32
        %mul3A_231 = arith.muli %mul3A_230, %add3A_223 : i32
        %add3A_232 = arith.addi %add3A_229, %mul3A_231 : i32
        %dma_start3A_233 = tpu.memref_slice %arg3[%add3A_232] : memref<884736xi32, #tpu.memory_space<hbm>> -> memref<96xi32, #tpu.memory_space<hbm>>
        %dma_start3A_234 = tpu.memref_slice %arg3[%add3A_232] : memref<884736xi32, #tpu.memory_space<hbm>> -> memref<96xi32, #tpu.memory_space<hbm>>
        tpu.enqueue_dma source(%dma_start3A_234 : memref<96xi32, #tpu.memory_space<hbm>>) target(%arg13 : memref<96xi32, #tpu.memory_space<vmem>>) target_semaphore(%arg22 : memref<!tpu.dma_semaphore, #tpu.memory_space<semaphore_mem>>)
      } else {
      }
      %add3A_166 = arith.constant 2 : i32
      %add3A_167 = arith.addi %add3A_159, %add3A_166 : i32
      %lt3A_168 = arith.cmpi slt, %add3A_167, %mul3A_9 : i32
      %convert_element_type3A_169 = arith.extui %lt3A_168 : i1 to i32
      %cond3A_170 = arith.constant 0 : i32
      %cond3A_171 = arith.cmpi ne, %convert_element_type3A_169, %cond3A_170 : i32
      scf.if %cond3A_171 {
        %add3A_222 = arith.constant 2 : i32
        %add3A_223 = arith.addi %add3A_159, %add3A_222 : i32
        %ge3A = arith.constant 3 : i32
        %ge3A_224 = arith.cmpi sge, %add3A_223, %ge3A : i32
        %convert_element_type3A_225 = arith.extui %ge3A_224 : i1 to i32
        %cond3A_226 = arith.constant 0 : i32
        %cond3A_227 = arith.cmpi ne, %convert_element_type3A_225, %cond3A_226 : i32
        scf.if %cond3A_227 {
          %dma_wait3A_239 = arith.constant 0 : i32
          %dma_wait3A_240 = arith.constant 0 : i32
          %dma_wait3A_241 = tpu.memref_slice %arg33[%dma_wait3A_239, %dma_wait3A_240] : memref<10240x128xf32, #tpu.memory_space<vmem_shared>> -> memref<10240x128xf32, #tpu.memory_space<vmem_shared>>
          tpu.wait_indirect_dma semaphore(%arg32 : memref<!tpu.dma_semaphore, #tpu.memory_space<semaphore_mem>>) src(%arg20 : memref<96x128xf32, #tpu.memory_space<vmem>>) dst(%dma_wait3A_241 : memref<10240x128xf32, #tpu.memory_space<vmem_shared>>)
        } else {
        }
        %dma_wait3A_228 = arith.constant 0 : i32
        %dma_wait3A_229 = tpu.memref_slice %arg3[%dma_wait3A_228] : memref<884736xi32, #tpu.memory_space<hbm>> -> memref<96xi32, #tpu.memory_space<hbm>>
        %dma_wait3A_230 = arith.constant 0 : i32
        %dma_wait3A_231 = tpu.memref_slice %arg3[%dma_wait3A_230] : memref<884736xi32, #tpu.memory_space<hbm>> -> memref<96xi32, #tpu.memory_space<hbm>>
        tpu.wait_dma2 semaphore(%arg26 : memref<!tpu.dma_semaphore, #tpu.memory_space<semaphore_mem>>) src(%dma_wait3A_231 : memref<96xi32, #tpu.memory_space<hbm>>) dst(%arg11 : memref<96xi32, #tpu.memory_space<vmem>>)
        %dma_wait3A_232 = arith.constant 0 : i32
        %dma_wait3A_233 = tpu.memref_slice %arg3[%dma_wait3A_232] : memref<884736xi32, #tpu.memory_space<hbm>> -> memref<96xi32, #tpu.memory_space<hbm>>
        %dma_wait3A_234 = arith.constant 0 : i32
        %dma_wait3A_235 = tpu.memref_slice %arg3[%dma_wait3A_234] : memref<884736xi32, #tpu.memory_space<hbm>> -> memref<96xi32, #tpu.memory_space<hbm>>
        tpu.wait_dma2 semaphore(%arg26 : memref<!tpu.dma_semaphore, #tpu.memory_space<semaphore_mem>>) src(%dma_wait3A_235 : memref<96xi32, #tpu.memory_space<hbm>>) dst(%arg17 : memref<96xi32, #tpu.memory_space<vmem>>)
        %dma_start3A_236 = arith.constant 0 : i32
        %dma_start3A_237 = arith.constant 0 : i32
        %dma_start3A_238 = tpu.memref_slice %arg2[%dma_start3A_236, %dma_start3A_237] : memref<10000x128xf32, #tpu.memory_space<hbm>> -> memref<10000x128xf32, #tpu.memory_space<hbm>>
        tpu.enqueue_indirect_dma source(%dma_start3A_238 : memref<10000x128xf32, #tpu.memory_space<hbm>>) target(%arg20 : memref<96x128xf32, #tpu.memory_space<vmem>>) offsets(%arg11 : memref<96xi32, #tpu.memory_space<vmem>>) semaphore(%arg29 : memref<!tpu.dma_semaphore, #tpu.memory_space<semaphore_mem>>)
      } else {
      }
      %dma_wait3A_172 = arith.constant 0 : i32
      %dma_wait3A_173 = arith.constant 0 : i32
      %dma_wait3A_174 = tpu.memref_slice %arg2[%dma_wait3A_172, %dma_wait3A_173] : memref<10000x128xf32, #tpu.memory_space<hbm>> -> memref<10000x128xf32, #tpu.memory_space<hbm>>
      tpu.wait_indirect_dma semaphore(%arg27 : memref<!tpu.dma_semaphore, #tpu.memory_space<semaphore_mem>>) src(%dma_wait3A_174 : memref<10000x128xf32, #tpu.memory_space<hbm>>) dst(%arg18 : memref<96x128xf32, #tpu.memory_space<vmem>>)
      %dma_start3A_175 = arith.constant 0 : i32
      %dma_start3A_176 = arith.constant 0 : i32
      %dma_start3A_177 = tpu.memref_slice %arg33[%dma_start3A_175, %dma_start3A_176] : memref<10240x128xf32, #tpu.memory_space<vmem_shared>> -> memref<10240x128xf32, #tpu.memory_space<vmem_shared>>
      tpu.enqueue_indirect_dma source(%arg18 : memref<96x128xf32, #tpu.memory_space<vmem>>) target(%dma_start3A_177 : memref<10240x128xf32, #tpu.memory_space<vmem_shared>>) offsets(%arg15 : memref<96xi32, #tpu.memory_space<vmem>>) semaphore(%arg30 : memref<!tpu.dma_semaphore, #tpu.memory_space<semaphore_mem>>) {add = true}
      %mul3A_178 = arith.constant 6 : i32
      %mul3A_179 = arith.muli %while3A_92, %mul3A_178 : i32
      %add3A_180 = arith.constant 4 : i32
      %add3A_181 = arith.addi %mul3A_179, %add3A_180 : i32
      %add3A_182 = arith.constant 4 : i32
      %add3A_183 = arith.addi %add3A_181, %add3A_182 : i32
      %lt3A_184 = arith.cmpi slt, %add3A_183, %mul3A_9 : i32
      %convert_element_type3A_185 = arith.extui %lt3A_184 : i1 to i32
      %cond3A_186 = arith.constant 0 : i32
      %cond3A_187 = arith.cmpi ne, %convert_element_type3A_185, %cond3A_186 : i32
      scf.if %cond3A_187 {
        %add3A_222 = arith.constant 4 : i32
        %add3A_223 = arith.addi %add3A_181, %add3A_222 : i32
        %mul3A_224 = arith.constant 96 : i32
        %mul3A_225 = arith.muli %mul3A_224, %add3A_223 : i32
        %add3A_226 = arith.addi %mul3A_13, %mul3A_225 : i32
        %dma_start3A_227 = tpu.memref_slice %arg3[%add3A_226] : memref<884736xi32, #tpu.memory_space<hbm>> -> memref<96xi32, #tpu.memory_space<hbm>>
        %dma_start3A_228 = tpu.memref_slice %arg3[%add3A_226] : memref<884736xi32, #tpu.memory_space<hbm>> -> memref<96xi32, #tpu.memory_space<hbm>>
        tpu.enqueue_dma source(%dma_start3A_228 : memref<96xi32, #tpu.memory_space<hbm>>) target(%arg8 : memref<96xi32, #tpu.memory_space<vmem>>) target_semaphore(%arg23 : memref<!tpu.dma_semaphore, #tpu.memory_space<semaphore_mem>>)
        %add3A_229 = arith.addi %mul3A_13, %select_n3A : i32
        %mul3A_230 = arith.constant 96 : i32
        %mul3A_231 = arith.muli %mul3A_230, %add3A_223 : i32
        %add3A_232 = arith.addi %add3A_229, %mul3A_231 : i32
        %dma_start3A_233 = tpu.memref_slice %arg3[%add3A_232] : memref<884736xi32, #tpu.memory_space<hbm>> -> memref<96xi32, #tpu.memory_space<hbm>>
        %dma_start3A_234 = tpu.memref_slice %arg3[%add3A_232] : memref<884736xi32, #tpu.memory_space<hbm>> -> memref<96xi32, #tpu.memory_space<hbm>>
        tpu.enqueue_dma source(%dma_start3A_234 : memref<96xi32, #tpu.memory_space<hbm>>) target(%arg14 : memref<96xi32, #tpu.memory_space<vmem>>) target_semaphore(%arg23 : memref<!tpu.dma_semaphore, #tpu.memory_space<semaphore_mem>>)
      } else {
      }
      %add3A_188 = arith.constant 2 : i32
      %add3A_189 = arith.addi %add3A_181, %add3A_188 : i32
      %lt3A_190 = arith.cmpi slt, %add3A_189, %mul3A_9 : i32
      %convert_element_type3A_191 = arith.extui %lt3A_190 : i1 to i32
      %cond3A_192 = arith.constant 0 : i32
      %cond3A_193 = arith.cmpi ne, %convert_element_type3A_191, %cond3A_192 : i32
      scf.if %cond3A_193 {
        %add3A_222 = arith.constant 2 : i32
        %add3A_223 = arith.addi %add3A_181, %add3A_222 : i32
        %ge3A = arith.constant 3 : i32
        %ge3A_224 = arith.cmpi sge, %add3A_223, %ge3A : i32
        %convert_element_type3A_225 = arith.extui %ge3A_224 : i1 to i32
        %cond3A_226 = arith.constant 0 : i32
        %cond3A_227 = arith.cmpi ne, %convert_element_type3A_225, %cond3A_226 : i32
        scf.if %cond3A_227 {
          %dma_wait3A_239 = arith.constant 0 : i32
          %dma_wait3A_240 = arith.constant 0 : i32
          %dma_wait3A_241 = tpu.memref_slice %arg33[%dma_wait3A_239, %dma_wait3A_240] : memref<10240x128xf32, #tpu.memory_space<vmem_shared>> -> memref<10240x128xf32, #tpu.memory_space<vmem_shared>>
          tpu.wait_indirect_dma semaphore(%arg30 : memref<!tpu.dma_semaphore, #tpu.memory_space<semaphore_mem>>) src(%arg18 : memref<96x128xf32, #tpu.memory_space<vmem>>) dst(%dma_wait3A_241 : memref<10240x128xf32, #tpu.memory_space<vmem_shared>>)
        } else {
        }
        %dma_wait3A_228 = arith.constant 0 : i32
        %dma_wait3A_229 = tpu.memref_slice %arg3[%dma_wait3A_228] : memref<884736xi32, #tpu.memory_space<hbm>> -> memref<96xi32, #tpu.memory_space<hbm>>
        %dma_wait3A_230 = arith.constant 0 : i32
        %dma_wait3A_231 = tpu.memref_slice %arg3[%dma_wait3A_230] : memref<884736xi32, #tpu.memory_space<hbm>> -> memref<96xi32, #tpu.memory_space<hbm>>
        tpu.wait_dma2 semaphore(%arg21 : memref<!tpu.dma_semaphore, #tpu.memory_space<semaphore_mem>>) src(%dma_wait3A_231 : memref<96xi32, #tpu.memory_space<hbm>>) dst(%arg6 : memref<96xi32, #tpu.memory_space<vmem>>)
        %dma_wait3A_232 = arith.constant 0 : i32
        %dma_wait3A_233 = tpu.memref_slice %arg3[%dma_wait3A_232] : memref<884736xi32, #tpu.memory_space<hbm>> -> memref<96xi32, #tpu.memory_space<hbm>>
        %dma_wait3A_234 = arith.constant 0 : i32
        %dma_wait3A_235 = tpu.memref_slice %arg3[%dma_wait3A_234] : memref<884736xi32, #tpu.memory_space<hbm>> -> memref<96xi32, #tpu.memory_space<hbm>>
        tpu.wait_dma2 semaphore(%arg21 : memref<!tpu.dma_semaphore, #tpu.memory_space<semaphore_mem>>) src(%dma_wait3A_235 : memref<96xi32, #tpu.memory_space<hbm>>) dst(%arg12 : memref<96xi32, #tpu.memory_space<vmem>>)
        %dma_start3A_236 = arith.constant 0 : i32
        %dma_start3A_237 = arith.constant 0 : i32
        %dma_start3A_238 = tpu.memref_slice %arg2[%dma_start3A_236, %dma_start3A_237] : memref<10000x128xf32, #tpu.memory_space<hbm>> -> memref<10000x128xf32, #tpu.memory_space<hbm>>
        tpu.enqueue_indirect_dma source(%dma_start3A_238 : memref<10000x128xf32, #tpu.memory_space<hbm>>) target(%arg18 : memref<96x128xf32, #tpu.memory_space<vmem>>) offsets(%arg6 : memref<96xi32, #tpu.memory_space<vmem>>) semaphore(%arg27 : memref<!tpu.dma_semaphore, #tpu.memory_space<semaphore_mem>>)
      } else {
      }
      %dma_wait3A_194 = arith.constant 0 : i32
      %dma_wait3A_195 = arith.constant 0 : i32
      %dma_wait3A_196 = tpu.memref_slice %arg2[%dma_wait3A_194, %dma_wait3A_195] : memref<10000x128xf32, #tpu.memory_space<hbm>> -> memref<10000x128xf32, #tpu.memory_space<hbm>>
      tpu.wait_indirect_dma semaphore(%arg28 : memref<!tpu.dma_semaphore, #tpu.memory_space<semaphore_mem>>) src(%dma_wait3A_196 : memref<10000x128xf32, #tpu.memory_space<hbm>>) dst(%arg19 : memref<96x128xf32, #tpu.memory_space<vmem>>)
      %dma_start3A_197 = arith.constant 0 : i32
      %dma_start3A_198 = arith.constant 0 : i32
      %dma_start3A_199 = tpu.memref_slice %arg33[%dma_start3A_197, %dma_start3A_198] : memref<10240x128xf32, #tpu.memory_space<vmem_shared>> -> memref<10240x128xf32, #tpu.memory_space<vmem_shared>>
      tpu.enqueue_indirect_dma source(%arg19 : memref<96x128xf32, #tpu.memory_space<vmem>>) target(%dma_start3A_199 : memref<10240x128xf32, #tpu.memory_space<vmem_shared>>) offsets(%arg16 : memref<96xi32, #tpu.memory_space<vmem>>) semaphore(%arg31 : memref<!tpu.dma_semaphore, #tpu.memory_space<semaphore_mem>>) {add = true}
      %mul3A_200 = arith.constant 6 : i32
      %mul3A_201 = arith.muli %while3A_92, %mul3A_200 : i32
      %add3A_202 = arith.constant 5 : i32
      %add3A_203 = arith.addi %mul3A_201, %add3A_202 : i32
      %add3A_204 = arith.constant 4 : i32
      %add3A_205 = arith.addi %add3A_203, %add3A_204 : i32
      %lt3A_206 = arith.cmpi slt, %add3A_205, %mul3A_9 : i32
      %convert_element_type3A_207 = arith.extui %lt3A_206 : i1 to i32
      %cond3A_208 = arith.constant 0 : i32
      %cond3A_209 = arith.cmpi ne, %convert_element_type3A_207, %cond3A_208 : i32
      scf.if %cond3A_209 {
        %add3A_222 = arith.constant 4 : i32
        %add3A_223 = arith.addi %add3A_203, %add3A_222 : i32
        %mul3A_224 = arith.constant 96 : i32
        %mul3A_225 = arith.muli %mul3A_224, %add3A_223 : i32
        %add3A_226 = arith.addi %mul3A_13, %mul3A_225 : i32
        %dma_start3A_227 = tpu.memref_slice %arg3[%add3A_226] : memref<884736xi32, #tpu.memory_space<hbm>> -> memref<96xi32, #tpu.memory_space<hbm>>
        %dma_start3A_228 = tpu.memref_slice %arg3[%add3A_226] : memref<884736xi32, #tpu.memory_space<hbm>> -> memref<96xi32, #tpu.memory_space<hbm>>
        tpu.enqueue_dma source(%dma_start3A_228 : memref<96xi32, #tpu.memory_space<hbm>>) target(%arg9 : memref<96xi32, #tpu.memory_space<vmem>>) target_semaphore(%arg24 : memref<!tpu.dma_semaphore, #tpu.memory_space<semaphore_mem>>)
        %add3A_229 = arith.addi %mul3A_13, %select_n3A : i32
        %mul3A_230 = arith.constant 96 : i32
        %mul3A_231 = arith.muli %mul3A_230, %add3A_223 : i32
        %add3A_232 = arith.addi %add3A_229, %mul3A_231 : i32
        %dma_start3A_233 = tpu.memref_slice %arg3[%add3A_232] : memref<884736xi32, #tpu.memory_space<hbm>> -> memref<96xi32, #tpu.memory_space<hbm>>
        %dma_start3A_234 = tpu.memref_slice %arg3[%add3A_232] : memref<884736xi32, #tpu.memory_space<hbm>> -> memref<96xi32, #tpu.memory_space<hbm>>
        tpu.enqueue_dma source(%dma_start3A_234 : memref<96xi32, #tpu.memory_space<hbm>>) target(%arg15 : memref<96xi32, #tpu.memory_space<vmem>>) target_semaphore(%arg24 : memref<!tpu.dma_semaphore, #tpu.memory_space<semaphore_mem>>)
      } else {
      }
      %add3A_210 = arith.constant 2 : i32
      %add3A_211 = arith.addi %add3A_203, %add3A_210 : i32
      %lt3A_212 = arith.cmpi slt, %add3A_211, %mul3A_9 : i32
      %convert_element_type3A_213 = arith.extui %lt3A_212 : i1 to i32
      %cond3A_214 = arith.constant 0 : i32
      %cond3A_215 = arith.cmpi ne, %convert_element_type3A_213, %cond3A_214 : i32
      scf.if %cond3A_215 {
        %add3A_222 = arith.constant 2 : i32
        %add3A_223 = arith.addi %add3A_203, %add3A_222 : i32
        %ge3A = arith.constant 3 : i32
        %ge3A_224 = arith.cmpi sge, %add3A_223, %ge3A : i32
        %convert_element_type3A_225 = arith.extui %ge3A_224 : i1 to i32
        %cond3A_226 = arith.constant 0 : i32
        %cond3A_227 = arith.cmpi ne, %convert_element_type3A_225, %cond3A_226 : i32
        scf.if %cond3A_227 {
          %dma_wait3A_239 = arith.constant 0 : i32
          %dma_wait3A_240 = arith.constant 0 : i32
          %dma_wait3A_241 = tpu.memref_slice %arg33[%dma_wait3A_239, %dma_wait3A_240] : memref<10240x128xf32, #tpu.memory_space<vmem_shared>> -> memref<10240x128xf32, #tpu.memory_space<vmem_shared>>
          tpu.wait_indirect_dma semaphore(%arg31 : memref<!tpu.dma_semaphore, #tpu.memory_space<semaphore_mem>>) src(%arg19 : memref<96x128xf32, #tpu.memory_space<vmem>>) dst(%dma_wait3A_241 : memref<10240x128xf32, #tpu.memory_space<vmem_shared>>)
        } else {
        }
        %dma_wait3A_228 = arith.constant 0 : i32
        %dma_wait3A_229 = tpu.memref_slice %arg3[%dma_wait3A_228] : memref<884736xi32, #tpu.memory_space<hbm>> -> memref<96xi32, #tpu.memory_space<hbm>>
        %dma_wait3A_230 = arith.constant 0 : i32
        %dma_wait3A_231 = tpu.memref_slice %arg3[%dma_wait3A_230] : memref<884736xi32, #tpu.memory_space<hbm>> -> memref<96xi32, #tpu.memory_space<hbm>>
        tpu.wait_dma2 semaphore(%arg22 : memref<!tpu.dma_semaphore, #tpu.memory_space<semaphore_mem>>) src(%dma_wait3A_231 : memref<96xi32, #tpu.memory_space<hbm>>) dst(%arg7 : memref<96xi32, #tpu.memory_space<vmem>>)
        %dma_wait3A_232 = arith.constant 0 : i32
        %dma_wait3A_233 = tpu.memref_slice %arg3[%dma_wait3A_232] : memref<884736xi32, #tpu.memory_space<hbm>> -> memref<96xi32, #tpu.memory_space<hbm>>
        %dma_wait3A_234 = arith.constant 0 : i32
        %dma_wait3A_235 = tpu.memref_slice %arg3[%dma_wait3A_234] : memref<884736xi32, #tpu.memory_space<hbm>> -> memref<96xi32, #tpu.memory_space<hbm>>
        tpu.wait_dma2 semaphore(%arg22 : memref<!tpu.dma_semaphore, #tpu.memory_space<semaphore_mem>>) src(%dma_wait3A_235 : memref<96xi32, #tpu.memory_space<hbm>>) dst(%arg13 : memref<96xi32, #tpu.memory_space<vmem>>)
        %dma_start3A_236 = arith.constant 0 : i32
        %dma_start3A_237 = arith.constant 0 : i32
        %dma_start3A_238 = tpu.memref_slice %arg2[%dma_start3A_236, %dma_start3A_237] : memref<10000x128xf32, #tpu.memory_space<hbm>> -> memref<10000x128xf32, #tpu.memory_space<hbm>>
        tpu.enqueue_indirect_dma source(%dma_start3A_238 : memref<10000x128xf32, #tpu.memory_space<hbm>>) target(%arg19 : memref<96x128xf32, #tpu.memory_space<vmem>>) offsets(%arg7 : memref<96xi32, #tpu.memory_space<vmem>>) semaphore(%arg28 : memref<!tpu.dma_semaphore, #tpu.memory_space<semaphore_mem>>)
      } else {
      }
      %dma_wait3A_216 = arith.constant 0 : i32
      %dma_wait3A_217 = arith.constant 0 : i32
      %dma_wait3A_218 = tpu.memref_slice %arg2[%dma_wait3A_216, %dma_wait3A_217] : memref<10000x128xf32, #tpu.memory_space<hbm>> -> memref<10000x128xf32, #tpu.memory_space<hbm>>
      tpu.wait_indirect_dma semaphore(%arg29 : memref<!tpu.dma_semaphore, #tpu.memory_space<semaphore_mem>>) src(%dma_wait3A_218 : memref<10000x128xf32, #tpu.memory_space<hbm>>) dst(%arg20 : memref<96x128xf32, #tpu.memory_space<vmem>>)
      %dma_start3A_219 = arith.constant 0 : i32
      %dma_start3A_220 = arith.constant 0 : i32
      %dma_start3A_221 = tpu.memref_slice %arg33[%dma_start3A_219, %dma_start3A_220] : memref<10240x128xf32, #tpu.memory_space<vmem_shared>> -> memref<10240x128xf32, #tpu.memory_space<vmem_shared>>
      tpu.enqueue_indirect_dma source(%arg20 : memref<96x128xf32, #tpu.memory_space<vmem>>) target(%dma_start3A_221 : memref<10240x128xf32, #tpu.memory_space<vmem_shared>>) offsets(%arg17 : memref<96xi32, #tpu.memory_space<vmem>>) semaphore(%arg32 : memref<!tpu.dma_semaphore, #tpu.memory_space<semaphore_mem>>) {add = true}
    }
    %while3A_77 = arith.constant 1 : i32
    scf.for %while3A_92 = %while3A_75 to %while3A_71 step %while3A_77  : i32 {
      %mul3A_93 = arith.constant 6 : i32
      %mul3A_94 = arith.muli %while3A_92, %mul3A_93 : i32
      %add3A_95 = arith.constant 0 : i32
      %add3A_96 = arith.addi %mul3A_94, %add3A_95 : i32
      %add3A_97 = arith.constant 4 : i32
      %add3A_98 = arith.addi %add3A_96, %add3A_97 : i32
      %lt3A = arith.cmpi slt, %add3A_98, %mul3A_9 : i32
      %convert_element_type3A = arith.extui %lt3A : i1 to i32
      %cond3A = arith.constant 0 : i32
      %cond3A_99 = arith.cmpi ne, %convert_element_type3A, %cond3A : i32
      scf.if %cond3A_99 {
        %add3A_222 = arith.constant 4 : i32
        %add3A_223 = arith.addi %add3A_96, %add3A_222 : i32
        %mul3A_224 = arith.constant 96 : i32
        %mul3A_225 = arith.muli %mul3A_224, %add3A_223 : i32
        %add3A_226 = arith.addi %mul3A_13, %mul3A_225 : i32
        %dma_start3A_227 = tpu.memref_slice %arg3[%add3A_226] : memref<884736xi32, #tpu.memory_space<hbm>> -> memref<96xi32, #tpu.memory_space<hbm>>
        %dma_start3A_228 = tpu.memref_slice %arg3[%add3A_226] : memref<884736xi32, #tpu.memory_space<hbm>> -> memref<96xi32, #tpu.memory_space<hbm>>
        tpu.enqueue_dma source(%dma_start3A_228 : memref<96xi32, #tpu.memory_space<hbm>>) target(%arg10 : memref<96xi32, #tpu.memory_space<vmem>>) target_semaphore(%arg25 : memref<!tpu.dma_semaphore, #tpu.memory_space<semaphore_mem>>)
        %add3A_229 = arith.addi %mul3A_13, %select_n3A : i32
        %mul3A_230 = arith.constant 96 : i32
        %mul3A_231 = arith.muli %mul3A_230, %add3A_223 : i32
        %add3A_232 = arith.addi %add3A_229, %mul3A_231 : i32
        %dma_start3A_233 = tpu.memref_slice %arg3[%add3A_232] : memref<884736xi32, #tpu.memory_space<hbm>> -> memref<96xi32, #tpu.memory_space<hbm>>
        %dma_start3A_234 = tpu.memref_slice %arg3[%add3A_232] : memref<884736xi32, #tpu.memory_space<hbm>> -> memref<96xi32, #tpu.memory_space<hbm>>
        tpu.enqueue_dma source(%dma_start3A_234 : memref<96xi32, #tpu.memory_space<hbm>>) target(%arg16 : memref<96xi32, #tpu.memory_space<vmem>>) target_semaphore(%arg25 : memref<!tpu.dma_semaphore, #tpu.memory_space<semaphore_mem>>)
      } else {
      }
      %add3A_100 = arith.constant 2 : i32
      %add3A_101 = arith.addi %add3A_96, %add3A_100 : i32
      %lt3A_102 = arith.cmpi slt, %add3A_101, %mul3A_9 : i32
      %convert_element_type3A_103 = arith.extui %lt3A_102 : i1 to i32
      %cond3A_104 = arith.constant 0 : i32
      %cond3A_105 = arith.cmpi ne, %convert_element_type3A_103, %cond3A_104 : i32
      scf.if %cond3A_105 {
        %add3A_222 = arith.constant 2 : i32
        %add3A_223 = arith.addi %add3A_96, %add3A_222 : i32
        %ge3A = arith.constant 3 : i32
        %ge3A_224 = arith.cmpi sge, %add3A_223, %ge3A : i32
        %convert_element_type3A_225 = arith.extui %ge3A_224 : i1 to i32
        %cond3A_226 = arith.constant 0 : i32
        %cond3A_227 = arith.cmpi ne, %convert_element_type3A_225, %cond3A_226 : i32
        scf.if %cond3A_227 {
          %dma_wait3A_239 = arith.constant 0 : i32
          %dma_wait3A_240 = arith.constant 0 : i32
          %dma_wait3A_241 = tpu.memref_slice %arg33[%dma_wait3A_239, %dma_wait3A_240] : memref<10240x128xf32, #tpu.memory_space<vmem_shared>> -> memref<10240x128xf32, #tpu.memory_space<vmem_shared>>
          tpu.wait_indirect_dma semaphore(%arg32 : memref<!tpu.dma_semaphore, #tpu.memory_space<semaphore_mem>>) src(%arg20 : memref<96x128xf32, #tpu.memory_space<vmem>>) dst(%dma_wait3A_241 : memref<10240x128xf32, #tpu.memory_space<vmem_shared>>)
        } else {
        }
        %dma_wait3A_228 = arith.constant 0 : i32
        %dma_wait3A_229 = tpu.memref_slice %arg3[%dma_wait3A_228] : memref<884736xi32, #tpu.memory_space<hbm>> -> memref<96xi32, #tpu.memory_space<hbm>>
        %dma_wait3A_230 = arith.constant 0 : i32
        %dma_wait3A_231 = tpu.memref_slice %arg3[%dma_wait3A_230] : memref<884736xi32, #tpu.memory_space<hbm>> -> memref<96xi32, #tpu.memory_space<hbm>>
        tpu.wait_dma2 semaphore(%arg23 : memref<!tpu.dma_semaphore, #tpu.memory_space<semaphore_mem>>) src(%dma_wait3A_231 : memref<96xi32, #tpu.memory_space<hbm>>) dst(%arg8 : memref<96xi32, #tpu.memory_space<vmem>>)
        %dma_wait3A_232 = arith.constant 0 : i32
        %dma_wait3A_233 = tpu.memref_slice %arg3[%dma_wait3A_232] : memref<884736xi32, #tpu.memory_space<hbm>> -> memref<96xi32, #tpu.memory_space<hbm>>
        %dma_wait3A_234 = arith.constant 0 : i32
        %dma_wait3A_235 = tpu.memref_slice %arg3[%dma_wait3A_234] : memref<884736xi32, #tpu.memory_space<hbm>> -> memref<96xi32, #tpu.memory_space<hbm>>
        tpu.wait_dma2 semaphore(%arg23 : memref<!tpu.dma_semaphore, #tpu.memory_space<semaphore_mem>>) src(%dma_wait3A_235 : memref<96xi32, #tpu.memory_space<hbm>>) dst(%arg14 : memref<96xi32, #tpu.memory_space<vmem>>)
        %dma_start3A_236 = arith.constant 0 : i32
        %dma_start3A_237 = arith.constant 0 : i32
        %dma_start3A_238 = tpu.memref_slice %arg2[%dma_start3A_236, %dma_start3A_237] : memref<10000x128xf32, #tpu.memory_space<hbm>> -> memref<10000x128xf32, #tpu.memory_space<hbm>>
        tpu.enqueue_indirect_dma source(%dma_start3A_238 : memref<10000x128xf32, #tpu.memory_space<hbm>>) target(%arg20 : memref<96x128xf32, #tpu.memory_space<vmem>>) offsets(%arg8 : memref<96xi32, #tpu.memory_space<vmem>>) semaphore(%arg29 : memref<!tpu.dma_semaphore, #tpu.memory_space<semaphore_mem>>)
      } else {
      }
      %dma_wait3A_106 = arith.constant 0 : i32
      %dma_wait3A_107 = arith.constant 0 : i32
      %dma_wait3A_108 = tpu.memref_slice %arg2[%dma_wait3A_106, %dma_wait3A_107] : memref<10000x128xf32, #tpu.memory_space<hbm>> -> memref<10000x128xf32, #tpu.memory_space<hbm>>
      tpu.wait_indirect_dma semaphore(%arg27 : memref<!tpu.dma_semaphore, #tpu.memory_space<semaphore_mem>>) src(%dma_wait3A_108 : memref<10000x128xf32, #tpu.memory_space<hbm>>) dst(%arg18 : memref<96x128xf32, #tpu.memory_space<vmem>>)
      %dma_start3A_109 = arith.constant 0 : i32
      %dma_start3A_110 = arith.constant 0 : i32
      %dma_start3A_111 = tpu.memref_slice %arg33[%dma_start3A_109, %dma_start3A_110] : memref<10240x128xf32, #tpu.memory_space<vmem_shared>> -> memref<10240x128xf32, #tpu.memory_space<vmem_shared>>
      tpu.enqueue_indirect_dma source(%arg18 : memref<96x128xf32, #tpu.memory_space<vmem>>) target(%dma_start3A_111 : memref<10240x128xf32, #tpu.memory_space<vmem_shared>>) offsets(%arg12 : memref<96xi32, #tpu.memory_space<vmem>>) semaphore(%arg30 : memref<!tpu.dma_semaphore, #tpu.memory_space<semaphore_mem>>) {add = true}
      %mul3A_112 = arith.constant 6 : i32
      %mul3A_113 = arith.muli %while3A_92, %mul3A_112 : i32
      %add3A_114 = arith.constant 1 : i32
      %add3A_115 = arith.addi %mul3A_113, %add3A_114 : i32
      %add3A_116 = arith.constant 4 : i32
      %add3A_117 = arith.addi %add3A_115, %add3A_116 : i32
      %lt3A_118 = arith.cmpi slt, %add3A_117, %mul3A_9 : i32
      %convert_element_type3A_119 = arith.extui %lt3A_118 : i1 to i32
      %cond3A_120 = arith.constant 0 : i32
      %cond3A_121 = arith.cmpi ne, %convert_element_type3A_119, %cond3A_120 : i32
      scf.if %cond3A_121 {
        %add3A_222 = arith.constant 4 : i32
        %add3A_223 = arith.addi %add3A_115, %add3A_222 : i32
        %mul3A_224 = arith.constant 96 : i32
        %mul3A_225 = arith.muli %mul3A_224, %add3A_223 : i32
        %add3A_226 = arith.addi %mul3A_13, %mul3A_225 : i32
        %dma_start3A_227 = tpu.memref_slice %arg3[%add3A_226] : memref<884736xi32, #tpu.memory_space<hbm>> -> memref<96xi32, #tpu.memory_space<hbm>>
        %dma_start3A_228 = tpu.memref_slice %arg3[%add3A_226] : memref<884736xi32, #tpu.memory_space<hbm>> -> memref<96xi32, #tpu.memory_space<hbm>>
        tpu.enqueue_dma source(%dma_start3A_228 : memref<96xi32, #tpu.memory_space<hbm>>) target(%arg11 : memref<96xi32, #tpu.memory_space<vmem>>) target_semaphore(%arg26 : memref<!tpu.dma_semaphore, #tpu.memory_space<semaphore_mem>>)
        %add3A_229 = arith.addi %mul3A_13, %select_n3A : i32
        %mul3A_230 = arith.constant 96 : i32
        %mul3A_231 = arith.muli %mul3A_230, %add3A_223 : i32
        %add3A_232 = arith.addi %add3A_229, %mul3A_231 : i32
        %dma_start3A_233 = tpu.memref_slice %arg3[%add3A_232] : memref<884736xi32, #tpu.memory_space<hbm>> -> memref<96xi32, #tpu.memory_space<hbm>>
        %dma_start3A_234 = tpu.memref_slice %arg3[%add3A_232] : memref<884736xi32, #tpu.memory_space<hbm>> -> memref<96xi32, #tpu.memory_space<hbm>>
        tpu.enqueue_dma source(%dma_start3A_234 : memref<96xi32, #tpu.memory_space<hbm>>) target(%arg17 : memref<96xi32, #tpu.memory_space<vmem>>) target_semaphore(%arg26 : memref<!tpu.dma_semaphore, #tpu.memory_space<semaphore_mem>>)
      } else {
      }
      %add3A_122 = arith.constant 2 : i32
      %add3A_123 = arith.addi %add3A_115, %add3A_122 : i32
      %lt3A_124 = arith.cmpi slt, %add3A_123, %mul3A_9 : i32
      %convert_element_type3A_125 = arith.extui %lt3A_124 : i1 to i32
      %cond3A_126 = arith.constant 0 : i32
      %cond3A_127 = arith.cmpi ne, %convert_element_type3A_125, %cond3A_126 : i32
      scf.if %cond3A_127 {
        %add3A_222 = arith.constant 2 : i32
        %add3A_223 = arith.addi %add3A_115, %add3A_222 : i32
        %ge3A = arith.constant 3 : i32
        %ge3A_224 = arith.cmpi sge, %add3A_223, %ge3A : i32
        %convert_element_type3A_225 = arith.extui %ge3A_224 : i1 to i32
        %cond3A_226 = arith.constant 0 : i32
        %cond3A_227 = arith.cmpi ne, %convert_element_type3A_225, %cond3A_226 : i32
        scf.if %cond3A_227 {
          %dma_wait3A_239 = arith.constant 0 : i32
          %dma_wait3A_240 = arith.constant 0 : i32
          %dma_wait3A_241 = tpu.memref_slice %arg33[%dma_wait3A_239, %dma_wait3A_240] : memref<10240x128xf32, #tpu.memory_space<vmem_shared>> -> memref<10240x128xf32, #tpu.memory_space<vmem_shared>>
          tpu.wait_indirect_dma semaphore(%arg30 : memref<!tpu.dma_semaphore, #tpu.memory_space<semaphore_mem>>) src(%arg18 : memref<96x128xf32, #tpu.memory_space<vmem>>) dst(%dma_wait3A_241 : memref<10240x128xf32, #tpu.memory_space<vmem_shared>>)
        } else {
        }
        %dma_wait3A_228 = arith.constant 0 : i32
        %dma_wait3A_229 = tpu.memref_slice %arg3[%dma_wait3A_228] : memref<884736xi32, #tpu.memory_space<hbm>> -> memref<96xi32, #tpu.memory_space<hbm>>
        %dma_wait3A_230 = arith.constant 0 : i32
        %dma_wait3A_231 = tpu.memref_slice %arg3[%dma_wait3A_230] : memref<884736xi32, #tpu.memory_space<hbm>> -> memref<96xi32, #tpu.memory_space<hbm>>
        tpu.wait_dma2 semaphore(%arg24 : memref<!tpu.dma_semaphore, #tpu.memory_space<semaphore_mem>>) src(%dma_wait3A_231 : memref<96xi32, #tpu.memory_space<hbm>>) dst(%arg9 : memref<96xi32, #tpu.memory_space<vmem>>)
        %dma_wait3A_232 = arith.constant 0 : i32
        %dma_wait3A_233 = tpu.memref_slice %arg3[%dma_wait3A_232] : memref<884736xi32, #tpu.memory_space<hbm>> -> memref<96xi32, #tpu.memory_space<hbm>>
        %dma_wait3A_234 = arith.constant 0 : i32
        %dma_wait3A_235 = tpu.memref_slice %arg3[%dma_wait3A_234] : memref<884736xi32, #tpu.memory_space<hbm>> -> memref<96xi32, #tpu.memory_space<hbm>>
        tpu.wait_dma2 semaphore(%arg24 : memref<!tpu.dma_semaphore, #tpu.memory_space<semaphore_mem>>) src(%dma_wait3A_235 : memref<96xi32, #tpu.memory_space<hbm>>) dst(%arg15 : memref<96xi32, #tpu.memory_space<vmem>>)
        %dma_start3A_236 = arith.constant 0 : i32
        %dma_start3A_237 = arith.constant 0 : i32
        %dma_start3A_238 = tpu.memref_slice %arg2[%dma_start3A_236, %dma_start3A_237] : memref<10000x128xf32, #tpu.memory_space<hbm>> -> memref<10000x128xf32, #tpu.memory_space<hbm>>
        tpu.enqueue_indirect_dma source(%dma_start3A_238 : memref<10000x128xf32, #tpu.memory_space<hbm>>) target(%arg18 : memref<96x128xf32, #tpu.memory_space<vmem>>) offsets(%arg9 : memref<96xi32, #tpu.memory_space<vmem>>) semaphore(%arg27 : memref<!tpu.dma_semaphore, #tpu.memory_space<semaphore_mem>>)
      } else {
      }
      %dma_wait3A_128 = arith.constant 0 : i32
      %dma_wait3A_129 = arith.constant 0 : i32
      %dma_wait3A_130 = tpu.memref_slice %arg2[%dma_wait3A_128, %dma_wait3A_129] : memref<10000x128xf32, #tpu.memory_space<hbm>> -> memref<10000x128xf32, #tpu.memory_space<hbm>>
      tpu.wait_indirect_dma semaphore(%arg28 : memref<!tpu.dma_semaphore, #tpu.memory_space<semaphore_mem>>) src(%dma_wait3A_130 : memref<10000x128xf32, #tpu.memory_space<hbm>>) dst(%arg19 : memref<96x128xf32, #tpu.memory_space<vmem>>)
      %dma_start3A_131 = arith.constant 0 : i32
      %dma_start3A_132 = arith.constant 0 : i32
      %dma_start3A_133 = tpu.memref_slice %arg33[%dma_start3A_131, %dma_start3A_132] : memref<10240x128xf32, #tpu.memory_space<vmem_shared>> -> memref<10240x128xf32, #tpu.memory_space<vmem_shared>>
      tpu.enqueue_indirect_dma source(%arg19 : memref<96x128xf32, #tpu.memory_space<vmem>>) target(%dma_start3A_133 : memref<10240x128xf32, #tpu.memory_space<vmem_shared>>) offsets(%arg13 : memref<96xi32, #tpu.memory_space<vmem>>) semaphore(%arg31 : memref<!tpu.dma_semaphore, #tpu.memory_space<semaphore_mem>>) {add = true}
      %mul3A_134 = arith.constant 6 : i32
      %mul3A_135 = arith.muli %while3A_92, %mul3A_134 : i32
      %add3A_136 = arith.constant 2 : i32
      %add3A_137 = arith.addi %mul3A_135, %add3A_136 : i32
      %add3A_138 = arith.constant 4 : i32
      %add3A_139 = arith.addi %add3A_137, %add3A_138 : i32
      %lt3A_140 = arith.cmpi slt, %add3A_139, %mul3A_9 : i32
      %convert_element_type3A_141 = arith.extui %lt3A_140 : i1 to i32
      %cond3A_142 = arith.constant 0 : i32
      %cond3A_143 = arith.cmpi ne, %convert_element_type3A_141, %cond3A_142 : i32
      scf.if %cond3A_143 {
        %add3A_222 = arith.constant 4 : i32
        %add3A_223 = arith.addi %add3A_137, %add3A_222 : i32
        %mul3A_224 = arith.constant 96 : i32
        %mul3A_225 = arith.muli %mul3A_224, %add3A_223 : i32
        %add3A_226 = arith.addi %mul3A_13, %mul3A_225 : i32
        %dma_start3A_227 = tpu.memref_slice %arg3[%add3A_226] : memref<884736xi32, #tpu.memory_space<hbm>> -> memref<96xi32, #tpu.memory_space<hbm>>
        %dma_start3A_228 = tpu.memref_slice %arg3[%add3A_226] : memref<884736xi32, #tpu.memory_space<hbm>> -> memref<96xi32, #tpu.memory_space<hbm>>
        tpu.enqueue_dma source(%dma_start3A_228 : memref<96xi32, #tpu.memory_space<hbm>>) target(%arg6 : memref<96xi32, #tpu.memory_space<vmem>>) target_semaphore(%arg21 : memref<!tpu.dma_semaphore, #tpu.memory_space<semaphore_mem>>)
        %add3A_229 = arith.addi %mul3A_13, %select_n3A : i32
        %mul3A_230 = arith.constant 96 : i32
        %mul3A_231 = arith.muli %mul3A_230, %add3A_223 : i32
        %add3A_232 = arith.addi %add3A_229, %mul3A_231 : i32
        %dma_start3A_233 = tpu.memref_slice %arg3[%add3A_232] : memref<884736xi32, #tpu.memory_space<hbm>> -> memref<96xi32, #tpu.memory_space<hbm>>
        %dma_start3A_234 = tpu.memref_slice %arg3[%add3A_232] : memref<884736xi32, #tpu.memory_space<hbm>> -> memref<96xi32, #tpu.memory_space<hbm>>
        tpu.enqueue_dma source(%dma_start3A_234 : memref<96xi32, #tpu.memory_space<hbm>>) target(%arg12 : memref<96xi32, #tpu.memory_space<vmem>>) target_semaphore(%arg21 : memref<!tpu.dma_semaphore, #tpu.memory_space<semaphore_mem>>)
      } else {
      }
      %add3A_144 = arith.constant 2 : i32
      %add3A_145 = arith.addi %add3A_137, %add3A_144 : i32
      %lt3A_146 = arith.cmpi slt, %add3A_145, %mul3A_9 : i32
      %convert_element_type3A_147 = arith.extui %lt3A_146 : i1 to i32
      %cond3A_148 = arith.constant 0 : i32
      %cond3A_149 = arith.cmpi ne, %convert_element_type3A_147, %cond3A_148 : i32
      scf.if %cond3A_149 {
        %add3A_222 = arith.constant 2 : i32
        %add3A_223 = arith.addi %add3A_137, %add3A_222 : i32
        %ge3A = arith.constant 3 : i32
        %ge3A_224 = arith.cmpi sge, %add3A_223, %ge3A : i32
        %convert_element_type3A_225 = arith.extui %ge3A_224 : i1 to i32
        %cond3A_226 = arith.constant 0 : i32
        %cond3A_227 = arith.cmpi ne, %convert_element_type3A_225, %cond3A_226 : i32
        scf.if %cond3A_227 {
          %dma_wait3A_239 = arith.constant 0 : i32
          %dma_wait3A_240 = arith.constant 0 : i32
          %dma_wait3A_241 = tpu.memref_slice %arg33[%dma_wait3A_239, %dma_wait3A_240] : memref<10240x128xf32, #tpu.memory_space<vmem_shared>> -> memref<10240x128xf32, #tpu.memory_space<vmem_shared>>
          tpu.wait_indirect_dma semaphore(%arg31 : memref<!tpu.dma_semaphore, #tpu.memory_space<semaphore_mem>>) src(%arg19 : memref<96x128xf32, #tpu.memory_space<vmem>>) dst(%dma_wait3A_241 : memref<10240x128xf32, #tpu.memory_space<vmem_shared>>)
        } else {
        }
        %dma_wait3A_228 = arith.constant 0 : i32
        %dma_wait3A_229 = tpu.memref_slice %arg3[%dma_wait3A_228] : memref<884736xi32, #tpu.memory_space<hbm>> -> memref<96xi32, #tpu.memory_space<hbm>>
        %dma_wait3A_230 = arith.constant 0 : i32
        %dma_wait3A_231 = tpu.memref_slice %arg3[%dma_wait3A_230] : memref<884736xi32, #tpu.memory_space<hbm>> -> memref<96xi32, #tpu.memory_space<hbm>>
        tpu.wait_dma2 semaphore(%arg25 : memref<!tpu.dma_semaphore, #tpu.memory_space<semaphore_mem>>) src(%dma_wait3A_231 : memref<96xi32, #tpu.memory_space<hbm>>) dst(%arg10 : memref<96xi32, #tpu.memory_space<vmem>>)
        %dma_wait3A_232 = arith.constant 0 : i32
        %dma_wait3A_233 = tpu.memref_slice %arg3[%dma_wait3A_232] : memref<884736xi32, #tpu.memory_space<hbm>> -> memref<96xi32, #tpu.memory_space<hbm>>
        %dma_wait3A_234 = arith.constant 0 : i32
        %dma_wait3A_235 = tpu.memref_slice %arg3[%dma_wait3A_234] : memref<884736xi32, #tpu.memory_space<hbm>> -> memref<96xi32, #tpu.memory_space<hbm>>
        tpu.wait_dma2 semaphore(%arg25 : memref<!tpu.dma_semaphore, #tpu.memory_space<semaphore_mem>>) src(%dma_wait3A_235 : memref<96xi32, #tpu.memory_space<hbm>>) dst(%arg16 : memref<96xi32, #tpu.memory_space<vmem>>)
        %dma_start3A_236 = arith.constant 0 : i32
        %dma_start3A_237 = arith.constant 0 : i32
        %dma_start3A_238 = tpu.memref_slice %arg2[%dma_start3A_236, %dma_start3A_237] : memref<10000x128xf32, #tpu.memory_space<hbm>> -> memref<10000x128xf32, #tpu.memory_space<hbm>>
        tpu.enqueue_indirect_dma source(%dma_start3A_238 : memref<10000x128xf32, #tpu.memory_space<hbm>>) target(%arg19 : memref<96x128xf32, #tpu.memory_space<vmem>>) offsets(%arg10 : memref<96xi32, #tpu.memory_space<vmem>>) semaphore(%arg28 : memref<!tpu.dma_semaphore, #tpu.memory_space<semaphore_mem>>)
      } else {
      }
      %dma_wait3A_150 = arith.constant 0 : i32
      %dma_wait3A_151 = arith.constant 0 : i32
      %dma_wait3A_152 = tpu.memref_slice %arg2[%dma_wait3A_150, %dma_wait3A_151] : memref<10000x128xf32, #tpu.memory_space<hbm>> -> memref<10000x128xf32, #tpu.memory_space<hbm>>
      tpu.wait_indirect_dma semaphore(%arg29 : memref<!tpu.dma_semaphore, #tpu.memory_space<semaphore_mem>>) src(%dma_wait3A_152 : memref<10000x128xf32, #tpu.memory_space<hbm>>) dst(%arg20 : memref<96x128xf32, #tpu.memory_space<vmem>>)
      %dma_start3A_153 = arith.constant 0 : i32
      %dma_start3A_154 = arith.constant 0 : i32
      %dma_start3A_155 = tpu.memref_slice %arg33[%dma_start3A_153, %dma_start3A_154] : memref<10240x128xf32, #tpu.memory_space<vmem_shared>> -> memref<10240x128xf32, #tpu.memory_space<vmem_shared>>
      tpu.enqueue_indirect_dma source(%arg20 : memref<96x128xf32, #tpu.memory_space<vmem>>) target(%dma_start3A_155 : memref<10240x128xf32, #tpu.memory_space<vmem_shared>>) offsets(%arg14 : memref<96xi32, #tpu.memory_space<vmem>>) semaphore(%arg32 : memref<!tpu.dma_semaphore, #tpu.memory_space<semaphore_mem>>) {add = true}
      %mul3A_156 = arith.constant 6 : i32
      %mul3A_157 = arith.muli %while3A_92, %mul3A_156 : i32
      %add3A_158 = arith.constant 3 : i32
      %add3A_159 = arith.addi %mul3A_157, %add3A_158 : i32
      %add3A_160 = arith.constant 4 : i32
      %add3A_161 = arith.addi %add3A_159, %add3A_160 : i32
      %lt3A_162 = arith.cmpi slt, %add3A_161, %mul3A_9 : i32
      %convert_element_type3A_163 = arith.extui %lt3A_162 : i1 to i32
      %cond3A_164 = arith.constant 0 : i32
      %cond3A_165 = arith.cmpi ne, %convert_element_type3A_163, %cond3A_164 : i32
      scf.if %cond3A_165 {
        %add3A_222 = arith.constant 4 : i32
        %add3A_223 = arith.addi %add3A_159, %add3A_222 : i32
        %mul3A_224 = arith.constant 96 : i32
        %mul3A_225 = arith.muli %mul3A_224, %add3A_223 : i32
        %add3A_226 = arith.addi %mul3A_13, %mul3A_225 : i32
        %dma_start3A_227 = tpu.memref_slice %arg3[%add3A_226] : memref<884736xi32, #tpu.memory_space<hbm>> -> memref<96xi32, #tpu.memory_space<hbm>>
        %dma_start3A_228 = tpu.memref_slice %arg3[%add3A_226] : memref<884736xi32, #tpu.memory_space<hbm>> -> memref<96xi32, #tpu.memory_space<hbm>>
        tpu.enqueue_dma source(%dma_start3A_228 : memref<96xi32, #tpu.memory_space<hbm>>) target(%arg7 : memref<96xi32, #tpu.memory_space<vmem>>) target_semaphore(%arg22 : memref<!tpu.dma_semaphore, #tpu.memory_space<semaphore_mem>>)
        %add3A_229 = arith.addi %mul3A_13, %select_n3A : i32
        %mul3A_230 = arith.constant 96 : i32
        %mul3A_231 = arith.muli %mul3A_230, %add3A_223 : i32
        %add3A_232 = arith.addi %add3A_229, %mul3A_231 : i32
        %dma_start3A_233 = tpu.memref_slice %arg3[%add3A_232] : memref<884736xi32, #tpu.memory_space<hbm>> -> memref<96xi32, #tpu.memory_space<hbm>>
        %dma_start3A_234 = tpu.memref_slice %arg3[%add3A_232] : memref<884736xi32, #tpu.memory_space<hbm>> -> memref<96xi32, #tpu.memory_space<hbm>>
        tpu.enqueue_dma source(%dma_start3A_234 : memref<96xi32, #tpu.memory_space<hbm>>) target(%arg13 : memref<96xi32, #tpu.memory_space<vmem>>) target_semaphore(%arg22 : memref<!tpu.dma_semaphore, #tpu.memory_space<semaphore_mem>>)
      } else {
      }
      %add3A_166 = arith.constant 2 : i32
      %add3A_167 = arith.addi %add3A_159, %add3A_166 : i32
      %lt3A_168 = arith.cmpi slt, %add3A_167, %mul3A_9 : i32
      %convert_element_type3A_169 = arith.extui %lt3A_168 : i1 to i32
      %cond3A_170 = arith.constant 0 : i32
      %cond3A_171 = arith.cmpi ne, %convert_element_type3A_169, %cond3A_170 : i32
      scf.if %cond3A_171 {
        %add3A_222 = arith.constant 2 : i32
        %add3A_223 = arith.addi %add3A_159, %add3A_222 : i32
        %ge3A = arith.constant 3 : i32
        %ge3A_224 = arith.cmpi sge, %add3A_223, %ge3A : i32
        %convert_element_type3A_225 = arith.extui %ge3A_224 : i1 to i32
        %cond3A_226 = arith.constant 0 : i32
        %cond3A_227 = arith.cmpi ne, %convert_element_type3A_225, %cond3A_226 : i32
        scf.if %cond3A_227 {
          %dma_wait3A_239 = arith.constant 0 : i32
          %dma_wait3A_240 = arith.constant 0 : i32
          %dma_wait3A_241 = tpu.memref_slice %arg33[%dma_wait3A_239, %dma_wait3A_240] : memref<10240x128xf32, #tpu.memory_space<vmem_shared>> -> memref<10240x128xf32, #tpu.memory_space<vmem_shared>>
          tpu.wait_indirect_dma semaphore(%arg32 : memref<!tpu.dma_semaphore, #tpu.memory_space<semaphore_mem>>) src(%arg20 : memref<96x128xf32, #tpu.memory_space<vmem>>) dst(%dma_wait3A_241 : memref<10240x128xf32, #tpu.memory_space<vmem_shared>>)
        } else {
        }
        %dma_wait3A_228 = arith.constant 0 : i32
        %dma_wait3A_229 = tpu.memref_slice %arg3[%dma_wait3A_228] : memref<884736xi32, #tpu.memory_space<hbm>> -> memref<96xi32, #tpu.memory_space<hbm>>
        %dma_wait3A_230 = arith.constant 0 : i32
        %dma_wait3A_231 = tpu.memref_slice %arg3[%dma_wait3A_230] : memref<884736xi32, #tpu.memory_space<hbm>> -> memref<96xi32, #tpu.memory_space<hbm>>
        tpu.wait_dma2 semaphore(%arg26 : memref<!tpu.dma_semaphore, #tpu.memory_space<semaphore_mem>>) src(%dma_wait3A_231 : memref<96xi32, #tpu.memory_space<hbm>>) dst(%arg11 : memref<96xi32, #tpu.memory_space<vmem>>)
        %dma_wait3A_232 = arith.constant 0 : i32
        %dma_wait3A_233 = tpu.memref_slice %arg3[%dma_wait3A_232] : memref<884736xi32, #tpu.memory_space<hbm>> -> memref<96xi32, #tpu.memory_space<hbm>>
        %dma_wait3A_234 = arith.constant 0 : i32
        %dma_wait3A_235 = tpu.memref_slice %arg3[%dma_wait3A_234] : memref<884736xi32, #tpu.memory_space<hbm>> -> memref<96xi32, #tpu.memory_space<hbm>>
        tpu.wait_dma2 semaphore(%arg26 : memref<!tpu.dma_semaphore, #tpu.memory_space<semaphore_mem>>) src(%dma_wait3A_235 : memref<96xi32, #tpu.memory_space<hbm>>) dst(%arg17 : memref<96xi32, #tpu.memory_space<vmem>>)
        %dma_start3A_236 = arith.constant 0 : i32
        %dma_start3A_237 = arith.constant 0 : i32
        %dma_start3A_238 = tpu.memref_slice %arg2[%dma_start3A_236, %dma_start3A_237] : memref<10000x128xf32, #tpu.memory_space<hbm>> -> memref<10000x128xf32, #tpu.memory_space<hbm>>
        tpu.enqueue_indirect_dma source(%dma_start3A_238 : memref<10000x128xf32, #tpu.memory_space<hbm>>) target(%arg20 : memref<96x128xf32, #tpu.memory_space<vmem>>) offsets(%arg11 : memref<96xi32, #tpu.memory_space<vmem>>) semaphore(%arg29 : memref<!tpu.dma_semaphore, #tpu.memory_space<semaphore_mem>>)
      } else {
      }
      %dma_wait3A_172 = arith.constant 0 : i32
      %dma_wait3A_173 = arith.constant 0 : i32
      %dma_wait3A_174 = tpu.memref_slice %arg2[%dma_wait3A_172, %dma_wait3A_173] : memref<10000x128xf32, #tpu.memory_space<hbm>> -> memref<10000x128xf32, #tpu.memory_space<hbm>>
      tpu.wait_indirect_dma semaphore(%arg27 : memref<!tpu.dma_semaphore, #tpu.memory_space<semaphore_mem>>) src(%dma_wait3A_174 : memref<10000x128xf32, #tpu.memory_space<hbm>>) dst(%arg18 : memref<96x128xf32, #tpu.memory_space<vmem>>)
      %dma_start3A_175 = arith.constant 0 : i32
      %dma_start3A_176 = arith.constant 0 : i32
      %dma_start3A_177 = tpu.memref_slice %arg33[%dma_start3A_175, %dma_start3A_176] : memref<10240x128xf32, #tpu.memory_space<vmem_shared>> -> memref<10240x128xf32, #tpu.memory_space<vmem_shared>>
      tpu.enqueue_indirect_dma source(%arg18 : memref<96x128xf32, #tpu.memory_space<vmem>>) target(%dma_start3A_177 : memref<10240x128xf32, #tpu.memory_space<vmem_shared>>) offsets(%arg15 : memref<96xi32, #tpu.memory_space<vmem>>) semaphore(%arg30 : memref<!tpu.dma_semaphore, #tpu.memory_space<semaphore_mem>>) {add = true}
      %mul3A_178 = arith.constant 6 : i32
      %mul3A_179 = arith.muli %while3A_92, %mul3A_178 : i32
      %add3A_180 = arith.constant 4 : i32
      %add3A_181 = arith.addi %mul3A_179, %add3A_180 : i32
      %add3A_182 = arith.constant 4 : i32
      %add3A_183 = arith.addi %add3A_181, %add3A_182 : i32
      %lt3A_184 = arith.cmpi slt, %add3A_183, %mul3A_9 : i32
      %convert_element_type3A_185 = arith.extui %lt3A_184 : i1 to i32
      %cond3A_186 = arith.constant 0 : i32
      %cond3A_187 = arith.cmpi ne, %convert_element_type3A_185, %cond3A_186 : i32
      scf.if %cond3A_187 {
        %add3A_222 = arith.constant 4 : i32
        %add3A_223 = arith.addi %add3A_181, %add3A_222 : i32
        %mul3A_224 = arith.constant 96 : i32
        %mul3A_225 = arith.muli %mul3A_224, %add3A_223 : i32
        %add3A_226 = arith.addi %mul3A_13, %mul3A_225 : i32
        %dma_start3A_227 = tpu.memref_slice %arg3[%add3A_226] : memref<884736xi32, #tpu.memory_space<hbm>> -> memref<96xi32, #tpu.memory_space<hbm>>
        %dma_start3A_228 = tpu.memref_slice %arg3[%add3A_226] : memref<884736xi32, #tpu.memory_space<hbm>> -> memref<96xi32, #tpu.memory_space<hbm>>
        tpu.enqueue_dma source(%dma_start3A_228 : memref<96xi32, #tpu.memory_space<hbm>>) target(%arg8 : memref<96xi32, #tpu.memory_space<vmem>>) target_semaphore(%arg23 : memref<!tpu.dma_semaphore, #tpu.memory_space<semaphore_mem>>)
        %add3A_229 = arith.addi %mul3A_13, %select_n3A : i32
        %mul3A_230 = arith.constant 96 : i32
        %mul3A_231 = arith.muli %mul3A_230, %add3A_223 : i32
        %add3A_232 = arith.addi %add3A_229, %mul3A_231 : i32
        %dma_start3A_233 = tpu.memref_slice %arg3[%add3A_232] : memref<884736xi32, #tpu.memory_space<hbm>> -> memref<96xi32, #tpu.memory_space<hbm>>
        %dma_start3A_234 = tpu.memref_slice %arg3[%add3A_232] : memref<884736xi32, #tpu.memory_space<hbm>> -> memref<96xi32, #tpu.memory_space<hbm>>
        tpu.enqueue_dma source(%dma_start3A_234 : memref<96xi32, #tpu.memory_space<hbm>>) target(%arg14 : memref<96xi32, #tpu.memory_space<vmem>>) target_semaphore(%arg23 : memref<!tpu.dma_semaphore, #tpu.memory_space<semaphore_mem>>)
      } else {
      }
      %add3A_188 = arith.constant 2 : i32
      %add3A_189 = arith.addi %add3A_181, %add3A_188 : i32
      %lt3A_190 = arith.cmpi slt, %add3A_189, %mul3A_9 : i32
      %convert_element_type3A_191 = arith.extui %lt3A_190 : i1 to i32
      %cond3A_192 = arith.constant 0 : i32
      %cond3A_193 = arith.cmpi ne, %convert_element_type3A_191, %cond3A_192 : i32
      scf.if %cond3A_193 {
        %add3A_222 = arith.constant 2 : i32
        %add3A_223 = arith.addi %add3A_181, %add3A_222 : i32
        %ge3A = arith.constant 3 : i32
        %ge3A_224 = arith.cmpi sge, %add3A_223, %ge3A : i32
        %convert_element_type3A_225 = arith.extui %ge3A_224 : i1 to i32
        %cond3A_226 = arith.constant 0 : i32
        %cond3A_227 = arith.cmpi ne, %convert_element_type3A_225, %cond3A_226 : i32
        scf.if %cond3A_227 {
          %dma_wait3A_239 = arith.constant 0 : i32
          %dma_wait3A_240 = arith.constant 0 : i32
          %dma_wait3A_241 = tpu.memref_slice %arg33[%dma_wait3A_239, %dma_wait3A_240] : memref<10240x128xf32, #tpu.memory_space<vmem_shared>> -> memref<10240x128xf32, #tpu.memory_space<vmem_shared>>
          tpu.wait_indirect_dma semaphore(%arg30 : memref<!tpu.dma_semaphore, #tpu.memory_space<semaphore_mem>>) src(%arg18 : memref<96x128xf32, #tpu.memory_space<vmem>>) dst(%dma_wait3A_241 : memref<10240x128xf32, #tpu.memory_space<vmem_shared>>)
        } else {
        }
        %dma_wait3A_228 = arith.constant 0 : i32
        %dma_wait3A_229 = tpu.memref_slice %arg3[%dma_wait3A_228] : memref<884736xi32, #tpu.memory_space<hbm>> -> memref<96xi32, #tpu.memory_space<hbm>>
        %dma_wait3A_230 = arith.constant 0 : i32
        %dma_wait3A_231 = tpu.memref_slice %arg3[%dma_wait3A_230] : memref<884736xi32, #tpu.memory_space<hbm>> -> memref<96xi32, #tpu.memory_space<hbm>>
        tpu.wait_dma2 semaphore(%arg21 : memref<!tpu.dma_semaphore, #tpu.memory_space<semaphore_mem>>) src(%dma_wait3A_231 : memref<96xi32, #tpu.memory_space<hbm>>) dst(%arg6 : memref<96xi32, #tpu.memory_space<vmem>>)
        %dma_wait3A_232 = arith.constant 0 : i32
        %dma_wait3A_233 = tpu.memref_slice %arg3[%dma_wait3A_232] : memref<884736xi32, #tpu.memory_space<hbm>> -> memref<96xi32, #tpu.memory_space<hbm>>
        %dma_wait3A_234 = arith.constant 0 : i32
        %dma_wait3A_235 = tpu.memref_slice %arg3[%dma_wait3A_234] : memref<884736xi32, #tpu.memory_space<hbm>> -> memref<96xi32, #tpu.memory_space<hbm>>
        tpu.wait_dma2 semaphore(%arg21 : memref<!tpu.dma_semaphore, #tpu.memory_space<semaphore_mem>>) src(%dma_wait3A_235 : memref<96xi32, #tpu.memory_space<hbm>>) dst(%arg12 : memref<96xi32, #tpu.memory_space<vmem>>)
        %dma_start3A_236 = arith.constant 0 : i32
        %dma_start3A_237 = arith.constant 0 : i32
        %dma_start3A_238 = tpu.memref_slice %arg2[%dma_start3A_236, %dma_start3A_237] : memref<10000x128xf32, #tpu.memory_space<hbm>> -> memref<10000x128xf32, #tpu.memory_space<hbm>>
        tpu.enqueue_indirect_dma source(%dma_start3A_238 : memref<10000x128xf32, #tpu.memory_space<hbm>>) target(%arg18 : memref<96x128xf32, #tpu.memory_space<vmem>>) offsets(%arg6 : memref<96xi32, #tpu.memory_space<vmem>>) semaphore(%arg27 : memref<!tpu.dma_semaphore, #tpu.memory_space<semaphore_mem>>)
      } else {
      }
      %dma_wait3A_194 = arith.constant 0 : i32
      %dma_wait3A_195 = arith.constant 0 : i32
      %dma_wait3A_196 = tpu.memref_slice %arg2[%dma_wait3A_194, %dma_wait3A_195] : memref<10000x128xf32, #tpu.memory_space<hbm>> -> memref<10000x128xf32, #tpu.memory_space<hbm>>
      tpu.wait_indirect_dma semaphore(%arg28 : memref<!tpu.dma_semaphore, #tpu.memory_space<semaphore_mem>>) src(%dma_wait3A_196 : memref<10000x128xf32, #tpu.memory_space<hbm>>) dst(%arg19 : memref<96x128xf32, #tpu.memory_space<vmem>>)
      %dma_start3A_197 = arith.constant 0 : i32
      %dma_start3A_198 = arith.constant 0 : i32
      %dma_start3A_199 = tpu.memref_slice %arg33[%dma_start3A_197, %dma_start3A_198] : memref<10240x128xf32, #tpu.memory_space<vmem_shared>> -> memref<10240x128xf32, #tpu.memory_space<vmem_shared>>
      tpu.enqueue_indirect_dma source(%arg19 : memref<96x128xf32, #tpu.memory_space<vmem>>) target(%dma_start3A_199 : memref<10240x128xf32, #tpu.memory_space<vmem_shared>>) offsets(%arg16 : memref<96xi32, #tpu.memory_space<vmem>>) semaphore(%arg31 : memref<!tpu.dma_semaphore, #tpu.memory_space<semaphore_mem>>) {add = true}
      %mul3A_200 = arith.constant 6 : i32
      %mul3A_201 = arith.muli %while3A_92, %mul3A_200 : i32
      %add3A_202 = arith.constant 5 : i32
      %add3A_203 = arith.addi %mul3A_201, %add3A_202 : i32
      %add3A_204 = arith.constant 4 : i32
      %add3A_205 = arith.addi %add3A_203, %add3A_204 : i32
      %lt3A_206 = arith.cmpi slt, %add3A_205, %mul3A_9 : i32
      %convert_element_type3A_207 = arith.extui %lt3A_206 : i1 to i32
      %cond3A_208 = arith.constant 0 : i32
      %cond3A_209 = arith.cmpi ne, %convert_element_type3A_207, %cond3A_208 : i32
      scf.if %cond3A_209 {
        %add3A_222 = arith.constant 4 : i32
        %add3A_223 = arith.addi %add3A_203, %add3A_222 : i32
        %mul3A_224 = arith.constant 96 : i32
        %mul3A_225 = arith.muli %mul3A_224, %add3A_223 : i32
        %add3A_226 = arith.addi %mul3A_13, %mul3A_225 : i32
        %dma_start3A_227 = tpu.memref_slice %arg3[%add3A_226] : memref<884736xi32, #tpu.memory_space<hbm>> -> memref<96xi32, #tpu.memory_space<hbm>>
        %dma_start3A_228 = tpu.memref_slice %arg3[%add3A_226] : memref<884736xi32, #tpu.memory_space<hbm>> -> memref<96xi32, #tpu.memory_space<hbm>>
        tpu.enqueue_dma source(%dma_start3A_228 : memref<96xi32, #tpu.memory_space<hbm>>) target(%arg9 : memref<96xi32, #tpu.memory_space<vmem>>) target_semaphore(%arg24 : memref<!tpu.dma_semaphore, #tpu.memory_space<semaphore_mem>>)
        %add3A_229 = arith.addi %mul3A_13, %select_n3A : i32
        %mul3A_230 = arith.constant 96 : i32
        %mul3A_231 = arith.muli %mul3A_230, %add3A_223 : i32
        %add3A_232 = arith.addi %add3A_229, %mul3A_231 : i32
        %dma_start3A_233 = tpu.memref_slice %arg3[%add3A_232] : memref<884736xi32, #tpu.memory_space<hbm>> -> memref<96xi32, #tpu.memory_space<hbm>>
        %dma_start3A_234 = tpu.memref_slice %arg3[%add3A_232] : memref<884736xi32, #tpu.memory_space<hbm>> -> memref<96xi32, #tpu.memory_space<hbm>>
        tpu.enqueue_dma source(%dma_start3A_234 : memref<96xi32, #tpu.memory_space<hbm>>) target(%arg15 : memref<96xi32, #tpu.memory_space<vmem>>) target_semaphore(%arg24 : memref<!tpu.dma_semaphore, #tpu.memory_space<semaphore_mem>>)
      } else {
      }
      %add3A_210 = arith.constant 2 : i32
      %add3A_211 = arith.addi %add3A_203, %add3A_210 : i32
      %lt3A_212 = arith.cmpi slt, %add3A_211, %mul3A_9 : i32
      %convert_element_type3A_213 = arith.extui %lt3A_212 : i1 to i32
      %cond3A_214 = arith.constant 0 : i32
      %cond3A_215 = arith.cmpi ne, %convert_element_type3A_213, %cond3A_214 : i32
      scf.if %cond3A_215 {
        %add3A_222 = arith.constant 2 : i32
        %add3A_223 = arith.addi %add3A_203, %add3A_222 : i32
        %ge3A = arith.constant 3 : i32
        %ge3A_224 = arith.cmpi sge, %add3A_223, %ge3A : i32
        %convert_element_type3A_225 = arith.extui %ge3A_224 : i1 to i32
        %cond3A_226 = arith.constant 0 : i32
        %cond3A_227 = arith.cmpi ne, %convert_element_type3A_225, %cond3A_226 : i32
        scf.if %cond3A_227 {
          %dma_wait3A_239 = arith.constant 0 : i32
          %dma_wait3A_240 = arith.constant 0 : i32
          %dma_wait3A_241 = tpu.memref_slice %arg33[%dma_wait3A_239, %dma_wait3A_240] : memref<10240x128xf32, #tpu.memory_space<vmem_shared>> -> memref<10240x128xf32, #tpu.memory_space<vmem_shared>>
          tpu.wait_indirect_dma semaphore(%arg31 : memref<!tpu.dma_semaphore, #tpu.memory_space<semaphore_mem>>) src(%arg19 : memref<96x128xf32, #tpu.memory_space<vmem>>) dst(%dma_wait3A_241 : memref<10240x128xf32, #tpu.memory_space<vmem_shared>>)
        } else {
        }
        %dma_wait3A_228 = arith.constant 0 : i32
        %dma_wait3A_229 = tpu.memref_slice %arg3[%dma_wait3A_228] : memref<884736xi32, #tpu.memory_space<hbm>> -> memref<96xi32, #tpu.memory_space<hbm>>
        %dma_wait3A_230 = arith.constant 0 : i32
        %dma_wait3A_231 = tpu.memref_slice %arg3[%dma_wait3A_230] : memref<884736xi32, #tpu.memory_space<hbm>> -> memref<96xi32, #tpu.memory_space<hbm>>
        tpu.wait_dma2 semaphore(%arg22 : memref<!tpu.dma_semaphore, #tpu.memory_space<semaphore_mem>>) src(%dma_wait3A_231 : memref<96xi32, #tpu.memory_space<hbm>>) dst(%arg7 : memref<96xi32, #tpu.memory_space<vmem>>)
        %dma_wait3A_232 = arith.constant 0 : i32
        %dma_wait3A_233 = tpu.memref_slice %arg3[%dma_wait3A_232] : memref<884736xi32, #tpu.memory_space<hbm>> -> memref<96xi32, #tpu.memory_space<hbm>>
        %dma_wait3A_234 = arith.constant 0 : i32
        %dma_wait3A_235 = tpu.memref_slice %arg3[%dma_wait3A_234] : memref<884736xi32, #tpu.memory_space<hbm>> -> memref<96xi32, #tpu.memory_space<hbm>>
        tpu.wait_dma2 semaphore(%arg22 : memref<!tpu.dma_semaphore, #tpu.memory_space<semaphore_mem>>) src(%dma_wait3A_235 : memref<96xi32, #tpu.memory_space<hbm>>) dst(%arg13 : memref<96xi32, #tpu.memory_space<vmem>>)
        %dma_start3A_236 = arith.constant 0 : i32
        %dma_start3A_237 = arith.constant 0 : i32
        %dma_start3A_238 = tpu.memref_slice %arg2[%dma_start3A_236, %dma_start3A_237] : memref<10000x128xf32, #tpu.memory_space<hbm>> -> memref<10000x128xf32, #tpu.memory_space<hbm>>
        tpu.enqueue_indirect_dma source(%dma_start3A_238 : memref<10000x128xf32, #tpu.memory_space<hbm>>) target(%arg19 : memref<96x128xf32, #tpu.memory_space<vmem>>) offsets(%arg7 : memref<96xi32, #tpu.memory_space<vmem>>) semaphore(%arg28 : memref<!tpu.dma_semaphore, #tpu.memory_space<semaphore_mem>>)
      } else {
      }
      %dma_wait3A_216 = arith.constant 0 : i32
      %dma_wait3A_217 = arith.constant 0 : i32
      %dma_wait3A_218 = tpu.memref_slice %arg2[%dma_wait3A_216, %dma_wait3A_217] : memref<10000x128xf32, #tpu.memory_space<hbm>> -> memref<10000x128xf32, #tpu.memory_space<hbm>>
      tpu.wait_indirect_dma semaphore(%arg29 : memref<!tpu.dma_semaphore, #tpu.memory_space<semaphore_mem>>) src(%dma_wait3A_218 : memref<10000x128xf32, #tpu.memory_space<hbm>>) dst(%arg20 : memref<96x128xf32, #tpu.memory_space<vmem>>)
      %dma_start3A_219 = arith.constant 0 : i32
      %dma_start3A_220 = arith.constant 0 : i32
      %dma_start3A_221 = tpu.memref_slice %arg33[%dma_start3A_219, %dma_start3A_220] : memref<10240x128xf32, #tpu.memory_space<vmem_shared>> -> memref<10240x128xf32, #tpu.memory_space<vmem_shared>>
      tpu.enqueue_indirect_dma source(%arg20 : memref<96x128xf32, #tpu.memory_space<vmem>>) target(%dma_start3A_221 : memref<10240x128xf32, #tpu.memory_space<vmem_shared>>) offsets(%arg17 : memref<96xi32, #tpu.memory_space<vmem>>) semaphore(%arg32 : memref<!tpu.dma_semaphore, #tpu.memory_space<semaphore_mem>>) {add = true}
    }
    %dma_wait3A_78 = arith.constant 0 : i32
    %dma_wait3A_79 = arith.constant 0 : i32
    %dma_wait3A_80 = tpu.memref_slice %arg33[%dma_wait3A_78, %dma_wait3A_79] : memref<10240x128xf32, #tpu.memory_space<vmem_shared>> -> memref<10240x128xf32, #tpu.memory_space<vmem_shared>>
    tpu.wait_indirect_dma semaphore(%arg30 : memref<!tpu.dma_semaphore, #tpu.memory_space<semaphore_mem>>) src(%arg18 : memref<96x128xf32, #tpu.memory_space<vmem>>) dst(%dma_wait3A_80 : memref<10240x128xf32, #tpu.memory_space<vmem_shared>>)
    %dma_wait3A_81 = arith.constant 0 : i32
    %dma_wait3A_82 = arith.constant 0 : i32
    %dma_wait3A_83 = tpu.memref_slice %arg33[%dma_wait3A_81, %dma_wait3A_82] : memref<10240x128xf32, #tpu.memory_space<vmem_shared>> -> memref<10240x128xf32, #tpu.memory_space<vmem_shared>>
    tpu.wait_indirect_dma semaphore(%arg31 : memref<!tpu.dma_semaphore, #tpu.memory_space<semaphore_mem>>) src(%arg19 : memref<96x128xf32, #tpu.memory_space<vmem>>) dst(%dma_wait3A_83 : memref<10240x128xf32, #tpu.memory_space<vmem_shared>>)
    %dma_wait3A_84 = arith.constant 0 : i32
    %dma_wait3A_85 = arith.constant 0 : i32
    %dma_wait3A_86 = tpu.memref_slice %arg33[%dma_wait3A_84, %dma_wait3A_85] : memref<10240x128xf32, #tpu.memory_space<vmem_shared>> -> memref<10240x128xf32, #tpu.memory_space<vmem_shared>>
    tpu.wait_indirect_dma semaphore(%arg32 : memref<!tpu.dma_semaphore, #tpu.memory_space<semaphore_mem>>) src(%arg20 : memref<96x128xf32, #tpu.memory_space<vmem>>) dst(%dma_wait3A_86 : memref<10240x128xf32, #tpu.memory_space<vmem_shared>>)
    %barrier3A_87 = arith.constant 0 : index
    tpu.barrier barrier_id(%barrier3A_87)
    %mul3A_88 = arith.constant 640 : i32
    %mul3A_89 = arith.muli %arg1, %mul3A_88 : i32
    %mul3A_90 = arith.constant 640 : i32
    %mul3A_91 = arith.muli %arg1, %mul3A_90 : i32
    "tpu.region"() ({
      %run_scoped3A = tpu.sem_alloc : memref<!tpu.dma_semaphore, #tpu.memory_space<semaphore_mem>>
      %dma_start3A_92 = arith.constant 0 : i32
      %dma_start3A_93 = tpu.memref_slice %arg5[%arg0, %mul3A_91, %dma_start3A_92] : memref<2x10240x128xf32, #tpu.memory_space<hbm>> -> memref<1x640x128xf32, #tpu.memory_space<hbm>>
      %dma_start3A_94 = tpu.memref_squeeze %dma_start3A_93 : memref<1x640x128xf32, #tpu.memory_space<hbm>> -> memref<640x128xf32, #tpu.memory_space<hbm>>
      %dma_start3A_95 = arith.constant 0 : i32
      %dma_start3A_96 = tpu.memref_slice %arg33[%mul3A_89, %dma_start3A_95] : memref<10240x128xf32, #tpu.memory_space<vmem_shared>> -> memref<640x128xf32, #tpu.memory_space<vmem_shared>>
      tpu.enqueue_dma source(%dma_start3A_96 : memref<640x128xf32, #tpu.memory_space<vmem_shared>>) target(%dma_start3A_94 : memref<640x128xf32, #tpu.memory_space<hbm>>) target_semaphore(%run_scoped3A : memref<!tpu.dma_semaphore, #tpu.memory_space<semaphore_mem>>)
      %dma_wait3A_97 = arith.constant 0 : i32
      %dma_wait3A_98 = tpu.memref_slice %arg5[%arg0, %mul3A_91, %dma_wait3A_97] : memref<2x10240x128xf32, #tpu.memory_space<hbm>> -> memref<1x640x128xf32, #tpu.memory_space<hbm>>
      %dma_wait3A_99 = tpu.memref_squeeze %dma_wait3A_98 : memref<1x640x128xf32, #tpu.memory_space<hbm>> -> memref<640x128xf32, #tpu.memory_space<hbm>>
      %dma_wait3A_100 = arith.constant 0 : i32
      %dma_wait3A_101 = tpu.memref_slice %arg33[%mul3A_89, %dma_wait3A_100] : memref<10240x128xf32, #tpu.memory_space<vmem_shared>> -> memref<640x128xf32, #tpu.memory_space<vmem_shared>>
      tpu.wait_dma2 semaphore(%run_scoped3A : memref<!tpu.dma_semaphore, #tpu.memory_space<semaphore_mem>>) src(%dma_wait3A_101 : memref<640x128xf32, #tpu.memory_space<vmem_shared>>) dst(%dma_wait3A_99 : memref<640x128xf32, #tpu.memory_space<hbm>>)
      tpu.yield
    }) : () -> ()
    return
  }
}

#map = affine_map<(d0, d1) -> (0, 0)>
#map1 = affine_map<(d0, d1) -> (0)>
#map2 = affine_map<(d0, d1) -> (0, 0, 0)>
module attributes {stable_mosaic.version = 14 : i64} {
  func.func @_sc_scatter(%arg0: i32, %arg1: i32, %arg2: memref<10000x128xf32, #tpu.memory_space<hbm>>, %arg3: memref<884736xi32, #tpu.memory_space<hbm>>, %arg4: memref<640x128xf32, #tpu.memory_space<hbm>>, %arg5: memref<2x10240x128xf32, #tpu.memory_space<hbm>>, %arg6: memref<96xi32, #tpu.memory_space<vmem>>, %arg7: memref<96xi32, #tpu.memory_space<vmem>>, %arg8: memref<96xi32, #tpu.memory_space<vmem>>, %arg9: memref<96xi32, #tpu.memory_space<vmem>>, %arg10: memref<96xi32, #tpu.memory_space<vmem>>, %arg11: memref<96xi32, #tpu.memory_space<vmem>>, %arg12: memref<96xi32, #tpu.memory_space<vmem>>, %arg13: memref<96xi32, #tpu.memory_space<vmem>>, %arg14: memref<96xi32, #tpu.memory_space<vmem>>, %arg15: memref<96xi32, #tpu.memory_space<vmem>>, %arg16: memref<96xi32, #tpu.memory_space<vmem>>, %arg17: memref<96xi32, #tpu.memory_space<vmem>>, %arg18: memref<96x128xf32, #tpu.memory_space<vmem>>, %arg19: memref<96x128xf32, #tpu.memory_space<vmem>>, %arg20: memref<96x128xf32, #tpu.memory_space<vmem>>, %arg21: memref<!tpu.dma_semaphore, #tpu.memory_space<semaphore_mem>>, %arg22: memref<!tpu.dma_semaphore, #tpu.memory_space<semaphore_mem>>, %arg23: memref<!tpu.dma_semaphore, #tpu.memory_space<semaphore_mem>>, %arg24: memref<!tpu.dma_semaphore, #tpu.memory_space<semaphore_mem>>, %arg25: memref<!tpu.dma_semaphore, #tpu.memory_space<semaphore_mem>>, %arg26: memref<!tpu.dma_semaphore, #tpu.memory_space<semaphore_mem>>, %arg27: memref<!tpu.dma_semaphore, #tpu.memory_space<semaphore_mem>>, %arg28: memref<!tpu.dma_semaphore, #tpu.memory_space<semaphore_mem>>, %arg29: memref<!tpu.dma_semaphore, #tpu.memory_space<semaphore_mem>>, %arg30: memref<!tpu.dma_semaphore, #tpu.memory_space<semaphore_mem>>, %arg31: memref<!tpu.dma_semaphore, #tpu.memory_space<semaphore_mem>>, %arg32: memref<!tpu.dma_semaphore, #tpu.memory_space<semaphore_mem>>, %arg33: memref<10240x128xf32, #tpu.memory_space<vmem_shared>>) attributes {dimension_semantics = [#tpu.dimension_semantics<core_parallel>, #tpu.dimension_semantics<subcore_parallel>], iteration_bounds = array<i64: 2, 16>, scalar_prefetch = 0 : i64, scratch_operands = 28 : i64, tpu.core_type = #tpu.core_type<sc_vector_subcore>, window_params = [{transform_indices = #map}, {transform_indices = #map1}, {transform_indices = #map}, {transform_indices = #map2}]} {
    %mul3A = arith.constant 16 : i32
    %mul3A_0 = arith.muli %arg0, %mul3A : i32
    %add3A = arith.addi %mul3A_0, %arg1 : i32
    %eq3A = arith.constant 0 : i32
    %eq3A_1 = arith.cmpi eq, %arg0, %eq3A : i32
    %jit3A = arith.constant 13824 : i32
    %jit3A_2 = arith.constant 6912 : i32
    %select_n3A = arith.select %eq3A_1, %jit3A, %jit3A_2 : i32
    %eq3A_3 = arith.constant 0 : i32
    %eq3A_4 = arith.cmpi eq, %arg0, %eq3A_3 : i32
    %jit3A_5 = arith.constant 24 : i32
    %jit3A_6 = arith.constant 12 : i32
    %select_n3A_7 = arith.select %eq3A_4, %jit3A_5, %jit3A_6 : i32
    %mul3A_8 = arith.constant 6 : i32
    %mul3A_9 = arith.muli %select_n3A_7, %mul3A_8 : i32
    %mul3A_10 = arith.constant 640 : i32
    %mul3A_11 = arith.muli %arg1, %mul3A_10 : i32
    "tpu.region"() ({
      %run_scoped3A = tpu.sem_alloc : memref<!tpu.dma_semaphore, #tpu.memory_space<semaphore_mem>>
      %dma_start3A_92 = arith.constant 0 : i32
      %dma_start3A_93 = tpu.memref_slice %arg33[%mul3A_11, %dma_start3A_92] : memref<10240x128xf32, #tpu.memory_space<vmem_shared>> -> memref<640x128xf32, #tpu.memory_space<vmem_shared>>
      tpu.enqueue_dma source(%arg4 : memref<640x128xf32, #tpu.memory_space<hbm>>) target(%dma_start3A_93 : memref<640x128xf32, #tpu.memory_space<vmem_shared>>) target_semaphore(%run_scoped3A : memref<!tpu.dma_semaphore, #tpu.memory_space<semaphore_mem>>)
      %dma_wait3A_94 = arith.constant 0 : i32
      %dma_wait3A_95 = tpu.memref_slice %arg33[%mul3A_11, %dma_wait3A_94] : memref<10240x128xf32, #tpu.memory_space<vmem_shared>> -> memref<640x128xf32, #tpu.memory_space<vmem_shared>>
      tpu.wait_dma2 semaphore(%run_scoped3A : memref<!tpu.dma_semaphore, #tpu.memory_space<semaphore_mem>>) src(%arg4 : memref<640x128xf32, #tpu.memory_space<hbm>>) dst(%dma_wait3A_95 : memref<640x128xf32, #tpu.memory_space<vmem_shared>>)
      tpu.yield
    }) : () -> ()
    %barrier3A = arith.constant 0 : index
    tpu.barrier barrier_id(%barrier3A)
    %mul3A_12 = arith.constant 27648 : i32
    %mul3A_13 = arith.muli %add3A, %mul3A_12 : i32
    %add3A_14 = arith.constant 0 : i32
    %add3A_15 = arith.addi %mul3A_13, %add3A_14 : i32
    %dma_start3A = tpu.memref_slice %arg3[%add3A_15] : memref<884736xi32, #tpu.memory_space<hbm>> -> memref<96xi32, #tpu.memory_space<hbm>>
    %dma_start3A_16 = tpu.memref_slice %arg3[%add3A_15] : memref<884736xi32, #tpu.memory_space<hbm>> -> memref<96xi32, #tpu.memory_space<hbm>>
    tpu.enqueue_dma source(%dma_start3A_16 : memref<96xi32, #tpu.memory_space<hbm>>) target(%arg6 : memref<96xi32, #tpu.memory_space<vmem>>) target_semaphore(%arg21 : memref<!tpu.dma_semaphore, #tpu.memory_space<semaphore_mem>>)
    %add3A_17 = arith.addi %mul3A_13, %select_n3A : i32
    %add3A_18 = arith.constant 0 : i32
    %add3A_19 = arith.addi %add3A_17, %add3A_18 : i32
    %dma_start3A_20 = tpu.memref_slice %arg3[%add3A_19] : memref<884736xi32, #tpu.memory_space<hbm>> -> memref<96xi32, #tpu.memory_space<hbm>>
    %dma_start3A_21 = tpu.memref_slice %arg3[%add3A_19] : memref<884736xi32, #tpu.memory_space<hbm>> -> memref<96xi32, #tpu.memory_space<hbm>>
    tpu.enqueue_dma source(%dma_start3A_21 : memref<96xi32, #tpu.memory_space<hbm>>) target(%arg12 : memref<96xi32, #tpu.memory_space<vmem>>) target_semaphore(%arg21 : memref<!tpu.dma_semaphore, #tpu.memory_space<semaphore_mem>>)
    %add3A_22 = arith.constant 96 : i32
    %add3A_23 = arith.addi %mul3A_13, %add3A_22 : i32
    %dma_start3A_24 = tpu.memref_slice %arg3[%add3A_23] : memref<884736xi32, #tpu.memory_space<hbm>> -> memref<96xi32, #tpu.memory_space<hbm>>
    %dma_start3A_25 = tpu.memref_slice %arg3[%add3A_23] : memref<884736xi32, #tpu.memory_space<hbm>> -> memref<96xi32, #tpu.memory_space<hbm>>
    tpu.enqueue_dma source(%dma_start3A_25 : memref<96xi32, #tpu.memory_space<hbm>>) target(%arg7 : memref<96xi32, #tpu.memory_space<vmem>>) target_semaphore(%arg22 : memref<!tpu.dma_semaphore, #tpu.memory_space<semaphore_mem>>)
    %add3A_26 = arith.addi %mul3A_13, %select_n3A : i32
    %add3A_27 = arith.constant 96 : i32
    %add3A_28 = arith.addi %add3A_26, %add3A_27 : i32
    %dma_start3A_29 = tpu.memref_slice %arg3[%add3A_28] : memref<884736xi32, #tpu.memory_space<hbm>> -> memref<96xi32, #tpu.memory_space<hbm>>
    %dma_start3A_30 = tpu.memref_slice %arg3[%add3A_28] : memref<884736xi32, #tpu.memory_space<hbm>> -> memref<96xi32, #tpu.memory_space<hbm>>
    tpu.enqueue_dma source(%dma_start3A_30 : memref<96xi32, #tpu.memory_space<hbm>>) target(%arg13 : memref<96xi32, #tpu.memory_space<vmem>>) target_semaphore(%arg22 : memref<!tpu.dma_semaphore, #tpu.memory_space<semaphore_mem>>)
    %add3A_31 = arith.constant 192 : i32
    %add3A_32 = arith.addi %mul3A_13, %add3A_31 : i32
    %dma_start3A_33 = tpu.memref_slice %arg3[%add3A_32] : memref<884736xi32, #tpu.memory_space<hbm>> -> memref<96xi32, #tpu.memory_space<hbm>>
    %dma_start3A_34 = tpu.memref_slice %arg3[%add3A_32] : memref<884736xi32, #tpu.memory_space<hbm>> -> memref<96xi32, #tpu.memory_space<hbm>>
    tpu.enqueue_dma source(%dma_start3A_34 : memref<96xi32, #tpu.memory_space<hbm>>) target(%arg8 : memref<96xi32, #tpu.memory_space<vmem>>) target_semaphore(%arg23 : memref<!tpu.dma_semaphore, #tpu.memory_space<semaphore_mem>>)
    %add3A_35 = arith.addi %mul3A_13, %select_n3A : i32
    %add3A_36 = arith.constant 192 : i32
    %add3A_37 = arith.addi %add3A_35, %add3A_36 : i32
    %dma_start3A_38 = tpu.memref_slice %arg3[%add3A_37] : memref<884736xi32, #tpu.memory_space<hbm>> -> memref<96xi32, #tpu.memory_space<hbm>>
    %dma_start3A_39 = tpu.memref_slice %arg3[%add3A_37] : memref<884736xi32, #tpu.memory_space<hbm>> -> memref<96xi32, #tpu.memory_space<hbm>>
    tpu.enqueue_dma source(%dma_start3A_39 : memref<96xi32, #tpu.memory_space<hbm>>) target(%arg14 : memref<96xi32, #tpu.memory_space<vmem>>) target_semaphore(%arg23 : memref<!tpu.dma_semaphore, #tpu.memory_space<semaphore_mem>>)
    %add3A_40 = arith.constant 288 : i32
    %add3A_41 = arith.addi %mul3A_13, %add3A_40 : i32
    %dma_start3A_42 = tpu.memref_slice %arg3[%add3A_41] : memref<884736xi32, #tpu.memory_space<hbm>> -> memref<96xi32, #tpu.memory_space<hbm>>
    %dma_start3A_43 = tpu.memref_slice %arg3[%add3A_41] : memref<884736xi32, #tpu.memory_space<hbm>> -> memref<96xi32, #tpu.memory_space<hbm>>
    tpu.enqueue_dma source(%dma_start3A_43 : memref<96xi32, #tpu.memory_space<hbm>>) target(%arg9 : memref<96xi32, #tpu.memory_space<vmem>>) target_semaphore(%arg24 : memref<!tpu.dma_semaphore, #tpu.memory_space<semaphore_mem>>)
    %add3A_44 = arith.addi %mul3A_13, %select_n3A : i32
    %add3A_45 = arith.constant 288 : i32
    %add3A_46 = arith.addi %add3A_44, %add3A_45 : i32
    %dma_start3A_47 = tpu.memref_slice %arg3[%add3A_46] : memref<884736xi32, #tpu.memory_space<hbm>> -> memref<96xi32, #tpu.memory_space<hbm>>
    %dma_start3A_48 = tpu.memref_slice %arg3[%add3A_46] : memref<884736xi32, #tpu.memory_space<hbm>> -> memref<96xi32, #tpu.memory_space<hbm>>
    tpu.enqueue_dma source(%dma_start3A_48 : memref<96xi32, #tpu.memory_space<hbm>>) target(%arg15 : memref<96xi32, #tpu.memory_space<vmem>>) target_semaphore(%arg24 : memref<!tpu.dma_semaphore, #tpu.memory_space<semaphore_mem>>)
    %dma_wait3A = arith.constant 0 : i32
    %dma_wait3A_49 = tpu.memref_slice %arg3[%dma_wait3A] : memref<884736xi32, #tpu.memory_space<hbm>> -> memref<96xi32, #tpu.memory_space<hbm>>
    %dma_wait3A_50 = arith.constant 0 : i32
    %dma_wait3A_51 = tpu.memref_slice %arg3[%dma_wait3A_50] : memref<884736xi32, #tpu.memory_space<hbm>> -> memref<96xi32, #tpu.memory_space<hbm>>
    tpu.wait_dma2 semaphore(%arg21 : memref<!tpu.dma_semaphore, #tpu.memory_space<semaphore_mem>>) src(%dma_wait3A_51 : memref<96xi32, #tpu.memory_space<hbm>>) dst(%arg6 : memref<96xi32, #tpu.memory_space<vmem>>)
    %dma_wait3A_52 = arith.constant 0 : i32
    %dma_wait3A_53 = tpu.memref_slice %arg3[%dma_wait3A_52] : memref<884736xi32, #tpu.memory_space<hbm>> -> memref<96xi32, #tpu.memory_space<hbm>>
    %dma_wait3A_54 = arith.constant 0 : i32
    %dma_wait3A_55 = tpu.memref_slice %arg3[%dma_wait3A_54] : memref<884736xi32, #tpu.memory_space<hbm>> -> memref<96xi32, #tpu.memory_space<hbm>>
    tpu.wait_dma2 semaphore(%arg21 : memref<!tpu.dma_semaphore, #tpu.memory_space<semaphore_mem>>) src(%dma_wait3A_55 : memref<96xi32, #tpu.memory_space<hbm>>) dst(%arg12 : memref<96xi32, #tpu.memory_space<vmem>>)
    %dma_start3A_56 = arith.constant 0 : i32
    %dma_start3A_57 = arith.constant 0 : i32
    %dma_start3A_58 = tpu.memref_slice %arg2[%dma_start3A_56, %dma_start3A_57] : memref<10000x128xf32, #tpu.memory_space<hbm>> -> memref<10000x128xf32, #tpu.memory_space<hbm>>
    tpu.enqueue_indirect_dma source(%dma_start3A_58 : memref<10000x128xf32, #tpu.memory_space<hbm>>) target(%arg18 : memref<96x128xf32, #tpu.memory_space<vmem>>) offsets(%arg6 : memref<96xi32, #tpu.memory_space<vmem>>) semaphore(%arg27 : memref<!tpu.dma_semaphore, #tpu.memory_space<semaphore_mem>>)
    %dma_wait3A_59 = arith.constant 0 : i32
    %dma_wait3A_60 = tpu.memref_slice %arg3[%dma_wait3A_59] : memref<884736xi32, #tpu.memory_space<hbm>> -> memref<96xi32, #tpu.memory_space<hbm>>
    %dma_wait3A_61 = arith.constant 0 : i32
    %dma_wait3A_62 = tpu.memref_slice %arg3[%dma_wait3A_61] : memref<884736xi32, #tpu.memory_space<hbm>> -> memref<96xi32, #tpu.memory_space<hbm>>
    tpu.wait_dma2 semaphore(%arg22 : memref<!tpu.dma_semaphore, #tpu.memory_space<semaphore_mem>>) src(%dma_wait3A_62 : memref<96xi32, #tpu.memory_space<hbm>>) dst(%arg7 : memref<96xi32, #tpu.memory_space<vmem>>)
    %dma_wait3A_63 = arith.constant 0 : i32
    %dma_wait3A_64 = tpu.memref_slice %arg3[%dma_wait3A_63] : memref<884736xi32, #tpu.memory_space<hbm>> -> memref<96xi32, #tpu.memory_space<hbm>>
    %dma_wait3A_65 = arith.constant 0 : i32
    %dma_wait3A_66 = tpu.memref_slice %arg3[%dma_wait3A_65] : memref<884736xi32, #tpu.memory_space<hbm>> -> memref<96xi32, #tpu.memory_space<hbm>>
    tpu.wait_dma2 semaphore(%arg22 : memref<!tpu.dma_semaphore, #tpu.memory_space<semaphore_mem>>) src(%dma_wait3A_66 : memref<96xi32, #tpu.memory_space<hbm>>) dst(%arg13 : memref<96xi32, #tpu.memory_space<vmem>>)
    %dma_start3A_67 = arith.constant 0 : i32
    %dma_start3A_68 = arith.constant 0 : i32
    %dma_start3A_69 = tpu.memref_slice %arg2[%dma_start3A_67, %dma_start3A_68] : memref<10000x128xf32, #tpu.memory_space<hbm>> -> memref<10000x128xf32, #tpu.memory_space<hbm>>
    tpu.enqueue_indirect_dma source(%dma_start3A_69 : memref<10000x128xf32, #tpu.memory_space<hbm>>) target(%arg19 : memref<96x128xf32, #tpu.memory_space<vmem>>) offsets(%arg7 : memref<96xi32, #tpu.memory_space<vmem>>) semaphore(%arg28 : memref<!tpu.dma_semaphore, #tpu.memory_space<semaphore_mem>>)
    %while3A = arith.constant 0 : i32
    %while3A_70 = arith.subi %select_n3A_7, %while3A : i32
    %while3A_71 = arith.addi %while3A, %while3A_70 : i32
    %while3A_72 = arith.constant 1 : i32
    %while3A_73 = arith.divsi %while3A_70, %while3A_72 : i32
    %while3A_74 = arith.muli %while3A_73, %while3A_72 : i32
    %while3A_75 = arith.addi %while3A, %while3A_74 : i32
    %while3A_76 = arith.constant 1 : i32
    scf.for %while3A_92 = %while3A to %while3A_75 step %while3A_76  : i32 {
      %mul3A_93 = arith.constant 6 : i32
      %mul3A_94 = arith.muli %while3A_92, %mul3A_93 : i32
      %add3A_95 = arith.constant 0 : i32
      %add3A_96 = arith.addi %mul3A_94, %add3A_95 : i32
      %add3A_97 = arith.constant 4 : i32
      %add3A_98 = arith.addi %add3A_96, %add3A_97 : i32
      %lt3A = arith.cmpi slt, %add3A_98, %mul3A_9 : i32
      %convert_element_type3A = arith.extui %lt3A : i1 to i32
      %cond3A = arith.constant 0 : i32
      %cond3A_99 = arith.cmpi ne, %convert_element_type3A, %cond3A : i32
      scf.if %cond3A_99 {
        %add3A_222 = arith.constant 4 : i32
        %add3A_223 = arith.addi %add3A_96, %add3A_222 : i32
        %mul3A_224 = arith.constant 96 : i32
        %mul3A_225 = arith.muli %mul3A_224, %add3A_223 : i32
        %add3A_226 = arith.addi %mul3A_13, %mul3A_225 : i32
        %dma_start3A_227 = tpu.memref_slice %arg3[%add3A_226] : memref<884736xi32, #tpu.memory_space<hbm>> -> memref<96xi32, #tpu.memory_space<hbm>>
        %dma_start3A_228 = tpu.memref_slice %arg3[%add3A_226] : memref<884736xi32, #tpu.memory_space<hbm>> -> memref<96xi32, #tpu.memory_space<hbm>>
        tpu.enqueue_dma source(%dma_start3A_228 : memref<96xi32, #tpu.memory_space<hbm>>) target(%arg10 : memref<96xi32, #tpu.memory_space<vmem>>) target_semaphore(%arg25 : memref<!tpu.dma_semaphore, #tpu.memory_space<semaphore_mem>>)
        %add3A_229 = arith.addi %mul3A_13, %select_n3A : i32
        %mul3A_230 = arith.constant 96 : i32
        %mul3A_231 = arith.muli %mul3A_230, %add3A_223 : i32
        %add3A_232 = arith.addi %add3A_229, %mul3A_231 : i32
        %dma_start3A_233 = tpu.memref_slice %arg3[%add3A_232] : memref<884736xi32, #tpu.memory_space<hbm>> -> memref<96xi32, #tpu.memory_space<hbm>>
        %dma_start3A_234 = tpu.memref_slice %arg3[%add3A_232] : memref<884736xi32, #tpu.memory_space<hbm>> -> memref<96xi32, #tpu.memory_space<hbm>>
        tpu.enqueue_dma source(%dma_start3A_234 : memref<96xi32, #tpu.memory_space<hbm>>) target(%arg16 : memref<96xi32, #tpu.memory_space<vmem>>) target_semaphore(%arg25 : memref<!tpu.dma_semaphore, #tpu.memory_space<semaphore_mem>>)
      } else {
      }
      %add3A_100 = arith.constant 2 : i32
      %add3A_101 = arith.addi %add3A_96, %add3A_100 : i32
      %lt3A_102 = arith.cmpi slt, %add3A_101, %mul3A_9 : i32
      %convert_element_type3A_103 = arith.extui %lt3A_102 : i1 to i32
      %cond3A_104 = arith.constant 0 : i32
      %cond3A_105 = arith.cmpi ne, %convert_element_type3A_103, %cond3A_104 : i32
      scf.if %cond3A_105 {
        %add3A_222 = arith.constant 2 : i32
        %add3A_223 = arith.addi %add3A_96, %add3A_222 : i32
        %ge3A = arith.constant 3 : i32
        %ge3A_224 = arith.cmpi sge, %add3A_223, %ge3A : i32
        %convert_element_type3A_225 = arith.extui %ge3A_224 : i1 to i32
        %cond3A_226 = arith.constant 0 : i32
        %cond3A_227 = arith.cmpi ne, %convert_element_type3A_225, %cond3A_226 : i32
        scf.if %cond3A_227 {
          %dma_wait3A_239 = arith.constant 0 : i32
          %dma_wait3A_240 = arith.constant 0 : i32
          %dma_wait3A_241 = tpu.memref_slice %arg33[%dma_wait3A_239, %dma_wait3A_240] : memref<10240x128xf32, #tpu.memory_space<vmem_shared>> -> memref<10240x128xf32, #tpu.memory_space<vmem_shared>>
          tpu.wait_indirect_dma semaphore(%arg32 : memref<!tpu.dma_semaphore, #tpu.memory_space<semaphore_mem>>) src(%arg20 : memref<96x128xf32, #tpu.memory_space<vmem>>) dst(%dma_wait3A_241 : memref<10240x128xf32, #tpu.memory_space<vmem_shared>>)
        } else {
        }
        %dma_wait3A_228 = arith.constant 0 : i32
        %dma_wait3A_229 = tpu.memref_slice %arg3[%dma_wait3A_228] : memref<884736xi32, #tpu.memory_space<hbm>> -> memref<96xi32, #tpu.memory_space<hbm>>
        %dma_wait3A_230 = arith.constant 0 : i32
        %dma_wait3A_231 = tpu.memref_slice %arg3[%dma_wait3A_230] : memref<884736xi32, #tpu.memory_space<hbm>> -> memref<96xi32, #tpu.memory_space<hbm>>
        tpu.wait_dma2 semaphore(%arg23 : memref<!tpu.dma_semaphore, #tpu.memory_space<semaphore_mem>>) src(%dma_wait3A_231 : memref<96xi32, #tpu.memory_space<hbm>>) dst(%arg8 : memref<96xi32, #tpu.memory_space<vmem>>)
        %dma_wait3A_232 = arith.constant 0 : i32
        %dma_wait3A_233 = tpu.memref_slice %arg3[%dma_wait3A_232] : memref<884736xi32, #tpu.memory_space<hbm>> -> memref<96xi32, #tpu.memory_space<hbm>>
        %dma_wait3A_234 = arith.constant 0 : i32
        %dma_wait3A_235 = tpu.memref_slice %arg3[%dma_wait3A_234] : memref<884736xi32, #tpu.memory_space<hbm>> -> memref<96xi32, #tpu.memory_space<hbm>>
        tpu.wait_dma2 semaphore(%arg23 : memref<!tpu.dma_semaphore, #tpu.memory_space<semaphore_mem>>) src(%dma_wait3A_235 : memref<96xi32, #tpu.memory_space<hbm>>) dst(%arg14 : memref<96xi32, #tpu.memory_space<vmem>>)
        %dma_start3A_236 = arith.constant 0 : i32
        %dma_start3A_237 = arith.constant 0 : i32
        %dma_start3A_238 = tpu.memref_slice %arg2[%dma_start3A_236, %dma_start3A_237] : memref<10000x128xf32, #tpu.memory_space<hbm>> -> memref<10000x128xf32, #tpu.memory_space<hbm>>
        tpu.enqueue_indirect_dma source(%dma_start3A_238 : memref<10000x128xf32, #tpu.memory_space<hbm>>) target(%arg20 : memref<96x128xf32, #tpu.memory_space<vmem>>) offsets(%arg8 : memref<96xi32, #tpu.memory_space<vmem>>) semaphore(%arg29 : memref<!tpu.dma_semaphore, #tpu.memory_space<semaphore_mem>>)
      } else {
      }
      %dma_wait3A_106 = arith.constant 0 : i32
      %dma_wait3A_107 = arith.constant 0 : i32
      %dma_wait3A_108 = tpu.memref_slice %arg2[%dma_wait3A_106, %dma_wait3A_107] : memref<10000x128xf32, #tpu.memory_space<hbm>> -> memref<10000x128xf32, #tpu.memory_space<hbm>>
      tpu.wait_indirect_dma semaphore(%arg27 : memref<!tpu.dma_semaphore, #tpu.memory_space<semaphore_mem>>) src(%dma_wait3A_108 : memref<10000x128xf32, #tpu.memory_space<hbm>>) dst(%arg18 : memref<96x128xf32, #tpu.memory_space<vmem>>)
      %dma_start3A_109 = arith.constant 0 : i32
      %dma_start3A_110 = arith.constant 0 : i32
      %dma_start3A_111 = tpu.memref_slice %arg33[%dma_start3A_109, %dma_start3A_110] : memref<10240x128xf32, #tpu.memory_space<vmem_shared>> -> memref<10240x128xf32, #tpu.memory_space<vmem_shared>>
      tpu.enqueue_indirect_dma source(%arg18 : memref<96x128xf32, #tpu.memory_space<vmem>>) target(%dma_start3A_111 : memref<10240x128xf32, #tpu.memory_space<vmem_shared>>) offsets(%arg12 : memref<96xi32, #tpu.memory_space<vmem>>) semaphore(%arg30 : memref<!tpu.dma_semaphore, #tpu.memory_space<semaphore_mem>>) {add = true}
      %mul3A_112 = arith.constant 6 : i32
      %mul3A_113 = arith.muli %while3A_92, %mul3A_112 : i32
      %add3A_114 = arith.constant 1 : i32
      %add3A_115 = arith.addi %mul3A_113, %add3A_114 : i32
      %add3A_116 = arith.constant 4 : i32
      %add3A_117 = arith.addi %add3A_115, %add3A_116 : i32
      %lt3A_118 = arith.cmpi slt, %add3A_117, %mul3A_9 : i32
      %convert_element_type3A_119 = arith.extui %lt3A_118 : i1 to i32
      %cond3A_120 = arith.constant 0 : i32
      %cond3A_121 = arith.cmpi ne, %convert_element_type3A_119, %cond3A_120 : i32
      scf.if %cond3A_121 {
        %add3A_222 = arith.constant 4 : i32
        %add3A_223 = arith.addi %add3A_115, %add3A_222 : i32
        %mul3A_224 = arith.constant 96 : i32
        %mul3A_225 = arith.muli %mul3A_224, %add3A_223 : i32
        %add3A_226 = arith.addi %mul3A_13, %mul3A_225 : i32
        %dma_start3A_227 = tpu.memref_slice %arg3[%add3A_226] : memref<884736xi32, #tpu.memory_space<hbm>> -> memref<96xi32, #tpu.memory_space<hbm>>
        %dma_start3A_228 = tpu.memref_slice %arg3[%add3A_226] : memref<884736xi32, #tpu.memory_space<hbm>> -> memref<96xi32, #tpu.memory_space<hbm>>
        tpu.enqueue_dma source(%dma_start3A_228 : memref<96xi32, #tpu.memory_space<hbm>>) target(%arg11 : memref<96xi32, #tpu.memory_space<vmem>>) target_semaphore(%arg26 : memref<!tpu.dma_semaphore, #tpu.memory_space<semaphore_mem>>)
        %add3A_229 = arith.addi %mul3A_13, %select_n3A : i32
        %mul3A_230 = arith.constant 96 : i32
        %mul3A_231 = arith.muli %mul3A_230, %add3A_223 : i32
        %add3A_232 = arith.addi %add3A_229, %mul3A_231 : i32
        %dma_start3A_233 = tpu.memref_slice %arg3[%add3A_232] : memref<884736xi32, #tpu.memory_space<hbm>> -> memref<96xi32, #tpu.memory_space<hbm>>
        %dma_start3A_234 = tpu.memref_slice %arg3[%add3A_232] : memref<884736xi32, #tpu.memory_space<hbm>> -> memref<96xi32, #tpu.memory_space<hbm>>
        tpu.enqueue_dma source(%dma_start3A_234 : memref<96xi32, #tpu.memory_space<hbm>>) target(%arg17 : memref<96xi32, #tpu.memory_space<vmem>>) target_semaphore(%arg26 : memref<!tpu.dma_semaphore, #tpu.memory_space<semaphore_mem>>)
      } else {
      }
      %add3A_122 = arith.constant 2 : i32
      %add3A_123 = arith.addi %add3A_115, %add3A_122 : i32
      %lt3A_124 = arith.cmpi slt, %add3A_123, %mul3A_9 : i32
      %convert_element_type3A_125 = arith.extui %lt3A_124 : i1 to i32
      %cond3A_126 = arith.constant 0 : i32
      %cond3A_127 = arith.cmpi ne, %convert_element_type3A_125, %cond3A_126 : i32
      scf.if %cond3A_127 {
        %add3A_222 = arith.constant 2 : i32
        %add3A_223 = arith.addi %add3A_115, %add3A_222 : i32
        %ge3A = arith.constant 3 : i32
        %ge3A_224 = arith.cmpi sge, %add3A_223, %ge3A : i32
        %convert_element_type3A_225 = arith.extui %ge3A_224 : i1 to i32
        %cond3A_226 = arith.constant 0 : i32
        %cond3A_227 = arith.cmpi ne, %convert_element_type3A_225, %cond3A_226 : i32
        scf.if %cond3A_227 {
          %dma_wait3A_239 = arith.constant 0 : i32
          %dma_wait3A_240 = arith.constant 0 : i32
          %dma_wait3A_241 = tpu.memref_slice %arg33[%dma_wait3A_239, %dma_wait3A_240] : memref<10240x128xf32, #tpu.memory_space<vmem_shared>> -> memref<10240x128xf32, #tpu.memory_space<vmem_shared>>
          tpu.wait_indirect_dma semaphore(%arg30 : memref<!tpu.dma_semaphore, #tpu.memory_space<semaphore_mem>>) src(%arg18 : memref<96x128xf32, #tpu.memory_space<vmem>>) dst(%dma_wait3A_241 : memref<10240x128xf32, #tpu.memory_space<vmem_shared>>)
        } else {
        }
        %dma_wait3A_228 = arith.constant 0 : i32
        %dma_wait3A_229 = tpu.memref_slice %arg3[%dma_wait3A_228] : memref<884736xi32, #tpu.memory_space<hbm>> -> memref<96xi32, #tpu.memory_space<hbm>>
        %dma_wait3A_230 = arith.constant 0 : i32
        %dma_wait3A_231 = tpu.memref_slice %arg3[%dma_wait3A_230] : memref<884736xi32, #tpu.memory_space<hbm>> -> memref<96xi32, #tpu.memory_space<hbm>>
        tpu.wait_dma2 semaphore(%arg24 : memref<!tpu.dma_semaphore, #tpu.memory_space<semaphore_mem>>) src(%dma_wait3A_231 : memref<96xi32, #tpu.memory_space<hbm>>) dst(%arg9 : memref<96xi32, #tpu.memory_space<vmem>>)
        %dma_wait3A_232 = arith.constant 0 : i32
        %dma_wait3A_233 = tpu.memref_slice %arg3[%dma_wait3A_232] : memref<884736xi32, #tpu.memory_space<hbm>> -> memref<96xi32, #tpu.memory_space<hbm>>
        %dma_wait3A_234 = arith.constant 0 : i32
        %dma_wait3A_235 = tpu.memref_slice %arg3[%dma_wait3A_234] : memref<884736xi32, #tpu.memory_space<hbm>> -> memref<96xi32, #tpu.memory_space<hbm>>
        tpu.wait_dma2 semaphore(%arg24 : memref<!tpu.dma_semaphore, #tpu.memory_space<semaphore_mem>>) src(%dma_wait3A_235 : memref<96xi32, #tpu.memory_space<hbm>>) dst(%arg15 : memref<96xi32, #tpu.memory_space<vmem>>)
        %dma_start3A_236 = arith.constant 0 : i32
        %dma_start3A_237 = arith.constant 0 : i32
        %dma_start3A_238 = tpu.memref_slice %arg2[%dma_start3A_236, %dma_start3A_237] : memref<10000x128xf32, #tpu.memory_space<hbm>> -> memref<10000x128xf32, #tpu.memory_space<hbm>>
        tpu.enqueue_indirect_dma source(%dma_start3A_238 : memref<10000x128xf32, #tpu.memory_space<hbm>>) target(%arg18 : memref<96x128xf32, #tpu.memory_space<vmem>>) offsets(%arg9 : memref<96xi32, #tpu.memory_space<vmem>>) semaphore(%arg27 : memref<!tpu.dma_semaphore, #tpu.memory_space<semaphore_mem>>)
      } else {
      }
      %dma_wait3A_128 = arith.constant 0 : i32
      %dma_wait3A_129 = arith.constant 0 : i32
      %dma_wait3A_130 = tpu.memref_slice %arg2[%dma_wait3A_128, %dma_wait3A_129] : memref<10000x128xf32, #tpu.memory_space<hbm>> -> memref<10000x128xf32, #tpu.memory_space<hbm>>
      tpu.wait_indirect_dma semaphore(%arg28 : memref<!tpu.dma_semaphore, #tpu.memory_space<semaphore_mem>>) src(%dma_wait3A_130 : memref<10000x128xf32, #tpu.memory_space<hbm>>) dst(%arg19 : memref<96x128xf32, #tpu.memory_space<vmem>>)
      %dma_start3A_131 = arith.constant 0 : i32
      %dma_start3A_132 = arith.constant 0 : i32
      %dma_start3A_133 = tpu.memref_slice %arg33[%dma_start3A_131, %dma_start3A_132] : memref<10240x128xf32, #tpu.memory_space<vmem_shared>> -> memref<10240x128xf32, #tpu.memory_space<vmem_shared>>
      tpu.enqueue_indirect_dma source(%arg19 : memref<96x128xf32, #tpu.memory_space<vmem>>) target(%dma_start3A_133 : memref<10240x128xf32, #tpu.memory_space<vmem_shared>>) offsets(%arg13 : memref<96xi32, #tpu.memory_space<vmem>>) semaphore(%arg31 : memref<!tpu.dma_semaphore, #tpu.memory_space<semaphore_mem>>) {add = true}
      %mul3A_134 = arith.constant 6 : i32
      %mul3A_135 = arith.muli %while3A_92, %mul3A_134 : i32
      %add3A_136 = arith.constant 2 : i32
      %add3A_137 = arith.addi %mul3A_135, %add3A_136 : i32
      %add3A_138 = arith.constant 4 : i32
      %add3A_139 = arith.addi %add3A_137, %add3A_138 : i32
      %lt3A_140 = arith.cmpi slt, %add3A_139, %mul3A_9 : i32
      %convert_element_type3A_141 = arith.extui %lt3A_140 : i1 to i32
      %cond3A_142 = arith.constant 0 : i32
      %cond3A_143 = arith.cmpi ne, %convert_element_type3A_141, %cond3A_142 : i32
      scf.if %cond3A_143 {
        %add3A_222 = arith.constant 4 : i32
        %add3A_223 = arith.addi %add3A_137, %add3A_222 : i32
        %mul3A_224 = arith.constant 96 : i32
        %mul3A_225 = arith.muli %mul3A_224, %add3A_223 : i32
        %add3A_226 = arith.addi %mul3A_13, %mul3A_225 : i32
        %dma_start3A_227 = tpu.memref_slice %arg3[%add3A_226] : memref<884736xi32, #tpu.memory_space<hbm>> -> memref<96xi32, #tpu.memory_space<hbm>>
        %dma_start3A_228 = tpu.memref_slice %arg3[%add3A_226] : memref<884736xi32, #tpu.memory_space<hbm>> -> memref<96xi32, #tpu.memory_space<hbm>>
        tpu.enqueue_dma source(%dma_start3A_228 : memref<96xi32, #tpu.memory_space<hbm>>) target(%arg6 : memref<96xi32, #tpu.memory_space<vmem>>) target_semaphore(%arg21 : memref<!tpu.dma_semaphore, #tpu.memory_space<semaphore_mem>>)
        %add3A_229 = arith.addi %mul3A_13, %select_n3A : i32
        %mul3A_230 = arith.constant 96 : i32
        %mul3A_231 = arith.muli %mul3A_230, %add3A_223 : i32
        %add3A_232 = arith.addi %add3A_229, %mul3A_231 : i32
        %dma_start3A_233 = tpu.memref_slice %arg3[%add3A_232] : memref<884736xi32, #tpu.memory_space<hbm>> -> memref<96xi32, #tpu.memory_space<hbm>>
        %dma_start3A_234 = tpu.memref_slice %arg3[%add3A_232] : memref<884736xi32, #tpu.memory_space<hbm>> -> memref<96xi32, #tpu.memory_space<hbm>>
        tpu.enqueue_dma source(%dma_start3A_234 : memref<96xi32, #tpu.memory_space<hbm>>) target(%arg12 : memref<96xi32, #tpu.memory_space<vmem>>) target_semaphore(%arg21 : memref<!tpu.dma_semaphore, #tpu.memory_space<semaphore_mem>>)
      } else {
      }
      %add3A_144 = arith.constant 2 : i32
      %add3A_145 = arith.addi %add3A_137, %add3A_144 : i32
      %lt3A_146 = arith.cmpi slt, %add3A_145, %mul3A_9 : i32
      %convert_element_type3A_147 = arith.extui %lt3A_146 : i1 to i32
      %cond3A_148 = arith.constant 0 : i32
      %cond3A_149 = arith.cmpi ne, %convert_element_type3A_147, %cond3A_148 : i32
      scf.if %cond3A_149 {
        %add3A_222 = arith.constant 2 : i32
        %add3A_223 = arith.addi %add3A_137, %add3A_222 : i32
        %ge3A = arith.constant 3 : i32
        %ge3A_224 = arith.cmpi sge, %add3A_223, %ge3A : i32
        %convert_element_type3A_225 = arith.extui %ge3A_224 : i1 to i32
        %cond3A_226 = arith.constant 0 : i32
        %cond3A_227 = arith.cmpi ne, %convert_element_type3A_225, %cond3A_226 : i32
        scf.if %cond3A_227 {
          %dma_wait3A_239 = arith.constant 0 : i32
          %dma_wait3A_240 = arith.constant 0 : i32
          %dma_wait3A_241 = tpu.memref_slice %arg33[%dma_wait3A_239, %dma_wait3A_240] : memref<10240x128xf32, #tpu.memory_space<vmem_shared>> -> memref<10240x128xf32, #tpu.memory_space<vmem_shared>>
          tpu.wait_indirect_dma semaphore(%arg31 : memref<!tpu.dma_semaphore, #tpu.memory_space<semaphore_mem>>) src(%arg19 : memref<96x128xf32, #tpu.memory_space<vmem>>) dst(%dma_wait3A_241 : memref<10240x128xf32, #tpu.memory_space<vmem_shared>>)
        } else {
        }
        %dma_wait3A_228 = arith.constant 0 : i32
        %dma_wait3A_229 = tpu.memref_slice %arg3[%dma_wait3A_228] : memref<884736xi32, #tpu.memory_space<hbm>> -> memref<96xi32, #tpu.memory_space<hbm>>
        %dma_wait3A_230 = arith.constant 0 : i32
        %dma_wait3A_231 = tpu.memref_slice %arg3[%dma_wait3A_230] : memref<884736xi32, #tpu.memory_space<hbm>> -> memref<96xi32, #tpu.memory_space<hbm>>
        tpu.wait_dma2 semaphore(%arg25 : memref<!tpu.dma_semaphore, #tpu.memory_space<semaphore_mem>>) src(%dma_wait3A_231 : memref<96xi32, #tpu.memory_space<hbm>>) dst(%arg10 : memref<96xi32, #tpu.memory_space<vmem>>)
        %dma_wait3A_232 = arith.constant 0 : i32
        %dma_wait3A_233 = tpu.memref_slice %arg3[%dma_wait3A_232] : memref<884736xi32, #tpu.memory_space<hbm>> -> memref<96xi32, #tpu.memory_space<hbm>>
        %dma_wait3A_234 = arith.constant 0 : i32
        %dma_wait3A_235 = tpu.memref_slice %arg3[%dma_wait3A_234] : memref<884736xi32, #tpu.memory_space<hbm>> -> memref<96xi32, #tpu.memory_space<hbm>>
        tpu.wait_dma2 semaphore(%arg25 : memref<!tpu.dma_semaphore, #tpu.memory_space<semaphore_mem>>) src(%dma_wait3A_235 : memref<96xi32, #tpu.memory_space<hbm>>) dst(%arg16 : memref<96xi32, #tpu.memory_space<vmem>>)
        %dma_start3A_236 = arith.constant 0 : i32
        %dma_start3A_237 = arith.constant 0 : i32
        %dma_start3A_238 = tpu.memref_slice %arg2[%dma_start3A_236, %dma_start3A_237] : memref<10000x128xf32, #tpu.memory_space<hbm>> -> memref<10000x128xf32, #tpu.memory_space<hbm>>
        tpu.enqueue_indirect_dma source(%dma_start3A_238 : memref<10000x128xf32, #tpu.memory_space<hbm>>) target(%arg19 : memref<96x128xf32, #tpu.memory_space<vmem>>) offsets(%arg10 : memref<96xi32, #tpu.memory_space<vmem>>) semaphore(%arg28 : memref<!tpu.dma_semaphore, #tpu.memory_space<semaphore_mem>>)
      } else {
      }
      %dma_wait3A_150 = arith.constant 0 : i32
      %dma_wait3A_151 = arith.constant 0 : i32
      %dma_wait3A_152 = tpu.memref_slice %arg2[%dma_wait3A_150, %dma_wait3A_151] : memref<10000x128xf32, #tpu.memory_space<hbm>> -> memref<10000x128xf32, #tpu.memory_space<hbm>>
      tpu.wait_indirect_dma semaphore(%arg29 : memref<!tpu.dma_semaphore, #tpu.memory_space<semaphore_mem>>) src(%dma_wait3A_152 : memref<10000x128xf32, #tpu.memory_space<hbm>>) dst(%arg20 : memref<96x128xf32, #tpu.memory_space<vmem>>)
      %dma_start3A_153 = arith.constant 0 : i32
      %dma_start3A_154 = arith.constant 0 : i32
      %dma_start3A_155 = tpu.memref_slice %arg33[%dma_start3A_153, %dma_start3A_154] : memref<10240x128xf32, #tpu.memory_space<vmem_shared>> -> memref<10240x128xf32, #tpu.memory_space<vmem_shared>>
      tpu.enqueue_indirect_dma source(%arg20 : memref<96x128xf32, #tpu.memory_space<vmem>>) target(%dma_start3A_155 : memref<10240x128xf32, #tpu.memory_space<vmem_shared>>) offsets(%arg14 : memref<96xi32, #tpu.memory_space<vmem>>) semaphore(%arg32 : memref<!tpu.dma_semaphore, #tpu.memory_space<semaphore_mem>>) {add = true}
      %mul3A_156 = arith.constant 6 : i32
      %mul3A_157 = arith.muli %while3A_92, %mul3A_156 : i32
      %add3A_158 = arith.constant 3 : i32
      %add3A_159 = arith.addi %mul3A_157, %add3A_158 : i32
      %add3A_160 = arith.constant 4 : i32
      %add3A_161 = arith.addi %add3A_159, %add3A_160 : i32
      %lt3A_162 = arith.cmpi slt, %add3A_161, %mul3A_9 : i32
      %convert_element_type3A_163 = arith.extui %lt3A_162 : i1 to i32
      %cond3A_164 = arith.constant 0 : i32
      %cond3A_165 = arith.cmpi ne, %convert_element_type3A_163, %cond3A_164 : i32
      scf.if %cond3A_165 {
        %add3A_222 = arith.constant 4 : i32
        %add3A_223 = arith.addi %add3A_159, %add3A_222 : i32
        %mul3A_224 = arith.constant 96 : i32
        %mul3A_225 = arith.muli %mul3A_224, %add3A_223 : i32
        %add3A_226 = arith.addi %mul3A_13, %mul3A_225 : i32
        %dma_start3A_227 = tpu.memref_slice %arg3[%add3A_226] : memref<884736xi32, #tpu.memory_space<hbm>> -> memref<96xi32, #tpu.memory_space<hbm>>
        %dma_start3A_228 = tpu.memref_slice %arg3[%add3A_226] : memref<884736xi32, #tpu.memory_space<hbm>> -> memref<96xi32, #tpu.memory_space<hbm>>
        tpu.enqueue_dma source(%dma_start3A_228 : memref<96xi32, #tpu.memory_space<hbm>>) target(%arg7 : memref<96xi32, #tpu.memory_space<vmem>>) target_semaphore(%arg22 : memref<!tpu.dma_semaphore, #tpu.memory_space<semaphore_mem>>)
        %add3A_229 = arith.addi %mul3A_13, %select_n3A : i32
        %mul3A_230 = arith.constant 96 : i32
        %mul3A_231 = arith.muli %mul3A_230, %add3A_223 : i32
        %add3A_232 = arith.addi %add3A_229, %mul3A_231 : i32
        %dma_start3A_233 = tpu.memref_slice %arg3[%add3A_232] : memref<884736xi32, #tpu.memory_space<hbm>> -> memref<96xi32, #tpu.memory_space<hbm>>
        %dma_start3A_234 = tpu.memref_slice %arg3[%add3A_232] : memref<884736xi32, #tpu.memory_space<hbm>> -> memref<96xi32, #tpu.memory_space<hbm>>
        tpu.enqueue_dma source(%dma_start3A_234 : memref<96xi32, #tpu.memory_space<hbm>>) target(%arg13 : memref<96xi32, #tpu.memory_space<vmem>>) target_semaphore(%arg22 : memref<!tpu.dma_semaphore, #tpu.memory_space<semaphore_mem>>)
      } else {
      }
      %add3A_166 = arith.constant 2 : i32
      %add3A_167 = arith.addi %add3A_159, %add3A_166 : i32
      %lt3A_168 = arith.cmpi slt, %add3A_167, %mul3A_9 : i32
      %convert_element_type3A_169 = arith.extui %lt3A_168 : i1 to i32
      %cond3A_170 = arith.constant 0 : i32
      %cond3A_171 = arith.cmpi ne, %convert_element_type3A_169, %cond3A_170 : i32
      scf.if %cond3A_171 {
        %add3A_222 = arith.constant 2 : i32
        %add3A_223 = arith.addi %add3A_159, %add3A_222 : i32
        %ge3A = arith.constant 3 : i32
        %ge3A_224 = arith.cmpi sge, %add3A_223, %ge3A : i32
        %convert_element_type3A_225 = arith.extui %ge3A_224 : i1 to i32
        %cond3A_226 = arith.constant 0 : i32
        %cond3A_227 = arith.cmpi ne, %convert_element_type3A_225, %cond3A_226 : i32
        scf.if %cond3A_227 {
          %dma_wait3A_239 = arith.constant 0 : i32
          %dma_wait3A_240 = arith.constant 0 : i32
          %dma_wait3A_241 = tpu.memref_slice %arg33[%dma_wait3A_239, %dma_wait3A_240] : memref<10240x128xf32, #tpu.memory_space<vmem_shared>> -> memref<10240x128xf32, #tpu.memory_space<vmem_shared>>
          tpu.wait_indirect_dma semaphore(%arg32 : memref<!tpu.dma_semaphore, #tpu.memory_space<semaphore_mem>>) src(%arg20 : memref<96x128xf32, #tpu.memory_space<vmem>>) dst(%dma_wait3A_241 : memref<10240x128xf32, #tpu.memory_space<vmem_shared>>)
        } else {
        }
        %dma_wait3A_228 = arith.constant 0 : i32
        %dma_wait3A_229 = tpu.memref_slice %arg3[%dma_wait3A_228] : memref<884736xi32, #tpu.memory_space<hbm>> -> memref<96xi32, #tpu.memory_space<hbm>>
        %dma_wait3A_230 = arith.constant 0 : i32
        %dma_wait3A_231 = tpu.memref_slice %arg3[%dma_wait3A_230] : memref<884736xi32, #tpu.memory_space<hbm>> -> memref<96xi32, #tpu.memory_space<hbm>>
        tpu.wait_dma2 semaphore(%arg26 : memref<!tpu.dma_semaphore, #tpu.memory_space<semaphore_mem>>) src(%dma_wait3A_231 : memref<96xi32, #tpu.memory_space<hbm>>) dst(%arg11 : memref<96xi32, #tpu.memory_space<vmem>>)
        %dma_wait3A_232 = arith.constant 0 : i32
        %dma_wait3A_233 = tpu.memref_slice %arg3[%dma_wait3A_232] : memref<884736xi32, #tpu.memory_space<hbm>> -> memref<96xi32, #tpu.memory_space<hbm>>
        %dma_wait3A_234 = arith.constant 0 : i32
        %dma_wait3A_235 = tpu.memref_slice %arg3[%dma_wait3A_234] : memref<884736xi32, #tpu.memory_space<hbm>> -> memref<96xi32, #tpu.memory_space<hbm>>
        tpu.wait_dma2 semaphore(%arg26 : memref<!tpu.dma_semaphore, #tpu.memory_space<semaphore_mem>>) src(%dma_wait3A_235 : memref<96xi32, #tpu.memory_space<hbm>>) dst(%arg17 : memref<96xi32, #tpu.memory_space<vmem>>)
        %dma_start3A_236 = arith.constant 0 : i32
        %dma_start3A_237 = arith.constant 0 : i32
        %dma_start3A_238 = tpu.memref_slice %arg2[%dma_start3A_236, %dma_start3A_237] : memref<10000x128xf32, #tpu.memory_space<hbm>> -> memref<10000x128xf32, #tpu.memory_space<hbm>>
        tpu.enqueue_indirect_dma source(%dma_start3A_238 : memref<10000x128xf32, #tpu.memory_space<hbm>>) target(%arg20 : memref<96x128xf32, #tpu.memory_space<vmem>>) offsets(%arg11 : memref<96xi32, #tpu.memory_space<vmem>>) semaphore(%arg29 : memref<!tpu.dma_semaphore, #tpu.memory_space<semaphore_mem>>)
      } else {
      }
      %dma_wait3A_172 = arith.constant 0 : i32
      %dma_wait3A_173 = arith.constant 0 : i32
      %dma_wait3A_174 = tpu.memref_slice %arg2[%dma_wait3A_172, %dma_wait3A_173] : memref<10000x128xf32, #tpu.memory_space<hbm>> -> memref<10000x128xf32, #tpu.memory_space<hbm>>
      tpu.wait_indirect_dma semaphore(%arg27 : memref<!tpu.dma_semaphore, #tpu.memory_space<semaphore_mem>>) src(%dma_wait3A_174 : memref<10000x128xf32, #tpu.memory_space<hbm>>) dst(%arg18 : memref<96x128xf32, #tpu.memory_space<vmem>>)
      %dma_start3A_175 = arith.constant 0 : i32
      %dma_start3A_176 = arith.constant 0 : i32
      %dma_start3A_177 = tpu.memref_slice %arg33[%dma_start3A_175, %dma_start3A_176] : memref<10240x128xf32, #tpu.memory_space<vmem_shared>> -> memref<10240x128xf32, #tpu.memory_space<vmem_shared>>
      tpu.enqueue_indirect_dma source(%arg18 : memref<96x128xf32, #tpu.memory_space<vmem>>) target(%dma_start3A_177 : memref<10240x128xf32, #tpu.memory_space<vmem_shared>>) offsets(%arg15 : memref<96xi32, #tpu.memory_space<vmem>>) semaphore(%arg30 : memref<!tpu.dma_semaphore, #tpu.memory_space<semaphore_mem>>) {add = true}
      %mul3A_178 = arith.constant 6 : i32
      %mul3A_179 = arith.muli %while3A_92, %mul3A_178 : i32
      %add3A_180 = arith.constant 4 : i32
      %add3A_181 = arith.addi %mul3A_179, %add3A_180 : i32
      %add3A_182 = arith.constant 4 : i32
      %add3A_183 = arith.addi %add3A_181, %add3A_182 : i32
      %lt3A_184 = arith.cmpi slt, %add3A_183, %mul3A_9 : i32
      %convert_element_type3A_185 = arith.extui %lt3A_184 : i1 to i32
      %cond3A_186 = arith.constant 0 : i32
      %cond3A_187 = arith.cmpi ne, %convert_element_type3A_185, %cond3A_186 : i32
      scf.if %cond3A_187 {
        %add3A_222 = arith.constant 4 : i32
        %add3A_223 = arith.addi %add3A_181, %add3A_222 : i32
        %mul3A_224 = arith.constant 96 : i32
        %mul3A_225 = arith.muli %mul3A_224, %add3A_223 : i32
        %add3A_226 = arith.addi %mul3A_13, %mul3A_225 : i32
        %dma_start3A_227 = tpu.memref_slice %arg3[%add3A_226] : memref<884736xi32, #tpu.memory_space<hbm>> -> memref<96xi32, #tpu.memory_space<hbm>>
        %dma_start3A_228 = tpu.memref_slice %arg3[%add3A_226] : memref<884736xi32, #tpu.memory_space<hbm>> -> memref<96xi32, #tpu.memory_space<hbm>>
        tpu.enqueue_dma source(%dma_start3A_228 : memref<96xi32, #tpu.memory_space<hbm>>) target(%arg8 : memref<96xi32, #tpu.memory_space<vmem>>) target_semaphore(%arg23 : memref<!tpu.dma_semaphore, #tpu.memory_space<semaphore_mem>>)
        %add3A_229 = arith.addi %mul3A_13, %select_n3A : i32
        %mul3A_230 = arith.constant 96 : i32
        %mul3A_231 = arith.muli %mul3A_230, %add3A_223 : i32
        %add3A_232 = arith.addi %add3A_229, %mul3A_231 : i32
        %dma_start3A_233 = tpu.memref_slice %arg3[%add3A_232] : memref<884736xi32, #tpu.memory_space<hbm>> -> memref<96xi32, #tpu.memory_space<hbm>>
        %dma_start3A_234 = tpu.memref_slice %arg3[%add3A_232] : memref<884736xi32, #tpu.memory_space<hbm>> -> memref<96xi32, #tpu.memory_space<hbm>>
        tpu.enqueue_dma source(%dma_start3A_234 : memref<96xi32, #tpu.memory_space<hbm>>) target(%arg14 : memref<96xi32, #tpu.memory_space<vmem>>) target_semaphore(%arg23 : memref<!tpu.dma_semaphore, #tpu.memory_space<semaphore_mem>>)
      } else {
      }
      %add3A_188 = arith.constant 2 : i32
      %add3A_189 = arith.addi %add3A_181, %add3A_188 : i32
      %lt3A_190 = arith.cmpi slt, %add3A_189, %mul3A_9 : i32
      %convert_element_type3A_191 = arith.extui %lt3A_190 : i1 to i32
      %cond3A_192 = arith.constant 0 : i32
      %cond3A_193 = arith.cmpi ne, %convert_element_type3A_191, %cond3A_192 : i32
      scf.if %cond3A_193 {
        %add3A_222 = arith.constant 2 : i32
        %add3A_223 = arith.addi %add3A_181, %add3A_222 : i32
        %ge3A = arith.constant 3 : i32
        %ge3A_224 = arith.cmpi sge, %add3A_223, %ge3A : i32
        %convert_element_type3A_225 = arith.extui %ge3A_224 : i1 to i32
        %cond3A_226 = arith.constant 0 : i32
        %cond3A_227 = arith.cmpi ne, %convert_element_type3A_225, %cond3A_226 : i32
        scf.if %cond3A_227 {
          %dma_wait3A_239 = arith.constant 0 : i32
          %dma_wait3A_240 = arith.constant 0 : i32
          %dma_wait3A_241 = tpu.memref_slice %arg33[%dma_wait3A_239, %dma_wait3A_240] : memref<10240x128xf32, #tpu.memory_space<vmem_shared>> -> memref<10240x128xf32, #tpu.memory_space<vmem_shared>>
          tpu.wait_indirect_dma semaphore(%arg30 : memref<!tpu.dma_semaphore, #tpu.memory_space<semaphore_mem>>) src(%arg18 : memref<96x128xf32, #tpu.memory_space<vmem>>) dst(%dma_wait3A_241 : memref<10240x128xf32, #tpu.memory_space<vmem_shared>>)
        } else {
        }
        %dma_wait3A_228 = arith.constant 0 : i32
        %dma_wait3A_229 = tpu.memref_slice %arg3[%dma_wait3A_228] : memref<884736xi32, #tpu.memory_space<hbm>> -> memref<96xi32, #tpu.memory_space<hbm>>
        %dma_wait3A_230 = arith.constant 0 : i32
        %dma_wait3A_231 = tpu.memref_slice %arg3[%dma_wait3A_230] : memref<884736xi32, #tpu.memory_space<hbm>> -> memref<96xi32, #tpu.memory_space<hbm>>
        tpu.wait_dma2 semaphore(%arg21 : memref<!tpu.dma_semaphore, #tpu.memory_space<semaphore_mem>>) src(%dma_wait3A_231 : memref<96xi32, #tpu.memory_space<hbm>>) dst(%arg6 : memref<96xi32, #tpu.memory_space<vmem>>)
        %dma_wait3A_232 = arith.constant 0 : i32
        %dma_wait3A_233 = tpu.memref_slice %arg3[%dma_wait3A_232] : memref<884736xi32, #tpu.memory_space<hbm>> -> memref<96xi32, #tpu.memory_space<hbm>>
        %dma_wait3A_234 = arith.constant 0 : i32
        %dma_wait3A_235 = tpu.memref_slice %arg3[%dma_wait3A_234] : memref<884736xi32, #tpu.memory_space<hbm>> -> memref<96xi32, #tpu.memory_space<hbm>>
        tpu.wait_dma2 semaphore(%arg21 : memref<!tpu.dma_semaphore, #tpu.memory_space<semaphore_mem>>) src(%dma_wait3A_235 : memref<96xi32, #tpu.memory_space<hbm>>) dst(%arg12 : memref<96xi32, #tpu.memory_space<vmem>>)
        %dma_start3A_236 = arith.constant 0 : i32
        %dma_start3A_237 = arith.constant 0 : i32
        %dma_start3A_238 = tpu.memref_slice %arg2[%dma_start3A_236, %dma_start3A_237] : memref<10000x128xf32, #tpu.memory_space<hbm>> -> memref<10000x128xf32, #tpu.memory_space<hbm>>
        tpu.enqueue_indirect_dma source(%dma_start3A_238 : memref<10000x128xf32, #tpu.memory_space<hbm>>) target(%arg18 : memref<96x128xf32, #tpu.memory_space<vmem>>) offsets(%arg6 : memref<96xi32, #tpu.memory_space<vmem>>) semaphore(%arg27 : memref<!tpu.dma_semaphore, #tpu.memory_space<semaphore_mem>>)
      } else {
      }
      %dma_wait3A_194 = arith.constant 0 : i32
      %dma_wait3A_195 = arith.constant 0 : i32
      %dma_wait3A_196 = tpu.memref_slice %arg2[%dma_wait3A_194, %dma_wait3A_195] : memref<10000x128xf32, #tpu.memory_space<hbm>> -> memref<10000x128xf32, #tpu.memory_space<hbm>>
      tpu.wait_indirect_dma semaphore(%arg28 : memref<!tpu.dma_semaphore, #tpu.memory_space<semaphore_mem>>) src(%dma_wait3A_196 : memref<10000x128xf32, #tpu.memory_space<hbm>>) dst(%arg19 : memref<96x128xf32, #tpu.memory_space<vmem>>)
      %dma_start3A_197 = arith.constant 0 : i32
      %dma_start3A_198 = arith.constant 0 : i32
      %dma_start3A_199 = tpu.memref_slice %arg33[%dma_start3A_197, %dma_start3A_198] : memref<10240x128xf32, #tpu.memory_space<vmem_shared>> -> memref<10240x128xf32, #tpu.memory_space<vmem_shared>>
      tpu.enqueue_indirect_dma source(%arg19 : memref<96x128xf32, #tpu.memory_space<vmem>>) target(%dma_start3A_199 : memref<10240x128xf32, #tpu.memory_space<vmem_shared>>) offsets(%arg16 : memref<96xi32, #tpu.memory_space<vmem>>) semaphore(%arg31 : memref<!tpu.dma_semaphore, #tpu.memory_space<semaphore_mem>>) {add = true}
      %mul3A_200 = arith.constant 6 : i32
      %mul3A_201 = arith.muli %while3A_92, %mul3A_200 : i32
      %add3A_202 = arith.constant 5 : i32
      %add3A_203 = arith.addi %mul3A_201, %add3A_202 : i32
      %add3A_204 = arith.constant 4 : i32
      %add3A_205 = arith.addi %add3A_203, %add3A_204 : i32
      %lt3A_206 = arith.cmpi slt, %add3A_205, %mul3A_9 : i32
      %convert_element_type3A_207 = arith.extui %lt3A_206 : i1 to i32
      %cond3A_208 = arith.constant 0 : i32
      %cond3A_209 = arith.cmpi ne, %convert_element_type3A_207, %cond3A_208 : i32
      scf.if %cond3A_209 {
        %add3A_222 = arith.constant 4 : i32
        %add3A_223 = arith.addi %add3A_203, %add3A_222 : i32
        %mul3A_224 = arith.constant 96 : i32
        %mul3A_225 = arith.muli %mul3A_224, %add3A_223 : i32
        %add3A_226 = arith.addi %mul3A_13, %mul3A_225 : i32
        %dma_start3A_227 = tpu.memref_slice %arg3[%add3A_226] : memref<884736xi32, #tpu.memory_space<hbm>> -> memref<96xi32, #tpu.memory_space<hbm>>
        %dma_start3A_228 = tpu.memref_slice %arg3[%add3A_226] : memref<884736xi32, #tpu.memory_space<hbm>> -> memref<96xi32, #tpu.memory_space<hbm>>
        tpu.enqueue_dma source(%dma_start3A_228 : memref<96xi32, #tpu.memory_space<hbm>>) target(%arg9 : memref<96xi32, #tpu.memory_space<vmem>>) target_semaphore(%arg24 : memref<!tpu.dma_semaphore, #tpu.memory_space<semaphore_mem>>)
        %add3A_229 = arith.addi %mul3A_13, %select_n3A : i32
        %mul3A_230 = arith.constant 96 : i32
        %mul3A_231 = arith.muli %mul3A_230, %add3A_223 : i32
        %add3A_232 = arith.addi %add3A_229, %mul3A_231 : i32
        %dma_start3A_233 = tpu.memref_slice %arg3[%add3A_232] : memref<884736xi32, #tpu.memory_space<hbm>> -> memref<96xi32, #tpu.memory_space<hbm>>
        %dma_start3A_234 = tpu.memref_slice %arg3[%add3A_232] : memref<884736xi32, #tpu.memory_space<hbm>> -> memref<96xi32, #tpu.memory_space<hbm>>
        tpu.enqueue_dma source(%dma_start3A_234 : memref<96xi32, #tpu.memory_space<hbm>>) target(%arg15 : memref<96xi32, #tpu.memory_space<vmem>>) target_semaphore(%arg24 : memref<!tpu.dma_semaphore, #tpu.memory_space<semaphore_mem>>)
      } else {
      }
      %add3A_210 = arith.constant 2 : i32
      %add3A_211 = arith.addi %add3A_203, %add3A_210 : i32
      %lt3A_212 = arith.cmpi slt, %add3A_211, %mul3A_9 : i32
      %convert_element_type3A_213 = arith.extui %lt3A_212 : i1 to i32
      %cond3A_214 = arith.constant 0 : i32
      %cond3A_215 = arith.cmpi ne, %convert_element_type3A_213, %cond3A_214 : i32
      scf.if %cond3A_215 {
        %add3A_222 = arith.constant 2 : i32
        %add3A_223 = arith.addi %add3A_203, %add3A_222 : i32
        %ge3A = arith.constant 3 : i32
        %ge3A_224 = arith.cmpi sge, %add3A_223, %ge3A : i32
        %convert_element_type3A_225 = arith.extui %ge3A_224 : i1 to i32
        %cond3A_226 = arith.constant 0 : i32
        %cond3A_227 = arith.cmpi ne, %convert_element_type3A_225, %cond3A_226 : i32
        scf.if %cond3A_227 {
          %dma_wait3A_239 = arith.constant 0 : i32
          %dma_wait3A_240 = arith.constant 0 : i32
          %dma_wait3A_241 = tpu.memref_slice %arg33[%dma_wait3A_239, %dma_wait3A_240] : memref<10240x128xf32, #tpu.memory_space<vmem_shared>> -> memref<10240x128xf32, #tpu.memory_space<vmem_shared>>
          tpu.wait_indirect_dma semaphore(%arg31 : memref<!tpu.dma_semaphore, #tpu.memory_space<semaphore_mem>>) src(%arg19 : memref<96x128xf32, #tpu.memory_space<vmem>>) dst(%dma_wait3A_241 : memref<10240x128xf32, #tpu.memory_space<vmem_shared>>)
        } else {
        }
        %dma_wait3A_228 = arith.constant 0 : i32
        %dma_wait3A_229 = tpu.memref_slice %arg3[%dma_wait3A_228] : memref<884736xi32, #tpu.memory_space<hbm>> -> memref<96xi32, #tpu.memory_space<hbm>>
        %dma_wait3A_230 = arith.constant 0 : i32
        %dma_wait3A_231 = tpu.memref_slice %arg3[%dma_wait3A_230] : memref<884736xi32, #tpu.memory_space<hbm>> -> memref<96xi32, #tpu.memory_space<hbm>>
        tpu.wait_dma2 semaphore(%arg22 : memref<!tpu.dma_semaphore, #tpu.memory_space<semaphore_mem>>) src(%dma_wait3A_231 : memref<96xi32, #tpu.memory_space<hbm>>) dst(%arg7 : memref<96xi32, #tpu.memory_space<vmem>>)
        %dma_wait3A_232 = arith.constant 0 : i32
        %dma_wait3A_233 = tpu.memref_slice %arg3[%dma_wait3A_232] : memref<884736xi32, #tpu.memory_space<hbm>> -> memref<96xi32, #tpu.memory_space<hbm>>
        %dma_wait3A_234 = arith.constant 0 : i32
        %dma_wait3A_235 = tpu.memref_slice %arg3[%dma_wait3A_234] : memref<884736xi32, #tpu.memory_space<hbm>> -> memref<96xi32, #tpu.memory_space<hbm>>
        tpu.wait_dma2 semaphore(%arg22 : memref<!tpu.dma_semaphore, #tpu.memory_space<semaphore_mem>>) src(%dma_wait3A_235 : memref<96xi32, #tpu.memory_space<hbm>>) dst(%arg13 : memref<96xi32, #tpu.memory_space<vmem>>)
        %dma_start3A_236 = arith.constant 0 : i32
        %dma_start3A_237 = arith.constant 0 : i32
        %dma_start3A_238 = tpu.memref_slice %arg2[%dma_start3A_236, %dma_start3A_237] : memref<10000x128xf32, #tpu.memory_space<hbm>> -> memref<10000x128xf32, #tpu.memory_space<hbm>>
        tpu.enqueue_indirect_dma source(%dma_start3A_238 : memref<10000x128xf32, #tpu.memory_space<hbm>>) target(%arg19 : memref<96x128xf32, #tpu.memory_space<vmem>>) offsets(%arg7 : memref<96xi32, #tpu.memory_space<vmem>>) semaphore(%arg28 : memref<!tpu.dma_semaphore, #tpu.memory_space<semaphore_mem>>)
      } else {
      }
      %dma_wait3A_216 = arith.constant 0 : i32
      %dma_wait3A_217 = arith.constant 0 : i32
      %dma_wait3A_218 = tpu.memref_slice %arg2[%dma_wait3A_216, %dma_wait3A_217] : memref<10000x128xf32, #tpu.memory_space<hbm>> -> memref<10000x128xf32, #tpu.memory_space<hbm>>
      tpu.wait_indirect_dma semaphore(%arg29 : memref<!tpu.dma_semaphore, #tpu.memory_space<semaphore_mem>>) src(%dma_wait3A_218 : memref<10000x128xf32, #tpu.memory_space<hbm>>) dst(%arg20 : memref<96x128xf32, #tpu.memory_space<vmem>>)
      %dma_start3A_219 = arith.constant 0 : i32
      %dma_start3A_220 = arith.constant 0 : i32
      %dma_start3A_221 = tpu.memref_slice %arg33[%dma_start3A_219, %dma_start3A_220] : memref<10240x128xf32, #tpu.memory_space<vmem_shared>> -> memref<10240x128xf32, #tpu.memory_space<vmem_shared>>
      tpu.enqueue_indirect_dma source(%arg20 : memref<96x128xf32, #tpu.memory_space<vmem>>) target(%dma_start3A_221 : memref<10240x128xf32, #tpu.memory_space<vmem_shared>>) offsets(%arg17 : memref<96xi32, #tpu.memory_space<vmem>>) semaphore(%arg32 : memref<!tpu.dma_semaphore, #tpu.memory_space<semaphore_mem>>) {add = true}
    }
    %while3A_77 = arith.constant 1 : i32
    scf.for %while3A_92 = %while3A_75 to %while3A_71 step %while3A_77  : i32 {
      %mul3A_93 = arith.constant 6 : i32
      %mul3A_94 = arith.muli %while3A_92, %mul3A_93 : i32
      %add3A_95 = arith.constant 0 : i32
      %add3A_96 = arith.addi %mul3A_94, %add3A_95 : i32
      %add3A_97 = arith.constant 4 : i32
      %add3A_98 = arith.addi %add3A_96, %add3A_97 : i32
      %lt3A = arith.cmpi slt, %add3A_98, %mul3A_9 : i32
      %convert_element_type3A = arith.extui %lt3A : i1 to i32
      %cond3A = arith.constant 0 : i32
      %cond3A_99 = arith.cmpi ne, %convert_element_type3A, %cond3A : i32
      scf.if %cond3A_99 {
        %add3A_222 = arith.constant 4 : i32
        %add3A_223 = arith.addi %add3A_96, %add3A_222 : i32
        %mul3A_224 = arith.constant 96 : i32
        %mul3A_225 = arith.muli %mul3A_224, %add3A_223 : i32
        %add3A_226 = arith.addi %mul3A_13, %mul3A_225 : i32
        %dma_start3A_227 = tpu.memref_slice %arg3[%add3A_226] : memref<884736xi32, #tpu.memory_space<hbm>> -> memref<96xi32, #tpu.memory_space<hbm>>
        %dma_start3A_228 = tpu.memref_slice %arg3[%add3A_226] : memref<884736xi32, #tpu.memory_space<hbm>> -> memref<96xi32, #tpu.memory_space<hbm>>
        tpu.enqueue_dma source(%dma_start3A_228 : memref<96xi32, #tpu.memory_space<hbm>>) target(%arg10 : memref<96xi32, #tpu.memory_space<vmem>>) target_semaphore(%arg25 : memref<!tpu.dma_semaphore, #tpu.memory_space<semaphore_mem>>)
        %add3A_229 = arith.addi %mul3A_13, %select_n3A : i32
        %mul3A_230 = arith.constant 96 : i32
        %mul3A_231 = arith.muli %mul3A_230, %add3A_223 : i32
        %add3A_232 = arith.addi %add3A_229, %mul3A_231 : i32
        %dma_start3A_233 = tpu.memref_slice %arg3[%add3A_232] : memref<884736xi32, #tpu.memory_space<hbm>> -> memref<96xi32, #tpu.memory_space<hbm>>
        %dma_start3A_234 = tpu.memref_slice %arg3[%add3A_232] : memref<884736xi32, #tpu.memory_space<hbm>> -> memref<96xi32, #tpu.memory_space<hbm>>
        tpu.enqueue_dma source(%dma_start3A_234 : memref<96xi32, #tpu.memory_space<hbm>>) target(%arg16 : memref<96xi32, #tpu.memory_space<vmem>>) target_semaphore(%arg25 : memref<!tpu.dma_semaphore, #tpu.memory_space<semaphore_mem>>)
      } else {
      }
      %add3A_100 = arith.constant 2 : i32
      %add3A_101 = arith.addi %add3A_96, %add3A_100 : i32
      %lt3A_102 = arith.cmpi slt, %add3A_101, %mul3A_9 : i32
      %convert_element_type3A_103 = arith.extui %lt3A_102 : i1 to i32
      %cond3A_104 = arith.constant 0 : i32
      %cond3A_105 = arith.cmpi ne, %convert_element_type3A_103, %cond3A_104 : i32
      scf.if %cond3A_105 {
        %add3A_222 = arith.constant 2 : i32
        %add3A_223 = arith.addi %add3A_96, %add3A_222 : i32
        %ge3A = arith.constant 3 : i32
        %ge3A_224 = arith.cmpi sge, %add3A_223, %ge3A : i32
        %convert_element_type3A_225 = arith.extui %ge3A_224 : i1 to i32
        %cond3A_226 = arith.constant 0 : i32
        %cond3A_227 = arith.cmpi ne, %convert_element_type3A_225, %cond3A_226 : i32
        scf.if %cond3A_227 {
          %dma_wait3A_239 = arith.constant 0 : i32
          %dma_wait3A_240 = arith.constant 0 : i32
          %dma_wait3A_241 = tpu.memref_slice %arg33[%dma_wait3A_239, %dma_wait3A_240] : memref<10240x128xf32, #tpu.memory_space<vmem_shared>> -> memref<10240x128xf32, #tpu.memory_space<vmem_shared>>
          tpu.wait_indirect_dma semaphore(%arg32 : memref<!tpu.dma_semaphore, #tpu.memory_space<semaphore_mem>>) src(%arg20 : memref<96x128xf32, #tpu.memory_space<vmem>>) dst(%dma_wait3A_241 : memref<10240x128xf32, #tpu.memory_space<vmem_shared>>)
        } else {
        }
        %dma_wait3A_228 = arith.constant 0 : i32
        %dma_wait3A_229 = tpu.memref_slice %arg3[%dma_wait3A_228] : memref<884736xi32, #tpu.memory_space<hbm>> -> memref<96xi32, #tpu.memory_space<hbm>>
        %dma_wait3A_230 = arith.constant 0 : i32
        %dma_wait3A_231 = tpu.memref_slice %arg3[%dma_wait3A_230] : memref<884736xi32, #tpu.memory_space<hbm>> -> memref<96xi32, #tpu.memory_space<hbm>>
        tpu.wait_dma2 semaphore(%arg23 : memref<!tpu.dma_semaphore, #tpu.memory_space<semaphore_mem>>) src(%dma_wait3A_231 : memref<96xi32, #tpu.memory_space<hbm>>) dst(%arg8 : memref<96xi32, #tpu.memory_space<vmem>>)
        %dma_wait3A_232 = arith.constant 0 : i32
        %dma_wait3A_233 = tpu.memref_slice %arg3[%dma_wait3A_232] : memref<884736xi32, #tpu.memory_space<hbm>> -> memref<96xi32, #tpu.memory_space<hbm>>
        %dma_wait3A_234 = arith.constant 0 : i32
        %dma_wait3A_235 = tpu.memref_slice %arg3[%dma_wait3A_234] : memref<884736xi32, #tpu.memory_space<hbm>> -> memref<96xi32, #tpu.memory_space<hbm>>
        tpu.wait_dma2 semaphore(%arg23 : memref<!tpu.dma_semaphore, #tpu.memory_space<semaphore_mem>>) src(%dma_wait3A_235 : memref<96xi32, #tpu.memory_space<hbm>>) dst(%arg14 : memref<96xi32, #tpu.memory_space<vmem>>)
        %dma_start3A_236 = arith.constant 0 : i32
        %dma_start3A_237 = arith.constant 0 : i32
        %dma_start3A_238 = tpu.memref_slice %arg2[%dma_start3A_236, %dma_start3A_237] : memref<10000x128xf32, #tpu.memory_space<hbm>> -> memref<10000x128xf32, #tpu.memory_space<hbm>>
        tpu.enqueue_indirect_dma source(%dma_start3A_238 : memref<10000x128xf32, #tpu.memory_space<hbm>>) target(%arg20 : memref<96x128xf32, #tpu.memory_space<vmem>>) offsets(%arg8 : memref<96xi32, #tpu.memory_space<vmem>>) semaphore(%arg29 : memref<!tpu.dma_semaphore, #tpu.memory_space<semaphore_mem>>)
      } else {
      }
      %dma_wait3A_106 = arith.constant 0 : i32
      %dma_wait3A_107 = arith.constant 0 : i32
      %dma_wait3A_108 = tpu.memref_slice %arg2[%dma_wait3A_106, %dma_wait3A_107] : memref<10000x128xf32, #tpu.memory_space<hbm>> -> memref<10000x128xf32, #tpu.memory_space<hbm>>
      tpu.wait_indirect_dma semaphore(%arg27 : memref<!tpu.dma_semaphore, #tpu.memory_space<semaphore_mem>>) src(%dma_wait3A_108 : memref<10000x128xf32, #tpu.memory_space<hbm>>) dst(%arg18 : memref<96x128xf32, #tpu.memory_space<vmem>>)
      %dma_start3A_109 = arith.constant 0 : i32
      %dma_start3A_110 = arith.constant 0 : i32
      %dma_start3A_111 = tpu.memref_slice %arg33[%dma_start3A_109, %dma_start3A_110] : memref<10240x128xf32, #tpu.memory_space<vmem_shared>> -> memref<10240x128xf32, #tpu.memory_space<vmem_shared>>
      tpu.enqueue_indirect_dma source(%arg18 : memref<96x128xf32, #tpu.memory_space<vmem>>) target(%dma_start3A_111 : memref<10240x128xf32, #tpu.memory_space<vmem_shared>>) offsets(%arg12 : memref<96xi32, #tpu.memory_space<vmem>>) semaphore(%arg30 : memref<!tpu.dma_semaphore, #tpu.memory_space<semaphore_mem>>) {add = true}
      %mul3A_112 = arith.constant 6 : i32
      %mul3A_113 = arith.muli %while3A_92, %mul3A_112 : i32
      %add3A_114 = arith.constant 1 : i32
      %add3A_115 = arith.addi %mul3A_113, %add3A_114 : i32
      %add3A_116 = arith.constant 4 : i32
      %add3A_117 = arith.addi %add3A_115, %add3A_116 : i32
      %lt3A_118 = arith.cmpi slt, %add3A_117, %mul3A_9 : i32
      %convert_element_type3A_119 = arith.extui %lt3A_118 : i1 to i32
      %cond3A_120 = arith.constant 0 : i32
      %cond3A_121 = arith.cmpi ne, %convert_element_type3A_119, %cond3A_120 : i32
      scf.if %cond3A_121 {
        %add3A_222 = arith.constant 4 : i32
        %add3A_223 = arith.addi %add3A_115, %add3A_222 : i32
        %mul3A_224 = arith.constant 96 : i32
        %mul3A_225 = arith.muli %mul3A_224, %add3A_223 : i32
        %add3A_226 = arith.addi %mul3A_13, %mul3A_225 : i32
        %dma_start3A_227 = tpu.memref_slice %arg3[%add3A_226] : memref<884736xi32, #tpu.memory_space<hbm>> -> memref<96xi32, #tpu.memory_space<hbm>>
        %dma_start3A_228 = tpu.memref_slice %arg3[%add3A_226] : memref<884736xi32, #tpu.memory_space<hbm>> -> memref<96xi32, #tpu.memory_space<hbm>>
        tpu.enqueue_dma source(%dma_start3A_228 : memref<96xi32, #tpu.memory_space<hbm>>) target(%arg11 : memref<96xi32, #tpu.memory_space<vmem>>) target_semaphore(%arg26 : memref<!tpu.dma_semaphore, #tpu.memory_space<semaphore_mem>>)
        %add3A_229 = arith.addi %mul3A_13, %select_n3A : i32
        %mul3A_230 = arith.constant 96 : i32
        %mul3A_231 = arith.muli %mul3A_230, %add3A_223 : i32
        %add3A_232 = arith.addi %add3A_229, %mul3A_231 : i32
        %dma_start3A_233 = tpu.memref_slice %arg3[%add3A_232] : memref<884736xi32, #tpu.memory_space<hbm>> -> memref<96xi32, #tpu.memory_space<hbm>>
        %dma_start3A_234 = tpu.memref_slice %arg3[%add3A_232] : memref<884736xi32, #tpu.memory_space<hbm>> -> memref<96xi32, #tpu.memory_space<hbm>>
        tpu.enqueue_dma source(%dma_start3A_234 : memref<96xi32, #tpu.memory_space<hbm>>) target(%arg17 : memref<96xi32, #tpu.memory_space<vmem>>) target_semaphore(%arg26 : memref<!tpu.dma_semaphore, #tpu.memory_space<semaphore_mem>>)
      } else {
      }
      %add3A_122 = arith.constant 2 : i32
      %add3A_123 = arith.addi %add3A_115, %add3A_122 : i32
      %lt3A_124 = arith.cmpi slt, %add3A_123, %mul3A_9 : i32
      %convert_element_type3A_125 = arith.extui %lt3A_124 : i1 to i32
      %cond3A_126 = arith.constant 0 : i32
      %cond3A_127 = arith.cmpi ne, %convert_element_type3A_125, %cond3A_126 : i32
      scf.if %cond3A_127 {
        %add3A_222 = arith.constant 2 : i32
        %add3A_223 = arith.addi %add3A_115, %add3A_222 : i32
        %ge3A = arith.constant 3 : i32
        %ge3A_224 = arith.cmpi sge, %add3A_223, %ge3A : i32
        %convert_element_type3A_225 = arith.extui %ge3A_224 : i1 to i32
        %cond3A_226 = arith.constant 0 : i32
        %cond3A_227 = arith.cmpi ne, %convert_element_type3A_225, %cond3A_226 : i32
        scf.if %cond3A_227 {
          %dma_wait3A_239 = arith.constant 0 : i32
          %dma_wait3A_240 = arith.constant 0 : i32
          %dma_wait3A_241 = tpu.memref_slice %arg33[%dma_wait3A_239, %dma_wait3A_240] : memref<10240x128xf32, #tpu.memory_space<vmem_shared>> -> memref<10240x128xf32, #tpu.memory_space<vmem_shared>>
          tpu.wait_indirect_dma semaphore(%arg30 : memref<!tpu.dma_semaphore, #tpu.memory_space<semaphore_mem>>) src(%arg18 : memref<96x128xf32, #tpu.memory_space<vmem>>) dst(%dma_wait3A_241 : memref<10240x128xf32, #tpu.memory_space<vmem_shared>>)
        } else {
        }
        %dma_wait3A_228 = arith.constant 0 : i32
        %dma_wait3A_229 = tpu.memref_slice %arg3[%dma_wait3A_228] : memref<884736xi32, #tpu.memory_space<hbm>> -> memref<96xi32, #tpu.memory_space<hbm>>
        %dma_wait3A_230 = arith.constant 0 : i32
        %dma_wait3A_231 = tpu.memref_slice %arg3[%dma_wait3A_230] : memref<884736xi32, #tpu.memory_space<hbm>> -> memref<96xi32, #tpu.memory_space<hbm>>
        tpu.wait_dma2 semaphore(%arg24 : memref<!tpu.dma_semaphore, #tpu.memory_space<semaphore_mem>>) src(%dma_wait3A_231 : memref<96xi32, #tpu.memory_space<hbm>>) dst(%arg9 : memref<96xi32, #tpu.memory_space<vmem>>)
        %dma_wait3A_232 = arith.constant 0 : i32
        %dma_wait3A_233 = tpu.memref_slice %arg3[%dma_wait3A_232] : memref<884736xi32, #tpu.memory_space<hbm>> -> memref<96xi32, #tpu.memory_space<hbm>>
        %dma_wait3A_234 = arith.constant 0 : i32
        %dma_wait3A_235 = tpu.memref_slice %arg3[%dma_wait3A_234] : memref<884736xi32, #tpu.memory_space<hbm>> -> memref<96xi32, #tpu.memory_space<hbm>>
        tpu.wait_dma2 semaphore(%arg24 : memref<!tpu.dma_semaphore, #tpu.memory_space<semaphore_mem>>) src(%dma_wait3A_235 : memref<96xi32, #tpu.memory_space<hbm>>) dst(%arg15 : memref<96xi32, #tpu.memory_space<vmem>>)
        %dma_start3A_236 = arith.constant 0 : i32
        %dma_start3A_237 = arith.constant 0 : i32
        %dma_start3A_238 = tpu.memref_slice %arg2[%dma_start3A_236, %dma_start3A_237] : memref<10000x128xf32, #tpu.memory_space<hbm>> -> memref<10000x128xf32, #tpu.memory_space<hbm>>
        tpu.enqueue_indirect_dma source(%dma_start3A_238 : memref<10000x128xf32, #tpu.memory_space<hbm>>) target(%arg18 : memref<96x128xf32, #tpu.memory_space<vmem>>) offsets(%arg9 : memref<96xi32, #tpu.memory_space<vmem>>) semaphore(%arg27 : memref<!tpu.dma_semaphore, #tpu.memory_space<semaphore_mem>>)
      } else {
      }
      %dma_wait3A_128 = arith.constant 0 : i32
      %dma_wait3A_129 = arith.constant 0 : i32
      %dma_wait3A_130 = tpu.memref_slice %arg2[%dma_wait3A_128, %dma_wait3A_129] : memref<10000x128xf32, #tpu.memory_space<hbm>> -> memref<10000x128xf32, #tpu.memory_space<hbm>>
      tpu.wait_indirect_dma semaphore(%arg28 : memref<!tpu.dma_semaphore, #tpu.memory_space<semaphore_mem>>) src(%dma_wait3A_130 : memref<10000x128xf32, #tpu.memory_space<hbm>>) dst(%arg19 : memref<96x128xf32, #tpu.memory_space<vmem>>)
      %dma_start3A_131 = arith.constant 0 : i32
      %dma_start3A_132 = arith.constant 0 : i32
      %dma_start3A_133 = tpu.memref_slice %arg33[%dma_start3A_131, %dma_start3A_132] : memref<10240x128xf32, #tpu.memory_space<vmem_shared>> -> memref<10240x128xf32, #tpu.memory_space<vmem_shared>>
      tpu.enqueue_indirect_dma source(%arg19 : memref<96x128xf32, #tpu.memory_space<vmem>>) target(%dma_start3A_133 : memref<10240x128xf32, #tpu.memory_space<vmem_shared>>) offsets(%arg13 : memref<96xi32, #tpu.memory_space<vmem>>) semaphore(%arg31 : memref<!tpu.dma_semaphore, #tpu.memory_space<semaphore_mem>>) {add = true}
      %mul3A_134 = arith.constant 6 : i32
      %mul3A_135 = arith.muli %while3A_92, %mul3A_134 : i32
      %add3A_136 = arith.constant 2 : i32
      %add3A_137 = arith.addi %mul3A_135, %add3A_136 : i32
      %add3A_138 = arith.constant 4 : i32
      %add3A_139 = arith.addi %add3A_137, %add3A_138 : i32
      %lt3A_140 = arith.cmpi slt, %add3A_139, %mul3A_9 : i32
      %convert_element_type3A_141 = arith.extui %lt3A_140 : i1 to i32
      %cond3A_142 = arith.constant 0 : i32
      %cond3A_143 = arith.cmpi ne, %convert_element_type3A_141, %cond3A_142 : i32
      scf.if %cond3A_143 {
        %add3A_222 = arith.constant 4 : i32
        %add3A_223 = arith.addi %add3A_137, %add3A_222 : i32
        %mul3A_224 = arith.constant 96 : i32
        %mul3A_225 = arith.muli %mul3A_224, %add3A_223 : i32
        %add3A_226 = arith.addi %mul3A_13, %mul3A_225 : i32
        %dma_start3A_227 = tpu.memref_slice %arg3[%add3A_226] : memref<884736xi32, #tpu.memory_space<hbm>> -> memref<96xi32, #tpu.memory_space<hbm>>
        %dma_start3A_228 = tpu.memref_slice %arg3[%add3A_226] : memref<884736xi32, #tpu.memory_space<hbm>> -> memref<96xi32, #tpu.memory_space<hbm>>
        tpu.enqueue_dma source(%dma_start3A_228 : memref<96xi32, #tpu.memory_space<hbm>>) target(%arg6 : memref<96xi32, #tpu.memory_space<vmem>>) target_semaphore(%arg21 : memref<!tpu.dma_semaphore, #tpu.memory_space<semaphore_mem>>)
        %add3A_229 = arith.addi %mul3A_13, %select_n3A : i32
        %mul3A_230 = arith.constant 96 : i32
        %mul3A_231 = arith.muli %mul3A_230, %add3A_223 : i32
        %add3A_232 = arith.addi %add3A_229, %mul3A_231 : i32
        %dma_start3A_233 = tpu.memref_slice %arg3[%add3A_232] : memref<884736xi32, #tpu.memory_space<hbm>> -> memref<96xi32, #tpu.memory_space<hbm>>
        %dma_start3A_234 = tpu.memref_slice %arg3[%add3A_232] : memref<884736xi32, #tpu.memory_space<hbm>> -> memref<96xi32, #tpu.memory_space<hbm>>
        tpu.enqueue_dma source(%dma_start3A_234 : memref<96xi32, #tpu.memory_space<hbm>>) target(%arg12 : memref<96xi32, #tpu.memory_space<vmem>>) target_semaphore(%arg21 : memref<!tpu.dma_semaphore, #tpu.memory_space<semaphore_mem>>)
      } else {
      }
      %add3A_144 = arith.constant 2 : i32
      %add3A_145 = arith.addi %add3A_137, %add3A_144 : i32
      %lt3A_146 = arith.cmpi slt, %add3A_145, %mul3A_9 : i32
      %convert_element_type3A_147 = arith.extui %lt3A_146 : i1 to i32
      %cond3A_148 = arith.constant 0 : i32
      %cond3A_149 = arith.cmpi ne, %convert_element_type3A_147, %cond3A_148 : i32
      scf.if %cond3A_149 {
        %add3A_222 = arith.constant 2 : i32
        %add3A_223 = arith.addi %add3A_137, %add3A_222 : i32
        %ge3A = arith.constant 3 : i32
        %ge3A_224 = arith.cmpi sge, %add3A_223, %ge3A : i32
        %convert_element_type3A_225 = arith.extui %ge3A_224 : i1 to i32
        %cond3A_226 = arith.constant 0 : i32
        %cond3A_227 = arith.cmpi ne, %convert_element_type3A_225, %cond3A_226 : i32
        scf.if %cond3A_227 {
          %dma_wait3A_239 = arith.constant 0 : i32
          %dma_wait3A_240 = arith.constant 0 : i32
          %dma_wait3A_241 = tpu.memref_slice %arg33[%dma_wait3A_239, %dma_wait3A_240] : memref<10240x128xf32, #tpu.memory_space<vmem_shared>> -> memref<10240x128xf32, #tpu.memory_space<vmem_shared>>
          tpu.wait_indirect_dma semaphore(%arg31 : memref<!tpu.dma_semaphore, #tpu.memory_space<semaphore_mem>>) src(%arg19 : memref<96x128xf32, #tpu.memory_space<vmem>>) dst(%dma_wait3A_241 : memref<10240x128xf32, #tpu.memory_space<vmem_shared>>)
        } else {
        }
        %dma_wait3A_228 = arith.constant 0 : i32
        %dma_wait3A_229 = tpu.memref_slice %arg3[%dma_wait3A_228] : memref<884736xi32, #tpu.memory_space<hbm>> -> memref<96xi32, #tpu.memory_space<hbm>>
        %dma_wait3A_230 = arith.constant 0 : i32
        %dma_wait3A_231 = tpu.memref_slice %arg3[%dma_wait3A_230] : memref<884736xi32, #tpu.memory_space<hbm>> -> memref<96xi32, #tpu.memory_space<hbm>>
        tpu.wait_dma2 semaphore(%arg25 : memref<!tpu.dma_semaphore, #tpu.memory_space<semaphore_mem>>) src(%dma_wait3A_231 : memref<96xi32, #tpu.memory_space<hbm>>) dst(%arg10 : memref<96xi32, #tpu.memory_space<vmem>>)
        %dma_wait3A_232 = arith.constant 0 : i32
        %dma_wait3A_233 = tpu.memref_slice %arg3[%dma_wait3A_232] : memref<884736xi32, #tpu.memory_space<hbm>> -> memref<96xi32, #tpu.memory_space<hbm>>
        %dma_wait3A_234 = arith.constant 0 : i32
        %dma_wait3A_235 = tpu.memref_slice %arg3[%dma_wait3A_234] : memref<884736xi32, #tpu.memory_space<hbm>> -> memref<96xi32, #tpu.memory_space<hbm>>
        tpu.wait_dma2 semaphore(%arg25 : memref<!tpu.dma_semaphore, #tpu.memory_space<semaphore_mem>>) src(%dma_wait3A_235 : memref<96xi32, #tpu.memory_space<hbm>>) dst(%arg16 : memref<96xi32, #tpu.memory_space<vmem>>)
        %dma_start3A_236 = arith.constant 0 : i32
        %dma_start3A_237 = arith.constant 0 : i32
        %dma_start3A_238 = tpu.memref_slice %arg2[%dma_start3A_236, %dma_start3A_237] : memref<10000x128xf32, #tpu.memory_space<hbm>> -> memref<10000x128xf32, #tpu.memory_space<hbm>>
        tpu.enqueue_indirect_dma source(%dma_start3A_238 : memref<10000x128xf32, #tpu.memory_space<hbm>>) target(%arg19 : memref<96x128xf32, #tpu.memory_space<vmem>>) offsets(%arg10 : memref<96xi32, #tpu.memory_space<vmem>>) semaphore(%arg28 : memref<!tpu.dma_semaphore, #tpu.memory_space<semaphore_mem>>)
      } else {
      }
      %dma_wait3A_150 = arith.constant 0 : i32
      %dma_wait3A_151 = arith.constant 0 : i32
      %dma_wait3A_152 = tpu.memref_slice %arg2[%dma_wait3A_150, %dma_wait3A_151] : memref<10000x128xf32, #tpu.memory_space<hbm>> -> memref<10000x128xf32, #tpu.memory_space<hbm>>
      tpu.wait_indirect_dma semaphore(%arg29 : memref<!tpu.dma_semaphore, #tpu.memory_space<semaphore_mem>>) src(%dma_wait3A_152 : memref<10000x128xf32, #tpu.memory_space<hbm>>) dst(%arg20 : memref<96x128xf32, #tpu.memory_space<vmem>>)
      %dma_start3A_153 = arith.constant 0 : i32
      %dma_start3A_154 = arith.constant 0 : i32
      %dma_start3A_155 = tpu.memref_slice %arg33[%dma_start3A_153, %dma_start3A_154] : memref<10240x128xf32, #tpu.memory_space<vmem_shared>> -> memref<10240x128xf32, #tpu.memory_space<vmem_shared>>
      tpu.enqueue_indirect_dma source(%arg20 : memref<96x128xf32, #tpu.memory_space<vmem>>) target(%dma_start3A_155 : memref<10240x128xf32, #tpu.memory_space<vmem_shared>>) offsets(%arg14 : memref<96xi32, #tpu.memory_space<vmem>>) semaphore(%arg32 : memref<!tpu.dma_semaphore, #tpu.memory_space<semaphore_mem>>) {add = true}
      %mul3A_156 = arith.constant 6 : i32
      %mul3A_157 = arith.muli %while3A_92, %mul3A_156 : i32
      %add3A_158 = arith.constant 3 : i32
      %add3A_159 = arith.addi %mul3A_157, %add3A_158 : i32
      %add3A_160 = arith.constant 4 : i32
      %add3A_161 = arith.addi %add3A_159, %add3A_160 : i32
      %lt3A_162 = arith.cmpi slt, %add3A_161, %mul3A_9 : i32
      %convert_element_type3A_163 = arith.extui %lt3A_162 : i1 to i32
      %cond3A_164 = arith.constant 0 : i32
      %cond3A_165 = arith.cmpi ne, %convert_element_type3A_163, %cond3A_164 : i32
      scf.if %cond3A_165 {
        %add3A_222 = arith.constant 4 : i32
        %add3A_223 = arith.addi %add3A_159, %add3A_222 : i32
        %mul3A_224 = arith.constant 96 : i32
        %mul3A_225 = arith.muli %mul3A_224, %add3A_223 : i32
        %add3A_226 = arith.addi %mul3A_13, %mul3A_225 : i32
        %dma_start3A_227 = tpu.memref_slice %arg3[%add3A_226] : memref<884736xi32, #tpu.memory_space<hbm>> -> memref<96xi32, #tpu.memory_space<hbm>>
        %dma_start3A_228 = tpu.memref_slice %arg3[%add3A_226] : memref<884736xi32, #tpu.memory_space<hbm>> -> memref<96xi32, #tpu.memory_space<hbm>>
        tpu.enqueue_dma source(%dma_start3A_228 : memref<96xi32, #tpu.memory_space<hbm>>) target(%arg7 : memref<96xi32, #tpu.memory_space<vmem>>) target_semaphore(%arg22 : memref<!tpu.dma_semaphore, #tpu.memory_space<semaphore_mem>>)
        %add3A_229 = arith.addi %mul3A_13, %select_n3A : i32
        %mul3A_230 = arith.constant 96 : i32
        %mul3A_231 = arith.muli %mul3A_230, %add3A_223 : i32
        %add3A_232 = arith.addi %add3A_229, %mul3A_231 : i32
        %dma_start3A_233 = tpu.memref_slice %arg3[%add3A_232] : memref<884736xi32, #tpu.memory_space<hbm>> -> memref<96xi32, #tpu.memory_space<hbm>>
        %dma_start3A_234 = tpu.memref_slice %arg3[%add3A_232] : memref<884736xi32, #tpu.memory_space<hbm>> -> memref<96xi32, #tpu.memory_space<hbm>>
        tpu.enqueue_dma source(%dma_start3A_234 : memref<96xi32, #tpu.memory_space<hbm>>) target(%arg13 : memref<96xi32, #tpu.memory_space<vmem>>) target_semaphore(%arg22 : memref<!tpu.dma_semaphore, #tpu.memory_space<semaphore_mem>>)
      } else {
      }
      %add3A_166 = arith.constant 2 : i32
      %add3A_167 = arith.addi %add3A_159, %add3A_166 : i32
      %lt3A_168 = arith.cmpi slt, %add3A_167, %mul3A_9 : i32
      %convert_element_type3A_169 = arith.extui %lt3A_168 : i1 to i32
      %cond3A_170 = arith.constant 0 : i32
      %cond3A_171 = arith.cmpi ne, %convert_element_type3A_169, %cond3A_170 : i32
      scf.if %cond3A_171 {
        %add3A_222 = arith.constant 2 : i32
        %add3A_223 = arith.addi %add3A_159, %add3A_222 : i32
        %ge3A = arith.constant 3 : i32
        %ge3A_224 = arith.cmpi sge, %add3A_223, %ge3A : i32
        %convert_element_type3A_225 = arith.extui %ge3A_224 : i1 to i32
        %cond3A_226 = arith.constant 0 : i32
        %cond3A_227 = arith.cmpi ne, %convert_element_type3A_225, %cond3A_226 : i32
        scf.if %cond3A_227 {
          %dma_wait3A_239 = arith.constant 0 : i32
          %dma_wait3A_240 = arith.constant 0 : i32
          %dma_wait3A_241 = tpu.memref_slice %arg33[%dma_wait3A_239, %dma_wait3A_240] : memref<10240x128xf32, #tpu.memory_space<vmem_shared>> -> memref<10240x128xf32, #tpu.memory_space<vmem_shared>>
          tpu.wait_indirect_dma semaphore(%arg32 : memref<!tpu.dma_semaphore, #tpu.memory_space<semaphore_mem>>) src(%arg20 : memref<96x128xf32, #tpu.memory_space<vmem>>) dst(%dma_wait3A_241 : memref<10240x128xf32, #tpu.memory_space<vmem_shared>>)
        } else {
        }
        %dma_wait3A_228 = arith.constant 0 : i32
        %dma_wait3A_229 = tpu.memref_slice %arg3[%dma_wait3A_228] : memref<884736xi32, #tpu.memory_space<hbm>> -> memref<96xi32, #tpu.memory_space<hbm>>
        %dma_wait3A_230 = arith.constant 0 : i32
        %dma_wait3A_231 = tpu.memref_slice %arg3[%dma_wait3A_230] : memref<884736xi32, #tpu.memory_space<hbm>> -> memref<96xi32, #tpu.memory_space<hbm>>
        tpu.wait_dma2 semaphore(%arg26 : memref<!tpu.dma_semaphore, #tpu.memory_space<semaphore_mem>>) src(%dma_wait3A_231 : memref<96xi32, #tpu.memory_space<hbm>>) dst(%arg11 : memref<96xi32, #tpu.memory_space<vmem>>)
        %dma_wait3A_232 = arith.constant 0 : i32
        %dma_wait3A_233 = tpu.memref_slice %arg3[%dma_wait3A_232] : memref<884736xi32, #tpu.memory_space<hbm>> -> memref<96xi32, #tpu.memory_space<hbm>>
        %dma_wait3A_234 = arith.constant 0 : i32
        %dma_wait3A_235 = tpu.memref_slice %arg3[%dma_wait3A_234] : memref<884736xi32, #tpu.memory_space<hbm>> -> memref<96xi32, #tpu.memory_space<hbm>>
        tpu.wait_dma2 semaphore(%arg26 : memref<!tpu.dma_semaphore, #tpu.memory_space<semaphore_mem>>) src(%dma_wait3A_235 : memref<96xi32, #tpu.memory_space<hbm>>) dst(%arg17 : memref<96xi32, #tpu.memory_space<vmem>>)
        %dma_start3A_236 = arith.constant 0 : i32
        %dma_start3A_237 = arith.constant 0 : i32
        %dma_start3A_238 = tpu.memref_slice %arg2[%dma_start3A_236, %dma_start3A_237] : memref<10000x128xf32, #tpu.memory_space<hbm>> -> memref<10000x128xf32, #tpu.memory_space<hbm>>
        tpu.enqueue_indirect_dma source(%dma_start3A_238 : memref<10000x128xf32, #tpu.memory_space<hbm>>) target(%arg20 : memref<96x128xf32, #tpu.memory_space<vmem>>) offsets(%arg11 : memref<96xi32, #tpu.memory_space<vmem>>) semaphore(%arg29 : memref<!tpu.dma_semaphore, #tpu.memory_space<semaphore_mem>>)
      } else {
      }
      %dma_wait3A_172 = arith.constant 0 : i32
      %dma_wait3A_173 = arith.constant 0 : i32
      %dma_wait3A_174 = tpu.memref_slice %arg2[%dma_wait3A_172, %dma_wait3A_173] : memref<10000x128xf32, #tpu.memory_space<hbm>> -> memref<10000x128xf32, #tpu.memory_space<hbm>>
      tpu.wait_indirect_dma semaphore(%arg27 : memref<!tpu.dma_semaphore, #tpu.memory_space<semaphore_mem>>) src(%dma_wait3A_174 : memref<10000x128xf32, #tpu.memory_space<hbm>>) dst(%arg18 : memref<96x128xf32, #tpu.memory_space<vmem>>)
      %dma_start3A_175 = arith.constant 0 : i32
      %dma_start3A_176 = arith.constant 0 : i32
      %dma_start3A_177 = tpu.memref_slice %arg33[%dma_start3A_175, %dma_start3A_176] : memref<10240x128xf32, #tpu.memory_space<vmem_shared>> -> memref<10240x128xf32, #tpu.memory_space<vmem_shared>>
      tpu.enqueue_indirect_dma source(%arg18 : memref<96x128xf32, #tpu.memory_space<vmem>>) target(%dma_start3A_177 : memref<10240x128xf32, #tpu.memory_space<vmem_shared>>) offsets(%arg15 : memref<96xi32, #tpu.memory_space<vmem>>) semaphore(%arg30 : memref<!tpu.dma_semaphore, #tpu.memory_space<semaphore_mem>>) {add = true}
      %mul3A_178 = arith.constant 6 : i32
      %mul3A_179 = arith.muli %while3A_92, %mul3A_178 : i32
      %add3A_180 = arith.constant 4 : i32
      %add3A_181 = arith.addi %mul3A_179, %add3A_180 : i32
      %add3A_182 = arith.constant 4 : i32
      %add3A_183 = arith.addi %add3A_181, %add3A_182 : i32
      %lt3A_184 = arith.cmpi slt, %add3A_183, %mul3A_9 : i32
      %convert_element_type3A_185 = arith.extui %lt3A_184 : i1 to i32
      %cond3A_186 = arith.constant 0 : i32
      %cond3A_187 = arith.cmpi ne, %convert_element_type3A_185, %cond3A_186 : i32
      scf.if %cond3A_187 {
        %add3A_222 = arith.constant 4 : i32
        %add3A_223 = arith.addi %add3A_181, %add3A_222 : i32
        %mul3A_224 = arith.constant 96 : i32
        %mul3A_225 = arith.muli %mul3A_224, %add3A_223 : i32
        %add3A_226 = arith.addi %mul3A_13, %mul3A_225 : i32
        %dma_start3A_227 = tpu.memref_slice %arg3[%add3A_226] : memref<884736xi32, #tpu.memory_space<hbm>> -> memref<96xi32, #tpu.memory_space<hbm>>
        %dma_start3A_228 = tpu.memref_slice %arg3[%add3A_226] : memref<884736xi32, #tpu.memory_space<hbm>> -> memref<96xi32, #tpu.memory_space<hbm>>
        tpu.enqueue_dma source(%dma_start3A_228 : memref<96xi32, #tpu.memory_space<hbm>>) target(%arg8 : memref<96xi32, #tpu.memory_space<vmem>>) target_semaphore(%arg23 : memref<!tpu.dma_semaphore, #tpu.memory_space<semaphore_mem>>)
        %add3A_229 = arith.addi %mul3A_13, %select_n3A : i32
        %mul3A_230 = arith.constant 96 : i32
        %mul3A_231 = arith.muli %mul3A_230, %add3A_223 : i32
        %add3A_232 = arith.addi %add3A_229, %mul3A_231 : i32
        %dma_start3A_233 = tpu.memref_slice %arg3[%add3A_232] : memref<884736xi32, #tpu.memory_space<hbm>> -> memref<96xi32, #tpu.memory_space<hbm>>
        %dma_start3A_234 = tpu.memref_slice %arg3[%add3A_232] : memref<884736xi32, #tpu.memory_space<hbm>> -> memref<96xi32, #tpu.memory_space<hbm>>
        tpu.enqueue_dma source(%dma_start3A_234 : memref<96xi32, #tpu.memory_space<hbm>>) target(%arg14 : memref<96xi32, #tpu.memory_space<vmem>>) target_semaphore(%arg23 : memref<!tpu.dma_semaphore, #tpu.memory_space<semaphore_mem>>)
      } else {
      }
      %add3A_188 = arith.constant 2 : i32
      %add3A_189 = arith.addi %add3A_181, %add3A_188 : i32
      %lt3A_190 = arith.cmpi slt, %add3A_189, %mul3A_9 : i32
      %convert_element_type3A_191 = arith.extui %lt3A_190 : i1 to i32
      %cond3A_192 = arith.constant 0 : i32
      %cond3A_193 = arith.cmpi ne, %convert_element_type3A_191, %cond3A_192 : i32
      scf.if %cond3A_193 {
        %add3A_222 = arith.constant 2 : i32
        %add3A_223 = arith.addi %add3A_181, %add3A_222 : i32
        %ge3A = arith.constant 3 : i32
        %ge3A_224 = arith.cmpi sge, %add3A_223, %ge3A : i32
        %convert_element_type3A_225 = arith.extui %ge3A_224 : i1 to i32
        %cond3A_226 = arith.constant 0 : i32
        %cond3A_227 = arith.cmpi ne, %convert_element_type3A_225, %cond3A_226 : i32
        scf.if %cond3A_227 {
          %dma_wait3A_239 = arith.constant 0 : i32
          %dma_wait3A_240 = arith.constant 0 : i32
          %dma_wait3A_241 = tpu.memref_slice %arg33[%dma_wait3A_239, %dma_wait3A_240] : memref<10240x128xf32, #tpu.memory_space<vmem_shared>> -> memref<10240x128xf32, #tpu.memory_space<vmem_shared>>
          tpu.wait_indirect_dma semaphore(%arg30 : memref<!tpu.dma_semaphore, #tpu.memory_space<semaphore_mem>>) src(%arg18 : memref<96x128xf32, #tpu.memory_space<vmem>>) dst(%dma_wait3A_241 : memref<10240x128xf32, #tpu.memory_space<vmem_shared>>)
        } else {
        }
        %dma_wait3A_228 = arith.constant 0 : i32
        %dma_wait3A_229 = tpu.memref_slice %arg3[%dma_wait3A_228] : memref<884736xi32, #tpu.memory_space<hbm>> -> memref<96xi32, #tpu.memory_space<hbm>>
        %dma_wait3A_230 = arith.constant 0 : i32
        %dma_wait3A_231 = tpu.memref_slice %arg3[%dma_wait3A_230] : memref<884736xi32, #tpu.memory_space<hbm>> -> memref<96xi32, #tpu.memory_space<hbm>>
        tpu.wait_dma2 semaphore(%arg21 : memref<!tpu.dma_semaphore, #tpu.memory_space<semaphore_mem>>) src(%dma_wait3A_231 : memref<96xi32, #tpu.memory_space<hbm>>) dst(%arg6 : memref<96xi32, #tpu.memory_space<vmem>>)
        %dma_wait3A_232 = arith.constant 0 : i32
        %dma_wait3A_233 = tpu.memref_slice %arg3[%dma_wait3A_232] : memref<884736xi32, #tpu.memory_space<hbm>> -> memref<96xi32, #tpu.memory_space<hbm>>
        %dma_wait3A_234 = arith.constant 0 : i32
        %dma_wait3A_235 = tpu.memref_slice %arg3[%dma_wait3A_234] : memref<884736xi32, #tpu.memory_space<hbm>> -> memref<96xi32, #tpu.memory_space<hbm>>
        tpu.wait_dma2 semaphore(%arg21 : memref<!tpu.dma_semaphore, #tpu.memory_space<semaphore_mem>>) src(%dma_wait3A_235 : memref<96xi32, #tpu.memory_space<hbm>>) dst(%arg12 : memref<96xi32, #tpu.memory_space<vmem>>)
        %dma_start3A_236 = arith.constant 0 : i32
        %dma_start3A_237 = arith.constant 0 : i32
        %dma_start3A_238 = tpu.memref_slice %arg2[%dma_start3A_236, %dma_start3A_237] : memref<10000x128xf32, #tpu.memory_space<hbm>> -> memref<10000x128xf32, #tpu.memory_space<hbm>>
        tpu.enqueue_indirect_dma source(%dma_start3A_238 : memref<10000x128xf32, #tpu.memory_space<hbm>>) target(%arg18 : memref<96x128xf32, #tpu.memory_space<vmem>>) offsets(%arg6 : memref<96xi32, #tpu.memory_space<vmem>>) semaphore(%arg27 : memref<!tpu.dma_semaphore, #tpu.memory_space<semaphore_mem>>)
      } else {
      }
      %dma_wait3A_194 = arith.constant 0 : i32
      %dma_wait3A_195 = arith.constant 0 : i32
      %dma_wait3A_196 = tpu.memref_slice %arg2[%dma_wait3A_194, %dma_wait3A_195] : memref<10000x128xf32, #tpu.memory_space<hbm>> -> memref<10000x128xf32, #tpu.memory_space<hbm>>
      tpu.wait_indirect_dma semaphore(%arg28 : memref<!tpu.dma_semaphore, #tpu.memory_space<semaphore_mem>>) src(%dma_wait3A_196 : memref<10000x128xf32, #tpu.memory_space<hbm>>) dst(%arg19 : memref<96x128xf32, #tpu.memory_space<vmem>>)
      %dma_start3A_197 = arith.constant 0 : i32
      %dma_start3A_198 = arith.constant 0 : i32
      %dma_start3A_199 = tpu.memref_slice %arg33[%dma_start3A_197, %dma_start3A_198] : memref<10240x128xf32, #tpu.memory_space<vmem_shared>> -> memref<10240x128xf32, #tpu.memory_space<vmem_shared>>
      tpu.enqueue_indirect_dma source(%arg19 : memref<96x128xf32, #tpu.memory_space<vmem>>) target(%dma_start3A_199 : memref<10240x128xf32, #tpu.memory_space<vmem_shared>>) offsets(%arg16 : memref<96xi32, #tpu.memory_space<vmem>>) semaphore(%arg31 : memref<!tpu.dma_semaphore, #tpu.memory_space<semaphore_mem>>) {add = true}
      %mul3A_200 = arith.constant 6 : i32
      %mul3A_201 = arith.muli %while3A_92, %mul3A_200 : i32
      %add3A_202 = arith.constant 5 : i32
      %add3A_203 = arith.addi %mul3A_201, %add3A_202 : i32
      %add3A_204 = arith.constant 4 : i32
      %add3A_205 = arith.addi %add3A_203, %add3A_204 : i32
      %lt3A_206 = arith.cmpi slt, %add3A_205, %mul3A_9 : i32
      %convert_element_type3A_207 = arith.extui %lt3A_206 : i1 to i32
      %cond3A_208 = arith.constant 0 : i32
      %cond3A_209 = arith.cmpi ne, %convert_element_type3A_207, %cond3A_208 : i32
      scf.if %cond3A_209 {
        %add3A_222 = arith.constant 4 : i32
        %add3A_223 = arith.addi %add3A_203, %add3A_222 : i32
        %mul3A_224 = arith.constant 96 : i32
        %mul3A_225 = arith.muli %mul3A_224, %add3A_223 : i32
        %add3A_226 = arith.addi %mul3A_13, %mul3A_225 : i32
        %dma_start3A_227 = tpu.memref_slice %arg3[%add3A_226] : memref<884736xi32, #tpu.memory_space<hbm>> -> memref<96xi32, #tpu.memory_space<hbm>>
        %dma_start3A_228 = tpu.memref_slice %arg3[%add3A_226] : memref<884736xi32, #tpu.memory_space<hbm>> -> memref<96xi32, #tpu.memory_space<hbm>>
        tpu.enqueue_dma source(%dma_start3A_228 : memref<96xi32, #tpu.memory_space<hbm>>) target(%arg9 : memref<96xi32, #tpu.memory_space<vmem>>) target_semaphore(%arg24 : memref<!tpu.dma_semaphore, #tpu.memory_space<semaphore_mem>>)
        %add3A_229 = arith.addi %mul3A_13, %select_n3A : i32
        %mul3A_230 = arith.constant 96 : i32
        %mul3A_231 = arith.muli %mul3A_230, %add3A_223 : i32
        %add3A_232 = arith.addi %add3A_229, %mul3A_231 : i32
        %dma_start3A_233 = tpu.memref_slice %arg3[%add3A_232] : memref<884736xi32, #tpu.memory_space<hbm>> -> memref<96xi32, #tpu.memory_space<hbm>>
        %dma_start3A_234 = tpu.memref_slice %arg3[%add3A_232] : memref<884736xi32, #tpu.memory_space<hbm>> -> memref<96xi32, #tpu.memory_space<hbm>>
        tpu.enqueue_dma source(%dma_start3A_234 : memref<96xi32, #tpu.memory_space<hbm>>) target(%arg15 : memref<96xi32, #tpu.memory_space<vmem>>) target_semaphore(%arg24 : memref<!tpu.dma_semaphore, #tpu.memory_space<semaphore_mem>>)
      } else {
      }
      %add3A_210 = arith.constant 2 : i32
      %add3A_211 = arith.addi %add3A_203, %add3A_210 : i32
      %lt3A_212 = arith.cmpi slt, %add3A_211, %mul3A_9 : i32
      %convert_element_type3A_213 = arith.extui %lt3A_212 : i1 to i32
      %cond3A_214 = arith.constant 0 : i32
      %cond3A_215 = arith.cmpi ne, %convert_element_type3A_213, %cond3A_214 : i32
      scf.if %cond3A_215 {
        %add3A_222 = arith.constant 2 : i32
        %add3A_223 = arith.addi %add3A_203, %add3A_222 : i32
        %ge3A = arith.constant 3 : i32
        %ge3A_224 = arith.cmpi sge, %add3A_223, %ge3A : i32
        %convert_element_type3A_225 = arith.extui %ge3A_224 : i1 to i32
        %cond3A_226 = arith.constant 0 : i32
        %cond3A_227 = arith.cmpi ne, %convert_element_type3A_225, %cond3A_226 : i32
        scf.if %cond3A_227 {
          %dma_wait3A_239 = arith.constant 0 : i32
          %dma_wait3A_240 = arith.constant 0 : i32
          %dma_wait3A_241 = tpu.memref_slice %arg33[%dma_wait3A_239, %dma_wait3A_240] : memref<10240x128xf32, #tpu.memory_space<vmem_shared>> -> memref<10240x128xf32, #tpu.memory_space<vmem_shared>>
          tpu.wait_indirect_dma semaphore(%arg31 : memref<!tpu.dma_semaphore, #tpu.memory_space<semaphore_mem>>) src(%arg19 : memref<96x128xf32, #tpu.memory_space<vmem>>) dst(%dma_wait3A_241 : memref<10240x128xf32, #tpu.memory_space<vmem_shared>>)
        } else {
        }
        %dma_wait3A_228 = arith.constant 0 : i32
        %dma_wait3A_229 = tpu.memref_slice %arg3[%dma_wait3A_228] : memref<884736xi32, #tpu.memory_space<hbm>> -> memref<96xi32, #tpu.memory_space<hbm>>
        %dma_wait3A_230 = arith.constant 0 : i32
        %dma_wait3A_231 = tpu.memref_slice %arg3[%dma_wait3A_230] : memref<884736xi32, #tpu.memory_space<hbm>> -> memref<96xi32, #tpu.memory_space<hbm>>
        tpu.wait_dma2 semaphore(%arg22 : memref<!tpu.dma_semaphore, #tpu.memory_space<semaphore_mem>>) src(%dma_wait3A_231 : memref<96xi32, #tpu.memory_space<hbm>>) dst(%arg7 : memref<96xi32, #tpu.memory_space<vmem>>)
        %dma_wait3A_232 = arith.constant 0 : i32
        %dma_wait3A_233 = tpu.memref_slice %arg3[%dma_wait3A_232] : memref<884736xi32, #tpu.memory_space<hbm>> -> memref<96xi32, #tpu.memory_space<hbm>>
        %dma_wait3A_234 = arith.constant 0 : i32
        %dma_wait3A_235 = tpu.memref_slice %arg3[%dma_wait3A_234] : memref<884736xi32, #tpu.memory_space<hbm>> -> memref<96xi32, #tpu.memory_space<hbm>>
        tpu.wait_dma2 semaphore(%arg22 : memref<!tpu.dma_semaphore, #tpu.memory_space<semaphore_mem>>) src(%dma_wait3A_235 : memref<96xi32, #tpu.memory_space<hbm>>) dst(%arg13 : memref<96xi32, #tpu.memory_space<vmem>>)
        %dma_start3A_236 = arith.constant 0 : i32
        %dma_start3A_237 = arith.constant 0 : i32
        %dma_start3A_238 = tpu.memref_slice %arg2[%dma_start3A_236, %dma_start3A_237] : memref<10000x128xf32, #tpu.memory_space<hbm>> -> memref<10000x128xf32, #tpu.memory_space<hbm>>
        tpu.enqueue_indirect_dma source(%dma_start3A_238 : memref<10000x128xf32, #tpu.memory_space<hbm>>) target(%arg19 : memref<96x128xf32, #tpu.memory_space<vmem>>) offsets(%arg7 : memref<96xi32, #tpu.memory_space<vmem>>) semaphore(%arg28 : memref<!tpu.dma_semaphore, #tpu.memory_space<semaphore_mem>>)
      } else {
      }
      %dma_wait3A_216 = arith.constant 0 : i32
      %dma_wait3A_217 = arith.constant 0 : i32
      %dma_wait3A_218 = tpu.memref_slice %arg2[%dma_wait3A_216, %dma_wait3A_217] : memref<10000x128xf32, #tpu.memory_space<hbm>> -> memref<10000x128xf32, #tpu.memory_space<hbm>>
      tpu.wait_indirect_dma semaphore(%arg29 : memref<!tpu.dma_semaphore, #tpu.memory_space<semaphore_mem>>) src(%dma_wait3A_218 : memref<10000x128xf32, #tpu.memory_space<hbm>>) dst(%arg20 : memref<96x128xf32, #tpu.memory_space<vmem>>)
      %dma_start3A_219 = arith.constant 0 : i32
      %dma_start3A_220 = arith.constant 0 : i32
      %dma_start3A_221 = tpu.memref_slice %arg33[%dma_start3A_219, %dma_start3A_220] : memref<10240x128xf32, #tpu.memory_space<vmem_shared>> -> memref<10240x128xf32, #tpu.memory_space<vmem_shared>>
      tpu.enqueue_indirect_dma source(%arg20 : memref<96x128xf32, #tpu.memory_space<vmem>>) target(%dma_start3A_221 : memref<10240x128xf32, #tpu.memory_space<vmem_shared>>) offsets(%arg17 : memref<96xi32, #tpu.memory_space<vmem>>) semaphore(%arg32 : memref<!tpu.dma_semaphore, #tpu.memory_space<semaphore_mem>>) {add = true}
    }
    %dma_wait3A_78 = arith.constant 0 : i32
    %dma_wait3A_79 = arith.constant 0 : i32
    %dma_wait3A_80 = tpu.memref_slice %arg33[%dma_wait3A_78, %dma_wait3A_79] : memref<10240x128xf32, #tpu.memory_space<vmem_shared>> -> memref<10240x128xf32, #tpu.memory_space<vmem_shared>>
    tpu.wait_indirect_dma semaphore(%arg30 : memref<!tpu.dma_semaphore, #tpu.memory_space<semaphore_mem>>) src(%arg18 : memref<96x128xf32, #tpu.memory_space<vmem>>) dst(%dma_wait3A_80 : memref<10240x128xf32, #tpu.memory_space<vmem_shared>>)
    %dma_wait3A_81 = arith.constant 0 : i32
    %dma_wait3A_82 = arith.constant 0 : i32
    %dma_wait3A_83 = tpu.memref_slice %arg33[%dma_wait3A_81, %dma_wait3A_82] : memref<10240x128xf32, #tpu.memory_space<vmem_shared>> -> memref<10240x128xf32, #tpu.memory_space<vmem_shared>>
    tpu.wait_indirect_dma semaphore(%arg31 : memref<!tpu.dma_semaphore, #tpu.memory_space<semaphore_mem>>) src(%arg19 : memref<96x128xf32, #tpu.memory_space<vmem>>) dst(%dma_wait3A_83 : memref<10240x128xf32, #tpu.memory_space<vmem_shared>>)
    %dma_wait3A_84 = arith.constant 0 : i32
    %dma_wait3A_85 = arith.constant 0 : i32
    %dma_wait3A_86 = tpu.memref_slice %arg33[%dma_wait3A_84, %dma_wait3A_85] : memref<10240x128xf32, #tpu.memory_space<vmem_shared>> -> memref<10240x128xf32, #tpu.memory_space<vmem_shared>>
    tpu.wait_indirect_dma semaphore(%arg32 : memref<!tpu.dma_semaphore, #tpu.memory_space<semaphore_mem>>) src(%arg20 : memref<96x128xf32, #tpu.memory_space<vmem>>) dst(%dma_wait3A_86 : memref<10240x128xf32, #tpu.memory_space<vmem_shared>>)
    %barrier3A_87 = arith.constant 0 : index
    tpu.barrier barrier_id(%barrier3A_87)
    %mul3A_88 = arith.constant 640 : i32
    %mul3A_89 = arith.muli %arg1, %mul3A_88 : i32
    %mul3A_90 = arith.constant 640 : i32
    %mul3A_91 = arith.muli %arg1, %mul3A_90 : i32
    "tpu.region"() ({
      %run_scoped3A = tpu.sem_alloc : memref<!tpu.dma_semaphore, #tpu.memory_space<semaphore_mem>>
      %dma_start3A_92 = arith.constant 0 : i32
      %dma_start3A_93 = tpu.memref_slice %arg5[%arg0, %mul3A_91, %dma_start3A_92] : memref<2x10240x128xf32, #tpu.memory_space<hbm>> -> memref<1x640x128xf32, #tpu.memory_space<hbm>>
      %dma_start3A_94 = tpu.memref_squeeze %dma_start3A_93 : memref<1x640x128xf32, #tpu.memory_space<hbm>> -> memref<640x128xf32, #tpu.memory_space<hbm>>
      %dma_start3A_95 = arith.constant 0 : i32
      %dma_start3A_96 = tpu.memref_slice %arg33[%mul3A_89, %dma_start3A_95] : memref<10240x128xf32, #tpu.memory_space<vmem_shared>> -> memref<640x128xf32, #tpu.memory_space<vmem_shared>>
      tpu.enqueue_dma source(%dma_start3A_96 : memref<640x128xf32, #tpu.memory_space<vmem_shared>>) target(%dma_start3A_94 : memref<640x128xf32, #tpu.memory_space<hbm>>) target_semaphore(%run_scoped3A : memref<!tpu.dma_semaphore, #tpu.memory_space<semaphore_mem>>)
      %dma_wait3A_97 = arith.constant 0 : i32
      %dma_wait3A_98 = tpu.memref_slice %arg5[%arg0, %mul3A_91, %dma_wait3A_97] : memref<2x10240x128xf32, #tpu.memory_space<hbm>> -> memref<1x640x128xf32, #tpu.memory_space<hbm>>
      %dma_wait3A_99 = tpu.memref_squeeze %dma_wait3A_98 : memref<1x640x128xf32, #tpu.memory_space<hbm>> -> memref<640x128xf32, #tpu.memory_space<hbm>>
      %dma_wait3A_100 = arith.constant 0 : i32
      %dma_wait3A_101 = tpu.memref_slice %arg33[%mul3A_89, %dma_wait3A_100] : memref<10240x128xf32, #tpu.memory_space<vmem_shared>> -> memref<640x128xf32, #tpu.memory_space<vmem_shared>>
      tpu.wait_dma2 semaphore(%run_scoped3A : memref<!tpu.dma_semaphore, #tpu.memory_space<semaphore_mem>>) src(%dma_wait3A_101 : memref<640x128xf32, #tpu.memory_space<vmem_shared>>) dst(%dma_wait3A_99 : memref<640x128xf32, #tpu.memory_space<hbm>>)
      tpu.yield
    }) : () -> ()
    return
  }
}

#map = affine_map<(d0, d1) -> (0, 0)>
#map1 = affine_map<(d0, d1) -> (0)>
#map2 = affine_map<(d0, d1) -> (0, 0, 0)>
module attributes {stable_mosaic.version = 14 : i64} {
  func.func @_sc_scatter(%arg0: i32, %arg1: i32, %arg2: memref<10000x128xf32, #tpu.memory_space<hbm>>, %arg3: memref<884736xi32, #tpu.memory_space<hbm>>, %arg4: memref<640x128xf32, #tpu.memory_space<hbm>>, %arg5: memref<2x10240x128xf32, #tpu.memory_space<hbm>>, %arg6: memref<96xi32, #tpu.memory_space<vmem>>, %arg7: memref<96xi32, #tpu.memory_space<vmem>>, %arg8: memref<96xi32, #tpu.memory_space<vmem>>, %arg9: memref<96xi32, #tpu.memory_space<vmem>>, %arg10: memref<96xi32, #tpu.memory_space<vmem>>, %arg11: memref<96xi32, #tpu.memory_space<vmem>>, %arg12: memref<96xi32, #tpu.memory_space<vmem>>, %arg13: memref<96xi32, #tpu.memory_space<vmem>>, %arg14: memref<96xi32, #tpu.memory_space<vmem>>, %arg15: memref<96xi32, #tpu.memory_space<vmem>>, %arg16: memref<96xi32, #tpu.memory_space<vmem>>, %arg17: memref<96xi32, #tpu.memory_space<vmem>>, %arg18: memref<96x128xf32, #tpu.memory_space<vmem>>, %arg19: memref<96x128xf32, #tpu.memory_space<vmem>>, %arg20: memref<96x128xf32, #tpu.memory_space<vmem>>, %arg21: memref<!tpu.dma_semaphore, #tpu.memory_space<semaphore_mem>>, %arg22: memref<!tpu.dma_semaphore, #tpu.memory_space<semaphore_mem>>, %arg23: memref<!tpu.dma_semaphore, #tpu.memory_space<semaphore_mem>>, %arg24: memref<!tpu.dma_semaphore, #tpu.memory_space<semaphore_mem>>, %arg25: memref<!tpu.dma_semaphore, #tpu.memory_space<semaphore_mem>>, %arg26: memref<!tpu.dma_semaphore, #tpu.memory_space<semaphore_mem>>, %arg27: memref<!tpu.dma_semaphore, #tpu.memory_space<semaphore_mem>>, %arg28: memref<!tpu.dma_semaphore, #tpu.memory_space<semaphore_mem>>, %arg29: memref<!tpu.dma_semaphore, #tpu.memory_space<semaphore_mem>>, %arg30: memref<!tpu.dma_semaphore, #tpu.memory_space<semaphore_mem>>, %arg31: memref<!tpu.dma_semaphore, #tpu.memory_space<semaphore_mem>>, %arg32: memref<!tpu.dma_semaphore, #tpu.memory_space<semaphore_mem>>, %arg33: memref<10240x128xf32, #tpu.memory_space<vmem_shared>>) attributes {dimension_semantics = [#tpu.dimension_semantics<core_parallel>, #tpu.dimension_semantics<subcore_parallel>], iteration_bounds = array<i64: 2, 16>, scalar_prefetch = 0 : i64, scratch_operands = 28 : i64, tpu.core_type = #tpu.core_type<sc_vector_subcore>, window_params = [{transform_indices = #map}, {transform_indices = #map1}, {transform_indices = #map}, {transform_indices = #map2}]} {
    %mul3A = arith.constant 16 : i32
    %mul3A_0 = arith.muli %arg0, %mul3A : i32
    %add3A = arith.addi %mul3A_0, %arg1 : i32
    %eq3A = arith.constant 0 : i32
    %eq3A_1 = arith.cmpi eq, %arg0, %eq3A : i32
    %jit3A = arith.constant 13824 : i32
    %jit3A_2 = arith.constant 6912 : i32
    %select_n3A = arith.select %eq3A_1, %jit3A, %jit3A_2 : i32
    %eq3A_3 = arith.constant 0 : i32
    %eq3A_4 = arith.cmpi eq, %arg0, %eq3A_3 : i32
    %jit3A_5 = arith.constant 24 : i32
    %jit3A_6 = arith.constant 12 : i32
    %select_n3A_7 = arith.select %eq3A_4, %jit3A_5, %jit3A_6 : i32
    %mul3A_8 = arith.constant 6 : i32
    %mul3A_9 = arith.muli %select_n3A_7, %mul3A_8 : i32
    %mul3A_10 = arith.constant 640 : i32
    %mul3A_11 = arith.muli %arg1, %mul3A_10 : i32
    "tpu.region"() ({
      %run_scoped3A = tpu.sem_alloc : memref<!tpu.dma_semaphore, #tpu.memory_space<semaphore_mem>>
      %dma_start3A_92 = arith.constant 0 : i32
      %dma_start3A_93 = tpu.memref_slice %arg33[%mul3A_11, %dma_start3A_92] : memref<10240x128xf32, #tpu.memory_space<vmem_shared>> -> memref<640x128xf32, #tpu.memory_space<vmem_shared>>
      tpu.enqueue_dma source(%arg4 : memref<640x128xf32, #tpu.memory_space<hbm>>) target(%dma_start3A_93 : memref<640x128xf32, #tpu.memory_space<vmem_shared>>) target_semaphore(%run_scoped3A : memref<!tpu.dma_semaphore, #tpu.memory_space<semaphore_mem>>)
      %dma_wait3A_94 = arith.constant 0 : i32
      %dma_wait3A_95 = tpu.memref_slice %arg33[%mul3A_11, %dma_wait3A_94] : memref<10240x128xf32, #tpu.memory_space<vmem_shared>> -> memref<640x128xf32, #tpu.memory_space<vmem_shared>>
      tpu.wait_dma2 semaphore(%run_scoped3A : memref<!tpu.dma_semaphore, #tpu.memory_space<semaphore_mem>>) src(%arg4 : memref<640x128xf32, #tpu.memory_space<hbm>>) dst(%dma_wait3A_95 : memref<640x128xf32, #tpu.memory_space<vmem_shared>>)
      tpu.yield
    }) : () -> ()
    %barrier3A = arith.constant 0 : index
    tpu.barrier barrier_id(%barrier3A)
    %mul3A_12 = arith.constant 27648 : i32
    %mul3A_13 = arith.muli %add3A, %mul3A_12 : i32
    %add3A_14 = arith.constant 0 : i32
    %add3A_15 = arith.addi %mul3A_13, %add3A_14 : i32
    %dma_start3A = tpu.memref_slice %arg3[%add3A_15] : memref<884736xi32, #tpu.memory_space<hbm>> -> memref<96xi32, #tpu.memory_space<hbm>>
    %dma_start3A_16 = tpu.memref_slice %arg3[%add3A_15] : memref<884736xi32, #tpu.memory_space<hbm>> -> memref<96xi32, #tpu.memory_space<hbm>>
    tpu.enqueue_dma source(%dma_start3A_16 : memref<96xi32, #tpu.memory_space<hbm>>) target(%arg6 : memref<96xi32, #tpu.memory_space<vmem>>) target_semaphore(%arg21 : memref<!tpu.dma_semaphore, #tpu.memory_space<semaphore_mem>>)
    %add3A_17 = arith.addi %mul3A_13, %select_n3A : i32
    %add3A_18 = arith.constant 0 : i32
    %add3A_19 = arith.addi %add3A_17, %add3A_18 : i32
    %dma_start3A_20 = tpu.memref_slice %arg3[%add3A_19] : memref<884736xi32, #tpu.memory_space<hbm>> -> memref<96xi32, #tpu.memory_space<hbm>>
    %dma_start3A_21 = tpu.memref_slice %arg3[%add3A_19] : memref<884736xi32, #tpu.memory_space<hbm>> -> memref<96xi32, #tpu.memory_space<hbm>>
    tpu.enqueue_dma source(%dma_start3A_21 : memref<96xi32, #tpu.memory_space<hbm>>) target(%arg12 : memref<96xi32, #tpu.memory_space<vmem>>) target_semaphore(%arg21 : memref<!tpu.dma_semaphore, #tpu.memory_space<semaphore_mem>>)
    %add3A_22 = arith.constant 96 : i32
    %add3A_23 = arith.addi %mul3A_13, %add3A_22 : i32
    %dma_start3A_24 = tpu.memref_slice %arg3[%add3A_23] : memref<884736xi32, #tpu.memory_space<hbm>> -> memref<96xi32, #tpu.memory_space<hbm>>
    %dma_start3A_25 = tpu.memref_slice %arg3[%add3A_23] : memref<884736xi32, #tpu.memory_space<hbm>> -> memref<96xi32, #tpu.memory_space<hbm>>
    tpu.enqueue_dma source(%dma_start3A_25 : memref<96xi32, #tpu.memory_space<hbm>>) target(%arg7 : memref<96xi32, #tpu.memory_space<vmem>>) target_semaphore(%arg22 : memref<!tpu.dma_semaphore, #tpu.memory_space<semaphore_mem>>)
    %add3A_26 = arith.addi %mul3A_13, %select_n3A : i32
    %add3A_27 = arith.constant 96 : i32
    %add3A_28 = arith.addi %add3A_26, %add3A_27 : i32
    %dma_start3A_29 = tpu.memref_slice %arg3[%add3A_28] : memref<884736xi32, #tpu.memory_space<hbm>> -> memref<96xi32, #tpu.memory_space<hbm>>
    %dma_start3A_30 = tpu.memref_slice %arg3[%add3A_28] : memref<884736xi32, #tpu.memory_space<hbm>> -> memref<96xi32, #tpu.memory_space<hbm>>
    tpu.enqueue_dma source(%dma_start3A_30 : memref<96xi32, #tpu.memory_space<hbm>>) target(%arg13 : memref<96xi32, #tpu.memory_space<vmem>>) target_semaphore(%arg22 : memref<!tpu.dma_semaphore, #tpu.memory_space<semaphore_mem>>)
    %add3A_31 = arith.constant 192 : i32
    %add3A_32 = arith.addi %mul3A_13, %add3A_31 : i32
    %dma_start3A_33 = tpu.memref_slice %arg3[%add3A_32] : memref<884736xi32, #tpu.memory_space<hbm>> -> memref<96xi32, #tpu.memory_space<hbm>>
    %dma_start3A_34 = tpu.memref_slice %arg3[%add3A_32] : memref<884736xi32, #tpu.memory_space<hbm>> -> memref<96xi32, #tpu.memory_space<hbm>>
    tpu.enqueue_dma source(%dma_start3A_34 : memref<96xi32, #tpu.memory_space<hbm>>) target(%arg8 : memref<96xi32, #tpu.memory_space<vmem>>) target_semaphore(%arg23 : memref<!tpu.dma_semaphore, #tpu.memory_space<semaphore_mem>>)
    %add3A_35 = arith.addi %mul3A_13, %select_n3A : i32
    %add3A_36 = arith.constant 192 : i32
    %add3A_37 = arith.addi %add3A_35, %add3A_36 : i32
    %dma_start3A_38 = tpu.memref_slice %arg3[%add3A_37] : memref<884736xi32, #tpu.memory_space<hbm>> -> memref<96xi32, #tpu.memory_space<hbm>>
    %dma_start3A_39 = tpu.memref_slice %arg3[%add3A_37] : memref<884736xi32, #tpu.memory_space<hbm>> -> memref<96xi32, #tpu.memory_space<hbm>>
    tpu.enqueue_dma source(%dma_start3A_39 : memref<96xi32, #tpu.memory_space<hbm>>) target(%arg14 : memref<96xi32, #tpu.memory_space<vmem>>) target_semaphore(%arg23 : memref<!tpu.dma_semaphore, #tpu.memory_space<semaphore_mem>>)
    %add3A_40 = arith.constant 288 : i32
    %add3A_41 = arith.addi %mul3A_13, %add3A_40 : i32
    %dma_start3A_42 = tpu.memref_slice %arg3[%add3A_41] : memref<884736xi32, #tpu.memory_space<hbm>> -> memref<96xi32, #tpu.memory_space<hbm>>
    %dma_start3A_43 = tpu.memref_slice %arg3[%add3A_41] : memref<884736xi32, #tpu.memory_space<hbm>> -> memref<96xi32, #tpu.memory_space<hbm>>
    tpu.enqueue_dma source(%dma_start3A_43 : memref<96xi32, #tpu.memory_space<hbm>>) target(%arg9 : memref<96xi32, #tpu.memory_space<vmem>>) target_semaphore(%arg24 : memref<!tpu.dma_semaphore, #tpu.memory_space<semaphore_mem>>)
    %add3A_44 = arith.addi %mul3A_13, %select_n3A : i32
    %add3A_45 = arith.constant 288 : i32
    %add3A_46 = arith.addi %add3A_44, %add3A_45 : i32
    %dma_start3A_47 = tpu.memref_slice %arg3[%add3A_46] : memref<884736xi32, #tpu.memory_space<hbm>> -> memref<96xi32, #tpu.memory_space<hbm>>
    %dma_start3A_48 = tpu.memref_slice %arg3[%add3A_46] : memref<884736xi32, #tpu.memory_space<hbm>> -> memref<96xi32, #tpu.memory_space<hbm>>
    tpu.enqueue_dma source(%dma_start3A_48 : memref<96xi32, #tpu.memory_space<hbm>>) target(%arg15 : memref<96xi32, #tpu.memory_space<vmem>>) target_semaphore(%arg24 : memref<!tpu.dma_semaphore, #tpu.memory_space<semaphore_mem>>)
    %dma_wait3A = arith.constant 0 : i32
    %dma_wait3A_49 = tpu.memref_slice %arg3[%dma_wait3A] : memref<884736xi32, #tpu.memory_space<hbm>> -> memref<96xi32, #tpu.memory_space<hbm>>
    %dma_wait3A_50 = arith.constant 0 : i32
    %dma_wait3A_51 = tpu.memref_slice %arg3[%dma_wait3A_50] : memref<884736xi32, #tpu.memory_space<hbm>> -> memref<96xi32, #tpu.memory_space<hbm>>
    tpu.wait_dma2 semaphore(%arg21 : memref<!tpu.dma_semaphore, #tpu.memory_space<semaphore_mem>>) src(%dma_wait3A_51 : memref<96xi32, #tpu.memory_space<hbm>>) dst(%arg6 : memref<96xi32, #tpu.memory_space<vmem>>)
    %dma_wait3A_52 = arith.constant 0 : i32
    %dma_wait3A_53 = tpu.memref_slice %arg3[%dma_wait3A_52] : memref<884736xi32, #tpu.memory_space<hbm>> -> memref<96xi32, #tpu.memory_space<hbm>>
    %dma_wait3A_54 = arith.constant 0 : i32
    %dma_wait3A_55 = tpu.memref_slice %arg3[%dma_wait3A_54] : memref<884736xi32, #tpu.memory_space<hbm>> -> memref<96xi32, #tpu.memory_space<hbm>>
    tpu.wait_dma2 semaphore(%arg21 : memref<!tpu.dma_semaphore, #tpu.memory_space<semaphore_mem>>) src(%dma_wait3A_55 : memref<96xi32, #tpu.memory_space<hbm>>) dst(%arg12 : memref<96xi32, #tpu.memory_space<vmem>>)
    %dma_start3A_56 = arith.constant 0 : i32
    %dma_start3A_57 = arith.constant 0 : i32
    %dma_start3A_58 = tpu.memref_slice %arg2[%dma_start3A_56, %dma_start3A_57] : memref<10000x128xf32, #tpu.memory_space<hbm>> -> memref<10000x128xf32, #tpu.memory_space<hbm>>
    tpu.enqueue_indirect_dma source(%dma_start3A_58 : memref<10000x128xf32, #tpu.memory_space<hbm>>) target(%arg18 : memref<96x128xf32, #tpu.memory_space<vmem>>) offsets(%arg6 : memref<96xi32, #tpu.memory_space<vmem>>) semaphore(%arg27 : memref<!tpu.dma_semaphore, #tpu.memory_space<semaphore_mem>>)
    %dma_wait3A_59 = arith.constant 0 : i32
    %dma_wait3A_60 = tpu.memref_slice %arg3[%dma_wait3A_59] : memref<884736xi32, #tpu.memory_space<hbm>> -> memref<96xi32, #tpu.memory_space<hbm>>
    %dma_wait3A_61 = arith.constant 0 : i32
    %dma_wait3A_62 = tpu.memref_slice %arg3[%dma_wait3A_61] : memref<884736xi32, #tpu.memory_space<hbm>> -> memref<96xi32, #tpu.memory_space<hbm>>
    tpu.wait_dma2 semaphore(%arg22 : memref<!tpu.dma_semaphore, #tpu.memory_space<semaphore_mem>>) src(%dma_wait3A_62 : memref<96xi32, #tpu.memory_space<hbm>>) dst(%arg7 : memref<96xi32, #tpu.memory_space<vmem>>)
    %dma_wait3A_63 = arith.constant 0 : i32
    %dma_wait3A_64 = tpu.memref_slice %arg3[%dma_wait3A_63] : memref<884736xi32, #tpu.memory_space<hbm>> -> memref<96xi32, #tpu.memory_space<hbm>>
    %dma_wait3A_65 = arith.constant 0 : i32
    %dma_wait3A_66 = tpu.memref_slice %arg3[%dma_wait3A_65] : memref<884736xi32, #tpu.memory_space<hbm>> -> memref<96xi32, #tpu.memory_space<hbm>>
    tpu.wait_dma2 semaphore(%arg22 : memref<!tpu.dma_semaphore, #tpu.memory_space<semaphore_mem>>) src(%dma_wait3A_66 : memref<96xi32, #tpu.memory_space<hbm>>) dst(%arg13 : memref<96xi32, #tpu.memory_space<vmem>>)
    %dma_start3A_67 = arith.constant 0 : i32
    %dma_start3A_68 = arith.constant 0 : i32
    %dma_start3A_69 = tpu.memref_slice %arg2[%dma_start3A_67, %dma_start3A_68] : memref<10000x128xf32, #tpu.memory_space<hbm>> -> memref<10000x128xf32, #tpu.memory_space<hbm>>
    tpu.enqueue_indirect_dma source(%dma_start3A_69 : memref<10000x128xf32, #tpu.memory_space<hbm>>) target(%arg19 : memref<96x128xf32, #tpu.memory_space<vmem>>) offsets(%arg7 : memref<96xi32, #tpu.memory_space<vmem>>) semaphore(%arg28 : memref<!tpu.dma_semaphore, #tpu.memory_space<semaphore_mem>>)
    %while3A = arith.constant 0 : i32
    %while3A_70 = arith.subi %select_n3A_7, %while3A : i32
    %while3A_71 = arith.addi %while3A, %while3A_70 : i32
    %while3A_72 = arith.constant 1 : i32
    %while3A_73 = arith.divsi %while3A_70, %while3A_72 : i32
    %while3A_74 = arith.muli %while3A_73, %while3A_72 : i32
    %while3A_75 = arith.addi %while3A, %while3A_74 : i32
    %while3A_76 = arith.constant 1 : i32
    scf.for %while3A_92 = %while3A to %while3A_75 step %while3A_76  : i32 {
      %mul3A_93 = arith.constant 6 : i32
      %mul3A_94 = arith.muli %while3A_92, %mul3A_93 : i32
      %add3A_95 = arith.constant 0 : i32
      %add3A_96 = arith.addi %mul3A_94, %add3A_95 : i32
      %add3A_97 = arith.constant 4 : i32
      %add3A_98 = arith.addi %add3A_96, %add3A_97 : i32
      %lt3A = arith.cmpi slt, %add3A_98, %mul3A_9 : i32
      %convert_element_type3A = arith.extui %lt3A : i1 to i32
      %cond3A = arith.constant 0 : i32
      %cond3A_99 = arith.cmpi ne, %convert_element_type3A, %cond3A : i32
      scf.if %cond3A_99 {
        %add3A_222 = arith.constant 4 : i32
        %add3A_223 = arith.addi %add3A_96, %add3A_222 : i32
        %mul3A_224 = arith.constant 96 : i32
        %mul3A_225 = arith.muli %mul3A_224, %add3A_223 : i32
        %add3A_226 = arith.addi %mul3A_13, %mul3A_225 : i32
        %dma_start3A_227 = tpu.memref_slice %arg3[%add3A_226] : memref<884736xi32, #tpu.memory_space<hbm>> -> memref<96xi32, #tpu.memory_space<hbm>>
        %dma_start3A_228 = tpu.memref_slice %arg3[%add3A_226] : memref<884736xi32, #tpu.memory_space<hbm>> -> memref<96xi32, #tpu.memory_space<hbm>>
        tpu.enqueue_dma source(%dma_start3A_228 : memref<96xi32, #tpu.memory_space<hbm>>) target(%arg10 : memref<96xi32, #tpu.memory_space<vmem>>) target_semaphore(%arg25 : memref<!tpu.dma_semaphore, #tpu.memory_space<semaphore_mem>>)
        %add3A_229 = arith.addi %mul3A_13, %select_n3A : i32
        %mul3A_230 = arith.constant 96 : i32
        %mul3A_231 = arith.muli %mul3A_230, %add3A_223 : i32
        %add3A_232 = arith.addi %add3A_229, %mul3A_231 : i32
        %dma_start3A_233 = tpu.memref_slice %arg3[%add3A_232] : memref<884736xi32, #tpu.memory_space<hbm>> -> memref<96xi32, #tpu.memory_space<hbm>>
        %dma_start3A_234 = tpu.memref_slice %arg3[%add3A_232] : memref<884736xi32, #tpu.memory_space<hbm>> -> memref<96xi32, #tpu.memory_space<hbm>>
        tpu.enqueue_dma source(%dma_start3A_234 : memref<96xi32, #tpu.memory_space<hbm>>) target(%arg16 : memref<96xi32, #tpu.memory_space<vmem>>) target_semaphore(%arg25 : memref<!tpu.dma_semaphore, #tpu.memory_space<semaphore_mem>>)
      } else {
      }
      %add3A_100 = arith.constant 2 : i32
      %add3A_101 = arith.addi %add3A_96, %add3A_100 : i32
      %lt3A_102 = arith.cmpi slt, %add3A_101, %mul3A_9 : i32
      %convert_element_type3A_103 = arith.extui %lt3A_102 : i1 to i32
      %cond3A_104 = arith.constant 0 : i32
      %cond3A_105 = arith.cmpi ne, %convert_element_type3A_103, %cond3A_104 : i32
      scf.if %cond3A_105 {
        %add3A_222 = arith.constant 2 : i32
        %add3A_223 = arith.addi %add3A_96, %add3A_222 : i32
        %ge3A = arith.constant 3 : i32
        %ge3A_224 = arith.cmpi sge, %add3A_223, %ge3A : i32
        %convert_element_type3A_225 = arith.extui %ge3A_224 : i1 to i32
        %cond3A_226 = arith.constant 0 : i32
        %cond3A_227 = arith.cmpi ne, %convert_element_type3A_225, %cond3A_226 : i32
        scf.if %cond3A_227 {
          %dma_wait3A_239 = arith.constant 0 : i32
          %dma_wait3A_240 = arith.constant 0 : i32
          %dma_wait3A_241 = tpu.memref_slice %arg33[%dma_wait3A_239, %dma_wait3A_240] : memref<10240x128xf32, #tpu.memory_space<vmem_shared>> -> memref<10240x128xf32, #tpu.memory_space<vmem_shared>>
          tpu.wait_indirect_dma semaphore(%arg32 : memref<!tpu.dma_semaphore, #tpu.memory_space<semaphore_mem>>) src(%arg20 : memref<96x128xf32, #tpu.memory_space<vmem>>) dst(%dma_wait3A_241 : memref<10240x128xf32, #tpu.memory_space<vmem_shared>>)
        } else {
        }
        %dma_wait3A_228 = arith.constant 0 : i32
        %dma_wait3A_229 = tpu.memref_slice %arg3[%dma_wait3A_228] : memref<884736xi32, #tpu.memory_space<hbm>> -> memref<96xi32, #tpu.memory_space<hbm>>
        %dma_wait3A_230 = arith.constant 0 : i32
        %dma_wait3A_231 = tpu.memref_slice %arg3[%dma_wait3A_230] : memref<884736xi32, #tpu.memory_space<hbm>> -> memref<96xi32, #tpu.memory_space<hbm>>
        tpu.wait_dma2 semaphore(%arg23 : memref<!tpu.dma_semaphore, #tpu.memory_space<semaphore_mem>>) src(%dma_wait3A_231 : memref<96xi32, #tpu.memory_space<hbm>>) dst(%arg8 : memref<96xi32, #tpu.memory_space<vmem>>)
        %dma_wait3A_232 = arith.constant 0 : i32
        %dma_wait3A_233 = tpu.memref_slice %arg3[%dma_wait3A_232] : memref<884736xi32, #tpu.memory_space<hbm>> -> memref<96xi32, #tpu.memory_space<hbm>>
        %dma_wait3A_234 = arith.constant 0 : i32
        %dma_wait3A_235 = tpu.memref_slice %arg3[%dma_wait3A_234] : memref<884736xi32, #tpu.memory_space<hbm>> -> memref<96xi32, #tpu.memory_space<hbm>>
        tpu.wait_dma2 semaphore(%arg23 : memref<!tpu.dma_semaphore, #tpu.memory_space<semaphore_mem>>) src(%dma_wait3A_235 : memref<96xi32, #tpu.memory_space<hbm>>) dst(%arg14 : memref<96xi32, #tpu.memory_space<vmem>>)
        %dma_start3A_236 = arith.constant 0 : i32
        %dma_start3A_237 = arith.constant 0 : i32
        %dma_start3A_238 = tpu.memref_slice %arg2[%dma_start3A_236, %dma_start3A_237] : memref<10000x128xf32, #tpu.memory_space<hbm>> -> memref<10000x128xf32, #tpu.memory_space<hbm>>
        tpu.enqueue_indirect_dma source(%dma_start3A_238 : memref<10000x128xf32, #tpu.memory_space<hbm>>) target(%arg20 : memref<96x128xf32, #tpu.memory_space<vmem>>) offsets(%arg8 : memref<96xi32, #tpu.memory_space<vmem>>) semaphore(%arg29 : memref<!tpu.dma_semaphore, #tpu.memory_space<semaphore_mem>>)
      } else {
      }
      %dma_wait3A_106 = arith.constant 0 : i32
      %dma_wait3A_107 = arith.constant 0 : i32
      %dma_wait3A_108 = tpu.memref_slice %arg2[%dma_wait3A_106, %dma_wait3A_107] : memref<10000x128xf32, #tpu.memory_space<hbm>> -> memref<10000x128xf32, #tpu.memory_space<hbm>>
      tpu.wait_indirect_dma semaphore(%arg27 : memref<!tpu.dma_semaphore, #tpu.memory_space<semaphore_mem>>) src(%dma_wait3A_108 : memref<10000x128xf32, #tpu.memory_space<hbm>>) dst(%arg18 : memref<96x128xf32, #tpu.memory_space<vmem>>)
      %dma_start3A_109 = arith.constant 0 : i32
      %dma_start3A_110 = arith.constant 0 : i32
      %dma_start3A_111 = tpu.memref_slice %arg33[%dma_start3A_109, %dma_start3A_110] : memref<10240x128xf32, #tpu.memory_space<vmem_shared>> -> memref<10240x128xf32, #tpu.memory_space<vmem_shared>>
      tpu.enqueue_indirect_dma source(%arg18 : memref<96x128xf32, #tpu.memory_space<vmem>>) target(%dma_start3A_111 : memref<10240x128xf32, #tpu.memory_space<vmem_shared>>) offsets(%arg12 : memref<96xi32, #tpu.memory_space<vmem>>) semaphore(%arg30 : memref<!tpu.dma_semaphore, #tpu.memory_space<semaphore_mem>>) {add = true}
      %mul3A_112 = arith.constant 6 : i32
      %mul3A_113 = arith.muli %while3A_92, %mul3A_112 : i32
      %add3A_114 = arith.constant 1 : i32
      %add3A_115 = arith.addi %mul3A_113, %add3A_114 : i32
      %add3A_116 = arith.constant 4 : i32
      %add3A_117 = arith.addi %add3A_115, %add3A_116 : i32
      %lt3A_118 = arith.cmpi slt, %add3A_117, %mul3A_9 : i32
      %convert_element_type3A_119 = arith.extui %lt3A_118 : i1 to i32
      %cond3A_120 = arith.constant 0 : i32
      %cond3A_121 = arith.cmpi ne, %convert_element_type3A_119, %cond3A_120 : i32
      scf.if %cond3A_121 {
        %add3A_222 = arith.constant 4 : i32
        %add3A_223 = arith.addi %add3A_115, %add3A_222 : i32
        %mul3A_224 = arith.constant 96 : i32
        %mul3A_225 = arith.muli %mul3A_224, %add3A_223 : i32
        %add3A_226 = arith.addi %mul3A_13, %mul3A_225 : i32
        %dma_start3A_227 = tpu.memref_slice %arg3[%add3A_226] : memref<884736xi32, #tpu.memory_space<hbm>> -> memref<96xi32, #tpu.memory_space<hbm>>
        %dma_start3A_228 = tpu.memref_slice %arg3[%add3A_226] : memref<884736xi32, #tpu.memory_space<hbm>> -> memref<96xi32, #tpu.memory_space<hbm>>
        tpu.enqueue_dma source(%dma_start3A_228 : memref<96xi32, #tpu.memory_space<hbm>>) target(%arg11 : memref<96xi32, #tpu.memory_space<vmem>>) target_semaphore(%arg26 : memref<!tpu.dma_semaphore, #tpu.memory_space<semaphore_mem>>)
        %add3A_229 = arith.addi %mul3A_13, %select_n3A : i32
        %mul3A_230 = arith.constant 96 : i32
        %mul3A_231 = arith.muli %mul3A_230, %add3A_223 : i32
        %add3A_232 = arith.addi %add3A_229, %mul3A_231 : i32
        %dma_start3A_233 = tpu.memref_slice %arg3[%add3A_232] : memref<884736xi32, #tpu.memory_space<hbm>> -> memref<96xi32, #tpu.memory_space<hbm>>
        %dma_start3A_234 = tpu.memref_slice %arg3[%add3A_232] : memref<884736xi32, #tpu.memory_space<hbm>> -> memref<96xi32, #tpu.memory_space<hbm>>
        tpu.enqueue_dma source(%dma_start3A_234 : memref<96xi32, #tpu.memory_space<hbm>>) target(%arg17 : memref<96xi32, #tpu.memory_space<vmem>>) target_semaphore(%arg26 : memref<!tpu.dma_semaphore, #tpu.memory_space<semaphore_mem>>)
      } else {
      }
      %add3A_122 = arith.constant 2 : i32
      %add3A_123 = arith.addi %add3A_115, %add3A_122 : i32
      %lt3A_124 = arith.cmpi slt, %add3A_123, %mul3A_9 : i32
      %convert_element_type3A_125 = arith.extui %lt3A_124 : i1 to i32
      %cond3A_126 = arith.constant 0 : i32
      %cond3A_127 = arith.cmpi ne, %convert_element_type3A_125, %cond3A_126 : i32
      scf.if %cond3A_127 {
        %add3A_222 = arith.constant 2 : i32
        %add3A_223 = arith.addi %add3A_115, %add3A_222 : i32
        %ge3A = arith.constant 3 : i32
        %ge3A_224 = arith.cmpi sge, %add3A_223, %ge3A : i32
        %convert_element_type3A_225 = arith.extui %ge3A_224 : i1 to i32
        %cond3A_226 = arith.constant 0 : i32
        %cond3A_227 = arith.cmpi ne, %convert_element_type3A_225, %cond3A_226 : i32
        scf.if %cond3A_227 {
          %dma_wait3A_239 = arith.constant 0 : i32
          %dma_wait3A_240 = arith.constant 0 : i32
          %dma_wait3A_241 = tpu.memref_slice %arg33[%dma_wait3A_239, %dma_wait3A_240] : memref<10240x128xf32, #tpu.memory_space<vmem_shared>> -> memref<10240x128xf32, #tpu.memory_space<vmem_shared>>
          tpu.wait_indirect_dma semaphore(%arg30 : memref<!tpu.dma_semaphore, #tpu.memory_space<semaphore_mem>>) src(%arg18 : memref<96x128xf32, #tpu.memory_space<vmem>>) dst(%dma_wait3A_241 : memref<10240x128xf32, #tpu.memory_space<vmem_shared>>)
        } else {
        }
        %dma_wait3A_228 = arith.constant 0 : i32
        %dma_wait3A_229 = tpu.memref_slice %arg3[%dma_wait3A_228] : memref<884736xi32, #tpu.memory_space<hbm>> -> memref<96xi32, #tpu.memory_space<hbm>>
        %dma_wait3A_230 = arith.constant 0 : i32
        %dma_wait3A_231 = tpu.memref_slice %arg3[%dma_wait3A_230] : memref<884736xi32, #tpu.memory_space<hbm>> -> memref<96xi32, #tpu.memory_space<hbm>>
        tpu.wait_dma2 semaphore(%arg24 : memref<!tpu.dma_semaphore, #tpu.memory_space<semaphore_mem>>) src(%dma_wait3A_231 : memref<96xi32, #tpu.memory_space<hbm>>) dst(%arg9 : memref<96xi32, #tpu.memory_space<vmem>>)
        %dma_wait3A_232 = arith.constant 0 : i32
        %dma_wait3A_233 = tpu.memref_slice %arg3[%dma_wait3A_232] : memref<884736xi32, #tpu.memory_space<hbm>> -> memref<96xi32, #tpu.memory_space<hbm>>
        %dma_wait3A_234 = arith.constant 0 : i32
        %dma_wait3A_235 = tpu.memref_slice %arg3[%dma_wait3A_234] : memref<884736xi32, #tpu.memory_space<hbm>> -> memref<96xi32, #tpu.memory_space<hbm>>
        tpu.wait_dma2 semaphore(%arg24 : memref<!tpu.dma_semaphore, #tpu.memory_space<semaphore_mem>>) src(%dma_wait3A_235 : memref<96xi32, #tpu.memory_space<hbm>>) dst(%arg15 : memref<96xi32, #tpu.memory_space<vmem>>)
        %dma_start3A_236 = arith.constant 0 : i32
        %dma_start3A_237 = arith.constant 0 : i32
        %dma_start3A_238 = tpu.memref_slice %arg2[%dma_start3A_236, %dma_start3A_237] : memref<10000x128xf32, #tpu.memory_space<hbm>> -> memref<10000x128xf32, #tpu.memory_space<hbm>>
        tpu.enqueue_indirect_dma source(%dma_start3A_238 : memref<10000x128xf32, #tpu.memory_space<hbm>>) target(%arg18 : memref<96x128xf32, #tpu.memory_space<vmem>>) offsets(%arg9 : memref<96xi32, #tpu.memory_space<vmem>>) semaphore(%arg27 : memref<!tpu.dma_semaphore, #tpu.memory_space<semaphore_mem>>)
      } else {
      }
      %dma_wait3A_128 = arith.constant 0 : i32
      %dma_wait3A_129 = arith.constant 0 : i32
      %dma_wait3A_130 = tpu.memref_slice %arg2[%dma_wait3A_128, %dma_wait3A_129] : memref<10000x128xf32, #tpu.memory_space<hbm>> -> memref<10000x128xf32, #tpu.memory_space<hbm>>
      tpu.wait_indirect_dma semaphore(%arg28 : memref<!tpu.dma_semaphore, #tpu.memory_space<semaphore_mem>>) src(%dma_wait3A_130 : memref<10000x128xf32, #tpu.memory_space<hbm>>) dst(%arg19 : memref<96x128xf32, #tpu.memory_space<vmem>>)
      %dma_start3A_131 = arith.constant 0 : i32
      %dma_start3A_132 = arith.constant 0 : i32
      %dma_start3A_133 = tpu.memref_slice %arg33[%dma_start3A_131, %dma_start3A_132] : memref<10240x128xf32, #tpu.memory_space<vmem_shared>> -> memref<10240x128xf32, #tpu.memory_space<vmem_shared>>
      tpu.enqueue_indirect_dma source(%arg19 : memref<96x128xf32, #tpu.memory_space<vmem>>) target(%dma_start3A_133 : memref<10240x128xf32, #tpu.memory_space<vmem_shared>>) offsets(%arg13 : memref<96xi32, #tpu.memory_space<vmem>>) semaphore(%arg31 : memref<!tpu.dma_semaphore, #tpu.memory_space<semaphore_mem>>) {add = true}
      %mul3A_134 = arith.constant 6 : i32
      %mul3A_135 = arith.muli %while3A_92, %mul3A_134 : i32
      %add3A_136 = arith.constant 2 : i32
      %add3A_137 = arith.addi %mul3A_135, %add3A_136 : i32
      %add3A_138 = arith.constant 4 : i32
      %add3A_139 = arith.addi %add3A_137, %add3A_138 : i32
      %lt3A_140 = arith.cmpi slt, %add3A_139, %mul3A_9 : i32
      %convert_element_type3A_141 = arith.extui %lt3A_140 : i1 to i32
      %cond3A_142 = arith.constant 0 : i32
      %cond3A_143 = arith.cmpi ne, %convert_element_type3A_141, %cond3A_142 : i32
      scf.if %cond3A_143 {
        %add3A_222 = arith.constant 4 : i32
        %add3A_223 = arith.addi %add3A_137, %add3A_222 : i32
        %mul3A_224 = arith.constant 96 : i32
        %mul3A_225 = arith.muli %mul3A_224, %add3A_223 : i32
        %add3A_226 = arith.addi %mul3A_13, %mul3A_225 : i32
        %dma_start3A_227 = tpu.memref_slice %arg3[%add3A_226] : memref<884736xi32, #tpu.memory_space<hbm>> -> memref<96xi32, #tpu.memory_space<hbm>>
        %dma_start3A_228 = tpu.memref_slice %arg3[%add3A_226] : memref<884736xi32, #tpu.memory_space<hbm>> -> memref<96xi32, #tpu.memory_space<hbm>>
        tpu.enqueue_dma source(%dma_start3A_228 : memref<96xi32, #tpu.memory_space<hbm>>) target(%arg6 : memref<96xi32, #tpu.memory_space<vmem>>) target_semaphore(%arg21 : memref<!tpu.dma_semaphore, #tpu.memory_space<semaphore_mem>>)
        %add3A_229 = arith.addi %mul3A_13, %select_n3A : i32
        %mul3A_230 = arith.constant 96 : i32
        %mul3A_231 = arith.muli %mul3A_230, %add3A_223 : i32
        %add3A_232 = arith.addi %add3A_229, %mul3A_231 : i32
        %dma_start3A_233 = tpu.memref_slice %arg3[%add3A_232] : memref<884736xi32, #tpu.memory_space<hbm>> -> memref<96xi32, #tpu.memory_space<hbm>>
        %dma_start3A_234 = tpu.memref_slice %arg3[%add3A_232] : memref<884736xi32, #tpu.memory_space<hbm>> -> memref<96xi32, #tpu.memory_space<hbm>>
        tpu.enqueue_dma source(%dma_start3A_234 : memref<96xi32, #tpu.memory_space<hbm>>) target(%arg12 : memref<96xi32, #tpu.memory_space<vmem>>) target_semaphore(%arg21 : memref<!tpu.dma_semaphore, #tpu.memory_space<semaphore_mem>>)
      } else {
      }
      %add3A_144 = arith.constant 2 : i32
      %add3A_145 = arith.addi %add3A_137, %add3A_144 : i32
      %lt3A_146 = arith.cmpi slt, %add3A_145, %mul3A_9 : i32
      %convert_element_type3A_147 = arith.extui %lt3A_146 : i1 to i32
      %cond3A_148 = arith.constant 0 : i32
      %cond3A_149 = arith.cmpi ne, %convert_element_type3A_147, %cond3A_148 : i32
      scf.if %cond3A_149 {
        %add3A_222 = arith.constant 2 : i32
        %add3A_223 = arith.addi %add3A_137, %add3A_222 : i32
        %ge3A = arith.constant 3 : i32
        %ge3A_224 = arith.cmpi sge, %add3A_223, %ge3A : i32
        %convert_element_type3A_225 = arith.extui %ge3A_224 : i1 to i32
        %cond3A_226 = arith.constant 0 : i32
        %cond3A_227 = arith.cmpi ne, %convert_element_type3A_225, %cond3A_226 : i32
        scf.if %cond3A_227 {
          %dma_wait3A_239 = arith.constant 0 : i32
          %dma_wait3A_240 = arith.constant 0 : i32
          %dma_wait3A_241 = tpu.memref_slice %arg33[%dma_wait3A_239, %dma_wait3A_240] : memref<10240x128xf32, #tpu.memory_space<vmem_shared>> -> memref<10240x128xf32, #tpu.memory_space<vmem_shared>>
          tpu.wait_indirect_dma semaphore(%arg31 : memref<!tpu.dma_semaphore, #tpu.memory_space<semaphore_mem>>) src(%arg19 : memref<96x128xf32, #tpu.memory_space<vmem>>) dst(%dma_wait3A_241 : memref<10240x128xf32, #tpu.memory_space<vmem_shared>>)
        } else {
        }
        %dma_wait3A_228 = arith.constant 0 : i32
        %dma_wait3A_229 = tpu.memref_slice %arg3[%dma_wait3A_228] : memref<884736xi32, #tpu.memory_space<hbm>> -> memref<96xi32, #tpu.memory_space<hbm>>
        %dma_wait3A_230 = arith.constant 0 : i32
        %dma_wait3A_231 = tpu.memref_slice %arg3[%dma_wait3A_230] : memref<884736xi32, #tpu.memory_space<hbm>> -> memref<96xi32, #tpu.memory_space<hbm>>
        tpu.wait_dma2 semaphore(%arg25 : memref<!tpu.dma_semaphore, #tpu.memory_space<semaphore_mem>>) src(%dma_wait3A_231 : memref<96xi32, #tpu.memory_space<hbm>>) dst(%arg10 : memref<96xi32, #tpu.memory_space<vmem>>)
        %dma_wait3A_232 = arith.constant 0 : i32
        %dma_wait3A_233 = tpu.memref_slice %arg3[%dma_wait3A_232] : memref<884736xi32, #tpu.memory_space<hbm>> -> memref<96xi32, #tpu.memory_space<hbm>>
        %dma_wait3A_234 = arith.constant 0 : i32
        %dma_wait3A_235 = tpu.memref_slice %arg3[%dma_wait3A_234] : memref<884736xi32, #tpu.memory_space<hbm>> -> memref<96xi32, #tpu.memory_space<hbm>>
        tpu.wait_dma2 semaphore(%arg25 : memref<!tpu.dma_semaphore, #tpu.memory_space<semaphore_mem>>) src(%dma_wait3A_235 : memref<96xi32, #tpu.memory_space<hbm>>) dst(%arg16 : memref<96xi32, #tpu.memory_space<vmem>>)
        %dma_start3A_236 = arith.constant 0 : i32
        %dma_start3A_237 = arith.constant 0 : i32
        %dma_start3A_238 = tpu.memref_slice %arg2[%dma_start3A_236, %dma_start3A_237] : memref<10000x128xf32, #tpu.memory_space<hbm>> -> memref<10000x128xf32, #tpu.memory_space<hbm>>
        tpu.enqueue_indirect_dma source(%dma_start3A_238 : memref<10000x128xf32, #tpu.memory_space<hbm>>) target(%arg19 : memref<96x128xf32, #tpu.memory_space<vmem>>) offsets(%arg10 : memref<96xi32, #tpu.memory_space<vmem>>) semaphore(%arg28 : memref<!tpu.dma_semaphore, #tpu.memory_space<semaphore_mem>>)
      } else {
      }
      %dma_wait3A_150 = arith.constant 0 : i32
      %dma_wait3A_151 = arith.constant 0 : i32
      %dma_wait3A_152 = tpu.memref_slice %arg2[%dma_wait3A_150, %dma_wait3A_151] : memref<10000x128xf32, #tpu.memory_space<hbm>> -> memref<10000x128xf32, #tpu.memory_space<hbm>>
      tpu.wait_indirect_dma semaphore(%arg29 : memref<!tpu.dma_semaphore, #tpu.memory_space<semaphore_mem>>) src(%dma_wait3A_152 : memref<10000x128xf32, #tpu.memory_space<hbm>>) dst(%arg20 : memref<96x128xf32, #tpu.memory_space<vmem>>)
      %dma_start3A_153 = arith.constant 0 : i32
      %dma_start3A_154 = arith.constant 0 : i32
      %dma_start3A_155 = tpu.memref_slice %arg33[%dma_start3A_153, %dma_start3A_154] : memref<10240x128xf32, #tpu.memory_space<vmem_shared>> -> memref<10240x128xf32, #tpu.memory_space<vmem_shared>>
      tpu.enqueue_indirect_dma source(%arg20 : memref<96x128xf32, #tpu.memory_space<vmem>>) target(%dma_start3A_155 : memref<10240x128xf32, #tpu.memory_space<vmem_shared>>) offsets(%arg14 : memref<96xi32, #tpu.memory_space<vmem>>) semaphore(%arg32 : memref<!tpu.dma_semaphore, #tpu.memory_space<semaphore_mem>>) {add = true}
      %mul3A_156 = arith.constant 6 : i32
      %mul3A_157 = arith.muli %while3A_92, %mul3A_156 : i32
      %add3A_158 = arith.constant 3 : i32
      %add3A_159 = arith.addi %mul3A_157, %add3A_158 : i32
      %add3A_160 = arith.constant 4 : i32
      %add3A_161 = arith.addi %add3A_159, %add3A_160 : i32
      %lt3A_162 = arith.cmpi slt, %add3A_161, %mul3A_9 : i32
      %convert_element_type3A_163 = arith.extui %lt3A_162 : i1 to i32
      %cond3A_164 = arith.constant 0 : i32
      %cond3A_165 = arith.cmpi ne, %convert_element_type3A_163, %cond3A_164 : i32
      scf.if %cond3A_165 {
        %add3A_222 = arith.constant 4 : i32
        %add3A_223 = arith.addi %add3A_159, %add3A_222 : i32
        %mul3A_224 = arith.constant 96 : i32
        %mul3A_225 = arith.muli %mul3A_224, %add3A_223 : i32
        %add3A_226 = arith.addi %mul3A_13, %mul3A_225 : i32
        %dma_start3A_227 = tpu.memref_slice %arg3[%add3A_226] : memref<884736xi32, #tpu.memory_space<hbm>> -> memref<96xi32, #tpu.memory_space<hbm>>
        %dma_start3A_228 = tpu.memref_slice %arg3[%add3A_226] : memref<884736xi32, #tpu.memory_space<hbm>> -> memref<96xi32, #tpu.memory_space<hbm>>
        tpu.enqueue_dma source(%dma_start3A_228 : memref<96xi32, #tpu.memory_space<hbm>>) target(%arg7 : memref<96xi32, #tpu.memory_space<vmem>>) target_semaphore(%arg22 : memref<!tpu.dma_semaphore, #tpu.memory_space<semaphore_mem>>)
        %add3A_229 = arith.addi %mul3A_13, %select_n3A : i32
        %mul3A_230 = arith.constant 96 : i32
        %mul3A_231 = arith.muli %mul3A_230, %add3A_223 : i32
        %add3A_232 = arith.addi %add3A_229, %mul3A_231 : i32
        %dma_start3A_233 = tpu.memref_slice %arg3[%add3A_232] : memref<884736xi32, #tpu.memory_space<hbm>> -> memref<96xi32, #tpu.memory_space<hbm>>
        %dma_start3A_234 = tpu.memref_slice %arg3[%add3A_232] : memref<884736xi32, #tpu.memory_space<hbm>> -> memref<96xi32, #tpu.memory_space<hbm>>
        tpu.enqueue_dma source(%dma_start3A_234 : memref<96xi32, #tpu.memory_space<hbm>>) target(%arg13 : memref<96xi32, #tpu.memory_space<vmem>>) target_semaphore(%arg22 : memref<!tpu.dma_semaphore, #tpu.memory_space<semaphore_mem>>)
      } else {
      }
      %add3A_166 = arith.constant 2 : i32
      %add3A_167 = arith.addi %add3A_159, %add3A_166 : i32
      %lt3A_168 = arith.cmpi slt, %add3A_167, %mul3A_9 : i32
      %convert_element_type3A_169 = arith.extui %lt3A_168 : i1 to i32
      %cond3A_170 = arith.constant 0 : i32
      %cond3A_171 = arith.cmpi ne, %convert_element_type3A_169, %cond3A_170 : i32
      scf.if %cond3A_171 {
        %add3A_222 = arith.constant 2 : i32
        %add3A_223 = arith.addi %add3A_159, %add3A_222 : i32
        %ge3A = arith.constant 3 : i32
        %ge3A_224 = arith.cmpi sge, %add3A_223, %ge3A : i32
        %convert_element_type3A_225 = arith.extui %ge3A_224 : i1 to i32
        %cond3A_226 = arith.constant 0 : i32
        %cond3A_227 = arith.cmpi ne, %convert_element_type3A_225, %cond3A_226 : i32
        scf.if %cond3A_227 {
          %dma_wait3A_239 = arith.constant 0 : i32
          %dma_wait3A_240 = arith.constant 0 : i32
          %dma_wait3A_241 = tpu.memref_slice %arg33[%dma_wait3A_239, %dma_wait3A_240] : memref<10240x128xf32, #tpu.memory_space<vmem_shared>> -> memref<10240x128xf32, #tpu.memory_space<vmem_shared>>
          tpu.wait_indirect_dma semaphore(%arg32 : memref<!tpu.dma_semaphore, #tpu.memory_space<semaphore_mem>>) src(%arg20 : memref<96x128xf32, #tpu.memory_space<vmem>>) dst(%dma_wait3A_241 : memref<10240x128xf32, #tpu.memory_space<vmem_shared>>)
        } else {
        }
        %dma_wait3A_228 = arith.constant 0 : i32
        %dma_wait3A_229 = tpu.memref_slice %arg3[%dma_wait3A_228] : memref<884736xi32, #tpu.memory_space<hbm>> -> memref<96xi32, #tpu.memory_space<hbm>>
        %dma_wait3A_230 = arith.constant 0 : i32
        %dma_wait3A_231 = tpu.memref_slice %arg3[%dma_wait3A_230] : memref<884736xi32, #tpu.memory_space<hbm>> -> memref<96xi32, #tpu.memory_space<hbm>>
        tpu.wait_dma2 semaphore(%arg26 : memref<!tpu.dma_semaphore, #tpu.memory_space<semaphore_mem>>) src(%dma_wait3A_231 : memref<96xi32, #tpu.memory_space<hbm>>) dst(%arg11 : memref<96xi32, #tpu.memory_space<vmem>>)
        %dma_wait3A_232 = arith.constant 0 : i32
        %dma_wait3A_233 = tpu.memref_slice %arg3[%dma_wait3A_232] : memref<884736xi32, #tpu.memory_space<hbm>> -> memref<96xi32, #tpu.memory_space<hbm>>
        %dma_wait3A_234 = arith.constant 0 : i32
        %dma_wait3A_235 = tpu.memref_slice %arg3[%dma_wait3A_234] : memref<884736xi32, #tpu.memory_space<hbm>> -> memref<96xi32, #tpu.memory_space<hbm>>
        tpu.wait_dma2 semaphore(%arg26 : memref<!tpu.dma_semaphore, #tpu.memory_space<semaphore_mem>>) src(%dma_wait3A_235 : memref<96xi32, #tpu.memory_space<hbm>>) dst(%arg17 : memref<96xi32, #tpu.memory_space<vmem>>)
        %dma_start3A_236 = arith.constant 0 : i32
        %dma_start3A_237 = arith.constant 0 : i32
        %dma_start3A_238 = tpu.memref_slice %arg2[%dma_start3A_236, %dma_start3A_237] : memref<10000x128xf32, #tpu.memory_space<hbm>> -> memref<10000x128xf32, #tpu.memory_space<hbm>>
        tpu.enqueue_indirect_dma source(%dma_start3A_238 : memref<10000x128xf32, #tpu.memory_space<hbm>>) target(%arg20 : memref<96x128xf32, #tpu.memory_space<vmem>>) offsets(%arg11 : memref<96xi32, #tpu.memory_space<vmem>>) semaphore(%arg29 : memref<!tpu.dma_semaphore, #tpu.memory_space<semaphore_mem>>)
      } else {
      }
      %dma_wait3A_172 = arith.constant 0 : i32
      %dma_wait3A_173 = arith.constant 0 : i32
      %dma_wait3A_174 = tpu.memref_slice %arg2[%dma_wait3A_172, %dma_wait3A_173] : memref<10000x128xf32, #tpu.memory_space<hbm>> -> memref<10000x128xf32, #tpu.memory_space<hbm>>
      tpu.wait_indirect_dma semaphore(%arg27 : memref<!tpu.dma_semaphore, #tpu.memory_space<semaphore_mem>>) src(%dma_wait3A_174 : memref<10000x128xf32, #tpu.memory_space<hbm>>) dst(%arg18 : memref<96x128xf32, #tpu.memory_space<vmem>>)
      %dma_start3A_175 = arith.constant 0 : i32
      %dma_start3A_176 = arith.constant 0 : i32
      %dma_start3A_177 = tpu.memref_slice %arg33[%dma_start3A_175, %dma_start3A_176] : memref<10240x128xf32, #tpu.memory_space<vmem_shared>> -> memref<10240x128xf32, #tpu.memory_space<vmem_shared>>
      tpu.enqueue_indirect_dma source(%arg18 : memref<96x128xf32, #tpu.memory_space<vmem>>) target(%dma_start3A_177 : memref<10240x128xf32, #tpu.memory_space<vmem_shared>>) offsets(%arg15 : memref<96xi32, #tpu.memory_space<vmem>>) semaphore(%arg30 : memref<!tpu.dma_semaphore, #tpu.memory_space<semaphore_mem>>) {add = true}
      %mul3A_178 = arith.constant 6 : i32
      %mul3A_179 = arith.muli %while3A_92, %mul3A_178 : i32
      %add3A_180 = arith.constant 4 : i32
      %add3A_181 = arith.addi %mul3A_179, %add3A_180 : i32
      %add3A_182 = arith.constant 4 : i32
      %add3A_183 = arith.addi %add3A_181, %add3A_182 : i32
      %lt3A_184 = arith.cmpi slt, %add3A_183, %mul3A_9 : i32
      %convert_element_type3A_185 = arith.extui %lt3A_184 : i1 to i32
      %cond3A_186 = arith.constant 0 : i32
      %cond3A_187 = arith.cmpi ne, %convert_element_type3A_185, %cond3A_186 : i32
      scf.if %cond3A_187 {
        %add3A_222 = arith.constant 4 : i32
        %add3A_223 = arith.addi %add3A_181, %add3A_222 : i32
        %mul3A_224 = arith.constant 96 : i32
        %mul3A_225 = arith.muli %mul3A_224, %add3A_223 : i32
        %add3A_226 = arith.addi %mul3A_13, %mul3A_225 : i32
        %dma_start3A_227 = tpu.memref_slice %arg3[%add3A_226] : memref<884736xi32, #tpu.memory_space<hbm>> -> memref<96xi32, #tpu.memory_space<hbm>>
        %dma_start3A_228 = tpu.memref_slice %arg3[%add3A_226] : memref<884736xi32, #tpu.memory_space<hbm>> -> memref<96xi32, #tpu.memory_space<hbm>>
        tpu.enqueue_dma source(%dma_start3A_228 : memref<96xi32, #tpu.memory_space<hbm>>) target(%arg8 : memref<96xi32, #tpu.memory_space<vmem>>) target_semaphore(%arg23 : memref<!tpu.dma_semaphore, #tpu.memory_space<semaphore_mem>>)
        %add3A_229 = arith.addi %mul3A_13, %select_n3A : i32
        %mul3A_230 = arith.constant 96 : i32
        %mul3A_231 = arith.muli %mul3A_230, %add3A_223 : i32
        %add3A_232 = arith.addi %add3A_229, %mul3A_231 : i32
        %dma_start3A_233 = tpu.memref_slice %arg3[%add3A_232] : memref<884736xi32, #tpu.memory_space<hbm>> -> memref<96xi32, #tpu.memory_space<hbm>>
        %dma_start3A_234 = tpu.memref_slice %arg3[%add3A_232] : memref<884736xi32, #tpu.memory_space<hbm>> -> memref<96xi32, #tpu.memory_space<hbm>>
        tpu.enqueue_dma source(%dma_start3A_234 : memref<96xi32, #tpu.memory_space<hbm>>) target(%arg14 : memref<96xi32, #tpu.memory_space<vmem>>) target_semaphore(%arg23 : memref<!tpu.dma_semaphore, #tpu.memory_space<semaphore_mem>>)
      } else {
      }
      %add3A_188 = arith.constant 2 : i32
      %add3A_189 = arith.addi %add3A_181, %add3A_188 : i32
      %lt3A_190 = arith.cmpi slt, %add3A_189, %mul3A_9 : i32
      %convert_element_type3A_191 = arith.extui %lt3A_190 : i1 to i32
      %cond3A_192 = arith.constant 0 : i32
      %cond3A_193 = arith.cmpi ne, %convert_element_type3A_191, %cond3A_192 : i32
      scf.if %cond3A_193 {
        %add3A_222 = arith.constant 2 : i32
        %add3A_223 = arith.addi %add3A_181, %add3A_222 : i32
        %ge3A = arith.constant 3 : i32
        %ge3A_224 = arith.cmpi sge, %add3A_223, %ge3A : i32
        %convert_element_type3A_225 = arith.extui %ge3A_224 : i1 to i32
        %cond3A_226 = arith.constant 0 : i32
        %cond3A_227 = arith.cmpi ne, %convert_element_type3A_225, %cond3A_226 : i32
        scf.if %cond3A_227 {
          %dma_wait3A_239 = arith.constant 0 : i32
          %dma_wait3A_240 = arith.constant 0 : i32
          %dma_wait3A_241 = tpu.memref_slice %arg33[%dma_wait3A_239, %dma_wait3A_240] : memref<10240x128xf32, #tpu.memory_space<vmem_shared>> -> memref<10240x128xf32, #tpu.memory_space<vmem_shared>>
          tpu.wait_indirect_dma semaphore(%arg30 : memref<!tpu.dma_semaphore, #tpu.memory_space<semaphore_mem>>) src(%arg18 : memref<96x128xf32, #tpu.memory_space<vmem>>) dst(%dma_wait3A_241 : memref<10240x128xf32, #tpu.memory_space<vmem_shared>>)
        } else {
        }
        %dma_wait3A_228 = arith.constant 0 : i32
        %dma_wait3A_229 = tpu.memref_slice %arg3[%dma_wait3A_228] : memref<884736xi32, #tpu.memory_space<hbm>> -> memref<96xi32, #tpu.memory_space<hbm>>
        %dma_wait3A_230 = arith.constant 0 : i32
        %dma_wait3A_231 = tpu.memref_slice %arg3[%dma_wait3A_230] : memref<884736xi32, #tpu.memory_space<hbm>> -> memref<96xi32, #tpu.memory_space<hbm>>
        tpu.wait_dma2 semaphore(%arg21 : memref<!tpu.dma_semaphore, #tpu.memory_space<semaphore_mem>>) src(%dma_wait3A_231 : memref<96xi32, #tpu.memory_space<hbm>>) dst(%arg6 : memref<96xi32, #tpu.memory_space<vmem>>)
        %dma_wait3A_232 = arith.constant 0 : i32
        %dma_wait3A_233 = tpu.memref_slice %arg3[%dma_wait3A_232] : memref<884736xi32, #tpu.memory_space<hbm>> -> memref<96xi32, #tpu.memory_space<hbm>>
        %dma_wait3A_234 = arith.constant 0 : i32
        %dma_wait3A_235 = tpu.memref_slice %arg3[%dma_wait3A_234] : memref<884736xi32, #tpu.memory_space<hbm>> -> memref<96xi32, #tpu.memory_space<hbm>>
        tpu.wait_dma2 semaphore(%arg21 : memref<!tpu.dma_semaphore, #tpu.memory_space<semaphore_mem>>) src(%dma_wait3A_235 : memref<96xi32, #tpu.memory_space<hbm>>) dst(%arg12 : memref<96xi32, #tpu.memory_space<vmem>>)
        %dma_start3A_236 = arith.constant 0 : i32
        %dma_start3A_237 = arith.constant 0 : i32
        %dma_start3A_238 = tpu.memref_slice %arg2[%dma_start3A_236, %dma_start3A_237] : memref<10000x128xf32, #tpu.memory_space<hbm>> -> memref<10000x128xf32, #tpu.memory_space<hbm>>
        tpu.enqueue_indirect_dma source(%dma_start3A_238 : memref<10000x128xf32, #tpu.memory_space<hbm>>) target(%arg18 : memref<96x128xf32, #tpu.memory_space<vmem>>) offsets(%arg6 : memref<96xi32, #tpu.memory_space<vmem>>) semaphore(%arg27 : memref<!tpu.dma_semaphore, #tpu.memory_space<semaphore_mem>>)
      } else {
      }
      %dma_wait3A_194 = arith.constant 0 : i32
      %dma_wait3A_195 = arith.constant 0 : i32
      %dma_wait3A_196 = tpu.memref_slice %arg2[%dma_wait3A_194, %dma_wait3A_195] : memref<10000x128xf32, #tpu.memory_space<hbm>> -> memref<10000x128xf32, #tpu.memory_space<hbm>>
      tpu.wait_indirect_dma semaphore(%arg28 : memref<!tpu.dma_semaphore, #tpu.memory_space<semaphore_mem>>) src(%dma_wait3A_196 : memref<10000x128xf32, #tpu.memory_space<hbm>>) dst(%arg19 : memref<96x128xf32, #tpu.memory_space<vmem>>)
      %dma_start3A_197 = arith.constant 0 : i32
      %dma_start3A_198 = arith.constant 0 : i32
      %dma_start3A_199 = tpu.memref_slice %arg33[%dma_start3A_197, %dma_start3A_198] : memref<10240x128xf32, #tpu.memory_space<vmem_shared>> -> memref<10240x128xf32, #tpu.memory_space<vmem_shared>>
      tpu.enqueue_indirect_dma source(%arg19 : memref<96x128xf32, #tpu.memory_space<vmem>>) target(%dma_start3A_199 : memref<10240x128xf32, #tpu.memory_space<vmem_shared>>) offsets(%arg16 : memref<96xi32, #tpu.memory_space<vmem>>) semaphore(%arg31 : memref<!tpu.dma_semaphore, #tpu.memory_space<semaphore_mem>>) {add = true}
      %mul3A_200 = arith.constant 6 : i32
      %mul3A_201 = arith.muli %while3A_92, %mul3A_200 : i32
      %add3A_202 = arith.constant 5 : i32
      %add3A_203 = arith.addi %mul3A_201, %add3A_202 : i32
      %add3A_204 = arith.constant 4 : i32
      %add3A_205 = arith.addi %add3A_203, %add3A_204 : i32
      %lt3A_206 = arith.cmpi slt, %add3A_205, %mul3A_9 : i32
      %convert_element_type3A_207 = arith.extui %lt3A_206 : i1 to i32
      %cond3A_208 = arith.constant 0 : i32
      %cond3A_209 = arith.cmpi ne, %convert_element_type3A_207, %cond3A_208 : i32
      scf.if %cond3A_209 {
        %add3A_222 = arith.constant 4 : i32
        %add3A_223 = arith.addi %add3A_203, %add3A_222 : i32
        %mul3A_224 = arith.constant 96 : i32
        %mul3A_225 = arith.muli %mul3A_224, %add3A_223 : i32
        %add3A_226 = arith.addi %mul3A_13, %mul3A_225 : i32
        %dma_start3A_227 = tpu.memref_slice %arg3[%add3A_226] : memref<884736xi32, #tpu.memory_space<hbm>> -> memref<96xi32, #tpu.memory_space<hbm>>
        %dma_start3A_228 = tpu.memref_slice %arg3[%add3A_226] : memref<884736xi32, #tpu.memory_space<hbm>> -> memref<96xi32, #tpu.memory_space<hbm>>
        tpu.enqueue_dma source(%dma_start3A_228 : memref<96xi32, #tpu.memory_space<hbm>>) target(%arg9 : memref<96xi32, #tpu.memory_space<vmem>>) target_semaphore(%arg24 : memref<!tpu.dma_semaphore, #tpu.memory_space<semaphore_mem>>)
        %add3A_229 = arith.addi %mul3A_13, %select_n3A : i32
        %mul3A_230 = arith.constant 96 : i32
        %mul3A_231 = arith.muli %mul3A_230, %add3A_223 : i32
        %add3A_232 = arith.addi %add3A_229, %mul3A_231 : i32
        %dma_start3A_233 = tpu.memref_slice %arg3[%add3A_232] : memref<884736xi32, #tpu.memory_space<hbm>> -> memref<96xi32, #tpu.memory_space<hbm>>
        %dma_start3A_234 = tpu.memref_slice %arg3[%add3A_232] : memref<884736xi32, #tpu.memory_space<hbm>> -> memref<96xi32, #tpu.memory_space<hbm>>
        tpu.enqueue_dma source(%dma_start3A_234 : memref<96xi32, #tpu.memory_space<hbm>>) target(%arg15 : memref<96xi32, #tpu.memory_space<vmem>>) target_semaphore(%arg24 : memref<!tpu.dma_semaphore, #tpu.memory_space<semaphore_mem>>)
      } else {
      }
      %add3A_210 = arith.constant 2 : i32
      %add3A_211 = arith.addi %add3A_203, %add3A_210 : i32
      %lt3A_212 = arith.cmpi slt, %add3A_211, %mul3A_9 : i32
      %convert_element_type3A_213 = arith.extui %lt3A_212 : i1 to i32
      %cond3A_214 = arith.constant 0 : i32
      %cond3A_215 = arith.cmpi ne, %convert_element_type3A_213, %cond3A_214 : i32
      scf.if %cond3A_215 {
        %add3A_222 = arith.constant 2 : i32
        %add3A_223 = arith.addi %add3A_203, %add3A_222 : i32
        %ge3A = arith.constant 3 : i32
        %ge3A_224 = arith.cmpi sge, %add3A_223, %ge3A : i32
        %convert_element_type3A_225 = arith.extui %ge3A_224 : i1 to i32
        %cond3A_226 = arith.constant 0 : i32
        %cond3A_227 = arith.cmpi ne, %convert_element_type3A_225, %cond3A_226 : i32
        scf.if %cond3A_227 {
          %dma_wait3A_239 = arith.constant 0 : i32
          %dma_wait3A_240 = arith.constant 0 : i32
          %dma_wait3A_241 = tpu.memref_slice %arg33[%dma_wait3A_239, %dma_wait3A_240] : memref<10240x128xf32, #tpu.memory_space<vmem_shared>> -> memref<10240x128xf32, #tpu.memory_space<vmem_shared>>
          tpu.wait_indirect_dma semaphore(%arg31 : memref<!tpu.dma_semaphore, #tpu.memory_space<semaphore_mem>>) src(%arg19 : memref<96x128xf32, #tpu.memory_space<vmem>>) dst(%dma_wait3A_241 : memref<10240x128xf32, #tpu.memory_space<vmem_shared>>)
        } else {
        }
        %dma_wait3A_228 = arith.constant 0 : i32
        %dma_wait3A_229 = tpu.memref_slice %arg3[%dma_wait3A_228] : memref<884736xi32, #tpu.memory_space<hbm>> -> memref<96xi32, #tpu.memory_space<hbm>>
        %dma_wait3A_230 = arith.constant 0 : i32
        %dma_wait3A_231 = tpu.memref_slice %arg3[%dma_wait3A_230] : memref<884736xi32, #tpu.memory_space<hbm>> -> memref<96xi32, #tpu.memory_space<hbm>>
        tpu.wait_dma2 semaphore(%arg22 : memref<!tpu.dma_semaphore, #tpu.memory_space<semaphore_mem>>) src(%dma_wait3A_231 : memref<96xi32, #tpu.memory_space<hbm>>) dst(%arg7 : memref<96xi32, #tpu.memory_space<vmem>>)
        %dma_wait3A_232 = arith.constant 0 : i32
        %dma_wait3A_233 = tpu.memref_slice %arg3[%dma_wait3A_232] : memref<884736xi32, #tpu.memory_space<hbm>> -> memref<96xi32, #tpu.memory_space<hbm>>
        %dma_wait3A_234 = arith.constant 0 : i32
        %dma_wait3A_235 = tpu.memref_slice %arg3[%dma_wait3A_234] : memref<884736xi32, #tpu.memory_space<hbm>> -> memref<96xi32, #tpu.memory_space<hbm>>
        tpu.wait_dma2 semaphore(%arg22 : memref<!tpu.dma_semaphore, #tpu.memory_space<semaphore_mem>>) src(%dma_wait3A_235 : memref<96xi32, #tpu.memory_space<hbm>>) dst(%arg13 : memref<96xi32, #tpu.memory_space<vmem>>)
        %dma_start3A_236 = arith.constant 0 : i32
        %dma_start3A_237 = arith.constant 0 : i32
        %dma_start3A_238 = tpu.memref_slice %arg2[%dma_start3A_236, %dma_start3A_237] : memref<10000x128xf32, #tpu.memory_space<hbm>> -> memref<10000x128xf32, #tpu.memory_space<hbm>>
        tpu.enqueue_indirect_dma source(%dma_start3A_238 : memref<10000x128xf32, #tpu.memory_space<hbm>>) target(%arg19 : memref<96x128xf32, #tpu.memory_space<vmem>>) offsets(%arg7 : memref<96xi32, #tpu.memory_space<vmem>>) semaphore(%arg28 : memref<!tpu.dma_semaphore, #tpu.memory_space<semaphore_mem>>)
      } else {
      }
      %dma_wait3A_216 = arith.constant 0 : i32
      %dma_wait3A_217 = arith.constant 0 : i32
      %dma_wait3A_218 = tpu.memref_slice %arg2[%dma_wait3A_216, %dma_wait3A_217] : memref<10000x128xf32, #tpu.memory_space<hbm>> -> memref<10000x128xf32, #tpu.memory_space<hbm>>
      tpu.wait_indirect_dma semaphore(%arg29 : memref<!tpu.dma_semaphore, #tpu.memory_space<semaphore_mem>>) src(%dma_wait3A_218 : memref<10000x128xf32, #tpu.memory_space<hbm>>) dst(%arg20 : memref<96x128xf32, #tpu.memory_space<vmem>>)
      %dma_start3A_219 = arith.constant 0 : i32
      %dma_start3A_220 = arith.constant 0 : i32
      %dma_start3A_221 = tpu.memref_slice %arg33[%dma_start3A_219, %dma_start3A_220] : memref<10240x128xf32, #tpu.memory_space<vmem_shared>> -> memref<10240x128xf32, #tpu.memory_space<vmem_shared>>
      tpu.enqueue_indirect_dma source(%arg20 : memref<96x128xf32, #tpu.memory_space<vmem>>) target(%dma_start3A_221 : memref<10240x128xf32, #tpu.memory_space<vmem_shared>>) offsets(%arg17 : memref<96xi32, #tpu.memory_space<vmem>>) semaphore(%arg32 : memref<!tpu.dma_semaphore, #tpu.memory_space<semaphore_mem>>) {add = true}
    }
    %while3A_77 = arith.constant 1 : i32
    scf.for %while3A_92 = %while3A_75 to %while3A_71 step %while3A_77  : i32 {
      %mul3A_93 = arith.constant 6 : i32
      %mul3A_94 = arith.muli %while3A_92, %mul3A_93 : i32
      %add3A_95 = arith.constant 0 : i32
      %add3A_96 = arith.addi %mul3A_94, %add3A_95 : i32
      %add3A_97 = arith.constant 4 : i32
      %add3A_98 = arith.addi %add3A_96, %add3A_97 : i32
      %lt3A = arith.cmpi slt, %add3A_98, %mul3A_9 : i32
      %convert_element_type3A = arith.extui %lt3A : i1 to i32
      %cond3A = arith.constant 0 : i32
      %cond3A_99 = arith.cmpi ne, %convert_element_type3A, %cond3A : i32
      scf.if %cond3A_99 {
        %add3A_222 = arith.constant 4 : i32
        %add3A_223 = arith.addi %add3A_96, %add3A_222 : i32
        %mul3A_224 = arith.constant 96 : i32
        %mul3A_225 = arith.muli %mul3A_224, %add3A_223 : i32
        %add3A_226 = arith.addi %mul3A_13, %mul3A_225 : i32
        %dma_start3A_227 = tpu.memref_slice %arg3[%add3A_226] : memref<884736xi32, #tpu.memory_space<hbm>> -> memref<96xi32, #tpu.memory_space<hbm>>
        %dma_start3A_228 = tpu.memref_slice %arg3[%add3A_226] : memref<884736xi32, #tpu.memory_space<hbm>> -> memref<96xi32, #tpu.memory_space<hbm>>
        tpu.enqueue_dma source(%dma_start3A_228 : memref<96xi32, #tpu.memory_space<hbm>>) target(%arg10 : memref<96xi32, #tpu.memory_space<vmem>>) target_semaphore(%arg25 : memref<!tpu.dma_semaphore, #tpu.memory_space<semaphore_mem>>)
        %add3A_229 = arith.addi %mul3A_13, %select_n3A : i32
        %mul3A_230 = arith.constant 96 : i32
        %mul3A_231 = arith.muli %mul3A_230, %add3A_223 : i32
        %add3A_232 = arith.addi %add3A_229, %mul3A_231 : i32
        %dma_start3A_233 = tpu.memref_slice %arg3[%add3A_232] : memref<884736xi32, #tpu.memory_space<hbm>> -> memref<96xi32, #tpu.memory_space<hbm>>
        %dma_start3A_234 = tpu.memref_slice %arg3[%add3A_232] : memref<884736xi32, #tpu.memory_space<hbm>> -> memref<96xi32, #tpu.memory_space<hbm>>
        tpu.enqueue_dma source(%dma_start3A_234 : memref<96xi32, #tpu.memory_space<hbm>>) target(%arg16 : memref<96xi32, #tpu.memory_space<vmem>>) target_semaphore(%arg25 : memref<!tpu.dma_semaphore, #tpu.memory_space<semaphore_mem>>)
      } else {
      }
      %add3A_100 = arith.constant 2 : i32
      %add3A_101 = arith.addi %add3A_96, %add3A_100 : i32
      %lt3A_102 = arith.cmpi slt, %add3A_101, %mul3A_9 : i32
      %convert_element_type3A_103 = arith.extui %lt3A_102 : i1 to i32
      %cond3A_104 = arith.constant 0 : i32
      %cond3A_105 = arith.cmpi ne, %convert_element_type3A_103, %cond3A_104 : i32
      scf.if %cond3A_105 {
        %add3A_222 = arith.constant 2 : i32
        %add3A_223 = arith.addi %add3A_96, %add3A_222 : i32
        %ge3A = arith.constant 3 : i32
        %ge3A_224 = arith.cmpi sge, %add3A_223, %ge3A : i32
        %convert_element_type3A_225 = arith.extui %ge3A_224 : i1 to i32
        %cond3A_226 = arith.constant 0 : i32
        %cond3A_227 = arith.cmpi ne, %convert_element_type3A_225, %cond3A_226 : i32
        scf.if %cond3A_227 {
          %dma_wait3A_239 = arith.constant 0 : i32
          %dma_wait3A_240 = arith.constant 0 : i32
          %dma_wait3A_241 = tpu.memref_slice %arg33[%dma_wait3A_239, %dma_wait3A_240] : memref<10240x128xf32, #tpu.memory_space<vmem_shared>> -> memref<10240x128xf32, #tpu.memory_space<vmem_shared>>
          tpu.wait_indirect_dma semaphore(%arg32 : memref<!tpu.dma_semaphore, #tpu.memory_space<semaphore_mem>>) src(%arg20 : memref<96x128xf32, #tpu.memory_space<vmem>>) dst(%dma_wait3A_241 : memref<10240x128xf32, #tpu.memory_space<vmem_shared>>)
        } else {
        }
        %dma_wait3A_228 = arith.constant 0 : i32
        %dma_wait3A_229 = tpu.memref_slice %arg3[%dma_wait3A_228] : memref<884736xi32, #tpu.memory_space<hbm>> -> memref<96xi32, #tpu.memory_space<hbm>>
        %dma_wait3A_230 = arith.constant 0 : i32
        %dma_wait3A_231 = tpu.memref_slice %arg3[%dma_wait3A_230] : memref<884736xi32, #tpu.memory_space<hbm>> -> memref<96xi32, #tpu.memory_space<hbm>>
        tpu.wait_dma2 semaphore(%arg23 : memref<!tpu.dma_semaphore, #tpu.memory_space<semaphore_mem>>) src(%dma_wait3A_231 : memref<96xi32, #tpu.memory_space<hbm>>) dst(%arg8 : memref<96xi32, #tpu.memory_space<vmem>>)
        %dma_wait3A_232 = arith.constant 0 : i32
        %dma_wait3A_233 = tpu.memref_slice %arg3[%dma_wait3A_232] : memref<884736xi32, #tpu.memory_space<hbm>> -> memref<96xi32, #tpu.memory_space<hbm>>
        %dma_wait3A_234 = arith.constant 0 : i32
        %dma_wait3A_235 = tpu.memref_slice %arg3[%dma_wait3A_234] : memref<884736xi32, #tpu.memory_space<hbm>> -> memref<96xi32, #tpu.memory_space<hbm>>
        tpu.wait_dma2 semaphore(%arg23 : memref<!tpu.dma_semaphore, #tpu.memory_space<semaphore_mem>>) src(%dma_wait3A_235 : memref<96xi32, #tpu.memory_space<hbm>>) dst(%arg14 : memref<96xi32, #tpu.memory_space<vmem>>)
        %dma_start3A_236 = arith.constant 0 : i32
        %dma_start3A_237 = arith.constant 0 : i32
        %dma_start3A_238 = tpu.memref_slice %arg2[%dma_start3A_236, %dma_start3A_237] : memref<10000x128xf32, #tpu.memory_space<hbm>> -> memref<10000x128xf32, #tpu.memory_space<hbm>>
        tpu.enqueue_indirect_dma source(%dma_start3A_238 : memref<10000x128xf32, #tpu.memory_space<hbm>>) target(%arg20 : memref<96x128xf32, #tpu.memory_space<vmem>>) offsets(%arg8 : memref<96xi32, #tpu.memory_space<vmem>>) semaphore(%arg29 : memref<!tpu.dma_semaphore, #tpu.memory_space<semaphore_mem>>)
      } else {
      }
      %dma_wait3A_106 = arith.constant 0 : i32
      %dma_wait3A_107 = arith.constant 0 : i32
      %dma_wait3A_108 = tpu.memref_slice %arg2[%dma_wait3A_106, %dma_wait3A_107] : memref<10000x128xf32, #tpu.memory_space<hbm>> -> memref<10000x128xf32, #tpu.memory_space<hbm>>
      tpu.wait_indirect_dma semaphore(%arg27 : memref<!tpu.dma_semaphore, #tpu.memory_space<semaphore_mem>>) src(%dma_wait3A_108 : memref<10000x128xf32, #tpu.memory_space<hbm>>) dst(%arg18 : memref<96x128xf32, #tpu.memory_space<vmem>>)
      %dma_start3A_109 = arith.constant 0 : i32
      %dma_start3A_110 = arith.constant 0 : i32
      %dma_start3A_111 = tpu.memref_slice %arg33[%dma_start3A_109, %dma_start3A_110] : memref<10240x128xf32, #tpu.memory_space<vmem_shared>> -> memref<10240x128xf32, #tpu.memory_space<vmem_shared>>
      tpu.enqueue_indirect_dma source(%arg18 : memref<96x128xf32, #tpu.memory_space<vmem>>) target(%dma_start3A_111 : memref<10240x128xf32, #tpu.memory_space<vmem_shared>>) offsets(%arg12 : memref<96xi32, #tpu.memory_space<vmem>>) semaphore(%arg30 : memref<!tpu.dma_semaphore, #tpu.memory_space<semaphore_mem>>) {add = true}
      %mul3A_112 = arith.constant 6 : i32
      %mul3A_113 = arith.muli %while3A_92, %mul3A_112 : i32
      %add3A_114 = arith.constant 1 : i32
      %add3A_115 = arith.addi %mul3A_113, %add3A_114 : i32
      %add3A_116 = arith.constant 4 : i32
      %add3A_117 = arith.addi %add3A_115, %add3A_116 : i32
      %lt3A_118 = arith.cmpi slt, %add3A_117, %mul3A_9 : i32
      %convert_element_type3A_119 = arith.extui %lt3A_118 : i1 to i32
      %cond3A_120 = arith.constant 0 : i32
      %cond3A_121 = arith.cmpi ne, %convert_element_type3A_119, %cond3A_120 : i32
      scf.if %cond3A_121 {
        %add3A_222 = arith.constant 4 : i32
        %add3A_223 = arith.addi %add3A_115, %add3A_222 : i32
        %mul3A_224 = arith.constant 96 : i32
        %mul3A_225 = arith.muli %mul3A_224, %add3A_223 : i32
        %add3A_226 = arith.addi %mul3A_13, %mul3A_225 : i32
        %dma_start3A_227 = tpu.memref_slice %arg3[%add3A_226] : memref<884736xi32, #tpu.memory_space<hbm>> -> memref<96xi32, #tpu.memory_space<hbm>>
        %dma_start3A_228 = tpu.memref_slice %arg3[%add3A_226] : memref<884736xi32, #tpu.memory_space<hbm>> -> memref<96xi32, #tpu.memory_space<hbm>>
        tpu.enqueue_dma source(%dma_start3A_228 : memref<96xi32, #tpu.memory_space<hbm>>) target(%arg11 : memref<96xi32, #tpu.memory_space<vmem>>) target_semaphore(%arg26 : memref<!tpu.dma_semaphore, #tpu.memory_space<semaphore_mem>>)
        %add3A_229 = arith.addi %mul3A_13, %select_n3A : i32
        %mul3A_230 = arith.constant 96 : i32
        %mul3A_231 = arith.muli %mul3A_230, %add3A_223 : i32
        %add3A_232 = arith.addi %add3A_229, %mul3A_231 : i32
        %dma_start3A_233 = tpu.memref_slice %arg3[%add3A_232] : memref<884736xi32, #tpu.memory_space<hbm>> -> memref<96xi32, #tpu.memory_space<hbm>>
        %dma_start3A_234 = tpu.memref_slice %arg3[%add3A_232] : memref<884736xi32, #tpu.memory_space<hbm>> -> memref<96xi32, #tpu.memory_space<hbm>>
        tpu.enqueue_dma source(%dma_start3A_234 : memref<96xi32, #tpu.memory_space<hbm>>) target(%arg17 : memref<96xi32, #tpu.memory_space<vmem>>) target_semaphore(%arg26 : memref<!tpu.dma_semaphore, #tpu.memory_space<semaphore_mem>>)
      } else {
      }
      %add3A_122 = arith.constant 2 : i32
      %add3A_123 = arith.addi %add3A_115, %add3A_122 : i32
      %lt3A_124 = arith.cmpi slt, %add3A_123, %mul3A_9 : i32
      %convert_element_type3A_125 = arith.extui %lt3A_124 : i1 to i32
      %cond3A_126 = arith.constant 0 : i32
      %cond3A_127 = arith.cmpi ne, %convert_element_type3A_125, %cond3A_126 : i32
      scf.if %cond3A_127 {
        %add3A_222 = arith.constant 2 : i32
        %add3A_223 = arith.addi %add3A_115, %add3A_222 : i32
        %ge3A = arith.constant 3 : i32
        %ge3A_224 = arith.cmpi sge, %add3A_223, %ge3A : i32
        %convert_element_type3A_225 = arith.extui %ge3A_224 : i1 to i32
        %cond3A_226 = arith.constant 0 : i32
        %cond3A_227 = arith.cmpi ne, %convert_element_type3A_225, %cond3A_226 : i32
        scf.if %cond3A_227 {
          %dma_wait3A_239 = arith.constant 0 : i32
          %dma_wait3A_240 = arith.constant 0 : i32
          %dma_wait3A_241 = tpu.memref_slice %arg33[%dma_wait3A_239, %dma_wait3A_240] : memref<10240x128xf32, #tpu.memory_space<vmem_shared>> -> memref<10240x128xf32, #tpu.memory_space<vmem_shared>>
          tpu.wait_indirect_dma semaphore(%arg30 : memref<!tpu.dma_semaphore, #tpu.memory_space<semaphore_mem>>) src(%arg18 : memref<96x128xf32, #tpu.memory_space<vmem>>) dst(%dma_wait3A_241 : memref<10240x128xf32, #tpu.memory_space<vmem_shared>>)
        } else {
        }
        %dma_wait3A_228 = arith.constant 0 : i32
        %dma_wait3A_229 = tpu.memref_slice %arg3[%dma_wait3A_228] : memref<884736xi32, #tpu.memory_space<hbm>> -> memref<96xi32, #tpu.memory_space<hbm>>
        %dma_wait3A_230 = arith.constant 0 : i32
        %dma_wait3A_231 = tpu.memref_slice %arg3[%dma_wait3A_230] : memref<884736xi32, #tpu.memory_space<hbm>> -> memref<96xi32, #tpu.memory_space<hbm>>
        tpu.wait_dma2 semaphore(%arg24 : memref<!tpu.dma_semaphore, #tpu.memory_space<semaphore_mem>>) src(%dma_wait3A_231 : memref<96xi32, #tpu.memory_space<hbm>>) dst(%arg9 : memref<96xi32, #tpu.memory_space<vmem>>)
        %dma_wait3A_232 = arith.constant 0 : i32
        %dma_wait3A_233 = tpu.memref_slice %arg3[%dma_wait3A_232] : memref<884736xi32, #tpu.memory_space<hbm>> -> memref<96xi32, #tpu.memory_space<hbm>>
        %dma_wait3A_234 = arith.constant 0 : i32
        %dma_wait3A_235 = tpu.memref_slice %arg3[%dma_wait3A_234] : memref<884736xi32, #tpu.memory_space<hbm>> -> memref<96xi32, #tpu.memory_space<hbm>>
        tpu.wait_dma2 semaphore(%arg24 : memref<!tpu.dma_semaphore, #tpu.memory_space<semaphore_mem>>) src(%dma_wait3A_235 : memref<96xi32, #tpu.memory_space<hbm>>) dst(%arg15 : memref<96xi32, #tpu.memory_space<vmem>>)
        %dma_start3A_236 = arith.constant 0 : i32
        %dma_start3A_237 = arith.constant 0 : i32
        %dma_start3A_238 = tpu.memref_slice %arg2[%dma_start3A_236, %dma_start3A_237] : memref<10000x128xf32, #tpu.memory_space<hbm>> -> memref<10000x128xf32, #tpu.memory_space<hbm>>
        tpu.enqueue_indirect_dma source(%dma_start3A_238 : memref<10000x128xf32, #tpu.memory_space<hbm>>) target(%arg18 : memref<96x128xf32, #tpu.memory_space<vmem>>) offsets(%arg9 : memref<96xi32, #tpu.memory_space<vmem>>) semaphore(%arg27 : memref<!tpu.dma_semaphore, #tpu.memory_space<semaphore_mem>>)
      } else {
      }
      %dma_wait3A_128 = arith.constant 0 : i32
      %dma_wait3A_129 = arith.constant 0 : i32
      %dma_wait3A_130 = tpu.memref_slice %arg2[%dma_wait3A_128, %dma_wait3A_129] : memref<10000x128xf32, #tpu.memory_space<hbm>> -> memref<10000x128xf32, #tpu.memory_space<hbm>>
      tpu.wait_indirect_dma semaphore(%arg28 : memref<!tpu.dma_semaphore, #tpu.memory_space<semaphore_mem>>) src(%dma_wait3A_130 : memref<10000x128xf32, #tpu.memory_space<hbm>>) dst(%arg19 : memref<96x128xf32, #tpu.memory_space<vmem>>)
      %dma_start3A_131 = arith.constant 0 : i32
      %dma_start3A_132 = arith.constant 0 : i32
      %dma_start3A_133 = tpu.memref_slice %arg33[%dma_start3A_131, %dma_start3A_132] : memref<10240x128xf32, #tpu.memory_space<vmem_shared>> -> memref<10240x128xf32, #tpu.memory_space<vmem_shared>>
      tpu.enqueue_indirect_dma source(%arg19 : memref<96x128xf32, #tpu.memory_space<vmem>>) target(%dma_start3A_133 : memref<10240x128xf32, #tpu.memory_space<vmem_shared>>) offsets(%arg13 : memref<96xi32, #tpu.memory_space<vmem>>) semaphore(%arg31 : memref<!tpu.dma_semaphore, #tpu.memory_space<semaphore_mem>>) {add = true}
      %mul3A_134 = arith.constant 6 : i32
      %mul3A_135 = arith.muli %while3A_92, %mul3A_134 : i32
      %add3A_136 = arith.constant 2 : i32
      %add3A_137 = arith.addi %mul3A_135, %add3A_136 : i32
      %add3A_138 = arith.constant 4 : i32
      %add3A_139 = arith.addi %add3A_137, %add3A_138 : i32
      %lt3A_140 = arith.cmpi slt, %add3A_139, %mul3A_9 : i32
      %convert_element_type3A_141 = arith.extui %lt3A_140 : i1 to i32
      %cond3A_142 = arith.constant 0 : i32
      %cond3A_143 = arith.cmpi ne, %convert_element_type3A_141, %cond3A_142 : i32
      scf.if %cond3A_143 {
        %add3A_222 = arith.constant 4 : i32
        %add3A_223 = arith.addi %add3A_137, %add3A_222 : i32
        %mul3A_224 = arith.constant 96 : i32
        %mul3A_225 = arith.muli %mul3A_224, %add3A_223 : i32
        %add3A_226 = arith.addi %mul3A_13, %mul3A_225 : i32
        %dma_start3A_227 = tpu.memref_slice %arg3[%add3A_226] : memref<884736xi32, #tpu.memory_space<hbm>> -> memref<96xi32, #tpu.memory_space<hbm>>
        %dma_start3A_228 = tpu.memref_slice %arg3[%add3A_226] : memref<884736xi32, #tpu.memory_space<hbm>> -> memref<96xi32, #tpu.memory_space<hbm>>
        tpu.enqueue_dma source(%dma_start3A_228 : memref<96xi32, #tpu.memory_space<hbm>>) target(%arg6 : memref<96xi32, #tpu.memory_space<vmem>>) target_semaphore(%arg21 : memref<!tpu.dma_semaphore, #tpu.memory_space<semaphore_mem>>)
        %add3A_229 = arith.addi %mul3A_13, %select_n3A : i32
        %mul3A_230 = arith.constant 96 : i32
        %mul3A_231 = arith.muli %mul3A_230, %add3A_223 : i32
        %add3A_232 = arith.addi %add3A_229, %mul3A_231 : i32
        %dma_start3A_233 = tpu.memref_slice %arg3[%add3A_232] : memref<884736xi32, #tpu.memory_space<hbm>> -> memref<96xi32, #tpu.memory_space<hbm>>
        %dma_start3A_234 = tpu.memref_slice %arg3[%add3A_232] : memref<884736xi32, #tpu.memory_space<hbm>> -> memref<96xi32, #tpu.memory_space<hbm>>
        tpu.enqueue_dma source(%dma_start3A_234 : memref<96xi32, #tpu.memory_space<hbm>>) target(%arg12 : memref<96xi32, #tpu.memory_space<vmem>>) target_semaphore(%arg21 : memref<!tpu.dma_semaphore, #tpu.memory_space<semaphore_mem>>)
      } else {
      }
      %add3A_144 = arith.constant 2 : i32
      %add3A_145 = arith.addi %add3A_137, %add3A_144 : i32
      %lt3A_146 = arith.cmpi slt, %add3A_145, %mul3A_9 : i32
      %convert_element_type3A_147 = arith.extui %lt3A_146 : i1 to i32
      %cond3A_148 = arith.constant 0 : i32
      %cond3A_149 = arith.cmpi ne, %convert_element_type3A_147, %cond3A_148 : i32
      scf.if %cond3A_149 {
        %add3A_222 = arith.constant 2 : i32
        %add3A_223 = arith.addi %add3A_137, %add3A_222 : i32
        %ge3A = arith.constant 3 : i32
        %ge3A_224 = arith.cmpi sge, %add3A_223, %ge3A : i32
        %convert_element_type3A_225 = arith.extui %ge3A_224 : i1 to i32
        %cond3A_226 = arith.constant 0 : i32
        %cond3A_227 = arith.cmpi ne, %convert_element_type3A_225, %cond3A_226 : i32
        scf.if %cond3A_227 {
          %dma_wait3A_239 = arith.constant 0 : i32
          %dma_wait3A_240 = arith.constant 0 : i32
          %dma_wait3A_241 = tpu.memref_slice %arg33[%dma_wait3A_239, %dma_wait3A_240] : memref<10240x128xf32, #tpu.memory_space<vmem_shared>> -> memref<10240x128xf32, #tpu.memory_space<vmem_shared>>
          tpu.wait_indirect_dma semaphore(%arg31 : memref<!tpu.dma_semaphore, #tpu.memory_space<semaphore_mem>>) src(%arg19 : memref<96x128xf32, #tpu.memory_space<vmem>>) dst(%dma_wait3A_241 : memref<10240x128xf32, #tpu.memory_space<vmem_shared>>)
        } else {
        }
        %dma_wait3A_228 = arith.constant 0 : i32
        %dma_wait3A_229 = tpu.memref_slice %arg3[%dma_wait3A_228] : memref<884736xi32, #tpu.memory_space<hbm>> -> memref<96xi32, #tpu.memory_space<hbm>>
        %dma_wait3A_230 = arith.constant 0 : i32
        %dma_wait3A_231 = tpu.memref_slice %arg3[%dma_wait3A_230] : memref<884736xi32, #tpu.memory_space<hbm>> -> memref<96xi32, #tpu.memory_space<hbm>>
        tpu.wait_dma2 semaphore(%arg25 : memref<!tpu.dma_semaphore, #tpu.memory_space<semaphore_mem>>) src(%dma_wait3A_231 : memref<96xi32, #tpu.memory_space<hbm>>) dst(%arg10 : memref<96xi32, #tpu.memory_space<vmem>>)
        %dma_wait3A_232 = arith.constant 0 : i32
        %dma_wait3A_233 = tpu.memref_slice %arg3[%dma_wait3A_232] : memref<884736xi32, #tpu.memory_space<hbm>> -> memref<96xi32, #tpu.memory_space<hbm>>
        %dma_wait3A_234 = arith.constant 0 : i32
        %dma_wait3A_235 = tpu.memref_slice %arg3[%dma_wait3A_234] : memref<884736xi32, #tpu.memory_space<hbm>> -> memref<96xi32, #tpu.memory_space<hbm>>
        tpu.wait_dma2 semaphore(%arg25 : memref<!tpu.dma_semaphore, #tpu.memory_space<semaphore_mem>>) src(%dma_wait3A_235 : memref<96xi32, #tpu.memory_space<hbm>>) dst(%arg16 : memref<96xi32, #tpu.memory_space<vmem>>)
        %dma_start3A_236 = arith.constant 0 : i32
        %dma_start3A_237 = arith.constant 0 : i32
        %dma_start3A_238 = tpu.memref_slice %arg2[%dma_start3A_236, %dma_start3A_237] : memref<10000x128xf32, #tpu.memory_space<hbm>> -> memref<10000x128xf32, #tpu.memory_space<hbm>>
        tpu.enqueue_indirect_dma source(%dma_start3A_238 : memref<10000x128xf32, #tpu.memory_space<hbm>>) target(%arg19 : memref<96x128xf32, #tpu.memory_space<vmem>>) offsets(%arg10 : memref<96xi32, #tpu.memory_space<vmem>>) semaphore(%arg28 : memref<!tpu.dma_semaphore, #tpu.memory_space<semaphore_mem>>)
      } else {
      }
      %dma_wait3A_150 = arith.constant 0 : i32
      %dma_wait3A_151 = arith.constant 0 : i32
      %dma_wait3A_152 = tpu.memref_slice %arg2[%dma_wait3A_150, %dma_wait3A_151] : memref<10000x128xf32, #tpu.memory_space<hbm>> -> memref<10000x128xf32, #tpu.memory_space<hbm>>
      tpu.wait_indirect_dma semaphore(%arg29 : memref<!tpu.dma_semaphore, #tpu.memory_space<semaphore_mem>>) src(%dma_wait3A_152 : memref<10000x128xf32, #tpu.memory_space<hbm>>) dst(%arg20 : memref<96x128xf32, #tpu.memory_space<vmem>>)
      %dma_start3A_153 = arith.constant 0 : i32
      %dma_start3A_154 = arith.constant 0 : i32
      %dma_start3A_155 = tpu.memref_slice %arg33[%dma_start3A_153, %dma_start3A_154] : memref<10240x128xf32, #tpu.memory_space<vmem_shared>> -> memref<10240x128xf32, #tpu.memory_space<vmem_shared>>
      tpu.enqueue_indirect_dma source(%arg20 : memref<96x128xf32, #tpu.memory_space<vmem>>) target(%dma_start3A_155 : memref<10240x128xf32, #tpu.memory_space<vmem_shared>>) offsets(%arg14 : memref<96xi32, #tpu.memory_space<vmem>>) semaphore(%arg32 : memref<!tpu.dma_semaphore, #tpu.memory_space<semaphore_mem>>) {add = true}
      %mul3A_156 = arith.constant 6 : i32
      %mul3A_157 = arith.muli %while3A_92, %mul3A_156 : i32
      %add3A_158 = arith.constant 3 : i32
      %add3A_159 = arith.addi %mul3A_157, %add3A_158 : i32
      %add3A_160 = arith.constant 4 : i32
      %add3A_161 = arith.addi %add3A_159, %add3A_160 : i32
      %lt3A_162 = arith.cmpi slt, %add3A_161, %mul3A_9 : i32
      %convert_element_type3A_163 = arith.extui %lt3A_162 : i1 to i32
      %cond3A_164 = arith.constant 0 : i32
      %cond3A_165 = arith.cmpi ne, %convert_element_type3A_163, %cond3A_164 : i32
      scf.if %cond3A_165 {
        %add3A_222 = arith.constant 4 : i32
        %add3A_223 = arith.addi %add3A_159, %add3A_222 : i32
        %mul3A_224 = arith.constant 96 : i32
        %mul3A_225 = arith.muli %mul3A_224, %add3A_223 : i32
        %add3A_226 = arith.addi %mul3A_13, %mul3A_225 : i32
        %dma_start3A_227 = tpu.memref_slice %arg3[%add3A_226] : memref<884736xi32, #tpu.memory_space<hbm>> -> memref<96xi32, #tpu.memory_space<hbm>>
        %dma_start3A_228 = tpu.memref_slice %arg3[%add3A_226] : memref<884736xi32, #tpu.memory_space<hbm>> -> memref<96xi32, #tpu.memory_space<hbm>>
        tpu.enqueue_dma source(%dma_start3A_228 : memref<96xi32, #tpu.memory_space<hbm>>) target(%arg7 : memref<96xi32, #tpu.memory_space<vmem>>) target_semaphore(%arg22 : memref<!tpu.dma_semaphore, #tpu.memory_space<semaphore_mem>>)
        %add3A_229 = arith.addi %mul3A_13, %select_n3A : i32
        %mul3A_230 = arith.constant 96 : i32
        %mul3A_231 = arith.muli %mul3A_230, %add3A_223 : i32
        %add3A_232 = arith.addi %add3A_229, %mul3A_231 : i32
        %dma_start3A_233 = tpu.memref_slice %arg3[%add3A_232] : memref<884736xi32, #tpu.memory_space<hbm>> -> memref<96xi32, #tpu.memory_space<hbm>>
        %dma_start3A_234 = tpu.memref_slice %arg3[%add3A_232] : memref<884736xi32, #tpu.memory_space<hbm>> -> memref<96xi32, #tpu.memory_space<hbm>>
        tpu.enqueue_dma source(%dma_start3A_234 : memref<96xi32, #tpu.memory_space<hbm>>) target(%arg13 : memref<96xi32, #tpu.memory_space<vmem>>) target_semaphore(%arg22 : memref<!tpu.dma_semaphore, #tpu.memory_space<semaphore_mem>>)
      } else {
      }
      %add3A_166 = arith.constant 2 : i32
      %add3A_167 = arith.addi %add3A_159, %add3A_166 : i32
      %lt3A_168 = arith.cmpi slt, %add3A_167, %mul3A_9 : i32
      %convert_element_type3A_169 = arith.extui %lt3A_168 : i1 to i32
      %cond3A_170 = arith.constant 0 : i32
      %cond3A_171 = arith.cmpi ne, %convert_element_type3A_169, %cond3A_170 : i32
      scf.if %cond3A_171 {
        %add3A_222 = arith.constant 2 : i32
        %add3A_223 = arith.addi %add3A_159, %add3A_222 : i32
        %ge3A = arith.constant 3 : i32
        %ge3A_224 = arith.cmpi sge, %add3A_223, %ge3A : i32
        %convert_element_type3A_225 = arith.extui %ge3A_224 : i1 to i32
        %cond3A_226 = arith.constant 0 : i32
        %cond3A_227 = arith.cmpi ne, %convert_element_type3A_225, %cond3A_226 : i32
        scf.if %cond3A_227 {
          %dma_wait3A_239 = arith.constant 0 : i32
          %dma_wait3A_240 = arith.constant 0 : i32
          %dma_wait3A_241 = tpu.memref_slice %arg33[%dma_wait3A_239, %dma_wait3A_240] : memref<10240x128xf32, #tpu.memory_space<vmem_shared>> -> memref<10240x128xf32, #tpu.memory_space<vmem_shared>>
          tpu.wait_indirect_dma semaphore(%arg32 : memref<!tpu.dma_semaphore, #tpu.memory_space<semaphore_mem>>) src(%arg20 : memref<96x128xf32, #tpu.memory_space<vmem>>) dst(%dma_wait3A_241 : memref<10240x128xf32, #tpu.memory_space<vmem_shared>>)
        } else {
        }
        %dma_wait3A_228 = arith.constant 0 : i32
        %dma_wait3A_229 = tpu.memref_slice %arg3[%dma_wait3A_228] : memref<884736xi32, #tpu.memory_space<hbm>> -> memref<96xi32, #tpu.memory_space<hbm>>
        %dma_wait3A_230 = arith.constant 0 : i32
        %dma_wait3A_231 = tpu.memref_slice %arg3[%dma_wait3A_230] : memref<884736xi32, #tpu.memory_space<hbm>> -> memref<96xi32, #tpu.memory_space<hbm>>
        tpu.wait_dma2 semaphore(%arg26 : memref<!tpu.dma_semaphore, #tpu.memory_space<semaphore_mem>>) src(%dma_wait3A_231 : memref<96xi32, #tpu.memory_space<hbm>>) dst(%arg11 : memref<96xi32, #tpu.memory_space<vmem>>)
        %dma_wait3A_232 = arith.constant 0 : i32
        %dma_wait3A_233 = tpu.memref_slice %arg3[%dma_wait3A_232] : memref<884736xi32, #tpu.memory_space<hbm>> -> memref<96xi32, #tpu.memory_space<hbm>>
        %dma_wait3A_234 = arith.constant 0 : i32
        %dma_wait3A_235 = tpu.memref_slice %arg3[%dma_wait3A_234] : memref<884736xi32, #tpu.memory_space<hbm>> -> memref<96xi32, #tpu.memory_space<hbm>>
        tpu.wait_dma2 semaphore(%arg26 : memref<!tpu.dma_semaphore, #tpu.memory_space<semaphore_mem>>) src(%dma_wait3A_235 : memref<96xi32, #tpu.memory_space<hbm>>) dst(%arg17 : memref<96xi32, #tpu.memory_space<vmem>>)
        %dma_start3A_236 = arith.constant 0 : i32
        %dma_start3A_237 = arith.constant 0 : i32
        %dma_start3A_238 = tpu.memref_slice %arg2[%dma_start3A_236, %dma_start3A_237] : memref<10000x128xf32, #tpu.memory_space<hbm>> -> memref<10000x128xf32, #tpu.memory_space<hbm>>
        tpu.enqueue_indirect_dma source(%dma_start3A_238 : memref<10000x128xf32, #tpu.memory_space<hbm>>) target(%arg20 : memref<96x128xf32, #tpu.memory_space<vmem>>) offsets(%arg11 : memref<96xi32, #tpu.memory_space<vmem>>) semaphore(%arg29 : memref<!tpu.dma_semaphore, #tpu.memory_space<semaphore_mem>>)
      } else {
      }
      %dma_wait3A_172 = arith.constant 0 : i32
      %dma_wait3A_173 = arith.constant 0 : i32
      %dma_wait3A_174 = tpu.memref_slice %arg2[%dma_wait3A_172, %dma_wait3A_173] : memref<10000x128xf32, #tpu.memory_space<hbm>> -> memref<10000x128xf32, #tpu.memory_space<hbm>>
      tpu.wait_indirect_dma semaphore(%arg27 : memref<!tpu.dma_semaphore, #tpu.memory_space<semaphore_mem>>) src(%dma_wait3A_174 : memref<10000x128xf32, #tpu.memory_space<hbm>>) dst(%arg18 : memref<96x128xf32, #tpu.memory_space<vmem>>)
      %dma_start3A_175 = arith.constant 0 : i32
      %dma_start3A_176 = arith.constant 0 : i32
      %dma_start3A_177 = tpu.memref_slice %arg33[%dma_start3A_175, %dma_start3A_176] : memref<10240x128xf32, #tpu.memory_space<vmem_shared>> -> memref<10240x128xf32, #tpu.memory_space<vmem_shared>>
      tpu.enqueue_indirect_dma source(%arg18 : memref<96x128xf32, #tpu.memory_space<vmem>>) target(%dma_start3A_177 : memref<10240x128xf32, #tpu.memory_space<vmem_shared>>) offsets(%arg15 : memref<96xi32, #tpu.memory_space<vmem>>) semaphore(%arg30 : memref<!tpu.dma_semaphore, #tpu.memory_space<semaphore_mem>>) {add = true}
      %mul3A_178 = arith.constant 6 : i32
      %mul3A_179 = arith.muli %while3A_92, %mul3A_178 : i32
      %add3A_180 = arith.constant 4 : i32
      %add3A_181 = arith.addi %mul3A_179, %add3A_180 : i32
      %add3A_182 = arith.constant 4 : i32
      %add3A_183 = arith.addi %add3A_181, %add3A_182 : i32
      %lt3A_184 = arith.cmpi slt, %add3A_183, %mul3A_9 : i32
      %convert_element_type3A_185 = arith.extui %lt3A_184 : i1 to i32
      %cond3A_186 = arith.constant 0 : i32
      %cond3A_187 = arith.cmpi ne, %convert_element_type3A_185, %cond3A_186 : i32
      scf.if %cond3A_187 {
        %add3A_222 = arith.constant 4 : i32
        %add3A_223 = arith.addi %add3A_181, %add3A_222 : i32
        %mul3A_224 = arith.constant 96 : i32
        %mul3A_225 = arith.muli %mul3A_224, %add3A_223 : i32
        %add3A_226 = arith.addi %mul3A_13, %mul3A_225 : i32
        %dma_start3A_227 = tpu.memref_slice %arg3[%add3A_226] : memref<884736xi32, #tpu.memory_space<hbm>> -> memref<96xi32, #tpu.memory_space<hbm>>
        %dma_start3A_228 = tpu.memref_slice %arg3[%add3A_226] : memref<884736xi32, #tpu.memory_space<hbm>> -> memref<96xi32, #tpu.memory_space<hbm>>
        tpu.enqueue_dma source(%dma_start3A_228 : memref<96xi32, #tpu.memory_space<hbm>>) target(%arg8 : memref<96xi32, #tpu.memory_space<vmem>>) target_semaphore(%arg23 : memref<!tpu.dma_semaphore, #tpu.memory_space<semaphore_mem>>)
        %add3A_229 = arith.addi %mul3A_13, %select_n3A : i32
        %mul3A_230 = arith.constant 96 : i32
        %mul3A_231 = arith.muli %mul3A_230, %add3A_223 : i32
        %add3A_232 = arith.addi %add3A_229, %mul3A_231 : i32
        %dma_start3A_233 = tpu.memref_slice %arg3[%add3A_232] : memref<884736xi32, #tpu.memory_space<hbm>> -> memref<96xi32, #tpu.memory_space<hbm>>
        %dma_start3A_234 = tpu.memref_slice %arg3[%add3A_232] : memref<884736xi32, #tpu.memory_space<hbm>> -> memref<96xi32, #tpu.memory_space<hbm>>
        tpu.enqueue_dma source(%dma_start3A_234 : memref<96xi32, #tpu.memory_space<hbm>>) target(%arg14 : memref<96xi32, #tpu.memory_space<vmem>>) target_semaphore(%arg23 : memref<!tpu.dma_semaphore, #tpu.memory_space<semaphore_mem>>)
      } else {
      }
      %add3A_188 = arith.constant 2 : i32
      %add3A_189 = arith.addi %add3A_181, %add3A_188 : i32
      %lt3A_190 = arith.cmpi slt, %add3A_189, %mul3A_9 : i32
      %convert_element_type3A_191 = arith.extui %lt3A_190 : i1 to i32
      %cond3A_192 = arith.constant 0 : i32
      %cond3A_193 = arith.cmpi ne, %convert_element_type3A_191, %cond3A_192 : i32
      scf.if %cond3A_193 {
        %add3A_222 = arith.constant 2 : i32
        %add3A_223 = arith.addi %add3A_181, %add3A_222 : i32
        %ge3A = arith.constant 3 : i32
        %ge3A_224 = arith.cmpi sge, %add3A_223, %ge3A : i32
        %convert_element_type3A_225 = arith.extui %ge3A_224 : i1 to i32
        %cond3A_226 = arith.constant 0 : i32
        %cond3A_227 = arith.cmpi ne, %convert_element_type3A_225, %cond3A_226 : i32
        scf.if %cond3A_227 {
          %dma_wait3A_239 = arith.constant 0 : i32
          %dma_wait3A_240 = arith.constant 0 : i32
          %dma_wait3A_241 = tpu.memref_slice %arg33[%dma_wait3A_239, %dma_wait3A_240] : memref<10240x128xf32, #tpu.memory_space<vmem_shared>> -> memref<10240x128xf32, #tpu.memory_space<vmem_shared>>
          tpu.wait_indirect_dma semaphore(%arg30 : memref<!tpu.dma_semaphore, #tpu.memory_space<semaphore_mem>>) src(%arg18 : memref<96x128xf32, #tpu.memory_space<vmem>>) dst(%dma_wait3A_241 : memref<10240x128xf32, #tpu.memory_space<vmem_shared>>)
        } else {
        }
        %dma_wait3A_228 = arith.constant 0 : i32
        %dma_wait3A_229 = tpu.memref_slice %arg3[%dma_wait3A_228] : memref<884736xi32, #tpu.memory_space<hbm>> -> memref<96xi32, #tpu.memory_space<hbm>>
        %dma_wait3A_230 = arith.constant 0 : i32
        %dma_wait3A_231 = tpu.memref_slice %arg3[%dma_wait3A_230] : memref<884736xi32, #tpu.memory_space<hbm>> -> memref<96xi32, #tpu.memory_space<hbm>>
        tpu.wait_dma2 semaphore(%arg21 : memref<!tpu.dma_semaphore, #tpu.memory_space<semaphore_mem>>) src(%dma_wait3A_231 : memref<96xi32, #tpu.memory_space<hbm>>) dst(%arg6 : memref<96xi32, #tpu.memory_space<vmem>>)
        %dma_wait3A_232 = arith.constant 0 : i32
        %dma_wait3A_233 = tpu.memref_slice %arg3[%dma_wait3A_232] : memref<884736xi32, #tpu.memory_space<hbm>> -> memref<96xi32, #tpu.memory_space<hbm>>
        %dma_wait3A_234 = arith.constant 0 : i32
        %dma_wait3A_235 = tpu.memref_slice %arg3[%dma_wait3A_234] : memref<884736xi32, #tpu.memory_space<hbm>> -> memref<96xi32, #tpu.memory_space<hbm>>
        tpu.wait_dma2 semaphore(%arg21 : memref<!tpu.dma_semaphore, #tpu.memory_space<semaphore_mem>>) src(%dma_wait3A_235 : memref<96xi32, #tpu.memory_space<hbm>>) dst(%arg12 : memref<96xi32, #tpu.memory_space<vmem>>)
        %dma_start3A_236 = arith.constant 0 : i32
        %dma_start3A_237 = arith.constant 0 : i32
        %dma_start3A_238 = tpu.memref_slice %arg2[%dma_start3A_236, %dma_start3A_237] : memref<10000x128xf32, #tpu.memory_space<hbm>> -> memref<10000x128xf32, #tpu.memory_space<hbm>>
        tpu.enqueue_indirect_dma source(%dma_start3A_238 : memref<10000x128xf32, #tpu.memory_space<hbm>>) target(%arg18 : memref<96x128xf32, #tpu.memory_space<vmem>>) offsets(%arg6 : memref<96xi32, #tpu.memory_space<vmem>>) semaphore(%arg27 : memref<!tpu.dma_semaphore, #tpu.memory_space<semaphore_mem>>)
      } else {
      }
      %dma_wait3A_194 = arith.constant 0 : i32
      %dma_wait3A_195 = arith.constant 0 : i32
      %dma_wait3A_196 = tpu.memref_slice %arg2[%dma_wait3A_194, %dma_wait3A_195] : memref<10000x128xf32, #tpu.memory_space<hbm>> -> memref<10000x128xf32, #tpu.memory_space<hbm>>
      tpu.wait_indirect_dma semaphore(%arg28 : memref<!tpu.dma_semaphore, #tpu.memory_space<semaphore_mem>>) src(%dma_wait3A_196 : memref<10000x128xf32, #tpu.memory_space<hbm>>) dst(%arg19 : memref<96x128xf32, #tpu.memory_space<vmem>>)
      %dma_start3A_197 = arith.constant 0 : i32
      %dma_start3A_198 = arith.constant 0 : i32
      %dma_start3A_199 = tpu.memref_slice %arg33[%dma_start3A_197, %dma_start3A_198] : memref<10240x128xf32, #tpu.memory_space<vmem_shared>> -> memref<10240x128xf32, #tpu.memory_space<vmem_shared>>
      tpu.enqueue_indirect_dma source(%arg19 : memref<96x128xf32, #tpu.memory_space<vmem>>) target(%dma_start3A_199 : memref<10240x128xf32, #tpu.memory_space<vmem_shared>>) offsets(%arg16 : memref<96xi32, #tpu.memory_space<vmem>>) semaphore(%arg31 : memref<!tpu.dma_semaphore, #tpu.memory_space<semaphore_mem>>) {add = true}
      %mul3A_200 = arith.constant 6 : i32
      %mul3A_201 = arith.muli %while3A_92, %mul3A_200 : i32
      %add3A_202 = arith.constant 5 : i32
      %add3A_203 = arith.addi %mul3A_201, %add3A_202 : i32
      %add3A_204 = arith.constant 4 : i32
      %add3A_205 = arith.addi %add3A_203, %add3A_204 : i32
      %lt3A_206 = arith.cmpi slt, %add3A_205, %mul3A_9 : i32
      %convert_element_type3A_207 = arith.extui %lt3A_206 : i1 to i32
      %cond3A_208 = arith.constant 0 : i32
      %cond3A_209 = arith.cmpi ne, %convert_element_type3A_207, %cond3A_208 : i32
      scf.if %cond3A_209 {
        %add3A_222 = arith.constant 4 : i32
        %add3A_223 = arith.addi %add3A_203, %add3A_222 : i32
        %mul3A_224 = arith.constant 96 : i32
        %mul3A_225 = arith.muli %mul3A_224, %add3A_223 : i32
        %add3A_226 = arith.addi %mul3A_13, %mul3A_225 : i32
        %dma_start3A_227 = tpu.memref_slice %arg3[%add3A_226] : memref<884736xi32, #tpu.memory_space<hbm>> -> memref<96xi32, #tpu.memory_space<hbm>>
        %dma_start3A_228 = tpu.memref_slice %arg3[%add3A_226] : memref<884736xi32, #tpu.memory_space<hbm>> -> memref<96xi32, #tpu.memory_space<hbm>>
        tpu.enqueue_dma source(%dma_start3A_228 : memref<96xi32, #tpu.memory_space<hbm>>) target(%arg9 : memref<96xi32, #tpu.memory_space<vmem>>) target_semaphore(%arg24 : memref<!tpu.dma_semaphore, #tpu.memory_space<semaphore_mem>>)
        %add3A_229 = arith.addi %mul3A_13, %select_n3A : i32
        %mul3A_230 = arith.constant 96 : i32
        %mul3A_231 = arith.muli %mul3A_230, %add3A_223 : i32
        %add3A_232 = arith.addi %add3A_229, %mul3A_231 : i32
        %dma_start3A_233 = tpu.memref_slice %arg3[%add3A_232] : memref<884736xi32, #tpu.memory_space<hbm>> -> memref<96xi32, #tpu.memory_space<hbm>>
        %dma_start3A_234 = tpu.memref_slice %arg3[%add3A_232] : memref<884736xi32, #tpu.memory_space<hbm>> -> memref<96xi32, #tpu.memory_space<hbm>>
        tpu.enqueue_dma source(%dma_start3A_234 : memref<96xi32, #tpu.memory_space<hbm>>) target(%arg15 : memref<96xi32, #tpu.memory_space<vmem>>) target_semaphore(%arg24 : memref<!tpu.dma_semaphore, #tpu.memory_space<semaphore_mem>>)
      } else {
      }
      %add3A_210 = arith.constant 2 : i32
      %add3A_211 = arith.addi %add3A_203, %add3A_210 : i32
      %lt3A_212 = arith.cmpi slt, %add3A_211, %mul3A_9 : i32
      %convert_element_type3A_213 = arith.extui %lt3A_212 : i1 to i32
      %cond3A_214 = arith.constant 0 : i32
      %cond3A_215 = arith.cmpi ne, %convert_element_type3A_213, %cond3A_214 : i32
      scf.if %cond3A_215 {
        %add3A_222 = arith.constant 2 : i32
        %add3A_223 = arith.addi %add3A_203, %add3A_222 : i32
        %ge3A = arith.constant 3 : i32
        %ge3A_224 = arith.cmpi sge, %add3A_223, %ge3A : i32
        %convert_element_type3A_225 = arith.extui %ge3A_224 : i1 to i32
        %cond3A_226 = arith.constant 0 : i32
        %cond3A_227 = arith.cmpi ne, %convert_element_type3A_225, %cond3A_226 : i32
        scf.if %cond3A_227 {
          %dma_wait3A_239 = arith.constant 0 : i32
          %dma_wait3A_240 = arith.constant 0 : i32
          %dma_wait3A_241 = tpu.memref_slice %arg33[%dma_wait3A_239, %dma_wait3A_240] : memref<10240x128xf32, #tpu.memory_space<vmem_shared>> -> memref<10240x128xf32, #tpu.memory_space<vmem_shared>>
          tpu.wait_indirect_dma semaphore(%arg31 : memref<!tpu.dma_semaphore, #tpu.memory_space<semaphore_mem>>) src(%arg19 : memref<96x128xf32, #tpu.memory_space<vmem>>) dst(%dma_wait3A_241 : memref<10240x128xf32, #tpu.memory_space<vmem_shared>>)
        } else {
        }
        %dma_wait3A_228 = arith.constant 0 : i32
        %dma_wait3A_229 = tpu.memref_slice %arg3[%dma_wait3A_228] : memref<884736xi32, #tpu.memory_space<hbm>> -> memref<96xi32, #tpu.memory_space<hbm>>
        %dma_wait3A_230 = arith.constant 0 : i32
        %dma_wait3A_231 = tpu.memref_slice %arg3[%dma_wait3A_230] : memref<884736xi32, #tpu.memory_space<hbm>> -> memref<96xi32, #tpu.memory_space<hbm>>
        tpu.wait_dma2 semaphore(%arg22 : memref<!tpu.dma_semaphore, #tpu.memory_space<semaphore_mem>>) src(%dma_wait3A_231 : memref<96xi32, #tpu.memory_space<hbm>>) dst(%arg7 : memref<96xi32, #tpu.memory_space<vmem>>)
        %dma_wait3A_232 = arith.constant 0 : i32
        %dma_wait3A_233 = tpu.memref_slice %arg3[%dma_wait3A_232] : memref<884736xi32, #tpu.memory_space<hbm>> -> memref<96xi32, #tpu.memory_space<hbm>>
        %dma_wait3A_234 = arith.constant 0 : i32
        %dma_wait3A_235 = tpu.memref_slice %arg3[%dma_wait3A_234] : memref<884736xi32, #tpu.memory_space<hbm>> -> memref<96xi32, #tpu.memory_space<hbm>>
        tpu.wait_dma2 semaphore(%arg22 : memref<!tpu.dma_semaphore, #tpu.memory_space<semaphore_mem>>) src(%dma_wait3A_235 : memref<96xi32, #tpu.memory_space<hbm>>) dst(%arg13 : memref<96xi32, #tpu.memory_space<vmem>>)
        %dma_start3A_236 = arith.constant 0 : i32
        %dma_start3A_237 = arith.constant 0 : i32
        %dma_start3A_238 = tpu.memref_slice %arg2[%dma_start3A_236, %dma_start3A_237] : memref<10000x128xf32, #tpu.memory_space<hbm>> -> memref<10000x128xf32, #tpu.memory_space<hbm>>
        tpu.enqueue_indirect_dma source(%dma_start3A_238 : memref<10000x128xf32, #tpu.memory_space<hbm>>) target(%arg19 : memref<96x128xf32, #tpu.memory_space<vmem>>) offsets(%arg7 : memref<96xi32, #tpu.memory_space<vmem>>) semaphore(%arg28 : memref<!tpu.dma_semaphore, #tpu.memory_space<semaphore_mem>>)
      } else {
      }
      %dma_wait3A_216 = arith.constant 0 : i32
      %dma_wait3A_217 = arith.constant 0 : i32
      %dma_wait3A_218 = tpu.memref_slice %arg2[%dma_wait3A_216, %dma_wait3A_217] : memref<10000x128xf32, #tpu.memory_space<hbm>> -> memref<10000x128xf32, #tpu.memory_space<hbm>>
      tpu.wait_indirect_dma semaphore(%arg29 : memref<!tpu.dma_semaphore, #tpu.memory_space<semaphore_mem>>) src(%dma_wait3A_218 : memref<10000x128xf32, #tpu.memory_space<hbm>>) dst(%arg20 : memref<96x128xf32, #tpu.memory_space<vmem>>)
      %dma_start3A_219 = arith.constant 0 : i32
      %dma_start3A_220 = arith.constant 0 : i32
      %dma_start3A_221 = tpu.memref_slice %arg33[%dma_start3A_219, %dma_start3A_220] : memref<10240x128xf32, #tpu.memory_space<vmem_shared>> -> memref<10240x128xf32, #tpu.memory_space<vmem_shared>>
      tpu.enqueue_indirect_dma source(%arg20 : memref<96x128xf32, #tpu.memory_space<vmem>>) target(%dma_start3A_221 : memref<10240x128xf32, #tpu.memory_space<vmem_shared>>) offsets(%arg17 : memref<96xi32, #tpu.memory_space<vmem>>) semaphore(%arg32 : memref<!tpu.dma_semaphore, #tpu.memory_space<semaphore_mem>>) {add = true}
    }
    %dma_wait3A_78 = arith.constant 0 : i32
    %dma_wait3A_79 = arith.constant 0 : i32
    %dma_wait3A_80 = tpu.memref_slice %arg33[%dma_wait3A_78, %dma_wait3A_79] : memref<10240x128xf32, #tpu.memory_space<vmem_shared>> -> memref<10240x128xf32, #tpu.memory_space<vmem_shared>>
    tpu.wait_indirect_dma semaphore(%arg30 : memref<!tpu.dma_semaphore, #tpu.memory_space<semaphore_mem>>) src(%arg18 : memref<96x128xf32, #tpu.memory_space<vmem>>) dst(%dma_wait3A_80 : memref<10240x128xf32, #tpu.memory_space<vmem_shared>>)
    %dma_wait3A_81 = arith.constant 0 : i32
    %dma_wait3A_82 = arith.constant 0 : i32
    %dma_wait3A_83 = tpu.memref_slice %arg33[%dma_wait3A_81, %dma_wait3A_82] : memref<10240x128xf32, #tpu.memory_space<vmem_shared>> -> memref<10240x128xf32, #tpu.memory_space<vmem_shared>>
    tpu.wait_indirect_dma semaphore(%arg31 : memref<!tpu.dma_semaphore, #tpu.memory_space<semaphore_mem>>) src(%arg19 : memref<96x128xf32, #tpu.memory_space<vmem>>) dst(%dma_wait3A_83 : memref<10240x128xf32, #tpu.memory_space<vmem_shared>>)
    %dma_wait3A_84 = arith.constant 0 : i32
    %dma_wait3A_85 = arith.constant 0 : i32
    %dma_wait3A_86 = tpu.memref_slice %arg33[%dma_wait3A_84, %dma_wait3A_85] : memref<10240x128xf32, #tpu.memory_space<vmem_shared>> -> memref<10240x128xf32, #tpu.memory_space<vmem_shared>>
    tpu.wait_indirect_dma semaphore(%arg32 : memref<!tpu.dma_semaphore, #tpu.memory_space<semaphore_mem>>) src(%arg20 : memref<96x128xf32, #tpu.memory_space<vmem>>) dst(%dma_wait3A_86 : memref<10240x128xf32, #tpu.memory_space<vmem_shared>>)
    %barrier3A_87 = arith.constant 0 : index
    tpu.barrier barrier_id(%barrier3A_87)
    %mul3A_88 = arith.constant 640 : i32
    %mul3A_89 = arith.muli %arg1, %mul3A_88 : i32
    %mul3A_90 = arith.constant 640 : i32
    %mul3A_91 = arith.muli %arg1, %mul3A_90 : i32
    "tpu.region"() ({
      %run_scoped3A = tpu.sem_alloc : memref<!tpu.dma_semaphore, #tpu.memory_space<semaphore_mem>>
      %dma_start3A_92 = arith.constant 0 : i32
      %dma_start3A_93 = tpu.memref_slice %arg5[%arg0, %mul3A_91, %dma_start3A_92] : memref<2x10240x128xf32, #tpu.memory_space<hbm>> -> memref<1x640x128xf32, #tpu.memory_space<hbm>>
      %dma_start3A_94 = tpu.memref_squeeze %dma_start3A_93 : memref<1x640x128xf32, #tpu.memory_space<hbm>> -> memref<640x128xf32, #tpu.memory_space<hbm>>
      %dma_start3A_95 = arith.constant 0 : i32
      %dma_start3A_96 = tpu.memref_slice %arg33[%mul3A_89, %dma_start3A_95] : memref<10240x128xf32, #tpu.memory_space<vmem_shared>> -> memref<640x128xf32, #tpu.memory_space<vmem_shared>>
      tpu.enqueue_dma source(%dma_start3A_96 : memref<640x128xf32, #tpu.memory_space<vmem_shared>>) target(%dma_start3A_94 : memref<640x128xf32, #tpu.memory_space<hbm>>) target_semaphore(%run_scoped3A : memref<!tpu.dma_semaphore, #tpu.memory_space<semaphore_mem>>)
      %dma_wait3A_97 = arith.constant 0 : i32
      %dma_wait3A_98 = tpu.memref_slice %arg5[%arg0, %mul3A_91, %dma_wait3A_97] : memref<2x10240x128xf32, #tpu.memory_space<hbm>> -> memref<1x640x128xf32, #tpu.memory_space<hbm>>
      %dma_wait3A_99 = tpu.memref_squeeze %dma_wait3A_98 : memref<1x640x128xf32, #tpu.memory_space<hbm>> -> memref<640x128xf32, #tpu.memory_space<hbm>>
      %dma_wait3A_100 = arith.constant 0 : i32
      %dma_wait3A_101 = tpu.memref_slice %arg33[%mul3A_89, %dma_wait3A_100] : memref<10240x128xf32, #tpu.memory_space<vmem_shared>> -> memref<640x128xf32, #tpu.memory_space<vmem_shared>>
      tpu.wait_dma2 semaphore(%run_scoped3A : memref<!tpu.dma_semaphore, #tpu.memory_space<semaphore_mem>>) src(%dma_wait3A_101 : memref<640x128xf32, #tpu.memory_space<vmem_shared>>) dst(%dma_wait3A_99 : memref<640x128xf32, #tpu.memory_space<hbm>>)
      tpu.yield
    }) : () -> ()
    return
  }
}

module attributes {stable_mosaic.version = 14 : i64} {
  func.func @_tc_pre_body(%arg0: memref<10240x16xf32, #tpu.memory_space<vmem>>, %arg1: memref<10240x16xf32, #tpu.memory_space<vmem>>, %arg2: memref<10000x128xf32, #tpu.memory_space<vmem>>, %arg3: memref<128x128xf32, #tpu.memory_space<vmem>>, %arg4: memref<64x32xf32, #tpu.memory_space<vmem>>, %arg5: memref<32x128xf32, #tpu.memory_space<vmem>>, %arg6: memref<1x128xf32, #tpu.memory_space<vmem>>, %arg7: memref<10000x1xf32, #tpu.memory_space<vmem>>, %arg8: memref<10000x128xf32, #tpu.memory_space<vmem>>, %arg9: memref<64x128xf32, #tpu.memory_space<vmem>>) attributes {dimension_semantics = [], scalar_prefetch = 0 : i64, scratch_operands = 0 : i64, tpu.core_type = #tpu.core_type<tc>} {
    %get3A = arith.constant 0 : index
    %get3A_0 = arith.constant 0 : index
    %get3A_1 = vector.load %arg0[%get3A, %get3A_0] : memref<10240x16xf32, #tpu.memory_space<vmem>>, vector<10000x1xf32>
    %get3A_2 = arith.constant 0 : index
    %get3A_3 = arith.constant 0 : index
    %get3A_4 = vector.load %arg1[%get3A_2, %get3A_3] : memref<10240x16xf32, #tpu.memory_space<vmem>>, vector<10000x1xf32>
    %add3A = arith.addf %get3A_1, %get3A_4 : vector<10000x1xf32>
    %rsqrt3A = math.rsqrt %add3A : vector<10000x1xf32>
    %swap3A = arith.constant 0 : index
    %swap3A_5 = arith.constant 0 : index
    %swap3A_6 = vector.load %arg7[%swap3A, %swap3A_5] : memref<10000x1xf32, #tpu.memory_space<vmem>>, vector<10000x1xf32>
    tpu.vector_store %arg7[%swap3A, %swap3A_5], %rsqrt3A {strides = array<i32>} : memref<10000x1xf32, #tpu.memory_space<vmem>>, vector<10000x1xf32>,
    %get3A_7 = arith.constant 0 : index
    %get3A_8 = arith.constant 0 : index
    %get3A_9 = vector.load %arg2[%get3A_7, %get3A_8] : memref<10000x128xf32, #tpu.memory_space<vmem>>, vector<10000x128xf32>
    %get3A_10 = arith.constant 0 : index
    %get3A_11 = arith.constant 0 : index
    %get3A_12 = vector.load %arg3[%get3A_10, %get3A_11] : memref<128x128xf32, #tpu.memory_space<vmem>>, vector<128x128xf32>
    %dot_general3A = arith.constant dense<0.000000e+00> : vector<10000x128xf32>
    %dot_general3A_13 = tpu.matmul %get3A_9, %get3A_12, %dot_general3A {dimension_numbers = #tpu.dot_dimension_numbers<[1], [0], [0], [1], [0, 0, 1, 1], [], []>, transpose_lhs_hint = false} : vector<10000x128xf32>, vector<128x128xf32>, vector<10000x128xf32> -> vector<10000x128xf32>
    %mul3A = vector.broadcast %rsqrt3A : vector<10000x1xf32> to vector<10000x128xf32>
    %mul3A_14 = arith.mulf %dot_general3A_13, %mul3A : vector<10000x128xf32>
    %swap3A_15 = arith.constant 0 : index
    %swap3A_16 = arith.constant 0 : index
    %swap3A_17 = vector.load %arg8[%swap3A_15, %swap3A_16] : memref<10000x128xf32, #tpu.memory_space<vmem>>, vector<10000x128xf32>
    tpu.vector_store %arg8[%swap3A_15, %swap3A_16], %mul3A_14 {strides = array<i32>} : memref<10000x128xf32, #tpu.memory_space<vmem>>, vector<10000x128xf32>,
    %get3A_18 = arith.constant 0 : index
    %get3A_19 = arith.constant 0 : index
    %get3A_20 = vector.load %arg4[%get3A_18, %get3A_19] : memref<64x32xf32, #tpu.memory_space<vmem>>, vector<64x32xf32>
    %get3A_21 = arith.constant 0 : index
    %get3A_22 = arith.constant 0 : index
    %get3A_23 = vector.load %arg5[%get3A_21, %get3A_22] : memref<32x128xf32, #tpu.memory_space<vmem>>, vector<32x128xf32>
    %dot_general3A_24 = arith.constant dense<0.000000e+00> : vector<64x128xf32>
    %dot_general3A_25 = tpu.matmul %get3A_20, %get3A_23, %dot_general3A_24 {dimension_numbers = #tpu.dot_dimension_numbers<[1], [0], [0], [1], [0, 0, 1, 1], [], []>, transpose_lhs_hint = false} : vector<64x32xf32>, vector<32x128xf32>, vector<64x128xf32> -> vector<64x128xf32>
    %get3A_26 = arith.constant 0 : index
    %get3A_27 = arith.constant 0 : index
    %get3A_28 = vector.load %arg6[%get3A_26, %get3A_27] : memref<1x128xf32, #tpu.memory_space<vmem>>, vector<1x128xf32>
    %add3A_29 = vector.broadcast %get3A_28 : vector<1x128xf32> to vector<64x128xf32>
    %add3A_30 = arith.addf %dot_general3A_25, %add3A_29 : vector<64x128xf32>
    %max3A = arith.constant 0.000000e+00 : f32
    %max3A_31 = vector.broadcast %max3A : f32 to vector<64x128xf32>
    %max3A_32 = arith.maximumf %add3A_30, %max3A_31 : vector<64x128xf32>
    %swap3A_33 = arith.constant 0 : index
    %swap3A_34 = arith.constant 0 : index
    %swap3A_35 = vector.load %arg9[%swap3A_33, %swap3A_34] : memref<64x128xf32, #tpu.memory_space<vmem>>, vector<64x128xf32>
    tpu.vector_store %arg9[%swap3A_33, %swap3A_34], %max3A_32 {strides = array<i32>} : memref<64x128xf32, #tpu.memory_space<vmem>>, vector<64x128xf32>,
    return
  }
}

module attributes {stable_mosaic.version = 14 : i64} {
  func.func @_tc_mid_body(%arg0: memref<10240x128xf32, #tpu.memory_space<vmem>>, %arg1: memref<10240x128xf32, #tpu.memory_space<vmem>>, %arg2: memref<10000x1xf32, #tpu.memory_space<vmem>>, %arg3: memref<1x128xf32, #tpu.memory_space<vmem>>, %arg4: memref<128x128xf32, #tpu.memory_space<vmem>>, %arg5: memref<10000x1xi32, #tpu.memory_space<vmem>>, %arg6: memref<10000x128xf32, #tpu.memory_space<vmem>>, %arg7: memref<64x128xf32, #tpu.memory_space<vmem>>) attributes {dimension_semantics = [], scalar_prefetch = 0 : i64, scratch_operands = 0 : i64, tpu.core_type = #tpu.core_type<tc>} {
    %get3A = arith.constant 0 : index
    %get3A_0 = arith.constant 0 : index
    %get3A_1 = vector.load %arg2[%get3A, %get3A_0] : memref<10000x1xf32, #tpu.memory_space<vmem>>, vector<10000x1xf32>
    %get3A_2 = arith.constant 0 : index
    %get3A_3 = arith.constant 0 : index
    %get3A_4 = vector.load %arg0[%get3A_2, %get3A_3] : memref<10240x128xf32, #tpu.memory_space<vmem>>, vector<10000x128xf32>
    %get3A_5 = arith.constant 0 : index
    %get3A_6 = arith.constant 0 : index
    %get3A_7 = vector.load %arg1[%get3A_5, %get3A_6] : memref<10240x128xf32, #tpu.memory_space<vmem>>, vector<10000x128xf32>
    %add3A = arith.addf %get3A_4, %get3A_7 : vector<10000x128xf32>
    %mul3A = vector.broadcast %get3A_1 : vector<10000x1xf32> to vector<10000x128xf32>
    %mul3A_8 = arith.mulf %mul3A, %add3A : vector<10000x128xf32>
    %get3A_9 = arith.constant 0 : index
    %get3A_10 = arith.constant 0 : index
    %get3A_11 = vector.load %arg3[%get3A_9, %get3A_10] : memref<1x128xf32, #tpu.memory_space<vmem>>, vector<1x128xf32>
    %add3A_12 = vector.broadcast %get3A_11 : vector<1x128xf32> to vector<10000x128xf32>
    %add3A_13 = arith.addf %mul3A_8, %add3A_12 : vector<10000x128xf32>
    %max3A = arith.constant 0.000000e+00 : f32
    %max3A_14 = vector.broadcast %max3A : f32 to vector<10000x128xf32>
    %max3A_15 = arith.maximumf %add3A_13, %max3A_14 : vector<10000x128xf32>
    %iota3A = tpu.iota {dimensions = array<i32: 1>} : vector<10000x64xi32>
    %get3A_16 = arith.constant 0 : index
    %get3A_17 = arith.constant 0 : index
    %get3A_18 = vector.load %arg5[%get3A_16, %get3A_17] : memref<10000x1xi32, #tpu.memory_space<vmem>>, vector<10000x1xi32>
    %eq3A = vector.broadcast %get3A_18 : vector<10000x1xi32> to vector<10000x64xi32>
    %eq3A_19 = arith.cmpi eq, %eq3A, %iota3A : vector<10000x64xi32>
    %jit3A = arith.constant 1.000000e+00 : f32
    %jit3A_20 = arith.constant 0.000000e+00 : f32
    %broadcast_in_dim3A = vector.broadcast %jit3A : f32 to vector<10000x64xf32>
    %broadcast_in_dim3A_21 = vector.broadcast %jit3A_20 : f32 to vector<10000x64xf32>
    %select_n3A = arith.select %eq3A_19, %broadcast_in_dim3A, %broadcast_in_dim3A_21 : vector<10000x64xi1>, vector<10000x64xf32>
    %dot_general3A = arith.constant dense<0.000000e+00> : vector<64x128xf32>
    %dot_general3A_22 = tpu.matmul %select_n3A, %max3A_15, %dot_general3A {dimension_numbers = #tpu.dot_dimension_numbers<[0], [0], [1], [1], [0, 1, 1, 1], [], []>, transpose_lhs_hint = false} : vector<10000x64xf32>, vector<10000x128xf32>, vector<64x128xf32> -> vector<64x128xf32>
    %swap3A = arith.constant 0 : index
    %swap3A_23 = arith.constant 0 : index
    %swap3A_24 = vector.load %arg7[%swap3A, %swap3A_23] : memref<64x128xf32, #tpu.memory_space<vmem>>, vector<64x128xf32>
    tpu.vector_store %arg7[%swap3A, %swap3A_23], %dot_general3A_22 {strides = array<i32>} : memref<64x128xf32, #tpu.memory_space<vmem>>, vector<64x128xf32>,
    %get3A_25 = arith.constant 0 : index
    %get3A_26 = arith.constant 0 : index
    %get3A_27 = vector.load %arg4[%get3A_25, %get3A_26] : memref<128x128xf32, #tpu.memory_space<vmem>>, vector<128x128xf32>
    %dot_general3A_28 = arith.constant dense<0.000000e+00> : vector<10000x128xf32>
    %dot_general3A_29 = tpu.matmul %add3A_13, %get3A_27, %dot_general3A_28 {dimension_numbers = #tpu.dot_dimension_numbers<[1], [0], [0], [1], [0, 0, 1, 1], [], []>, transpose_lhs_hint = false} : vector<10000x128xf32>, vector<128x128xf32>, vector<10000x128xf32> -> vector<10000x128xf32>
    %mul3A_30 = vector.broadcast %get3A_1 : vector<10000x1xf32> to vector<10000x128xf32>
    %mul3A_31 = arith.mulf %dot_general3A_29, %mul3A_30 : vector<10000x128xf32>
    %swap3A_32 = arith.constant 0 : index
    %swap3A_33 = arith.constant 0 : index
    %swap3A_34 = vector.load %arg6[%swap3A_32, %swap3A_33] : memref<10000x128xf32, #tpu.memory_space<vmem>>, vector<10000x128xf32>
    tpu.vector_store %arg6[%swap3A_32, %swap3A_33], %mul3A_31 {strides = array<i32>} : memref<10000x128xf32, #tpu.memory_space<vmem>>, vector<10000x128xf32>,
    return
  }
}

module attributes {stable_mosaic.version = 14 : i64} {
  func.func @_tc_final_body(%arg0: memref<10240x128xf32, #tpu.memory_space<vmem>>, %arg1: memref<10240x128xf32, #tpu.memory_space<vmem>>, %arg2: memref<10000x1xf32, #tpu.memory_space<vmem>>, %arg3: memref<1x128xf32, #tpu.memory_space<vmem>>, %arg4: memref<10000x1xi32, #tpu.memory_space<vmem>>, %arg5: memref<64x128xf32, #tpu.memory_space<vmem>>, %arg6: memref<64x128xf32, #tpu.memory_space<vmem>>, %arg7: memref<64x128xf32, #tpu.memory_space<vmem>>, %arg8: memref<512x2xf32, #tpu.memory_space<vmem>>, %arg9: memref<1x2xf32, #tpu.memory_space<vmem>>, %arg10: memref<64x2xf32, #tpu.memory_space<vmem>>) attributes {dimension_semantics = [], scalar_prefetch = 0 : i64, scratch_operands = 0 : i64, tpu.core_type = #tpu.core_type<tc>} {
    %get3A = arith.constant 0 : index
    %get3A_0 = arith.constant 0 : index
    %get3A_1 = vector.load %arg2[%get3A, %get3A_0] : memref<10000x1xf32, #tpu.memory_space<vmem>>, vector<10000x1xf32>
    %get3A_2 = arith.constant 0 : index
    %get3A_3 = arith.constant 0 : index
    %get3A_4 = vector.load %arg0[%get3A_2, %get3A_3] : memref<10240x128xf32, #tpu.memory_space<vmem>>, vector<10000x128xf32>
    %get3A_5 = arith.constant 0 : index
    %get3A_6 = arith.constant 0 : index
    %get3A_7 = vector.load %arg1[%get3A_5, %get3A_6] : memref<10240x128xf32, #tpu.memory_space<vmem>>, vector<10000x128xf32>
    %add3A = arith.addf %get3A_4, %get3A_7 : vector<10000x128xf32>
    %mul3A = vector.broadcast %get3A_1 : vector<10000x1xf32> to vector<10000x128xf32>
    %mul3A_8 = arith.mulf %mul3A, %add3A : vector<10000x128xf32>
    %get3A_9 = arith.constant 0 : index
    %get3A_10 = arith.constant 0 : index
    %get3A_11 = vector.load %arg3[%get3A_9, %get3A_10] : memref<1x128xf32, #tpu.memory_space<vmem>>, vector<1x128xf32>
    %add3A_12 = vector.broadcast %get3A_11 : vector<1x128xf32> to vector<10000x128xf32>
    %add3A_13 = arith.addf %mul3A_8, %add3A_12 : vector<10000x128xf32>
    %max3A = arith.constant 0.000000e+00 : f32
    %max3A_14 = vector.broadcast %max3A : f32 to vector<10000x128xf32>
    %max3A_15 = arith.maximumf %add3A_13, %max3A_14 : vector<10000x128xf32>
    %iota3A = tpu.iota {dimensions = array<i32: 1>} : vector<10000x64xi32>
    %get3A_16 = arith.constant 0 : index
    %get3A_17 = arith.constant 0 : index
    %get3A_18 = vector.load %arg4[%get3A_16, %get3A_17] : memref<10000x1xi32, #tpu.memory_space<vmem>>, vector<10000x1xi32>
    %eq3A = vector.broadcast %get3A_18 : vector<10000x1xi32> to vector<10000x64xi32>
    %eq3A_19 = arith.cmpi eq, %eq3A, %iota3A : vector<10000x64xi32>
    %jit3A = arith.constant 1.000000e+00 : f32
    %jit3A_20 = arith.constant 0.000000e+00 : f32
    %broadcast_in_dim3A = vector.broadcast %jit3A : f32 to vector<10000x64xf32>
    %broadcast_in_dim3A_21 = vector.broadcast %jit3A_20 : f32 to vector<10000x64xf32>
    %select_n3A = arith.select %eq3A_19, %broadcast_in_dim3A, %broadcast_in_dim3A_21 : vector<10000x64xi1>, vector<10000x64xf32>
    %dot_general3A = arith.constant dense<0.000000e+00> : vector<64x128xf32>
    %dot_general3A_22 = tpu.matmul %select_n3A, %max3A_15, %dot_general3A {dimension_numbers = #tpu.dot_dimension_numbers<[0], [0], [1], [1], [0, 1, 1, 1], [], []>, transpose_lhs_hint = false} : vector<10000x64xf32>, vector<10000x128xf32>, vector<64x128xf32> -> vector<64x128xf32>
    %broadcast_in_dim3A_23 = arith.constant 1.000000e+00 : f32
    %broadcast_in_dim3A_24 = vector.broadcast %broadcast_in_dim3A_23 : f32 to vector<10000x1xf32>
    %dot_general3A_25 = arith.constant dense<0.000000e+00> : vector<64x1xf32>
    %dot_general3A_26 = tpu.matmul %select_n3A, %broadcast_in_dim3A_24, %dot_general3A_25 {dimension_numbers = #tpu.dot_dimension_numbers<[0], [0], [1], [1], [0, 1, 1, 1], [], []>, transpose_lhs_hint = false} : vector<10000x64xf32>, vector<10000x1xf32>, vector<64x1xf32> -> vector<64x1xf32>
    %max3A_27 = arith.constant 1.000000e+00 : f32
    %max3A_28 = vector.broadcast %max3A_27 : f32 to vector<64x1xf32>
    %max3A_29 = arith.maximumf %dot_general3A_26, %max3A_28 : vector<64x1xf32>
    %div3A = arith.constant 1.000000e+00 : f32
    %div3A_30 = vector.broadcast %div3A : f32 to vector<64x1xf32>
    %div3A_31 = arith.divf %div3A_30, %max3A_29 : vector<64x1xf32>
    %get3A_32 = arith.constant 0 : index
    %get3A_33 = arith.constant 0 : index
    %get3A_34 = vector.load %arg5[%get3A_32, %get3A_33] : memref<64x128xf32, #tpu.memory_space<vmem>>, vector<64x128xf32>
    %mul3A_35 = vector.broadcast %div3A_31 : vector<64x1xf32> to vector<64x128xf32>
    %mul3A_36 = arith.mulf %get3A_34, %mul3A_35 : vector<64x128xf32>
    %get3A_37 = arith.constant 0 : index
    %get3A_38 = arith.constant 0 : index
    %get3A_39 = vector.load %arg6[%get3A_37, %get3A_38] : memref<64x128xf32, #tpu.memory_space<vmem>>, vector<64x128xf32>
    %mul3A_40 = vector.broadcast %div3A_31 : vector<64x1xf32> to vector<64x128xf32>
    %mul3A_41 = arith.mulf %get3A_39, %mul3A_40 : vector<64x128xf32>
    %mul3A_42 = vector.broadcast %div3A_31 : vector<64x1xf32> to vector<64x128xf32>
    %mul3A_43 = arith.mulf %dot_general3A_22, %mul3A_42 : vector<64x128xf32>
    %get3A_44 = arith.constant 0 : index
    %get3A_45 = arith.constant 0 : index
    %get3A_46 = vector.load %arg7[%get3A_44, %get3A_45] : memref<64x128xf32, #tpu.memory_space<vmem>>, vector<64x128xf32>
    %concatenate3A = tpu.concatenate %mul3A_36, %mul3A_41, %mul3A_43, %get3A_46 in 1 : vector<64x128xf32>, vector<64x128xf32>, vector<64x128xf32>, vector<64x128xf32> -> vector<64x512xf32>
    %get3A_47 = arith.constant 0 : index
    %get3A_48 = arith.constant 0 : index
    %get3A_49 = vector.load %arg8[%get3A_47, %get3A_48] : memref<512x2xf32, #tpu.memory_space<vmem>>, vector<512x2xf32>
    %dot_general3A_50 = arith.constant dense<0.000000e+00> : vector<64x2xf32>
    %dot_general3A_51 = tpu.matmul %concatenate3A, %get3A_49, %dot_general3A_50 {dimension_numbers = #tpu.dot_dimension_numbers<[1], [0], [0], [1], [0, 0, 1, 1], [], []>, transpose_lhs_hint = false} : vector<64x512xf32>, vector<512x2xf32>, vector<64x2xf32> -> vector<64x2xf32>
    %get3A_52 = arith.constant 0 : index
    %get3A_53 = arith.constant 0 : index
    %get3A_54 = vector.load %arg9[%get3A_52, %get3A_53] : memref<1x2xf32, #tpu.memory_space<vmem>>, vector<1x2xf32>
    %add3A_55 = vector.broadcast %get3A_54 : vector<1x2xf32> to vector<64x2xf32>
    %add3A_56 = arith.addf %dot_general3A_51, %add3A_55 : vector<64x2xf32>
    %swap3A = arith.constant 0 : index
    %swap3A_57 = arith.constant 0 : index
    %swap3A_58 = vector.load %arg10[%swap3A, %swap3A_57] : memref<64x2xf32, #tpu.memory_space<vmem>>, vector<64x2xf32>
    tpu.vector_store %arg10[%swap3A, %swap3A_57], %add3A_56 {strides = array<i32>} : memref<64x2xf32, #tpu.memory_space<vmem>>, vector<64x2xf32>,
    return
  }
}

</mosaic_0001>

<sc_bundles>
// kernel: kernel.10.cloned.1.call-start
scs
__scs_entry_jumppad:
0x0: {  	(pc) =	sbr.rel $0x88, $3  }
0x1: {  	(tag) =	ssettag $0x0;
	lr =	simm.s32 $0x1  }
0x2: {  	[smem:$0x3F93] =	sst lr;
	_ =	strace $0xD0000000  }
0x3: {  	_ = 	snop  }
0x4: {  	_ = 	snop  }
0x5: {  	_ = 	snop  }
0x6: {  	_ = 	snop  }
0x7: {  	_ = 	snop  }
__scs_overlays_trampoline_lowered:
0x8: {  	[smem:$0x3FA2] =	sst s0  }
0x9: {  	[smem:$0x3FA3] =	sst s1  }
0xa: {  	[smem:$0x3FA4] =	sst s2  }
0xb: {  	[smem:$0x3FA5] =	sst s3  }
0xc: {  	[smem:$0x3FA6] =	sst s4  }
0xd: {  	[smem:$0x3FA7] =	sst s5  }
0xe: {  	[smem:$0x3FA8] =	sst s6  }
0xf: {  	[smem:$0x3FA9] =	sst s7  }
0x10: {  	[smem:$0x3FAA] =	sst s8  }
0x11: {  	[smem:$0x3FAB] =	sst s9;
	s0 =	simm.s32 @!p0 $0x0  }
0x12: {  	s1 =	sld [smem:$0x3F91];
	s0 =	simm.s32 @p0 $0x1  }
0x13: {  	[smem:$0x3FAC] =	sst s0;
	s0 =	simm.s32 @!p1 $0x0  }
0x14: {  	s2 =	sld [smem:$0x3F90];
	s0 =	simm.s32 @p1 $0x1  }
0x15: {  	[smem:$0x3FAD] =	sst s0;
	s0 =	simm.s32 @!p2 $0x0  }
0x16: {  	s3 =	sld [smem:$0x3FDB];
	s0 =	simm.s32 @p2 $0x1  }
0x17: {  	s4 =	simm.s32 $0x1BF5;
	[smem:$0x3FAF] =	sst s0  }
0x18: {  	s0 =	sld [smem:$0x3F92];
	_ =	swait.ge [sflag:s4], $0x0  }
0x19: {  	s7 =	sld [smem:$0x3F93]  }
0x1a: {  	s8 =	sadd.s32 $0xFFFFE003, lr  }
0x1b: {  	s9 =	sadd.s32 $0xFFFFFEF7, lr;
	s5 =	simm.s32 $0xFFFFFFFF;
	p2 =	slt.u32 s8, $0xFFFFF086  }
0x1c: {  	p1 =	slt.u32 s9, $0xF7A;
	s5 =	simm.s32 @!p2 $0x0  }
0x1d: {  	s5 =	simm.s32 @p1 $0x1;
	p0 =	seq.s32 s7, s2  }
0x1e: {  	s7 =	smul.u32 @!p0 $0xF7A, s2;
	p2 =	seq.s32 @!p0 s5, $0x0  }
0x1f: {  	s9 =	smul.u32 $0xF7A, s1;
	s8 =	simm.s32 @!p0 $0x1BF5;
	p2 =	por !p2, p0  }
0x20: {  	[sflag:s8] =	ssyncset.s32 @!p0 $0xFFFFF086;
	s6 =	sadd.s32 @!p0 s3, s7;
	s7 =	simm.s32 @!p0 $0x108  }
0x21: {  	s3 =	sadd.s32 s3, s9;
	s6 =	sadd.s32 @!p0 $0x88, s6;
	s7 =	simm.s32 @p2 $0x1082  }
0x22: {  	[simem:s7], [sflag:s8] =	dma.local @!p0 [hbm:s6], $0xF7A  }
0x23: {  	s9 =	sor.u32 $0xD0000000, s2;
	s6 =	simm.s32 $0x108;
	_ =	swait.ge @!p0 [sflag:s8], $0x0  }
0x24: {  	s3 =	sadd.s32 $0x88, s3;
	s6 =	simm.s32 @!p1 $0x1082;
	[sflag:s4] =	ssyncset.s32 $0xFFFFF086  }
0x25: {  	[simem:s6], [sflag:s4] =	dma.local [hbm:s3], $0xF7A  }
0x26: {  	[smem:$0x3F93] =	sst s1;
	(tag) =	ssettag s2;
	_ =	strace s9  }
0x27: {  	s1 =	sld [smem:$0x3FA3]  }
0x28: {  	s2 =	sld [smem:$0x3FA4]  }
0x29: {  	s4 =	sld [smem:$0x3FA6]  }
0x2a: {  	p0 =	seq.s32 s5, $0x0;
	s5 =	sld [smem:$0x3FA7]  }
0x2b: {  	s6 =	sld [smem:$0x3FA8]  }
0x2c: {  	s7 =	sld [smem:$0x3FA9]  }
0x2d: {  	s3 =	simm.s32 $0x108;
	s8 =	sld [smem:$0x3FAA]  }
0x2e: {  	s3 =	simm.s32 @!p0 $0x1082;
	s9 =	sld [smem:$0x3FAB]  }
0x2f: {  	lr =	sadd.s32 s0, s3;
	s0 =	sld [smem:$0x3FA2]  }
0x30: {  	s3 =	sld [smem:$0x3FA5]  }
0x31: {  	[smem:$0x3FAE] =	sst s10  }
0x32: {  	s10 =	sld [smem:$0x3FAC];
	_ =	sdelay $0x3  }
0x33: {  	p0 =	seq.s32 s10, $0x1;
	s10 =	sld [smem:$0x3FAE];
	_ =	sdelay $0x3  }
0x34: {  	[smem:$0x3FAE] =	sst s10  }
0x35: {  	s10 =	sld [smem:$0x3FAD];
	_ =	sdelay $0x3  }
0x36: {  	p1 =	seq.s32 s10, $0x1;
	s10 =	sld [smem:$0x3FAE];
	_ =	sdelay $0x3  }
0x37: {  	[smem:$0x3FAE] =	sst s10  }
0x38: {  	s10 =	sld [smem:$0x3FAF]  }
0x39: {  	_ = 	snop;
	(pc) =	sbr.ind lr, $3  }
0x3a: {  	_ = 	snop  }
0x3b: {  	_ = 	snop  }
0x3c: {  	p2 =	seq.s32 s10, $0x1;
	s10 =	sld [smem:$0x3FAE]  }
0x3d: {  	_ =	shalt  }
0x3e: {  	_ =	shalt  }
0x3f: {  	_ =	shalt  }
0x40: {  	_ =	shalt  }
0x41: {  	_ =	shalt  }
0x42: {  	_ =	shalt  }
0x43: {  	_ =	shalt  }
0x44: {  	_ =	shalt  }
0x45: {  	_ =	shalt  }
0x46: {  	_ =	shalt  }
0x47: {  	_ =	shalt  }
0x48: {  	_ =	shalt  }
0x49: {  	_ =	shalt  }
0x4a: {  	_ =	shalt  }
0x4b: {  	_ =	shalt  }
0x4c: {  	_ =	shalt  }
0x4d: {  	_ =	shalt  }
0x4e: {  	_ =	shalt  }
0x4f: {  	_ =	shalt  }
0x50: {  	_ =	shalt  }
0x51: {  	_ =	shalt  }
0x52: {  	_ =	shalt  }
0x53: {  	_ =	shalt  }
0x54: {  	_ =	shalt  }
0x55: {  	_ =	shalt  }
0x56: {  	_ =	shalt  }
0x57: {  	_ =	shalt  }
0x58: {  	_ =	shalt  }
0x59: {  	_ =	shalt  }
0x5a: {  	_ =	shalt  }
0x5b: {  	_ =	shalt  }
0x5c: {  	_ =	shalt  }
0x5d: {  	_ =	shalt  }
0x5e: {  	_ =	shalt  }
0x5f: {  	_ =	shalt  }
0x60: {  	_ =	shalt  }
0x61: {  	_ =	shalt  }
0x62: {  	_ =	shalt  }
0x63: {  	_ =	shalt  }
0x64: {  	_ =	shalt  }
0x65: {  	_ =	shalt  }
0x66: {  	_ =	shalt  }
0x67: {  	_ =	shalt  }
0x68: {  	_ =	shalt  }
0x69: {  	_ =	shalt  }
0x6a: {  	_ =	shalt  }
0x6b: {  	_ =	shalt  }
0x6c: {  	_ =	shalt  }
0x6d: {  	_ =	shalt  }
0x6e: {  	_ =	shalt  }
0x6f: {  	_ =	shalt  }
0x70: {  	_ =	shalt  }
0x71: {  	_ =	shalt  }
0x72: {  	_ =	shalt  }
0x73: {  	_ =	shalt  }
0x74: {  	_ =	shalt  }
0x75: {  	_ =	shalt  }
0x76: {  	_ =	shalt  }
0x77: {  	_ =	shalt  }
0x78: {  	_ =	shalt  }
0x79: {  	_ =	shalt  }
0x7a: {  	_ =	shalt  }
0x7b: {  	_ =	shalt  }
0x7c: {  	_ =	shalt  }
0x7d: {  	_ =	shalt  }
0x7e: {  	_ =	shalt  }
0x7f: {  	_ =	shalt  }
0x80: {  	_ =	shalt  }
0x81: {  	_ =	shalt  }
0x82: {  	_ =	shalt  }
0x83: {  	_ =	shalt  }
0x84: {  	_ =	shalt  }
0x85: {  	_ =	shalt  }
0x86: {  	_ =	shalt  }
0x87: {  	_ =	shalt  }
.Lfunc_end0:
.L_simem_size_0:
called_computation_lowered:
.L_overlay_start_0:
0x88: {  	s2 =	sld [smem:$0x3FD9]  }
0x89: {  	s3 =	sld [smem:$0x3FFE];
	_ =	sdelay $0x1  }
0x8a: {  	s1 =	srdreg.scid  }
0x8b: {  	s0 =	sand.u32 $0x1, s1  }
0x8c: {  	s16 =	sshll.u32 s0, $0xA;
	s2 =	sadd.s32 s3, s2  }
0x8d: {  	s2 =	sadd.s32 s2, s16  }
0x8e: {  	[smem:$0x3FBA] =	sst s2  }
0x8f: {  	_ = 	snop  }
0x90: {  	(tm) =	ssettm $0x1  }
0x91: {  	s17 =	sld [smem:$0x3FFB];
	_ =	sdelay $0x3  }
0x92: {  	_ =	strace s17  }
0x93: {  	s2 =	sld [smem:$0x3FFC];
	_ =	sdelay $0x3  }
0x94: {  	_ =	strace s2  }
0x95: {  	s2 =	sld [smem:$0x3FFD];
	_ =	sdelay $0x3  }
0x96: {  	_ =	strace s2  }
0x97: {  	_ =	strace $0x8FFFFFFF  }
0x98: {  	s18 =	sld [smem:$0x3FDB];
	_ =	sdelay $0x1  }
0x99: {  	s19 =	simm.s32 $_scs_section_size  }
0x9a: {  	s4 =	simm.s32 $_size__tile_overlayer_lowered;
	s5 =	simm.s32 $_tile_overlayer_lowered  }
0x9b: {  	s22 =	simm.s32 $0x1BFF;
	s21 =	sshll.u32 s5, $0x1;
	s2 =	sadd.s32 s19, s18  }
0x9c: {  	s6 =	simm.s32 $0x0;
	s20 =	sshll.u32 s4, $0x1;
	s4 =	sadd.s32 s21, s2  }
0x9d: {  	[timem:s6], [sflag:s22] =	dma.local [hbm:s4], s20  }
0x9e: {  	_ =	swait.ge [sflag:s22], s20  }
0x9f: {  	s3 =	ssub.s32 $0x0, s20;
	[sflag:s22] =	ssyncset.done $0x0  }
0xa0: {  	[sflag:s22] =	ssyncadd.s32 s3;
	_ =	sdelay $0x1  }
0xa1: {  	s23 =	simm.s32 $0x1B8B  }
0xa2: {  	_ =	swait.ge [sflag:s23], $0x1  }
0xa3: {  	[sflag:s23] =	ssyncset.done $0x0  }
0xa4: {  	s25 =	simm.s32 $0x1B8E;
	s24 =	sld [smem:$0x3FFE];
	[sflag:s23] =	ssyncadd.s32 $0xFFFFFFFF  }
0xa5: {  	s26 =	simm.s32 $execute0_lowered;
	[smem:$0x3FD2] =	sst s25  }
0xa6: {  	s4 =	sshll.u32 s26, $0x1;
	_ =	strace $0x80000046;
	[dreg:$0x1] =	wrdreg $0xFFFFFFFF  }
0xa7: {  	s28 =	simm.s32 $_size_execute0_lowered;
	s2 =	sadd.s32 s2, s4;
	[dreg:$0x0] =	wrdreg $0x0  }
0xa8: {  	s4 =	sshll.u32 s28, $0x1;
	[dreg:$0x2] =	wrdreg s2  }
0xa9: {  	[dreg:$0x3] =	wrdreg s4  }
0xaa: {  	[dreg:$0x4] =	wrdreg $0xC0  }
0xab: {  	_ =	task [dreg:s6], $0x5FFFF  }
0xac: {  	[dreg:$0x1] =	wrdreg $0xFFFFFFFF  }
0xad: {  	[dreg:$0x0] =	wrdreg $0x60  }
0xae: {  	[dreg:$0x2] =	wrdreg s24  }
0xaf: {  	[dreg:$0x3] =	wrdreg $0x6C000  }
0xb0: {  	[dreg:$0x4] =	wrdreg $0x9  }
0xb1: {  	_ =	task.clear_ibuf [dreg:s6], $0x5FFFF;
	_ =	strace $0x90000046  }
0xb2: {  	s29 =	simm.s32 $0x9;
	_ =	strace $0x80000048  }
0xb3: {  	_ =	swait.ge [sflag:s29], $0x1  }
0xb4: {  	[sflag:s29] =	ssyncadd.s32 $0xFFFFFFFF  }
0xb5: {  	_ =	strace $0x90000048  }
0xb6: {  	_ =	sfence  }
0xb7: {  	s30 =	sld [smem:$0x0];
	_ =	sdelay $0x2  }
0xb8: {  	s31 =	sshll.u32 s1, $0xD;
	s1 =	sshrl.u32 s1, $0x2  }
0xb9: {  	s3 =	sand.u32 $0x4000, s31;
	s1 =	sadd.s32 s1, s30  }
0xba: {  	s0 =	sor.u32 s3, s0;
	s1 =	sshll.u32 s1, $0x11  }
0xbb: {  	s0 =	sor.u32 s1, s0  }
0xbc: {  	s0 =	sadd.s32 $0x8F2B, s0  }
0xbd: {  	[sflag:s0] =	ssyncadd.remote.s32 $0x1  }
0xbe: {  	_ =	sfence.sel $0xFFFF  }
0xbf: {  	[dreg:$0x0] =	wrdreg $0xFFFFFFFF;
	(pc) =	sbr.abs _section_cstart, $3  }
0xc0: {  	[dreg:$0x1] =	wrdreg $0xFFFFFFFF  }
0xc1: {  	_ =	task.clear_ibuf [dreg:s6], $0x2FFFF;
	_ =	strace $0x9FFFFFFF  }
0xc2: {  	(tm) =	ssettm $0x7FFFFFFF  }
0xc3: {  	_ =	shalt  }
tec
execute0_lowered:
.L_overlay_start_1:
0x0: {  	(tag) =	ssettag $0x1  }
0x1: {  	s7 =	rddreg [dreg:$0x0]  }
0x2: {  	s0 =	srdreg.scid;
	s2 =	rddreg [dreg:$0x1];
	s3 =	simm.s32 $0x0  }
0x3: {  	s13 =	simm.s32 $0x80;
	s14 =	simm.s32 $0x100;
	s15 =	simm.s32 $0x1  }
0x4: {  	s16 =	simm.s32 $0x2;
	s17 =	simm.s32 $0x3;
	s6 =	sand.u32 $0x1, s0  }
0x5: {  	s18 =	simm.s32 $0x0;
	s0 =	stileid.u32;
	s5 =	smul.u32 $0x140000, s6  }
0x6: {  	[smem:$0x7FF] =	sst s3;
	s1 =	sshll.u32 s6, $0x4;
	s8 =	smul.u32 $0x14000, s0  }
0x7: {  	s10 =	smul.u32 $0x50000, s0;
	s6 =	ssub.s32 $0x2, s6;
	s1 =	sor.u32 s0, s1  }
0x8: {  	s11 =	sshll.u32 s0, $0x6;
	s31 =	sshrl.u32 s6, $0x1;
	s4 =	smul.u32 $0x580, s1  }
0x9: {  	s1 =	rddreg [dreg:$0x2];
	_ =	strace $0x80000047;
	s5 =	sadd.s32 s8, s5  }
0xa: {  	s10 =	sshrl.u32 s10, $0x2;
	s12 =	ssub.s32 s6, s31;
	s6 =	sor.u32 $0x1C04, s11  }
0xb: {  	s11 =	simm.s32 $0x4;
	s8 =	sshrl.u32 s5, $0x3;
	s5 =	sadd.s32 $0x10C00, s7  }
0xc: {  	s10 =	sadd.s32 s10, s2;
	s9 =	sadd.s32 s4, s7;
	s4 =	sadd.s32 $0xE400, s7  }
0xd: {  	s8 =	sadd.s32 s8, s7;
	s10 =	sshrl.u32 s10, $0x3;
	s7 =	sadd.s32 $0x3400, s9  }
0xe: {  	s8 =	sadd.s32 $0x11400, s8;
	s9 =	smax.u32 s12, $0x1;
	s12 =	simm.s32 $0x2C00  }
.LBB2_1:
0xf: {  	[spmem:s10], [sflag:s6] =	dma.local [hbm:s4], $0x2800  }
0x10: {  	_ =	swait.ge [sflag:s11], $0x2800  }
0x11: {  	[sflag:s11] =	ssyncset.done $0x0  }
0x12: {  	[sflag:s11] =	ssyncadd.s32 $0xFFFFD800  }
0x13: {  	[tilespmem:s12], [sflag:$0x4] =	stream.linear.gather [hbm4b:s5+s3], $0x4000, $0x38;
	[tilespmem:$0x9400] =	vst v63  }
0x14: {  	_ =	swait.ge [sflag:s11], $0x4000  }
0x15: {  	[sflag:s11] =	ssyncset.done $0x0  }
0x16: {  	[sflag:s11] =	ssyncadd.s32 $0xFFFFC000  }
0x17: {  	[tilespmem:s3], [sflag:$0x4] =	stream.linear.gather [hbm4b:s7+s3], $0x2880, $0x38;
	[tilespmem:$0x9400] =	vst v63  }
0x18: {  	_ =	swait.ge [sflag:s11], $0x2880  }
0x19: {  	[sflag:s11] =	ssyncset.done $0x0  }
0x1a: {  	[sflag:s11] =	ssyncadd.s32 $0xFFFFD780  }
0x1b: {  	[bflag:$0x0] =	sbarrier.arrive $0xFFFF  }
0x1c: {  	[spmem:s2] =	stream.indirect.scatter.add.f32 [tilespmem:s12], [sflag:$0x1], $0x10, s3, s13, $0xb8;
	[tilespmem:$0x9400] =	vst v63  }
0x1d: {  	_ = 	snop  }
0x1e: {  	[spmem:s2] =	stream.indirect.scatter.add.f32 [tilespmem:s12], [sflag:$0x2], $0x10, s13, s13, $0xb8;
	[tilespmem:$0x9400] =	vst v63  }
0x1f: {  	_ = 	snop  }
0x20: {  	[spmem:s2] =	stream.indirect.scatter.add.f32 [tilespmem:s12], [sflag:$0x3], $0x10, s14, s13, $0xb8;
	[tilespmem:$0x9400] =	vst v63  }
0x21: {  	_ =	swait.ge [sflag:s15], $0x800  }
0x22: {  	[sflag:s15] =	ssyncset.done $0x0  }
0x23: {  	s19 =	simm.s32 $0x180;
	[sflag:s15] =	ssyncadd.s32 $0xFFFFF800  }
0x24: {  	[spmem:s2] =	stream.indirect.scatter.add.f32 [tilespmem:s12], [sflag:$0x1], $0x10, s19, s13, $0xb8;
	[tilespmem:$0x9400] =	vst v63  }
0x25: {  	_ =	swait.ge [sflag:s16], $0x800  }
0x26: {  	[sflag:s16] =	ssyncset.done $0x0  }
0x27: {  	s31 =	simm.s32 $0x200;
	[sflag:s16] =	ssyncadd.s32 $0xFFFFF800  }
0x28: {  	[spmem:s2] =	stream.indirect.scatter.add.f32 [tilespmem:s12], [sflag:$0x2], $0x10, s31, s13, $0xb8;
	[tilespmem:$0x9400] =	vst v63  }
0x29: {  	_ =	swait.ge [sflag:s17], $0x800  }
0x2a: {  	[sflag:s17] =	ssyncset.done $0x0  }
0x2b: {  	s20 =	simm.s32 $0x280;
	s19 =	simm.s32 $0xFFFF6A00;
	[sflag:s17] =	ssyncadd.s32 $0xFFFFF800  }
.LBB2_2:
0x2c: {  	[spmem:s2] =	stream.indirect.scatter.add.f32 [tilespmem:s12], [sflag:$0x3], $0x10, s20, s13, $0xb8;
	[tilespmem:$0x9400] =	vst v63  }
0x2d: {  	s20 =	smov.u32 s19  }
0x2e: {  	p0 =	sne.s32 s19, $0xFFFFFA00;
	s19 =	sadd.s32 $0x600, s19;
	_ =	swait.ge [sflag:s15], $0x800  }
0x2f: {  	s20 =	sshra.s32 s20, $0x2;
	[sflag:s15] =	ssyncset.done $0x0  }
0x30: {  	s21 =	sadd.s32 $0x2880, s20;
	[sflag:s15] =	ssyncadd.s32 $0xFFFFF800  }
0x31: {  	[spmem:s2] =	stream.indirect.scatter.add.f32 [tilespmem:s12], [sflag:$0x1], $0x10, s21, s13, $0xb8;
	[tilespmem:$0x9400] =	vst v63  }
0x32: {  	_ =	swait.ge [sflag:s16], $0x800  }
0x33: {  	[sflag:s16] =	ssyncset.done $0x0  }
.Ltmp0:
0x34: {  	s21 =	sadd.s32 $0x2900, s20;
	[sflag:s16] =	ssyncadd.s32 $0xFFFFF800;
	(pc) =	sbr.rel @p0 .LBB2_2-.Ltmp0, $4  }
0x35: {  	[spmem:s2] =	stream.indirect.scatter.add.f32 [tilespmem:s12], [sflag:$0x2], $0x10, s21, s13, $0xb8;
	[tilespmem:$0x9400] =	vst v63  }
0x36: {  	_ =	swait.ge [sflag:s17], $0x800  }
0x37: {  	[sflag:s17] =	ssyncset.done $0x0  }
0x38: {  	s20 =	sadd.s32 $0x2980, s20;
	[sflag:s17] =	ssyncadd.s32 $0xFFFFF800  }
0x39: {  	[spmem:s2] =	stream.indirect.scatter.add.f32 [tilespmem:s12], [sflag:$0x3], $0x10, s20, s13, $0xb8;
	[tilespmem:$0x9400] =	vst v63  }
0x3a: {  	_ =	swait.ge [sflag:s15], $0x800  }
0x3b: {  	[sflag:s15] =	ssyncset.done $0x0  }
0x3c: {  	[sflag:s15] =	ssyncadd.s32 $0xFFFFF800  }
0x3d: {  	_ =	swait.ge [sflag:s16], $0x800  }
0x3e: {  	[sflag:s16] =	ssyncset.done $0x0  }
0x3f: {  	[sflag:s16] =	ssyncadd.s32 $0xFFFFF800  }
0x40: {  	_ =	swait.ge [sflag:s17], $0x800  }
0x41: {  	s18 =	sadd.s32 $0x1, s18;
	[sflag:s17] =	ssyncset.done $0x0  }
0x42: {  	p0 =	sne.s32 s18, s9;
	[sflag:s17] =	ssyncadd.s32 $0xFFFFF800  }
.Ltmp1:
0x43: {  	[bflag:$0x0] =	sbarrier.arrive $0xFFFF;
	(pc) =	sbr.rel @p0 .LBB2_1-.Ltmp1, $4  }
0x44: {  	[hbm:s8], [sflag:s6] =	dma.local [spmem:s10], $0x2800  }
0x45: {  	_ =	swait.ge [sflag:s11], $0x2800  }
0x46: {  	[sflag:s11] =	ssyncset.done $0x0  }
0x47: {  	[sflag:s11] =	ssyncadd.s32 $0xFFFFD800  }
0x48: {  	_ =	sfence.sel $0x180000  }
0x49: {  	[bflag:$0x0] =	sbarrier.arrive $0xFFFF  }
0x4a: {  	p0 =	sne.s32 s0, $0x0;
	_ =	strace $0x90000047  }
0x4b: {  	s0 =	sadd.s32 @!p0 $0x100000, s1;
	[bflag:$0x2] =	sbarrier.arrive $0xFFFF  }
0x4c: {  	[sflag:s0] =	ssyncadd.tile.s32 @!p0 $0x1;
	_ =	shalt  }
.Lfunc_end2:
_tile_overlayer_lowered:
.L_overlay_start_2:
0x4d: {  	(tag) =	ssettag $0x2  }
0x4e: {  	s0 =	rddreg [dreg:$0x0];
	s2 =	stileid.u32  }
0x4f: {  	s1 =	rddreg [dreg:$0x1];
	p0 =	sne.s32 s2, $0x0  }
0x50: {  	s3 =	rddreg [dreg:$0x2];
	[bflag:$0x3] =	sbarrier.arrive $0xFFFF;
	s2 =	simm.s32 @!p0 $0x1C04  }
0x51: {  	[timem:s3], [sflag:s2] =	dma.local @!p0 [hbm:s0], s1  }
0x52: {  	s0 =	simm.s32 @!p0 $0x4  }
0x53: {  	_ =	swait.ge @!p0 [sflag:s0], s1  }
0x54: {  	s1 =	ssub.s32 @!p0 $0x0, s1;
	[sflag:s0] =	ssyncset.done @!p0 $0x0  }
0x55: {  	[sflag:s0] =	ssyncadd.s32 @!p0 s1  }
0x56: {  	[bflag:$0x3] =	sbarrier.arrive $0xFFFF  }
0x57: {  	_ =	shalt  }

// kernel: kernel.13.cloned.1.call-start
scs
__scs_entry_jumppad:
0x0: {  	(pc) =	sbr.rel $0x88, $3  }
0x1: {  	(tag) =	ssettag $0x0;
	lr =	simm.s32 $0x1  }
0x2: {  	[smem:$0x3F93] =	sst lr;
	_ =	strace $0xD0000000  }
0x3: {  	_ = 	snop  }
0x4: {  	_ = 	snop  }
0x5: {  	_ = 	snop  }
0x6: {  	_ = 	snop  }
0x7: {  	_ = 	snop  }
__scs_overlays_trampoline_lowered:
0x8: {  	[smem:$0x3FA2] =	sst s0  }
0x9: {  	[smem:$0x3FA3] =	sst s1  }
0xa: {  	[smem:$0x3FA4] =	sst s2  }
0xb: {  	[smem:$0x3FA5] =	sst s3  }
0xc: {  	[smem:$0x3FA6] =	sst s4  }
0xd: {  	[smem:$0x3FA7] =	sst s5  }
0xe: {  	[smem:$0x3FA8] =	sst s6  }
0xf: {  	[smem:$0x3FA9] =	sst s7  }
0x10: {  	[smem:$0x3FAA] =	sst s8  }
0x11: {  	[smem:$0x3FAB] =	sst s9;
	s0 =	simm.s32 @!p0 $0x0  }
0x12: {  	s1 =	sld [smem:$0x3F91];
	s0 =	simm.s32 @p0 $0x1  }
0x13: {  	[smem:$0x3FAC] =	sst s0;
	s0 =	simm.s32 @!p1 $0x0  }
0x14: {  	s2 =	sld [smem:$0x3F90];
	s0 =	simm.s32 @p1 $0x1  }
0x15: {  	[smem:$0x3FAD] =	sst s0;
	s0 =	simm.s32 @!p2 $0x0  }
0x16: {  	s3 =	sld [smem:$0x3FDB];
	s0 =	simm.s32 @p2 $0x1  }
0x17: {  	s4 =	simm.s32 $0x1BF5;
	[smem:$0x3FAF] =	sst s0  }
0x18: {  	s0 =	sld [smem:$0x3F92];
	_ =	swait.ge [sflag:s4], $0x0  }
0x19: {  	s7 =	sld [smem:$0x3F93]  }
0x1a: {  	s8 =	sadd.s32 $0xFFFFE003, lr  }
0x1b: {  	s9 =	sadd.s32 $0xFFFFFEF7, lr;
	s5 =	simm.s32 $0xFFFFFFFF;
	p2 =	slt.u32 s8, $0xFFFFF086  }
0x1c: {  	p1 =	slt.u32 s9, $0xF7A;
	s5 =	simm.s32 @!p2 $0x0  }
0x1d: {  	s5 =	simm.s32 @p1 $0x1;
	p0 =	seq.s32 s7, s2  }
0x1e: {  	s7 =	smul.u32 @!p0 $0xF7A, s2;
	p2 =	seq.s32 @!p0 s5, $0x0  }
0x1f: {  	s9 =	smul.u32 $0xF7A, s1;
	s8 =	simm.s32 @!p0 $0x1BF5;
	p2 =	por !p2, p0  }
0x20: {  	[sflag:s8] =	ssyncset.s32 @!p0 $0xFFFFF086;
	s6 =	sadd.s32 @!p0 s3, s7;
	s7 =	simm.s32 @!p0 $0x108  }
0x21: {  	s3 =	sadd.s32 s3, s9;
	s6 =	sadd.s32 @!p0 $0x88, s6;
	s7 =	simm.s32 @p2 $0x1082  }
0x22: {  	[simem:s7], [sflag:s8] =	dma.local @!p0 [hbm:s6], $0xF7A  }
0x23: {  	s9 =	sor.u32 $0xD0000000, s2;
	s6 =	simm.s32 $0x108;
	_ =	swait.ge @!p0 [sflag:s8], $0x0  }
0x24: {  	s3 =	sadd.s32 $0x88, s3;
	s6 =	simm.s32 @!p1 $0x1082;
	[sflag:s4] =	ssyncset.s32 $0xFFFFF086  }
0x25: {  	[simem:s6], [sflag:s4] =	dma.local [hbm:s3], $0xF7A  }
0x26: {  	[smem:$0x3F93] =	sst s1;
	(tag) =	ssettag s2;
	_ =	strace s9  }
0x27: {  	s1 =	sld [smem:$0x3FA3]  }
0x28: {  	s2 =	sld [smem:$0x3FA4]  }
0x29: {  	s4 =	sld [smem:$0x3FA6]  }
0x2a: {  	p0 =	seq.s32 s5, $0x0;
	s5 =	sld [smem:$0x3FA7]  }
0x2b: {  	s6 =	sld [smem:$0x3FA8]  }
0x2c: {  	s7 =	sld [smem:$0x3FA9]  }
0x2d: {  	s3 =	simm.s32 $0x108;
	s8 =	sld [smem:$0x3FAA]  }
0x2e: {  	s3 =	simm.s32 @!p0 $0x1082;
	s9 =	sld [smem:$0x3FAB]  }
0x2f: {  	lr =	sadd.s32 s0, s3;
	s0 =	sld [smem:$0x3FA2]  }
0x30: {  	s3 =	sld [smem:$0x3FA5]  }
0x31: {  	[smem:$0x3FAE] =	sst s10  }
0x32: {  	s10 =	sld [smem:$0x3FAC];
	_ =	sdelay $0x3  }
0x33: {  	p0 =	seq.s32 s10, $0x1;
	s10 =	sld [smem:$0x3FAE];
	_ =	sdelay $0x3  }
0x34: {  	[smem:$0x3FAE] =	sst s10  }
0x35: {  	s10 =	sld [smem:$0x3FAD];
	_ =	sdelay $0x3  }
0x36: {  	p1 =	seq.s32 s10, $0x1;
	s10 =	sld [smem:$0x3FAE];
	_ =	sdelay $0x3  }
0x37: {  	[smem:$0x3FAE] =	sst s10  }
0x38: {  	s10 =	sld [smem:$0x3FAF]  }
0x39: {  	_ = 	snop;
	(pc) =	sbr.ind lr, $3  }
0x3a: {  	_ = 	snop  }
0x3b: {  	_ = 	snop  }
0x3c: {  	p2 =	seq.s32 s10, $0x1;
	s10 =	sld [smem:$0x3FAE]  }
0x3d: {  	_ =	shalt  }
0x3e: {  	_ =	shalt  }
0x3f: {  	_ =	shalt  }
0x40: {  	_ =	shalt  }
0x41: {  	_ =	shalt  }
0x42: {  	_ =	shalt  }
0x43: {  	_ =	shalt  }
0x44: {  	_ =	shalt  }
0x45: {  	_ =	shalt  }
0x46: {  	_ =	shalt  }
0x47: {  	_ =	shalt  }
0x48: {  	_ =	shalt  }
0x49: {  	_ =	shalt  }
0x4a: {  	_ =	shalt  }
0x4b: {  	_ =	shalt  }
0x4c: {  	_ =	shalt  }
0x4d: {  	_ =	shalt  }
0x4e: {  	_ =	shalt  }
0x4f: {  	_ =	shalt  }
0x50: {  	_ =	shalt  }
0x51: {  	_ =	shalt  }
0x52: {  	_ =	shalt  }
0x53: {  	_ =	shalt  }
0x54: {  	_ =	shalt  }
0x55: {  	_ =	shalt  }
0x56: {  	_ =	shalt  }
0x57: {  	_ =	shalt  }
0x58: {  	_ =	shalt  }
0x59: {  	_ =	shalt  }
0x5a: {  	_ =	shalt  }
0x5b: {  	_ =	shalt  }
0x5c: {  	_ =	shalt  }
0x5d: {  	_ =	shalt  }
0x5e: {  	_ =	shalt  }
0x5f: {  	_ =	shalt  }
0x60: {  	_ =	shalt  }
0x61: {  	_ =	shalt  }
0x62: {  	_ =	shalt  }
0x63: {  	_ =	shalt  }
0x64: {  	_ =	shalt  }
0x65: {  	_ =	shalt  }
0x66: {  	_ =	shalt  }
0x67: {  	_ =	shalt  }
0x68: {  	_ =	shalt  }
0x69: {  	_ =	shalt  }
0x6a: {  	_ =	shalt  }
0x6b: {  	_ =	shalt  }
0x6c: {  	_ =	shalt  }
0x6d: {  	_ =	shalt  }
0x6e: {  	_ =	shalt  }
0x6f: {  	_ =	shalt  }
0x70: {  	_ =	shalt  }
0x71: {  	_ =	shalt  }
0x72: {  	_ =	shalt  }
0x73: {  	_ =	shalt  }
0x74: {  	_ =	shalt  }
0x75: {  	_ =	shalt  }
0x76: {  	_ =	shalt  }
0x77: {  	_ =	shalt  }
0x78: {  	_ =	shalt  }
0x79: {  	_ =	shalt  }
0x7a: {  	_ =	shalt  }
0x7b: {  	_ =	shalt  }
0x7c: {  	_ =	shalt  }
0x7d: {  	_ =	shalt  }
0x7e: {  	_ =	shalt  }
0x7f: {  	_ =	shalt  }
0x80: {  	_ =	shalt  }
0x81: {  	_ =	shalt  }
0x82: {  	_ =	shalt  }
0x83: {  	_ =	shalt  }
0x84: {  	_ =	shalt  }
0x85: {  	_ =	shalt  }
0x86: {  	_ =	shalt  }
0x87: {  	_ =	shalt  }
.Lfunc_end0:
.L_simem_size_0:
called_computation.1_lowered:
.L_overlay_start_0:
0x88: {  	s2 =	sld [smem:$0x3FD9]  }
0x89: {  	s3 =	sld [smem:$0x3FFE];
	_ =	sdelay $0x1  }
0x8a: {  	s1 =	srdreg.scid  }
0x8b: {  	s0 =	sand.u32 $0x1, s1  }
0x8c: {  	s16 =	sshll.u32 s0, $0xA;
	s2 =	sadd.s32 s3, s2  }
0x8d: {  	s2 =	sadd.s32 s2, s16  }
0x8e: {  	[smem:$0x3FBA] =	sst s2  }
0x8f: {  	_ = 	snop  }
0x90: {  	(tm) =	ssettm $0x1  }
0x91: {  	s17 =	sld [smem:$0x3FFB];
	_ =	sdelay $0x3  }
0x92: {  	_ =	strace s17  }
0x93: {  	s2 =	sld [smem:$0x3FFC];
	_ =	sdelay $0x3  }
0x94: {  	_ =	strace s2  }
0x95: {  	s2 =	sld [smem:$0x3FFD];
	_ =	sdelay $0x3  }
0x96: {  	_ =	strace s2  }
0x97: {  	_ =	strace $0x8FFFFFFF  }
0x98: {  	s18 =	sld [smem:$0x3FDB];
	_ =	sdelay $0x1  }
0x99: {  	s19 =	simm.s32 $_scs_section_size  }
0x9a: {  	s4 =	simm.s32 $_size__tile_overlayer_lowered;
	s5 =	simm.s32 $_tile_overlayer_lowered  }
0x9b: {  	s22 =	simm.s32 $0x1BFF;
	s21 =	sshll.u32 s5, $0x1;
	s2 =	sadd.s32 s19, s18  }
0x9c: {  	s6 =	simm.s32 $0x0;
	s20 =	sshll.u32 s4, $0x1;
	s4 =	sadd.s32 s21, s2  }
0x9d: {  	[timem:s6], [sflag:s22] =	dma.local [hbm:s4], s20  }
0x9e: {  	_ =	swait.ge [sflag:s22], s20  }
0x9f: {  	s3 =	ssub.s32 $0x0, s20;
	[sflag:s22] =	ssyncset.done $0x0  }
0xa0: {  	[sflag:s22] =	ssyncadd.s32 s3;
	_ =	sdelay $0x1  }
0xa1: {  	s23 =	simm.s32 $0x1B8B  }
0xa2: {  	_ =	swait.ge [sflag:s23], $0x1  }
0xa3: {  	[sflag:s23] =	ssyncset.done $0x0  }
0xa4: {  	s25 =	simm.s32 $0x1B8E;
	s24 =	sld [smem:$0x3FFE];
	[sflag:s23] =	ssyncadd.s32 $0xFFFFFFFF  }
0xa5: {  	s26 =	simm.s32 $execute0_lowered;
	[smem:$0x3FD2] =	sst s25  }
0xa6: {  	s4 =	sshll.u32 s26, $0x1;
	_ =	strace $0x80000049;
	[dreg:$0x1] =	wrdreg $0xFFFFFFFF  }
0xa7: {  	s28 =	simm.s32 $_size_execute0_lowered;
	s2 =	sadd.s32 s2, s4;
	[dreg:$0x0] =	wrdreg $0x0  }
0xa8: {  	s4 =	sshll.u32 s28, $0x1;
	[dreg:$0x2] =	wrdreg s2  }
0xa9: {  	[dreg:$0x3] =	wrdreg s4  }
0xaa: {  	[dreg:$0x4] =	wrdreg $0xC0  }
0xab: {  	_ =	task [dreg:s6], $0x5FFFF  }
0xac: {  	[dreg:$0x1] =	wrdreg $0xFFFFFFFF  }
0xad: {  	[dreg:$0x0] =	wrdreg $0x60  }
0xae: {  	[dreg:$0x2] =	wrdreg s24  }
0xaf: {  	[dreg:$0x3] =	wrdreg $0x96000  }
0xb0: {  	[dreg:$0x4] =	wrdreg $0x9  }
0xb1: {  	_ =	task.clear_ibuf [dreg:s6], $0x5FFFF;
	_ =	strace $0x90000049  }
0xb2: {  	s29 =	simm.s32 $0x9;
	_ =	strace $0x8000004B  }
0xb3: {  	_ =	swait.ge [sflag:s29], $0x1  }
0xb4: {  	[sflag:s29] =	ssyncadd.s32 $0xFFFFFFFF  }
0xb5: {  	_ =	strace $0x9000004B  }
0xb6: {  	_ =	sfence  }
0xb7: {  	s30 =	sld [smem:$0x0];
	_ =	sdelay $0x2  }
0xb8: {  	s31 =	sshll.u32 s1, $0xD;
	s1 =	sshrl.u32 s1, $0x2  }
0xb9: {  	s3 =	sand.u32 $0x4000, s31;
	s1 =	sadd.s32 s1, s30  }
0xba: {  	s0 =	sor.u32 s3, s0;
	s1 =	sshll.u32 s1, $0x11  }
0xbb: {  	s0 =	sor.u32 s1, s0  }
0xbc: {  	s0 =	sadd.s32 $0x8F2B, s0  }
0xbd: {  	[sflag:s0] =	ssyncadd.remote.s32 $0x1  }
0xbe: {  	_ =	sfence.sel $0xFFFF  }
0xbf: {  	[dreg:$0x0] =	wrdreg $0xFFFFFFFF;
	(pc) =	sbr.abs _section_cstart, $3  }
0xc0: {  	[dreg:$0x1] =	wrdreg $0xFFFFFFFF  }
0xc1: {  	_ =	task.clear_ibuf [dreg:s6], $0x2FFFF;
	_ =	strace $0x9FFFFFFF  }
0xc2: {  	(tm) =	ssettm $0x7FFFFFFF  }
0xc3: {  	_ =	shalt  }
tec
execute0_lowered:
.L_overlay_start_1:
0x0: {  	(tag) =	ssettag $0x1  }
0x1: {  	s6 =	rddreg [dreg:$0x0]  }
0x2: {  	s1 =	rddreg [dreg:$0x1]  }
0x3: {  	s0 =	srdreg.scid;
	s3 =	simm.s32 $0x0;
	s16 =	stileid.u32  }
0x4: {  	s11 =	simm.s32 $0x18;
	s13 =	simm.s32 $0x3600;
	s28 =	simm.s32 $0x400  }
0x5: {  	s30 =	simm.s32 $0x480;
	s31 =	simm.s32 $0x1;
	s29 =	simm.s32 $0x7  }
0x6: {  	s8 =	sand.u32 $0x1, s0;
	[smem:$0x7FF] =	sst s3;
	s2 =	smul.u32 $0x14000, s16  }
0x7: {  	s4 =	sadd.s32 $0x3400, s6;
	s5 =	sadd.s32 $0x61400, s6;
	s21 =	sadd.s32 $0x2A600, s6  }
0x8: {  	s9 =	smul.u32 $0x50000, s16;
	s24 =	sshll.u32 s16, $0x6;
	s15 =	sadd.s32 $0x6140C, s6  }
0x9: {  	s0 =	smul.u32 $0x140000, s8;
	_ =	strace $0x8000004A;
	[dreg:$0x11] =	wrdreg s21  }
0xa: {  	s22 =	ssub.s32 $0x2, s8;
	p0 =	seq.s32 s8, $0x0;
	s23 =	sshll.u32 s8, $0x4  }
0xb: {  	s8 =	smul.u32 $0x6C000, s8;
	s7 =	sshrl.u32 s22, $0x1;
	s11 =	simm.s32 @!p0 $0xC  }
0xc: {  	s9 =	sshrl.u32 s9, $0x2;
	s10 =	sor.u32 s16, s23;
	s16 =	smul.u32 $0x6C00, s16  }
0xd: {  	s0 =	sadd.s32 s2, s0;
	s2 =	ssub.s32 s22, s7;
	s7 =	smul.u32 $0x6, s11  }
0xe: {  	s13 =	simm.s32 @!p0 $0x1B00;
	s9 =	sadd.s32 s9, s1;
	s12 =	smul.u32 $0x6C00, s10  }
0xf: {  	s10 =	simm.s32 $0x3600;
	s11 =	smul.u32 $0x48, s11;
	s0 =	sshrl.u32 s0, $0x3  }
0x10: {  	[dreg:$0x12] =	wrdreg s9;
	s9 =	sor.u32 $0x1C0D, s24;
	s2 =	smax.u32 s2, $0x1  }
0x11: {  	s0 =	sadd.s32 s0, s6;
	s14 =	sshrl.u32 s12, $0x3;
	[dreg:$0x3] =	wrdreg s11  }
0x12: {  	s6 =	sadd.s32 $0x61418, s6;
	[dreg:$0x1c] =	wrdreg s2;
	s19 =	sadd.s32 s14, s15  }
0x13: {  	s17 =	sadd.s32 s5, s14;
	s14 =	sadd.s32 s14, s6;
	[dreg:$0x15] =	wrdreg s19  }
0x14: {  	s8 =	sadd.s32 s16, s8;
	s12 =	sadd.s32 s13, s12;
	[dreg:$0x17] =	wrdreg s14  }
0x15: {  	s12 =	sshrl.u32 s12, $0x3;
	s0 =	sadd.s32 $0x7C400, s0;
	[dreg:$0x13] =	wrdreg s17  }
0x16: {  	s21 =	sor.u32 $0x300, s8;
	s15 =	sadd.s32 s12, s15;
	[dreg:$0x1b] =	wrdreg s0  }
0x17: {  	s2 =	simm.s32 $0x600;
	s6 =	sadd.s32 s12, s6;
	[dreg:$0x16] =	wrdreg s15  }
0x18: {  	s18 =	sadd.s32 s5, s12;
	s25 =	sadd.s32 $0x24, s17;
	[dreg:$0x18] =	wrdreg s6  }
0x19: {  	s0 =	simm.s32 $0x60;
	s6 =	sadd.s32 s13, s8;
	[dreg:$0x19] =	wrdreg s25  }
0x1a: {  	[dreg:$0x14] =	wrdreg s18;
	s14 =	sadd.s32 $0x24, s18;
	s15 =	sor.u32 $0x360, s8  }
0x1b: {  	s26 =	sadd.s32 $0x360, s6;
	[dreg:$0x1a] =	wrdreg s14;
	s17 =	sshrl.u32 s15, $0x3  }
0x1c: {  	s19 =	sadd.s32 $0x300, s6;
	s22 =	sadd.s32 $0x2A0, s6;
	s14 =	sor.u32 $0x240, s8  }
0x1d: {  	s15 =	sadd.s32 $0x1E0, s6;
	s12 =	sshrl.u32 s26, $0x3;
	s18 =	sadd.s32 s17, s5  }
0x1e: {  	s20 =	sshrl.u32 s19, $0x3;
	s24 =	sshrl.u32 s22, $0x3;
	s26 =	sor.u32 $0x2A0, s8  }
0x1f: {  	s17 =	sshrl.u32 s15, $0x3;
	s19 =	sor.u32 $0x1E0, s8;
	s8 =	sor.u32 $0x180, s8  }
0x20: {  	s16 =	sadd.s32 s12, s5;
	[dreg:$0x5] =	wrdreg s18;
	s11 =	sadd.s32 s20, s5  }
0x21: {  	s12 =	sshrl.u32 s21, $0x3;
	s25 =	sadd.s32 s24, s5;
	[dreg:$0x4] =	wrdreg s16  }
0x22: {  	s13 =	sshrl.u32 s26, $0x3;
	s18 =	sadd.s32 s17, s5;
	[dreg:$0x6] =	wrdreg s11  }
0x23: {  	s20 =	sshrl.u32 s19, $0x3;
	s21 =	sadd.s32 $0x180, s6;
	[dreg:$0x8] =	wrdreg s25  }
0x24: {  	s8 =	sshrl.u32 s8, $0x3;
	s24 =	sadd.s32 $0x240, s6;
	[dreg:$0xb] =	wrdreg s18  }
0x25: {  	s26 =	simm.s32 $0x580;
	s6 =	simm.s32 $0x8;
	[dreg:$0x1d] =	wrdreg s24  }
0x26: {  	s17 =	simm.s32 $0x0;
	s23 =	sadd.s32 s12, s5;
	[dreg:$0x10] =	wrdreg s26  }
0x27: {  	s11 =	sadd.s32 s13, s5;
	s12 =	sshrl.u32 s14, $0x3;
	[dreg:$0x7] =	wrdreg s23  }
0x28: {  	s25 =	simm.s32 $0x500;
	s26 =	simm.s32 $0x2;
	[dreg:$0x9] =	wrdreg s11  }
0x29: {  	s13 =	simm.s32 $0x6600;
	s16 =	sadd.s32 s12, s5;
	[dreg:$0xf] =	wrdreg s25  }
0x2a: {  	s11 =	sadd.s32 s20, s5;
	s12 =	sshrl.u32 s21, $0x3;
	[dreg:$0xa] =	wrdreg s16  }
0x2b: {  	s23 =	sadd.s32 s8, s5;
	s25 =	simm.s32 $0x380;
	[dreg:$0xc] =	wrdreg s11  }
0x2c: {  	s8 =	simm.s32 $0x9;
	s22 =	sadd.s32 s12, s5;
	[dreg:$0xe] =	wrdreg s23  }
0x2d: {  	s23 =	simm.s32 $0x300;
	[dreg:$0xd] =	wrdreg s22;
	s22 =	simm.s32 $0xD  }
.LBB2_1:
0x2e: {  	s11 =	rddreg [dreg:$0x12]  }
0x2f: {  	s12 =	rddreg [dreg:$0x11];
	s11 =	sshrl.u32 s11, $0x3  }
0x30: {  	[spmem:s11], [sflag:s9] =	dma.local [hbm:s12], $0x2800  }
0x31: {  	_ =	swait.ge [sflag:s22], $0x2800  }
0x32: {  	[sflag:s22] =	ssyncset.done $0x0  }
0x33: {  	[sflag:s22] =	ssyncadd.s32 $0xFFFFD800  }
0x34: {  	[bflag:$0x0] =	sbarrier.arrive $0xFFFF  }
0x35: {  	s24 =	rddreg [dreg:$0x13]  }
0x36: {  	[tilespmem:s3], [sflag:$0x1] =	stream.linear.gather [hbm4b:s24+s3], $0x60, $0x38;
	[tilespmem:$0x1D600] =	vst v63  }
0x37: {  	s14 =	rddreg [dreg:$0x14]  }
0x38: {  	[tilespmem:s23], [sflag:$0x1] =	stream.linear.gather [hbm4b:s14+s3], $0x60, $0x38;
	[tilespmem:$0x1D600] =	vst v63  }
0x39: {  	s15 =	rddreg [dreg:$0x15];
	s14 =	simm.s32 $0x80  }
0x3a: {  	[tilespmem:s14], [sflag:$0x2] =	stream.linear.gather [hbm4b:s15+s3], $0x60, $0x38;
	[tilespmem:$0x1D600] =	vst v63  }
0x3b: {  	s16 =	rddreg [dreg:$0x16]  }
0x3c: {  	[tilespmem:s25], [sflag:$0x2] =	stream.linear.gather [hbm4b:s16+s3], $0x60, $0x38;
	[tilespmem:$0x1D600] =	vst v63  }
0x3d: {  	s18 =	rddreg [dreg:$0x17];
	s15 =	simm.s32 $0x100  }
0x3e: {  	[tilespmem:s15], [sflag:$0x3] =	stream.linear.gather [hbm4b:s18+s3], $0x60, $0x38;
	[tilespmem:$0x1D600] =	vst v63  }
0x3f: {  	s19 =	rddreg [dreg:$0x18]  }
0x40: {  	[tilespmem:s28], [sflag:$0x3] =	stream.linear.gather [hbm4b:s19+s3], $0x60, $0x38;
	[tilespmem:$0x1D600] =	vst v63  }
0x41: {  	s21 =	simm.s32 $0x180;
	s20 =	rddreg [dreg:$0x19]  }
0x42: {  	[tilespmem:s21], [sflag:$0x4] =	stream.linear.gather [hbm4b:s20+s3], $0x60, $0x38;
	[tilespmem:$0x1D600] =	vst v63  }
0x43: {  	s24 =	rddreg [dreg:$0x1a]  }
0x44: {  	[tilespmem:s30], [sflag:$0x4] =	stream.linear.gather [hbm4b:s24+s3], $0x60, $0x38;
	[tilespmem:$0x1D600] =	vst v63  }
0x45: {  	_ =	swait.ge [sflag:s31], $0x60  }
0x46: {  	[sflag:s31] =	ssyncset.done $0x0  }
0x47: {  	[sflag:s31] =	ssyncadd.s32 $0xFFFFFFA0  }
0x48: {  	_ =	swait.ge [sflag:s31], $0x60  }
0x49: {  	[sflag:s31] =	ssyncset.done $0x0  }
0x4a: {  	[sflag:s31] =	ssyncadd.s32 $0xFFFFFFA0  }
0x4b: {  	[tilespmem:s2], [sflag:$0x7] =	stream.indirect.gather [hbm4b:s4+s0], $0x80, s3, s0, $0xb8;
	[tilespmem:$0x1D600] =	vst v63  }
0x4c: {  	_ =	swait.ge [sflag:s26], $0x60  }
0x4d: {  	[sflag:s26] =	ssyncset.done $0x0  }
0x4e: {  	[sflag:s26] =	ssyncadd.s32 $0xFFFFFFA0  }
0x4f: {  	_ =	swait.ge [sflag:s26], $0x60  }
0x50: {  	s18 =	simm.s32 $0x9;
	[sflag:s26] =	ssyncset.done $0x0  }
0x51: {  	s19 =	simm.s32 $0x0;
	s21 =	rddreg [dreg:$0x1d];
	[sflag:s26] =	ssyncadd.s32 $0xFFFFFFA0  }
0x52: {  	[tilespmem:s10], [sflag:$0x8] =	stream.indirect.gather [hbm4b:s4+s0], $0x80, s14, s0, $0xb8;
	[tilespmem:$0x1D600] =	vst v63  }
.LBB2_2:
0x53: {  	s20 =	sadd.s32 $0xFFFFFFFB, s18  }
0x54: {  	s12 =	rddreg [dreg:$0xe];
	s16 =	sadd.s32 $0xFFFFFFF9, s18;
	p0 =	sge.u32 s20, s7  }
0x55: {  	s24 =	rddreg [dreg:$0xd];
	p1 =	sge.u32 s16, s7;
	s12 =	sadd.s32 @!p0 s19, s12  }
0x56: {  	s14 =	simm.s32 @!p0 $0x0;
	s20 =	simm.s32 @!p0 $0x200;
	p2 =	seq.s32 @!p1 s19, $0x0  }
0x57: {  	[tilespmem:s20], [sflag:$0x5] =	stream.linear.gather @!p0 [hbm4b:s12+s14], $0x60, $0x38;
	[tilespmem:$0x1D600] =	vst v63  }
0x58: {  	s12 =	sadd.s32 @!p0 s19, s24;
	s24 =	simm.s32 @!p0 $0x500;
	p2 =	por p2, p1  }
0x59: {  	[tilespmem:s24], [sflag:$0x5] =	stream.linear.gather @!p0 [hbm4b:s12+s14], $0x60, $0x38;
	[tilespmem:$0x1D600] =	vst v63  }
0x5a: {  	s12 =	simm.s32 @!p2 $0xC  }
0x5b: {  	_ =	swait.ge @!p2 [sflag:s12], $0x3000  }
0x5c: {  	[sflag:s12] =	ssyncset.done @!p2 $0x0  }
0x5d: {  	[sflag:s12] =	ssyncadd.s32 @!p2 $0xFFFFD000;
	s12 =	simm.s32 @!p1 $0x3  }
0x5e: {  	_ =	swait.ge @!p1 [sflag:s12], $0x60  }
0x5f: {  	[sflag:s12] =	ssyncset.done @!p1 $0x0  }
0x60: {  	[sflag:s12] =	ssyncadd.s32 @!p1 $0xFFFFFFA0  }
0x61: {  	_ =	swait.ge @!p1 [sflag:s12], $0x60  }
0x62: {  	s14 =	simm.s32 @!p1 $0x100;
	[sflag:s12] =	ssyncset.done @!p1 $0x0  }
0x63: {  	s24 =	simm.s32 @!p1 $0x6600;
	[sflag:s12] =	ssyncadd.s32 @!p1 $0xFFFFFFA0;
	s12 =	simm.s32 @!p1 $0x60  }
0x64: {  	[tilespmem:s24], [sflag:$0x9] =	stream.indirect.gather @!p1 [hbm4b:s4+s12], $0x80, s14, s12, $0xb8;
	[tilespmem:$0x1D600] =	vst v63  }
0x65: {  	_ =	swait.ge [sflag:s29], $0x3000  }
0x66: {  	s24 =	sadd.s32 $0xFFFFFFFC, s18;
	[sflag:s29] =	ssyncset.done $0x0;
	s12 =	rddreg [dreg:$0xc]  }
0x67: {  	p1 =	sge.u32 s24, s7;
	s14 =	rddreg [dreg:$0xb];
	[sflag:s29] =	ssyncadd.s32 $0xFFFFD000  }
0x68: {  	[spmem:s1] =	stream.indirect.scatter.add.f32 [tilespmem:s2], [sflag:$0xA], $0x80, s23, s0, $0xb8;
	[tilespmem:$0x1D600] =	vst v63  }
0x69: {  	s15 =	simm.s32 @!p1 $0x0;
	s24 =	simm.s32 @!p1 $0x280;
	s12 =	sadd.s32 @!p1 s19, s12  }
0x6a: {  	[tilespmem:s24], [sflag:$0x6] =	stream.linear.gather @!p1 [hbm4b:s12+s15], $0x60, $0x38;
	[tilespmem:$0x1D600] =	vst v63  }
0x6b: {  	s12 =	sadd.s32 @!p1 s19, s14;
	s14 =	simm.s32 @!p1 $0x580  }
0x6c: {  	[tilespmem:s14], [sflag:$0x6] =	stream.linear.gather @!p1 [hbm4b:s12+s15], $0x60, $0x38;
	[tilespmem:$0x1D600] =	vst v63  }
0x6d: {  	s15 =	sadd.s32 $0xFFFFFFFA, s18  }
0x6e: {  	p2 =	sge.u32 s15, s7  }
0x6f: {  	s12 =	simm.s32 @!p2 $0xA  }
0x70: {  	_ =	swait.ge @!p2 [sflag:s12], $0x3000  }
0x71: {  	[sflag:s12] =	ssyncset.done @!p2 $0x0  }
0x72: {  	[sflag:s12] =	ssyncadd.s32 @!p2 $0xFFFFD000;
	s12 =	simm.s32 @!p2 $0x4  }
0x73: {  	_ =	swait.ge @!p2 [sflag:s12], $0x60  }
0x74: {  	[sflag:s12] =	ssyncset.done @!p2 $0x0  }
0x75: {  	[sflag:s12] =	ssyncadd.s32 @!p2 $0xFFFFFFA0  }
0x76: {  	_ =	swait.ge @!p2 [sflag:s12], $0x60  }
0x77: {  	s14 =	simm.s32 @!p2 $0x180;
	[sflag:s12] =	ssyncset.done @!p2 $0x0  }
0x78: {  	s15 =	simm.s32 @!p2 $0x600;
	[sflag:s12] =	ssyncadd.s32 @!p2 $0xFFFFFFA0;
	s12 =	simm.s32 @!p2 $0x60  }
0x79: {  	[tilespmem:s15], [sflag:$0x7] =	stream.indirect.gather @!p2 [hbm4b:s4+s12], $0x80, s14, s12, $0xb8;
	[tilespmem:$0x1D600] =	vst v63  }
0x7a: {  	_ =	swait.ge [sflag:s6], $0x3000  }
0x7b: {  	s16 =	sadd.s32 $0xFFFFFFFD, s18;
	[sflag:s6] =	ssyncset.done $0x0  }
0x7c: {  	p2 =	sge.u32 s16, s7;
	s12 =	rddreg [dreg:$0xa];
	[sflag:s6] =	ssyncadd.s32 $0xFFFFD000  }
0x7d: {  	[spmem:s1] =	stream.indirect.scatter.add.f32 [tilespmem:s10], [sflag:$0xB], $0x80, s25, s0, $0xb8;
	[tilespmem:$0x1D600] =	vst v63  }
0x7e: {  	s14 =	sadd.s32 @!p2 s19, s12;
	s12 =	simm.s32 @!p2 $0x0  }
0x7f: {  	[tilespmem:s12], [sflag:$0x1] =	stream.linear.gather @!p2 [hbm4b:s14+s12], $0x60, $0x38;
	[tilespmem:$0x1D600] =	vst v63  }
0x80: {  	s14 =	sshrl.u32 @!p2 s21, $0x3  }
0x81: {  	s15 =	simm.s32 @!p2 $0x300;
	s14 =	sadd.s32 @!p2 s5, s14  }
0x82: {  	[tilespmem:s15], [sflag:$0x1] =	stream.linear.gather @!p2 [hbm4b:s14+s12], $0x60, $0x38;
	[tilespmem:$0x1D600] =	vst v63  }
0x83: {  	s14 =	simm.s32 @!p0 $0xB  }
0x84: {  	_ =	swait.ge @!p0 [sflag:s14], $0x3000  }
0x85: {  	[sflag:s14] =	ssyncset.done @!p0 $0x0  }
0x86: {  	[sflag:s14] =	ssyncadd.s32 @!p0 $0xFFFFD000;
	s14 =	simm.s32 @!p0 $0x5  }
0x87: {  	_ =	swait.ge @!p0 [sflag:s14], $0x60  }
0x88: {  	[sflag:s14] =	ssyncset.done @!p0 $0x0  }
0x89: {  	[sflag:s14] =	ssyncadd.s32 @!p0 $0xFFFFFFA0  }
0x8a: {  	_ =	swait.ge @!p0 [sflag:s14], $0x60  }
0x8b: {  	[sflag:s14] =	ssyncset.done @!p0 $0x0  }
0x8c: {  	s15 =	simm.s32 @!p0 $0x3600;
	[sflag:s14] =	ssyncadd.s32 @!p0 $0xFFFFFFA0;
	s14 =	simm.s32 @!p0 $0x60  }
0x8d: {  	[tilespmem:s15], [sflag:$0x8] =	stream.indirect.gather @!p0 [hbm4b:s4+s14], $0x80, s20, s14, $0xb8;
	[tilespmem:$0x1D600] =	vst v63  }
0x8e: {  	_ =	swait.ge [sflag:s8], $0x3000  }
0x8f: {  	s20 =	sadd.s32 $0xFFFFFFFE, s18;
	[sflag:s8] =	ssyncset.done $0x0;
	s14 =	rddreg [dreg:$0x9]  }
0x90: {  	p0 =	sge.u32 s20, s7;
	s15 =	rddreg [dreg:$0x8];
	[sflag:s8] =	ssyncadd.s32 $0xFFFFD000  }
0x91: {  	[spmem:s1] =	stream.indirect.scatter.add.f32 [tilespmem:s13], [sflag:$0xC], $0x80, s28, s0, $0xb8;
	[tilespmem:$0x1D600] =	vst v63  }
0x92: {  	s16 =	simm.s32 @!p0 $0x0;
	s20 =	simm.s32 @!p0 $0x80;
	s14 =	sadd.s32 @!p0 s19, s14  }
0x93: {  	[tilespmem:s20], [sflag:$0x2] =	stream.linear.gather @!p0 [hbm4b:s14+s16], $0x60, $0x38;
	[tilespmem:$0x1D600] =	vst v63  }
0x94: {  	s14 =	sadd.s32 @!p0 s19, s15;
	s15 =	simm.s32 @!p0 $0x380  }
0x95: {  	[tilespmem:s15], [sflag:$0x2] =	stream.linear.gather @!p0 [hbm4b:s14+s16], $0x60, $0x38;
	[tilespmem:$0x1D600] =	vst v63  }
0x96: {  	s14 =	simm.s32 @!p1 $0xC  }
0x97: {  	_ =	swait.ge @!p1 [sflag:s14], $0x3000  }
0x98: {  	[sflag:s14] =	ssyncset.done @!p1 $0x0  }
0x99: {  	[sflag:s14] =	ssyncadd.s32 @!p1 $0xFFFFD000;
	s14 =	simm.s32 @!p1 $0x6  }
0x9a: {  	_ =	swait.ge @!p1 [sflag:s14], $0x60  }
0x9b: {  	[sflag:s14] =	ssyncset.done @!p1 $0x0  }
0x9c: {  	[sflag:s14] =	ssyncadd.s32 @!p1 $0xFFFFFFA0  }
0x9d: {  	_ =	swait.ge @!p1 [sflag:s14], $0x60  }
0x9e: {  	[sflag:s14] =	ssyncset.done @!p1 $0x0  }
0x9f: {  	s15 =	simm.s32 @!p1 $0x6600;
	[sflag:s14] =	ssyncadd.s32 @!p1 $0xFFFFFFA0;
	s14 =	simm.s32 @!p1 $0x60  }
0xa0: {  	[tilespmem:s15], [sflag:$0x9] =	stream.indirect.gather @!p1 [hbm4b:s4+s14], $0x80, s24, s14, $0xb8;
	[tilespmem:$0x1D600] =	vst v63  }
0xa1: {  	_ =	swait.ge [sflag:s29], $0x3000  }
0xa2: {  	s24 =	sadd.s32 $0xFFFFFFFF, s18;
	[sflag:s29] =	ssyncset.done $0x0;
	s14 =	rddreg [dreg:$0x7]  }
0xa3: {  	p1 =	sge.u32 s24, s7;
	s15 =	rddreg [dreg:$0x6];
	[sflag:s29] =	ssyncadd.s32 $0xFFFFD000  }
0xa4: {  	[spmem:s1] =	stream.indirect.scatter.add.f32 [tilespmem:s2], [sflag:$0xA], $0x80, s30, s0, $0xb8;
	[tilespmem:$0x1D600] =	vst v63  }
0xa5: {  	s16 =	simm.s32 @!p1 $0x0;
	s24 =	simm.s32 @!p1 $0x100;
	s14 =	sadd.s32 @!p1 s19, s14  }
0xa6: {  	[tilespmem:s24], [sflag:$0x3] =	stream.linear.gather @!p1 [hbm4b:s14+s16], $0x60, $0x38;
	[tilespmem:$0x1D600] =	vst v63  }
0xa7: {  	s14 =	sadd.s32 @!p1 s19, s15;
	s15 =	simm.s32 @!p1 $0x400  }
0xa8: {  	[tilespmem:s15], [sflag:$0x3] =	stream.linear.gather @!p1 [hbm4b:s14+s16], $0x60, $0x38;
	[tilespmem:$0x1D600] =	vst v63  }
0xa9: {  	s14 =	simm.s32 @!p2 $0xA  }
0xaa: {  	_ =	swait.ge @!p2 [sflag:s14], $0x3000  }
0xab: {  	[sflag:s14] =	ssyncset.done @!p2 $0x0  }
0xac: {  	[sflag:s14] =	ssyncadd.s32 @!p2 $0xFFFFD000;
	s14 =	simm.s32 @!p2 $0x1  }
0xad: {  	_ =	swait.ge @!p2 [sflag:s14], $0x60  }
0xae: {  	[sflag:s14] =	ssyncset.done @!p2 $0x0  }
0xaf: {  	[sflag:s14] =	ssyncadd.s32 @!p2 $0xFFFFFFA0  }
0xb0: {  	_ =	swait.ge @!p2 [sflag:s14], $0x60  }
0xb1: {  	[sflag:s14] =	ssyncset.done @!p2 $0x0  }
0xb2: {  	s15 =	simm.s32 @!p2 $0x600;
	[sflag:s14] =	ssyncadd.s32 @!p2 $0xFFFFFFA0;
	s14 =	simm.s32 @!p2 $0x60  }
0xb3: {  	[tilespmem:s15], [sflag:$0x7] =	stream.indirect.gather @!p2 [hbm4b:s4+s14], $0x80, s12, s14, $0xb8;
	[tilespmem:$0x1D600] =	vst v63  }
0xb4: {  	_ =	swait.ge [sflag:s6], $0x3000  }
0xb5: {  	p1 =	sge.u32 s18, s7;
	s16 =	rddreg [dreg:$0xf];
	[sflag:s6] =	ssyncset.done $0x0  }
0xb6: {  	s15 =	simm.s32 @!p1 $0x0;
	s14 =	rddreg [dreg:$0x5];
	[sflag:s6] =	ssyncadd.s32 $0xFFFFD000  }
0xb7: {  	[spmem:s1] =	stream.indirect.scatter.add.f32 [tilespmem:s10], [sflag:$0xB], $0x80, s16, s0, $0xb8;
	[tilespmem:$0x1D600] =	vst v63  }
0xb8: {  	s12 =	rddreg [dreg:$0x4];
	s14 =	sadd.s32 @!p1 s19, s14;
	s16 =	simm.s32 @!p1 $0x180  }
0xb9: {  	[tilespmem:s16], [sflag:$0x4] =	stream.linear.gather @!p1 [hbm4b:s14+s15], $0x60, $0x38;
	[tilespmem:$0x1D600] =	vst v63  }
0xba: {  	s12 =	sadd.s32 @!p1 s19, s12;
	s14 =	simm.s32 @!p1 $0x480  }
0xbb: {  	[tilespmem:s14], [sflag:$0x4] =	stream.linear.gather @!p1 [hbm4b:s12+s15], $0x60, $0x38;
	[tilespmem:$0x1D600] =	vst v63  }
0xbc: {  	s12 =	simm.s32 @!p0 $0xB  }
0xbd: {  	_ =	swait.ge @!p0 [sflag:s12], $0x3000  }
0xbe: {  	[sflag:s12] =	ssyncset.done @!p0 $0x0  }
0xbf: {  	[sflag:s12] =	ssyncadd.s32 @!p0 $0xFFFFD000;
	s12 =	simm.s32 @!p0 $0x2  }
0xc0: {  	_ =	swait.ge @!p0 [sflag:s12], $0x60  }
0xc1: {  	[sflag:s12] =	ssyncset.done @!p0 $0x0  }
0xc2: {  	[sflag:s12] =	ssyncadd.s32 @!p0 $0xFFFFFFA0  }
0xc3: {  	_ =	swait.ge @!p0 [sflag:s12], $0x60  }
0xc4: {  	[sflag:s12] =	ssyncset.done @!p0 $0x0  }
0xc5: {  	s14 =	simm.s32 @!p0 $0x3600;
	[sflag:s12] =	ssyncadd.s32 @!p0 $0xFFFFFFA0;
	s12 =	simm.s32 @!p0 $0x60  }
0xc6: {  	[tilespmem:s14], [sflag:$0x8] =	stream.indirect.gather @!p0 [hbm4b:s4+s12], $0x80, s20, s12, $0xb8;
	[tilespmem:$0x1D600] =	vst v63  }
0xc7: {  	_ =	swait.ge [sflag:s8], $0x3000  }
0xc8: {  	s19 =	sadd.s32 $0x48, s19;
	s24 =	rddreg [dreg:$0x3]  }
0xc9: {  	p0 =	sne.s32 s24, s19  }
.Ltmp0:
0xca: {  	_ = 	snop;
	(pc) =	sbr.rel @p0 .LBB2_2-.Ltmp0, $4  }
0xcb: {  	_ = 	snop  }
0xcc: {  	s21 =	sadd.s32 $0x240, s21;
	[sflag:s8] =	ssyncset.done $0x0  }
0xcd: {  	s18 =	sadd.s32 $0x6, s18;
	s20 =	rddreg [dreg:$0x10];
	[sflag:s8] =	ssyncadd.s32 $0xFFFFD000  }
0xce: {  	[spmem:s1] =	stream.indirect.scatter.add.f32 [tilespmem:s13], [sflag:$0xC], $0x80, s20, s0, $0xb8;
	[tilespmem:$0x1D600] =	vst v63  }
0xcf: {  	s12 =	simm.s32 $0xA  }
0xd0: {  	_ =	swait.ge [sflag:s12], $0x3000  }
0xd1: {  	[sflag:s12] =	ssyncset.done $0x0  }
0xd2: {  	s19 =	simm.s32 $0xB;
	[sflag:s12] =	ssyncadd.s32 $0xFFFFD000  }
0xd3: {  	_ =	swait.ge [sflag:s19], $0x3000  }
0xd4: {  	[sflag:s19] =	ssyncset.done $0x0  }
0xd5: {  	s20 =	simm.s32 $0xC;
	[sflag:s19] =	ssyncadd.s32 $0xFFFFD000  }
0xd6: {  	_ =	swait.ge [sflag:s20], $0x3000  }
0xd7: {  	[sflag:s20] =	ssyncset.done $0x0  }
0xd8: {  	[sflag:s20] =	ssyncadd.s32 $0xFFFFD000  }
0xd9: {  	[bflag:$0x0] =	sbarrier.arrive $0xFFFF  }
0xda: {  	s21 =	rddreg [dreg:$0x1b]  }
0xdb: {  	[hbm:s21], [sflag:s9] =	dma.local [spmem:s11], $0x2800  }
0xdc: {  	_ =	swait.ge [sflag:s22], $0x2800  }
0xdd: {  	s17 =	sadd.s32 $0x1, s17;
	s24 =	rddreg [dreg:$0x1c]  }
0xde: {  	p0 =	sne.s32 s17, s24  }
.Ltmp1:
0xdf: {  	_ = 	snop;
	(pc) =	sbr.rel @p0 .LBB2_1-.Ltmp1, $3  }
0xe0: {  	_ =	sdelay $0x1  }
0xe1: {  	[sflag:s22] =	ssyncset.done $0x0  }
0xe2: {  	[sflag:s22] =	ssyncadd.s32 $0xFFFFD800  }
0xe3: {  	_ =	sfence.sel $0x180000  }
0xe4: {  	[bflag:$0x0] =	sbarrier.arrive $0xFFFF  }
0xe5: {  	_ =	strace $0x9000004A  }
0xe6: {  	s0 =	stileid.u32;
	[bflag:$0x2] =	sbarrier.arrive $0xFFFF  }
0xe7: {  	p0 =	sne.s32 s0, $0x0;
	s0 =	rddreg [dreg:$0x2]  }
0xe8: {  	s0 =	sadd.s32 @!p0 $0x100000, s0  }
0xe9: {  	[sflag:s0] =	ssyncadd.tile.s32 @!p0 $0x1;
	_ =	shalt  }
.Lfunc_end2:
_tile_overlayer_lowered:
.L_overlay_start_2:
0xea: {  	(tag) =	ssettag $0x2  }
0xeb: {  	s0 =	rddreg [dreg:$0x0];
	s2 =	stileid.u32  }
0xec: {  	s1 =	rddreg [dreg:$0x1];
	p0 =	sne.s32 s2, $0x0  }
0xed: {  	s3 =	rddreg [dreg:$0x2];
	[bflag:$0x3] =	sbarrier.arrive $0xFFFF;
	s2 =	simm.s32 @!p0 $0x1C0D  }
0xee: {  	[timem:s3], [sflag:s2] =	dma.local @!p0 [hbm:s0], s1  }
0xef: {  	s0 =	simm.s32 @!p0 $0xD  }
0xf0: {  	_ =	swait.ge @!p0 [sflag:s0], s1  }
0xf1: {  	s1 =	ssub.s32 @!p0 $0x0, s1;
	[sflag:s0] =	ssyncset.done @!p0 $0x0  }
0xf2: {  	[sflag:s0] =	ssyncadd.s32 @!p0 s1  }
0xf3: {  	[bflag:$0x3] =	sbarrier.arrive $0xFFFF  }
0xf4: {  	_ =	shalt  }

// kernel: kernel.16.cloned.1.call-start
scs
__scs_entry_jumppad:
0x0: {  	(pc) =	sbr.rel $0x88, $3  }
0x1: {  	(tag) =	ssettag $0x0;
	lr =	simm.s32 $0x1  }
0x2: {  	[smem:$0x3F93] =	sst lr;
	_ =	strace $0xD0000000  }
0x3: {  	_ = 	snop  }
0x4: {  	_ = 	snop  }
0x5: {  	_ = 	snop  }
0x6: {  	_ = 	snop  }
0x7: {  	_ = 	snop  }
__scs_overlays_trampoline_lowered:
0x8: {  	[smem:$0x3FA2] =	sst s0  }
0x9: {  	[smem:$0x3FA3] =	sst s1  }
0xa: {  	[smem:$0x3FA4] =	sst s2  }
0xb: {  	[smem:$0x3FA5] =	sst s3  }
0xc: {  	[smem:$0x3FA6] =	sst s4  }
0xd: {  	[smem:$0x3FA7] =	sst s5  }
0xe: {  	[smem:$0x3FA8] =	sst s6  }
0xf: {  	[smem:$0x3FA9] =	sst s7  }
0x10: {  	[smem:$0x3FAA] =	sst s8  }
0x11: {  	[smem:$0x3FAB] =	sst s9;
	s0 =	simm.s32 @!p0 $0x0  }
0x12: {  	s1 =	sld [smem:$0x3F91];
	s0 =	simm.s32 @p0 $0x1  }
0x13: {  	[smem:$0x3FAC] =	sst s0;
	s0 =	simm.s32 @!p1 $0x0  }
0x14: {  	s2 =	sld [smem:$0x3F90];
	s0 =	simm.s32 @p1 $0x1  }
0x15: {  	[smem:$0x3FAD] =	sst s0;
	s0 =	simm.s32 @!p2 $0x0  }
0x16: {  	s3 =	sld [smem:$0x3FDB];
	s0 =	simm.s32 @p2 $0x1  }
0x17: {  	s4 =	simm.s32 $0x1BF5;
	[smem:$0x3FAF] =	sst s0  }
0x18: {  	s0 =	sld [smem:$0x3F92];
	_ =	swait.ge [sflag:s4], $0x0  }
0x19: {  	s7 =	sld [smem:$0x3F93]  }
0x1a: {  	s8 =	sadd.s32 $0xFFFFE003, lr  }
0x1b: {  	s9 =	sadd.s32 $0xFFFFFEF7, lr;
	s5 =	simm.s32 $0xFFFFFFFF;
	p2 =	slt.u32 s8, $0xFFFFF086  }
0x1c: {  	p1 =	slt.u32 s9, $0xF7A;
	s5 =	simm.s32 @!p2 $0x0  }
0x1d: {  	s5 =	simm.s32 @p1 $0x1;
	p0 =	seq.s32 s7, s2  }
0x1e: {  	s7 =	smul.u32 @!p0 $0xF7A, s2;
	p2 =	seq.s32 @!p0 s5, $0x0  }
0x1f: {  	s9 =	smul.u32 $0xF7A, s1;
	s8 =	simm.s32 @!p0 $0x1BF5;
	p2 =	por !p2, p0  }
0x20: {  	[sflag:s8] =	ssyncset.s32 @!p0 $0xFFFFF086;
	s6 =	sadd.s32 @!p0 s3, s7;
	s7 =	simm.s32 @!p0 $0x108  }
0x21: {  	s3 =	sadd.s32 s3, s9;
	s6 =	sadd.s32 @!p0 $0x88, s6;
	s7 =	simm.s32 @p2 $0x1082  }
0x22: {  	[simem:s7], [sflag:s8] =	dma.local @!p0 [hbm:s6], $0xF7A  }
0x23: {  	s9 =	sor.u32 $0xD0000000, s2;
	s6 =	simm.s32 $0x108;
	_ =	swait.ge @!p0 [sflag:s8], $0x0  }
0x24: {  	s3 =	sadd.s32 $0x88, s3;
	s6 =	simm.s32 @!p1 $0x1082;
	[sflag:s4] =	ssyncset.s32 $0xFFFFF086  }
0x25: {  	[simem:s6], [sflag:s4] =	dma.local [hbm:s3], $0xF7A  }
0x26: {  	[smem:$0x3F93] =	sst s1;
	(tag) =	ssettag s2;
	_ =	strace s9  }
0x27: {  	s1 =	sld [smem:$0x3FA3]  }
0x28: {  	s2 =	sld [smem:$0x3FA4]  }
0x29: {  	s4 =	sld [smem:$0x3FA6]  }
0x2a: {  	p0 =	seq.s32 s5, $0x0;
	s5 =	sld [smem:$0x3FA7]  }
0x2b: {  	s6 =	sld [smem:$0x3FA8]  }
0x2c: {  	s7 =	sld [smem:$0x3FA9]  }
0x2d: {  	s3 =	simm.s32 $0x108;
	s8 =	sld [smem:$0x3FAA]  }
0x2e: {  	s3 =	simm.s32 @!p0 $0x1082;
	s9 =	sld [smem:$0x3FAB]  }
0x2f: {  	lr =	sadd.s32 s0, s3;
	s0 =	sld [smem:$0x3FA2]  }
0x30: {  	s3 =	sld [smem:$0x3FA5]  }
0x31: {  	[smem:$0x3FAE] =	sst s10  }
0x32: {  	s10 =	sld [smem:$0x3FAC];
	_ =	sdelay $0x3  }
0x33: {  	p0 =	seq.s32 s10, $0x1;
	s10 =	sld [smem:$0x3FAE];
	_ =	sdelay $0x3  }
0x34: {  	[smem:$0x3FAE] =	sst s10  }
0x35: {  	s10 =	sld [smem:$0x3FAD];
	_ =	sdelay $0x3  }
0x36: {  	p1 =	seq.s32 s10, $0x1;
	s10 =	sld [smem:$0x3FAE];
	_ =	sdelay $0x3  }
0x37: {  	[smem:$0x3FAE] =	sst s10  }
0x38: {  	s10 =	sld [smem:$0x3FAF]  }
0x39: {  	_ = 	snop;
	(pc) =	sbr.ind lr, $3  }
0x3a: {  	_ = 	snop  }
0x3b: {  	_ = 	snop  }
0x3c: {  	p2 =	seq.s32 s10, $0x1;
	s10 =	sld [smem:$0x3FAE]  }
0x3d: {  	_ =	shalt  }
0x3e: {  	_ =	shalt  }
0x3f: {  	_ =	shalt  }
0x40: {  	_ =	shalt  }
0x41: {  	_ =	shalt  }
0x42: {  	_ =	shalt  }
0x43: {  	_ =	shalt  }
0x44: {  	_ =	shalt  }
0x45: {  	_ =	shalt  }
0x46: {  	_ =	shalt  }
0x47: {  	_ =	shalt  }
0x48: {  	_ =	shalt  }
0x49: {  	_ =	shalt  }
0x4a: {  	_ =	shalt  }
0x4b: {  	_ =	shalt  }
0x4c: {  	_ =	shalt  }
0x4d: {  	_ =	shalt  }
0x4e: {  	_ =	shalt  }
0x4f: {  	_ =	shalt  }
0x50: {  	_ =	shalt  }
0x51: {  	_ =	shalt  }
0x52: {  	_ =	shalt  }
0x53: {  	_ =	shalt  }
0x54: {  	_ =	shalt  }
0x55: {  	_ =	shalt  }
0x56: {  	_ =	shalt  }
0x57: {  	_ =	shalt  }
0x58: {  	_ =	shalt  }
0x59: {  	_ =	shalt  }
0x5a: {  	_ =	shalt  }
0x5b: {  	_ =	shalt  }
0x5c: {  	_ =	shalt  }
0x5d: {  	_ =	shalt  }
0x5e: {  	_ =	shalt  }
0x5f: {  	_ =	shalt  }
0x60: {  	_ =	shalt  }
0x61: {  	_ =	shalt  }
0x62: {  	_ =	shalt  }
0x63: {  	_ =	shalt  }
0x64: {  	_ =	shalt  }
0x65: {  	_ =	shalt  }
0x66: {  	_ =	shalt  }
0x67: {  	_ =	shalt  }
0x68: {  	_ =	shalt  }
0x69: {  	_ =	shalt  }
0x6a: {  	_ =	shalt  }
0x6b: {  	_ =	shalt  }
0x6c: {  	_ =	shalt  }
0x6d: {  	_ =	shalt  }
0x6e: {  	_ =	shalt  }
0x6f: {  	_ =	shalt  }
0x70: {  	_ =	shalt  }
0x71: {  	_ =	shalt  }
0x72: {  	_ =	shalt  }
0x73: {  	_ =	shalt  }
0x74: {  	_ =	shalt  }
0x75: {  	_ =	shalt  }
0x76: {  	_ =	shalt  }
0x77: {  	_ =	shalt  }
0x78: {  	_ =	shalt  }
0x79: {  	_ =	shalt  }
0x7a: {  	_ =	shalt  }
0x7b: {  	_ =	shalt  }
0x7c: {  	_ =	shalt  }
0x7d: {  	_ =	shalt  }
0x7e: {  	_ =	shalt  }
0x7f: {  	_ =	shalt  }
0x80: {  	_ =	shalt  }
0x81: {  	_ =	shalt  }
0x82: {  	_ =	shalt  }
0x83: {  	_ =	shalt  }
0x84: {  	_ =	shalt  }
0x85: {  	_ =	shalt  }
0x86: {  	_ =	shalt  }
0x87: {  	_ =	shalt  }
.Lfunc_end0:
.L_simem_size_0:
called_computation.2_lowered:
.L_overlay_start_0:
0x88: {  	s2 =	sld [smem:$0x3FD9]  }
0x89: {  	s3 =	sld [smem:$0x3FFE];
	_ =	sdelay $0x1  }
0x8a: {  	s1 =	srdreg.scid  }
0x8b: {  	s0 =	sand.u32 $0x1, s1  }
0x8c: {  	s16 =	sshll.u32 s0, $0xA;
	s2 =	sadd.s32 s3, s2  }
0x8d: {  	s2 =	sadd.s32 s2, s16  }
0x8e: {  	[smem:$0x3FBA] =	sst s2  }
0x8f: {  	_ = 	snop  }
0x90: {  	(tm) =	ssettm $0x1  }
0x91: {  	s17 =	sld [smem:$0x3FFB];
	_ =	sdelay $0x3  }
0x92: {  	_ =	strace s17  }
0x93: {  	s2 =	sld [smem:$0x3FFC];
	_ =	sdelay $0x3  }
0x94: {  	_ =	strace s2  }
0x95: {  	s2 =	sld [smem:$0x3FFD];
	_ =	sdelay $0x3  }
0x96: {  	_ =	strace s2  }
0x97: {  	_ =	strace $0x8FFFFFFF  }
0x98: {  	s18 =	sld [smem:$0x3FDB];
	_ =	sdelay $0x1  }
0x99: {  	s19 =	simm.s32 $_scs_section_size  }
0x9a: {  	s4 =	simm.s32 $_size__tile_overlayer_lowered;
	s5 =	simm.s32 $_tile_overlayer_lowered  }
0x9b: {  	s22 =	simm.s32 $0x1BFF;
	s21 =	sshll.u32 s5, $0x1;
	s2 =	sadd.s32 s19, s18  }
0x9c: {  	s6 =	simm.s32 $0x0;
	s20 =	sshll.u32 s4, $0x1;
	s4 =	sadd.s32 s21, s2  }
0x9d: {  	[timem:s6], [sflag:s22] =	dma.local [hbm:s4], s20  }
0x9e: {  	_ =	swait.ge [sflag:s22], s20  }
0x9f: {  	s3 =	ssub.s32 $0x0, s20;
	[sflag:s22] =	ssyncset.done $0x0  }
0xa0: {  	[sflag:s22] =	ssyncadd.s32 s3;
	_ =	sdelay $0x1  }
0xa1: {  	s23 =	simm.s32 $0x1B8B  }
0xa2: {  	_ =	swait.ge [sflag:s23], $0x1  }
0xa3: {  	[sflag:s23] =	ssyncset.done $0x0  }
0xa4: {  	s25 =	simm.s32 $0x1B8E;
	s24 =	sld [smem:$0x3FFE];
	[sflag:s23] =	ssyncadd.s32 $0xFFFFFFFF  }
0xa5: {  	s26 =	simm.s32 $execute0_lowered;
	[smem:$0x3FD2] =	sst s25  }
0xa6: {  	s4 =	sshll.u32 s26, $0x1;
	_ =	strace $0x8000004C;
	[dreg:$0x1] =	wrdreg $0xFFFFFFFF  }
0xa7: {  	s28 =	simm.s32 $_size_execute0_lowered;
	s2 =	sadd.s32 s2, s4;
	[dreg:$0x0] =	wrdreg $0x0  }
0xa8: {  	s4 =	sshll.u32 s28, $0x1;
	[dreg:$0x2] =	wrdreg s2  }
0xa9: {  	[dreg:$0x3] =	wrdreg s4  }
0xaa: {  	[dreg:$0x4] =	wrdreg $0xC0  }
0xab: {  	_ =	task [dreg:s6], $0x5FFFF  }
0xac: {  	[dreg:$0x1] =	wrdreg $0xFFFFFFFF  }
0xad: {  	[dreg:$0x0] =	wrdreg $0x60  }
0xae: {  	[dreg:$0x2] =	wrdreg s24  }
0xaf: {  	[dreg:$0x3] =	wrdreg $0x96000  }
0xb0: {  	[dreg:$0x4] =	wrdreg $0x9  }
0xb1: {  	_ =	task.clear_ibuf [dreg:s6], $0x5FFFF;
	_ =	strace $0x9000004C  }
0xb2: {  	s29 =	simm.s32 $0x9;
	_ =	strace $0x8000004E  }
0xb3: {  	_ =	swait.ge [sflag:s29], $0x1  }
0xb4: {  	[sflag:s29] =	ssyncadd.s32 $0xFFFFFFFF  }
0xb5: {  	_ =	strace $0x9000004E  }
0xb6: {  	_ =	sfence  }
0xb7: {  	s30 =	sld [smem:$0x0];
	_ =	sdelay $0x2  }
0xb8: {  	s31 =	sshll.u32 s1, $0xD;
	s1 =	sshrl.u32 s1, $0x2  }
0xb9: {  	s3 =	sand.u32 $0x4000, s31;
	s1 =	sadd.s32 s1, s30  }
0xba: {  	s0 =	sor.u32 s3, s0;
	s1 =	sshll.u32 s1, $0x11  }
0xbb: {  	s0 =	sor.u32 s1, s0  }
0xbc: {  	s0 =	sadd.s32 $0x8F2B, s0  }
0xbd: {  	[sflag:s0] =	ssyncadd.remote.s32 $0x1  }
0xbe: {  	_ =	sfence.sel $0xFFFF  }
0xbf: {  	[dreg:$0x0] =	wrdreg $0xFFFFFFFF;
	(pc) =	sbr.abs _section_cstart, $3  }
0xc0: {  	[dreg:$0x1] =	wrdreg $0xFFFFFFFF  }
0xc1: {  	_ =	task.clear_ibuf [dreg:s6], $0x2FFFF;
	_ =	strace $0x9FFFFFFF  }
0xc2: {  	(tm) =	ssettm $0x7FFFFFFF  }
0xc3: {  	_ =	shalt  }
tec
execute0_lowered:
.L_overlay_start_1:
0x0: {  	(tag) =	ssettag $0x1  }
0x1: {  	s6 =	rddreg [dreg:$0x0]  }
0x2: {  	s1 =	rddreg [dreg:$0x1]  }
0x3: {  	s0 =	srdreg.scid;
	s3 =	simm.s32 $0x0;
	s16 =	stileid.u32  }
0x4: {  	s11 =	simm.s32 $0x18;
	s13 =	simm.s32 $0x3600;
	s28 =	simm.s32 $0x400  }
0x5: {  	s30 =	simm.s32 $0x480;
	s31 =	simm.s32 $0x1;
	s29 =	simm.s32 $0x7  }
0x6: {  	s8 =	sand.u32 $0x1, s0;
	[smem:$0x7FF] =	sst s3;
	s2 =	smul.u32 $0x14000, s16  }
0x7: {  	s4 =	sadd.s32 $0x3400, s6;
	s5 =	sadd.s32 $0x61400, s6;
	s21 =	sadd.s32 $0x2A600, s6  }
0x8: {  	s9 =	smul.u32 $0x50000, s16;
	s24 =	sshll.u32 s16, $0x6;
	s15 =	sadd.s32 $0x6140C, s6  }
0x9: {  	s0 =	smul.u32 $0x140000, s8;
	_ =	strace $0x8000004D;
	[dreg:$0x11] =	wrdreg s21  }
0xa: {  	s22 =	ssub.s32 $0x2, s8;
	p0 =	seq.s32 s8, $0x0;
	s23 =	sshll.u32 s8, $0x4  }
0xb: {  	s8 =	smul.u32 $0x6C000, s8;
	s7 =	sshrl.u32 s22, $0x1;
	s11 =	simm.s32 @!p0 $0xC  }
0xc: {  	s9 =	sshrl.u32 s9, $0x2;
	s10 =	sor.u32 s16, s23;
	s16 =	smul.u32 $0x6C00, s16  }
0xd: {  	s0 =	sadd.s32 s2, s0;
	s2 =	ssub.s32 s22, s7;
	s7 =	smul.u32 $0x6, s11  }
0xe: {  	s13 =	simm.s32 @!p0 $0x1B00;
	s9 =	sadd.s32 s9, s1;
	s12 =	smul.u32 $0x6C00, s10  }
0xf: {  	s10 =	simm.s32 $0x3600;
	s11 =	smul.u32 $0x48, s11;
	s0 =	sshrl.u32 s0, $0x3  }
0x10: {  	[dreg:$0x12] =	wrdreg s9;
	s9 =	sor.u32 $0x1C0D, s24;
	s2 =	smax.u32 s2, $0x1  }
0x11: {  	s0 =	sadd.s32 s0, s6;
	s14 =	sshrl.u32 s12, $0x3;
	[dreg:$0x3] =	wrdreg s11  }
0x12: {  	s6 =	sadd.s32 $0x61418, s6;
	[dreg:$0x1c] =	wrdreg s2;
	s19 =	sadd.s32 s14, s15  }
0x13: {  	s17 =	sadd.s32 s5, s14;
	s14 =	sadd.s32 s14, s6;
	[dreg:$0x15] =	wrdreg s19  }
0x14: {  	s8 =	sadd.s32 s16, s8;
	s12 =	sadd.s32 s13, s12;
	[dreg:$0x17] =	wrdreg s14  }
0x15: {  	s12 =	sshrl.u32 s12, $0x3;
	s0 =	sadd.s32 $0x7C400, s0;
	[dreg:$0x13] =	wrdreg s17  }
0x16: {  	s21 =	sor.u32 $0x300, s8;
	s15 =	sadd.s32 s12, s15;
	[dreg:$0x1b] =	wrdreg s0  }
0x17: {  	s2 =	simm.s32 $0x600;
	s6 =	sadd.s32 s12, s6;
	[dreg:$0x16] =	wrdreg s15  }
0x18: {  	s18 =	sadd.s32 s5, s12;
	s25 =	sadd.s32 $0x24, s17;
	[dreg:$0x18] =	wrdreg s6  }
0x19: {  	s0 =	simm.s32 $0x60;
	s6 =	sadd.s32 s13, s8;
	[dreg:$0x19] =	wrdreg s25  }
0x1a: {  	[dreg:$0x14] =	wrdreg s18;
	s14 =	sadd.s32 $0x24, s18;
	s15 =	sor.u32 $0x360, s8  }
0x1b: {  	s26 =	sadd.s32 $0x360, s6;
	[dreg:$0x1a] =	wrdreg s14;
	s17 =	sshrl.u32 s15, $0x3  }
0x1c: {  	s19 =	sadd.s32 $0x300, s6;
	s22 =	sadd.s32 $0x2A0, s6;
	s14 =	sor.u32 $0x240, s8  }
0x1d: {  	s15 =	sadd.s32 $0x1E0, s6;
	s12 =	sshrl.u32 s26, $0x3;
	s18 =	sadd.s32 s17, s5  }
0x1e: {  	s20 =	sshrl.u32 s19, $0x3;
	s24 =	sshrl.u32 s22, $0x3;
	s26 =	sor.u32 $0x2A0, s8  }
0x1f: {  	s17 =	sshrl.u32 s15, $0x3;
	s19 =	sor.u32 $0x1E0, s8;
	s8 =	sor.u32 $0x180, s8  }
0x20: {  	s16 =	sadd.s32 s12, s5;
	[dreg:$0x5] =	wrdreg s18;
	s11 =	sadd.s32 s20, s5  }
0x21: {  	s12 =	sshrl.u32 s21, $0x3;
	s25 =	sadd.s32 s24, s5;
	[dreg:$0x4] =	wrdreg s16  }
0x22: {  	s13 =	sshrl.u32 s26, $0x3;
	s18 =	sadd.s32 s17, s5;
	[dreg:$0x6] =	wrdreg s11  }
0x23: {  	s20 =	sshrl.u32 s19, $0x3;
	s21 =	sadd.s32 $0x180, s6;
	[dreg:$0x8] =	wrdreg s25  }
0x24: {  	s8 =	sshrl.u32 s8, $0x3;
	s24 =	sadd.s32 $0x240, s6;
	[dreg:$0xb] =	wrdreg s18  }
0x25: {  	s26 =	simm.s32 $0x580;
	s6 =	simm.s32 $0x8;
	[dreg:$0x1d] =	wrdreg s24  }
0x26: {  	s17 =	simm.s32 $0x0;
	s23 =	sadd.s32 s12, s5;
	[dreg:$0x10] =	wrdreg s26  }
0x27: {  	s11 =	sadd.s32 s13, s5;
	s12 =	sshrl.u32 s14, $0x3;
	[dreg:$0x7] =	wrdreg s23  }
0x28: {  	s25 =	simm.s32 $0x500;
	s26 =	simm.s32 $0x2;
	[dreg:$0x9] =	wrdreg s11  }
0x29: {  	s13 =	simm.s32 $0x6600;
	s16 =	sadd.s32 s12, s5;
	[dreg:$0xf] =	wrdreg s25  }
0x2a: {  	s11 =	sadd.s32 s20, s5;
	s12 =	sshrl.u32 s21, $0x3;
	[dreg:$0xa] =	wrdreg s16  }
0x2b: {  	s23 =	sadd.s32 s8, s5;
	s25 =	simm.s32 $0x380;
	[dreg:$0xc] =	wrdreg s11  }
0x2c: {  	s8 =	simm.s32 $0x9;
	s22 =	sadd.s32 s12, s5;
	[dreg:$0xe] =	wrdreg s23  }
0x2d: {  	s23 =	simm.s32 $0x300;
	[dreg:$0xd] =	wrdreg s22;
	s22 =	simm.s32 $0xD  }
.LBB2_1:
0x2e: {  	s11 =	rddreg [dreg:$0x12]  }
0x2f: {  	s12 =	rddreg [dreg:$0x11];
	s11 =	sshrl.u32 s11, $0x3  }
0x30: {  	[spmem:s11], [sflag:s9] =	dma.local [hbm:s12], $0x2800  }
0x31: {  	_ =	swait.ge [sflag:s22], $0x2800  }
0x32: {  	[sflag:s22] =	ssyncset.done $0x0  }
0x33: {  	[sflag:s22] =	ssyncadd.s32 $0xFFFFD800  }
0x34: {  	[bflag:$0x0] =	sbarrier.arrive $0xFFFF  }
0x35: {  	s24 =	rddreg [dreg:$0x13]  }
0x36: {  	[tilespmem:s3], [sflag:$0x1] =	stream.linear.gather [hbm4b:s24+s3], $0x60, $0x38;
	[tilespmem:$0x1D600] =	vst v63  }
0x37: {  	s14 =	rddreg [dreg:$0x14]  }
0x38: {  	[tilespmem:s23], [sflag:$0x1] =	stream.linear.gather [hbm4b:s14+s3], $0x60, $0x38;
	[tilespmem:$0x1D600] =	vst v63  }
0x39: {  	s15 =	rddreg [dreg:$0x15];
	s14 =	simm.s32 $0x80  }
0x3a: {  	[tilespmem:s14], [sflag:$0x2] =	stream.linear.gather [hbm4b:s15+s3], $0x60, $0x38;
	[tilespmem:$0x1D600] =	vst v63  }
0x3b: {  	s16 =	rddreg [dreg:$0x16]  }
0x3c: {  	[tilespmem:s25], [sflag:$0x2] =	stream.linear.gather [hbm4b:s16+s3], $0x60, $0x38;
	[tilespmem:$0x1D600] =	vst v63  }
0x3d: {  	s18 =	rddreg [dreg:$0x17];
	s15 =	simm.s32 $0x100  }
0x3e: {  	[tilespmem:s15], [sflag:$0x3] =	stream.linear.gather [hbm4b:s18+s3], $0x60, $0x38;
	[tilespmem:$0x1D600] =	vst v63  }
0x3f: {  	s19 =	rddreg [dreg:$0x18]  }
0x40: {  	[tilespmem:s28], [sflag:$0x3] =	stream.linear.gather [hbm4b:s19+s3], $0x60, $0x38;
	[tilespmem:$0x1D600] =	vst v63  }
0x41: {  	s21 =	simm.s32 $0x180;
	s20 =	rddreg [dreg:$0x19]  }
0x42: {  	[tilespmem:s21], [sflag:$0x4] =	stream.linear.gather [hbm4b:s20+s3], $0x60, $0x38;
	[tilespmem:$0x1D600] =	vst v63  }
0x43: {  	s24 =	rddreg [dreg:$0x1a]  }
0x44: {  	[tilespmem:s30], [sflag:$0x4] =	stream.linear.gather [hbm4b:s24+s3], $0x60, $0x38;
	[tilespmem:$0x1D600] =	vst v63  }
0x45: {  	_ =	swait.ge [sflag:s31], $0x60  }
0x46: {  	[sflag:s31] =	ssyncset.done $0x0  }
0x47: {  	[sflag:s31] =	ssyncadd.s32 $0xFFFFFFA0  }
0x48: {  	_ =	swait.ge [sflag:s31], $0x60  }
0x49: {  	[sflag:s31] =	ssyncset.done $0x0  }
0x4a: {  	[sflag:s31] =	ssyncadd.s32 $0xFFFFFFA0  }
0x4b: {  	[tilespmem:s2], [sflag:$0x7] =	stream.indirect.gather [hbm4b:s4+s0], $0x80, s3, s0, $0xb8;
	[tilespmem:$0x1D600] =	vst v63  }
0x4c: {  	_ =	swait.ge [sflag:s26], $0x60  }
0x4d: {  	[sflag:s26] =	ssyncset.done $0x0  }
0x4e: {  	[sflag:s26] =	ssyncadd.s32 $0xFFFFFFA0  }
0x4f: {  	_ =	swait.ge [sflag:s26], $0x60  }
0x50: {  	s18 =	simm.s32 $0x9;
	[sflag:s26] =	ssyncset.done $0x0  }
0x51: {  	s19 =	simm.s32 $0x0;
	s21 =	rddreg [dreg:$0x1d];
	[sflag:s26] =	ssyncadd.s32 $0xFFFFFFA0  }
0x52: {  	[tilespmem:s10], [sflag:$0x8] =	stream.indirect.gather [hbm4b:s4+s0], $0x80, s14, s0, $0xb8;
	[tilespmem:$0x1D600] =	vst v63  }
.LBB2_2:
0x53: {  	s20 =	sadd.s32 $0xFFFFFFFB, s18  }
0x54: {  	s12 =	rddreg [dreg:$0xe];
	s16 =	sadd.s32 $0xFFFFFFF9, s18;
	p0 =	sge.u32 s20, s7  }
0x55: {  	s24 =	rddreg [dreg:$0xd];
	p1 =	sge.u32 s16, s7;
	s12 =	sadd.s32 @!p0 s19, s12  }
0x56: {  	s14 =	simm.s32 @!p0 $0x0;
	s20 =	simm.s32 @!p0 $0x200;
	p2 =	seq.s32 @!p1 s19, $0x0  }
0x57: {  	[tilespmem:s20], [sflag:$0x5] =	stream.linear.gather @!p0 [hbm4b:s12+s14], $0x60, $0x38;
	[tilespmem:$0x1D600] =	vst v63  }
0x58: {  	s12 =	sadd.s32 @!p0 s19, s24;
	s24 =	simm.s32 @!p0 $0x500;
	p2 =	por p2, p1  }
0x59: {  	[tilespmem:s24], [sflag:$0x5] =	stream.linear.gather @!p0 [hbm4b:s12+s14], $0x60, $0x38;
	[tilespmem:$0x1D600] =	vst v63  }
0x5a: {  	s12 =	simm.s32 @!p2 $0xC  }
0x5b: {  	_ =	swait.ge @!p2 [sflag:s12], $0x3000  }
0x5c: {  	[sflag:s12] =	ssyncset.done @!p2 $0x0  }
0x5d: {  	[sflag:s12] =	ssyncadd.s32 @!p2 $0xFFFFD000;
	s12 =	simm.s32 @!p1 $0x3  }
0x5e: {  	_ =	swait.ge @!p1 [sflag:s12], $0x60  }
0x5f: {  	[sflag:s12] =	ssyncset.done @!p1 $0x0  }
0x60: {  	[sflag:s12] =	ssyncadd.s32 @!p1 $0xFFFFFFA0  }
0x61: {  	_ =	swait.ge @!p1 [sflag:s12], $0x60  }
0x62: {  	s14 =	simm.s32 @!p1 $0x100;
	[sflag:s12] =	ssyncset.done @!p1 $0x0  }
0x63: {  	s24 =	simm.s32 @!p1 $0x6600;
	[sflag:s12] =	ssyncadd.s32 @!p1 $0xFFFFFFA0;
	s12 =	simm.s32 @!p1 $0x60  }
0x64: {  	[tilespmem:s24], [sflag:$0x9] =	stream.indirect.gather @!p1 [hbm4b:s4+s12], $0x80, s14, s12, $0xb8;
	[tilespmem:$0x1D600] =	vst v63  }
0x65: {  	_ =	swait.ge [sflag:s29], $0x3000  }
0x66: {  	s24 =	sadd.s32 $0xFFFFFFFC, s18;
	[sflag:s29] =	ssyncset.done $0x0;
	s12 =	rddreg [dreg:$0xc]  }
0x67: {  	p1 =	sge.u32 s24, s7;
	s14 =	rddreg [dreg:$0xb];
	[sflag:s29] =	ssyncadd.s32 $0xFFFFD000  }
0x68: {  	[spmem:s1] =	stream.indirect.scatter.add.f32 [tilespmem:s2], [sflag:$0xA], $0x80, s23, s0, $0xb8;
	[tilespmem:$0x1D600] =	vst v63  }
0x69: {  	s15 =	simm.s32 @!p1 $0x0;
	s24 =	simm.s32 @!p1 $0x280;
	s12 =	sadd.s32 @!p1 s19, s12  }
0x6a: {  	[tilespmem:s24], [sflag:$0x6] =	stream.linear.gather @!p1 [hbm4b:s12+s15], $0x60, $0x38;
	[tilespmem:$0x1D600] =	vst v63  }
0x6b: {  	s12 =	sadd.s32 @!p1 s19, s14;
	s14 =	simm.s32 @!p1 $0x580  }
0x6c: {  	[tilespmem:s14], [sflag:$0x6] =	stream.linear.gather @!p1 [hbm4b:s12+s15], $0x60, $0x38;
	[tilespmem:$0x1D600] =	vst v63  }
0x6d: {  	s15 =	sadd.s32 $0xFFFFFFFA, s18  }
0x6e: {  	p2 =	sge.u32 s15, s7  }
0x6f: {  	s12 =	simm.s32 @!p2 $0xA  }
0x70: {  	_ =	swait.ge @!p2 [sflag:s12], $0x3000  }
0x71: {  	[sflag:s12] =	ssyncset.done @!p2 $0x0  }
0x72: {  	[sflag:s12] =	ssyncadd.s32 @!p2 $0xFFFFD000;
	s12 =	simm.s32 @!p2 $0x4  }
0x73: {  	_ =	swait.ge @!p2 [sflag:s12], $0x60  }
0x74: {  	[sflag:s12] =	ssyncset.done @!p2 $0x0  }
0x75: {  	[sflag:s12] =	ssyncadd.s32 @!p2 $0xFFFFFFA0  }
0x76: {  	_ =	swait.ge @!p2 [sflag:s12], $0x60  }
0x77: {  	s14 =	simm.s32 @!p2 $0x180;
	[sflag:s12] =	ssyncset.done @!p2 $0x0  }
0x78: {  	s15 =	simm.s32 @!p2 $0x600;
	[sflag:s12] =	ssyncadd.s32 @!p2 $0xFFFFFFA0;
	s12 =	simm.s32 @!p2 $0x60  }
0x79: {  	[tilespmem:s15], [sflag:$0x7] =	stream.indirect.gather @!p2 [hbm4b:s4+s12], $0x80, s14, s12, $0xb8;
	[tilespmem:$0x1D600] =	vst v63  }
0x7a: {  	_ =	swait.ge [sflag:s6], $0x3000  }
0x7b: {  	s16 =	sadd.s32 $0xFFFFFFFD, s18;
	[sflag:s6] =	ssyncset.done $0x0  }
0x7c: {  	p2 =	sge.u32 s16, s7;
	s12 =	rddreg [dreg:$0xa];
	[sflag:s6] =	ssyncadd.s32 $0xFFFFD000  }
0x7d: {  	[spmem:s1] =	stream.indirect.scatter.add.f32 [tilespmem:s10], [sflag:$0xB], $0x80, s25, s0, $0xb8;
	[tilespmem:$0x1D600] =	vst v63  }
0x7e: {  	s14 =	sadd.s32 @!p2 s19, s12;
	s12 =	simm.s32 @!p2 $0x0  }
0x7f: {  	[tilespmem:s12], [sflag:$0x1] =	stream.linear.gather @!p2 [hbm4b:s14+s12], $0x60, $0x38;
	[tilespmem:$0x1D600] =	vst v63  }
0x80: {  	s14 =	sshrl.u32 @!p2 s21, $0x3  }
0x81: {  	s15 =	simm.s32 @!p2 $0x300;
	s14 =	sadd.s32 @!p2 s5, s14  }
0x82: {  	[tilespmem:s15], [sflag:$0x1] =	stream.linear.gather @!p2 [hbm4b:s14+s12], $0x60, $0x38;
	[tilespmem:$0x1D600] =	vst v63  }
0x83: {  	s14 =	simm.s32 @!p0 $0xB  }
0x84: {  	_ =	swait.ge @!p0 [sflag:s14], $0x3000  }
0x85: {  	[sflag:s14] =	ssyncset.done @!p0 $0x0  }
0x86: {  	[sflag:s14] =	ssyncadd.s32 @!p0 $0xFFFFD000;
	s14 =	simm.s32 @!p0 $0x5  }
0x87: {  	_ =	swait.ge @!p0 [sflag:s14], $0x60  }
0x88: {  	[sflag:s14] =	ssyncset.done @!p0 $0x0  }
0x89: {  	[sflag:s14] =	ssyncadd.s32 @!p0 $0xFFFFFFA0  }
0x8a: {  	_ =	swait.ge @!p0 [sflag:s14], $0x60  }
0x8b: {  	[sflag:s14] =	ssyncset.done @!p0 $0x0  }
0x8c: {  	s15 =	simm.s32 @!p0 $0x3600;
	[sflag:s14] =	ssyncadd.s32 @!p0 $0xFFFFFFA0;
	s14 =	simm.s32 @!p0 $0x60  }
0x8d: {  	[tilespmem:s15], [sflag:$0x8] =	stream.indirect.gather @!p0 [hbm4b:s4+s14], $0x80, s20, s14, $0xb8;
	[tilespmem:$0x1D600] =	vst v63  }
0x8e: {  	_ =	swait.ge [sflag:s8], $0x3000  }
0x8f: {  	s20 =	sadd.s32 $0xFFFFFFFE, s18;
	[sflag:s8] =	ssyncset.done $0x0;
	s14 =	rddreg [dreg:$0x9]  }
0x90: {  	p0 =	sge.u32 s20, s7;
	s15 =	rddreg [dreg:$0x8];
	[sflag:s8] =	ssyncadd.s32 $0xFFFFD000  }
0x91: {  	[spmem:s1] =	stream.indirect.scatter.add.f32 [tilespmem:s13], [sflag:$0xC], $0x80, s28, s0, $0xb8;
	[tilespmem:$0x1D600] =	vst v63  }
0x92: {  	s16 =	simm.s32 @!p0 $0x0;
	s20 =	simm.s32 @!p0 $0x80;
	s14 =	sadd.s32 @!p0 s19, s14  }
0x93: {  	[tilespmem:s20], [sflag:$0x2] =	stream.linear.gather @!p0 [hbm4b:s14+s16], $0x60, $0x38;
	[tilespmem:$0x1D600] =	vst v63  }
0x94: {  	s14 =	sadd.s32 @!p0 s19, s15;
	s15 =	simm.s32 @!p0 $0x380  }
0x95: {  	[tilespmem:s15], [sflag:$0x2] =	stream.linear.gather @!p0 [hbm4b:s14+s16], $0x60, $0x38;
	[tilespmem:$0x1D600] =	vst v63  }
0x96: {  	s14 =	simm.s32 @!p1 $0xC  }
0x97: {  	_ =	swait.ge @!p1 [sflag:s14], $0x3000  }
0x98: {  	[sflag:s14] =	ssyncset.done @!p1 $0x0  }
0x99: {  	[sflag:s14] =	ssyncadd.s32 @!p1 $0xFFFFD000;
	s14 =	simm.s32 @!p1 $0x6  }
0x9a: {  	_ =	swait.ge @!p1 [sflag:s14], $0x60  }
0x9b: {  	[sflag:s14] =	ssyncset.done @!p1 $0x0  }
0x9c: {  	[sflag:s14] =	ssyncadd.s32 @!p1 $0xFFFFFFA0  }
0x9d: {  	_ =	swait.ge @!p1 [sflag:s14], $0x60  }
0x9e: {  	[sflag:s14] =	ssyncset.done @!p1 $0x0  }
0x9f: {  	s15 =	simm.s32 @!p1 $0x6600;
	[sflag:s14] =	ssyncadd.s32 @!p1 $0xFFFFFFA0;
	s14 =	simm.s32 @!p1 $0x60  }
0xa0: {  	[tilespmem:s15], [sflag:$0x9] =	stream.indirect.gather @!p1 [hbm4b:s4+s14], $0x80, s24, s14, $0xb8;
	[tilespmem:$0x1D600] =	vst v63  }
0xa1: {  	_ =	swait.ge [sflag:s29], $0x3000  }
0xa2: {  	s24 =	sadd.s32 $0xFFFFFFFF, s18;
	[sflag:s29] =	ssyncset.done $0x0;
	s14 =	rddreg [dreg:$0x7]  }
0xa3: {  	p1 =	sge.u32 s24, s7;
	s15 =	rddreg [dreg:$0x6];
	[sflag:s29] =	ssyncadd.s32 $0xFFFFD000  }
0xa4: {  	[spmem:s1] =	stream.indirect.scatter.add.f32 [tilespmem:s2], [sflag:$0xA], $0x80, s30, s0, $0xb8;
	[tilespmem:$0x1D600] =	vst v63  }
0xa5: {  	s16 =	simm.s32 @!p1 $0x0;
	s24 =	simm.s32 @!p1 $0x100;
	s14 =	sadd.s32 @!p1 s19, s14  }
0xa6: {  	[tilespmem:s24], [sflag:$0x3] =	stream.linear.gather @!p1 [hbm4b:s14+s16], $0x60, $0x38;
	[tilespmem:$0x1D600] =	vst v63  }
0xa7: {  	s14 =	sadd.s32 @!p1 s19, s15;
	s15 =	simm.s32 @!p1 $0x400  }
0xa8: {  	[tilespmem:s15], [sflag:$0x3] =	stream.linear.gather @!p1 [hbm4b:s14+s16], $0x60, $0x38;
	[tilespmem:$0x1D600] =	vst v63  }
0xa9: {  	s14 =	simm.s32 @!p2 $0xA  }
0xaa: {  	_ =	swait.ge @!p2 [sflag:s14], $0x3000  }
0xab: {  	[sflag:s14] =	ssyncset.done @!p2 $0x0  }
0xac: {  	[sflag:s14] =	ssyncadd.s32 @!p2 $0xFFFFD000;
	s14 =	simm.s32 @!p2 $0x1  }
0xad: {  	_ =	swait.ge @!p2 [sflag:s14], $0x60  }
0xae: {  	[sflag:s14] =	ssyncset.done @!p2 $0x0  }
0xaf: {  	[sflag:s14] =	ssyncadd.s32 @!p2 $0xFFFFFFA0  }
0xb0: {  	_ =	swait.ge @!p2 [sflag:s14], $0x60  }
0xb1: {  	[sflag:s14] =	ssyncset.done @!p2 $0x0  }
0xb2: {  	s15 =	simm.s32 @!p2 $0x600;
	[sflag:s14] =	ssyncadd.s32 @!p2 $0xFFFFFFA0;
	s14 =	simm.s32 @!p2 $0x60  }
0xb3: {  	[tilespmem:s15], [sflag:$0x7] =	stream.indirect.gather @!p2 [hbm4b:s4+s14], $0x80, s12, s14, $0xb8;
	[tilespmem:$0x1D600] =	vst v63  }
0xb4: {  	_ =	swait.ge [sflag:s6], $0x3000  }
0xb5: {  	p1 =	sge.u32 s18, s7;
	s16 =	rddreg [dreg:$0xf];
	[sflag:s6] =	ssyncset.done $0x0  }
0xb6: {  	s15 =	simm.s32 @!p1 $0x0;
	s14 =	rddreg [dreg:$0x5];
	[sflag:s6] =	ssyncadd.s32 $0xFFFFD000  }
0xb7: {  	[spmem:s1] =	stream.indirect.scatter.add.f32 [tilespmem:s10], [sflag:$0xB], $0x80, s16, s0, $0xb8;
	[tilespmem:$0x1D600] =	vst v63  }
0xb8: {  	s12 =	rddreg [dreg:$0x4];
	s14 =	sadd.s32 @!p1 s19, s14;
	s16 =	simm.s32 @!p1 $0x180  }
0xb9: {  	[tilespmem:s16], [sflag:$0x4] =	stream.linear.gather @!p1 [hbm4b:s14+s15], $0x60, $0x38;
	[tilespmem:$0x1D600] =	vst v63  }
0xba: {  	s12 =	sadd.s32 @!p1 s19, s12;
	s14 =	simm.s32 @!p1 $0x480  }
0xbb: {  	[tilespmem:s14], [sflag:$0x4] =	stream.linear.gather @!p1 [hbm4b:s12+s15], $0x60, $0x38;
	[tilespmem:$0x1D600] =	vst v63  }
0xbc: {  	s12 =	simm.s32 @!p0 $0xB  }
0xbd: {  	_ =	swait.ge @!p0 [sflag:s12], $0x3000  }
0xbe: {  	[sflag:s12] =	ssyncset.done @!p0 $0x0  }
0xbf: {  	[sflag:s12] =	ssyncadd.s32 @!p0 $0xFFFFD000;
	s12 =	simm.s32 @!p0 $0x2  }
0xc0: {  	_ =	swait.ge @!p0 [sflag:s12], $0x60  }
0xc1: {  	[sflag:s12] =	ssyncset.done @!p0 $0x0  }
0xc2: {  	[sflag:s12] =	ssyncadd.s32 @!p0 $0xFFFFFFA0  }
0xc3: {  	_ =	swait.ge @!p0 [sflag:s12], $0x60  }
0xc4: {  	[sflag:s12] =	ssyncset.done @!p0 $0x0  }
0xc5: {  	s14 =	simm.s32 @!p0 $0x3600;
	[sflag:s12] =	ssyncadd.s32 @!p0 $0xFFFFFFA0;
	s12 =	simm.s32 @!p0 $0x60  }
0xc6: {  	[tilespmem:s14], [sflag:$0x8] =	stream.indirect.gather @!p0 [hbm4b:s4+s12], $0x80, s20, s12, $0xb8;
	[tilespmem:$0x1D600] =	vst v63  }
0xc7: {  	_ =	swait.ge [sflag:s8], $0x3000  }
0xc8: {  	s19 =	sadd.s32 $0x48, s19;
	s24 =	rddreg [dreg:$0x3]  }
0xc9: {  	p0 =	sne.s32 s24, s19  }
.Ltmp0:
0xca: {  	_ = 	snop;
	(pc) =	sbr.rel @p0 .LBB2_2-.Ltmp0, $4  }
0xcb: {  	_ = 	snop  }
0xcc: {  	s21 =	sadd.s32 $0x240, s21;
	[sflag:s8] =	ssyncset.done $0x0  }
0xcd: {  	s18 =	sadd.s32 $0x6, s18;
	s20 =	rddreg [dreg:$0x10];
	[sflag:s8] =	ssyncadd.s32 $0xFFFFD000  }
0xce: {  	[spmem:s1] =	stream.indirect.scatter.add.f32 [tilespmem:s13], [sflag:$0xC], $0x80, s20, s0, $0xb8;
	[tilespmem:$0x1D600] =	vst v63  }
0xcf: {  	s12 =	simm.s32 $0xA  }
0xd0: {  	_ =	swait.ge [sflag:s12], $0x3000  }
0xd1: {  	[sflag:s12] =	ssyncset.done $0x0  }
0xd2: {  	s19 =	simm.s32 $0xB;
	[sflag:s12] =	ssyncadd.s32 $0xFFFFD000  }
0xd3: {  	_ =	swait.ge [sflag:s19], $0x3000  }
0xd4: {  	[sflag:s19] =	ssyncset.done $0x0  }
0xd5: {  	s20 =	simm.s32 $0xC;
	[sflag:s19] =	ssyncadd.s32 $0xFFFFD000  }
0xd6: {  	_ =	swait.ge [sflag:s20], $0x3000  }
0xd7: {  	[sflag:s20] =	ssyncset.done $0x0  }
0xd8: {  	[sflag:s20] =	ssyncadd.s32 $0xFFFFD000  }
0xd9: {  	[bflag:$0x0] =	sbarrier.arrive $0xFFFF  }
0xda: {  	s21 =	rddreg [dreg:$0x1b]  }
0xdb: {  	[hbm:s21], [sflag:s9] =	dma.local [spmem:s11], $0x2800  }
0xdc: {  	_ =	swait.ge [sflag:s22], $0x2800  }
0xdd: {  	s17 =	sadd.s32 $0x1, s17;
	s24 =	rddreg [dreg:$0x1c]  }
0xde: {  	p0 =	sne.s32 s17, s24  }
.Ltmp1:
0xdf: {  	_ = 	snop;
	(pc) =	sbr.rel @p0 .LBB2_1-.Ltmp1, $3  }
0xe0: {  	_ =	sdelay $0x1  }
0xe1: {  	[sflag:s22] =	ssyncset.done $0x0  }
0xe2: {  	[sflag:s22] =	ssyncadd.s32 $0xFFFFD800  }
0xe3: {  	_ =	sfence.sel $0x180000  }
0xe4: {  	[bflag:$0x0] =	sbarrier.arrive $0xFFFF  }
0xe5: {  	_ =	strace $0x9000004D  }
0xe6: {  	s0 =	stileid.u32;
	[bflag:$0x2] =	sbarrier.arrive $0xFFFF  }
0xe7: {  	p0 =	sne.s32 s0, $0x0;
	s0 =	rddreg [dreg:$0x2]  }
0xe8: {  	s0 =	sadd.s32 @!p0 $0x100000, s0  }
0xe9: {  	[sflag:s0] =	ssyncadd.tile.s32 @!p0 $0x1;
	_ =	shalt  }
.Lfunc_end2:
_tile_overlayer_lowered:
.L_overlay_start_2:
0xea: {  	(tag) =	ssettag $0x2  }
0xeb: {  	s0 =	rddreg [dreg:$0x0];
	s2 =	stileid.u32  }
0xec: {  	s1 =	rddreg [dreg:$0x1];
	p0 =	sne.s32 s2, $0x0  }
0xed: {  	s3 =	rddreg [dreg:$0x2];
	[bflag:$0x3] =	sbarrier.arrive $0xFFFF;
	s2 =	simm.s32 @!p0 $0x1C0D  }
0xee: {  	[timem:s3], [sflag:s2] =	dma.local @!p0 [hbm:s0], s1  }
0xef: {  	s0 =	simm.s32 @!p0 $0xD  }
0xf0: {  	_ =	swait.ge @!p0 [sflag:s0], s1  }
0xf1: {  	s1 =	ssub.s32 @!p0 $0x0, s1;
	[sflag:s0] =	ssyncset.done @!p0 $0x0  }
0xf2: {  	[sflag:s0] =	ssyncadd.s32 @!p0 s1  }
0xf3: {  	[bflag:$0x3] =	sbarrier.arrive $0xFFFF  }
0xf4: {  	_ =	shalt  }

// kernel: kernel.19.cloned.1.call-start
scs
__scs_entry_jumppad:
0x0: {  	(pc) =	sbr.rel $0x88, $3  }
0x1: {  	(tag) =	ssettag $0x0;
	lr =	simm.s32 $0x1  }
0x2: {  	[smem:$0x3F93] =	sst lr;
	_ =	strace $0xD0000000  }
0x3: {  	_ = 	snop  }
0x4: {  	_ = 	snop  }
0x5: {  	_ = 	snop  }
0x6: {  	_ = 	snop  }
0x7: {  	_ = 	snop  }
__scs_overlays_trampoline_lowered:
0x8: {  	[smem:$0x3FA2] =	sst s0  }
0x9: {  	[smem:$0x3FA3] =	sst s1  }
0xa: {  	[smem:$0x3FA4] =	sst s2  }
0xb: {  	[smem:$0x3FA5] =	sst s3  }
0xc: {  	[smem:$0x3FA6] =	sst s4  }
0xd: {  	[smem:$0x3FA7] =	sst s5  }
0xe: {  	[smem:$0x3FA8] =	sst s6  }
0xf: {  	[smem:$0x3FA9] =	sst s7  }
0x10: {  	[smem:$0x3FAA] =	sst s8  }
0x11: {  	[smem:$0x3FAB] =	sst s9;
	s0 =	simm.s32 @!p0 $0x0  }
0x12: {  	s1 =	sld [smem:$0x3F91];
	s0 =	simm.s32 @p0 $0x1  }
0x13: {  	[smem:$0x3FAC] =	sst s0;
	s0 =	simm.s32 @!p1 $0x0  }
0x14: {  	s2 =	sld [smem:$0x3F90];
	s0 =	simm.s32 @p1 $0x1  }
0x15: {  	[smem:$0x3FAD] =	sst s0;
	s0 =	simm.s32 @!p2 $0x0  }
0x16: {  	s3 =	sld [smem:$0x3FDB];
	s0 =	simm.s32 @p2 $0x1  }
0x17: {  	s4 =	simm.s32 $0x1BF5;
	[smem:$0x3FAF] =	sst s0  }
0x18: {  	s0 =	sld [smem:$0x3F92];
	_ =	swait.ge [sflag:s4], $0x0  }
0x19: {  	s7 =	sld [smem:$0x3F93]  }
0x1a: {  	s8 =	sadd.s32 $0xFFFFE003, lr  }
0x1b: {  	s9 =	sadd.s32 $0xFFFFFEF7, lr;
	s5 =	simm.s32 $0xFFFFFFFF;
	p2 =	slt.u32 s8, $0xFFFFF086  }
0x1c: {  	p1 =	slt.u32 s9, $0xF7A;
	s5 =	simm.s32 @!p2 $0x0  }
0x1d: {  	s5 =	simm.s32 @p1 $0x1;
	p0 =	seq.s32 s7, s2  }
0x1e: {  	s7 =	smul.u32 @!p0 $0xF7A, s2;
	p2 =	seq.s32 @!p0 s5, $0x0  }
0x1f: {  	s9 =	smul.u32 $0xF7A, s1;
	s8 =	simm.s32 @!p0 $0x1BF5;
	p2 =	por !p2, p0  }
0x20: {  	[sflag:s8] =	ssyncset.s32 @!p0 $0xFFFFF086;
	s6 =	sadd.s32 @!p0 s3, s7;
	s7 =	simm.s32 @!p0 $0x108  }
0x21: {  	s3 =	sadd.s32 s3, s9;
	s6 =	sadd.s32 @!p0 $0x88, s6;
	s7 =	simm.s32 @p2 $0x1082  }
0x22: {  	[simem:s7], [sflag:s8] =	dma.local @!p0 [hbm:s6], $0xF7A  }
0x23: {  	s9 =	sor.u32 $0xD0000000, s2;
	s6 =	simm.s32 $0x108;
	_ =	swait.ge @!p0 [sflag:s8], $0x0  }
0x24: {  	s3 =	sadd.s32 $0x88, s3;
	s6 =	simm.s32 @!p1 $0x1082;
	[sflag:s4] =	ssyncset.s32 $0xFFFFF086  }
0x25: {  	[simem:s6], [sflag:s4] =	dma.local [hbm:s3], $0xF7A  }
0x26: {  	[smem:$0x3F93] =	sst s1;
	(tag) =	ssettag s2;
	_ =	strace s9  }
0x27: {  	s1 =	sld [smem:$0x3FA3]  }
0x28: {  	s2 =	sld [smem:$0x3FA4]  }
0x29: {  	s4 =	sld [smem:$0x3FA6]  }
0x2a: {  	p0 =	seq.s32 s5, $0x0;
	s5 =	sld [smem:$0x3FA7]  }
0x2b: {  	s6 =	sld [smem:$0x3FA8]  }
0x2c: {  	s7 =	sld [smem:$0x3FA9]  }
0x2d: {  	s3 =	simm.s32 $0x108;
	s8 =	sld [smem:$0x3FAA]  }
0x2e: {  	s3 =	simm.s32 @!p0 $0x1082;
	s9 =	sld [smem:$0x3FAB]  }
0x2f: {  	lr =	sadd.s32 s0, s3;
	s0 =	sld [smem:$0x3FA2]  }
0x30: {  	s3 =	sld [smem:$0x3FA5]  }
0x31: {  	[smem:$0x3FAE] =	sst s10  }
0x32: {  	s10 =	sld [smem:$0x3FAC];
	_ =	sdelay $0x3  }
0x33: {  	p0 =	seq.s32 s10, $0x1;
	s10 =	sld [smem:$0x3FAE];
	_ =	sdelay $0x3  }
0x34: {  	[smem:$0x3FAE] =	sst s10  }
0x35: {  	s10 =	sld [smem:$0x3FAD];
	_ =	sdelay $0x3  }
0x36: {  	p1 =	seq.s32 s10, $0x1;
	s10 =	sld [smem:$0x3FAE];
	_ =	sdelay $0x3  }
0x37: {  	[smem:$0x3FAE] =	sst s10  }
0x38: {  	s10 =	sld [smem:$0x3FAF]  }
0x39: {  	_ = 	snop;
	(pc) =	sbr.ind lr, $3  }
0x3a: {  	_ = 	snop  }
0x3b: {  	_ = 	snop  }
0x3c: {  	p2 =	seq.s32 s10, $0x1;
	s10 =	sld [smem:$0x3FAE]  }
0x3d: {  	_ =	shalt  }
0x3e: {  	_ =	shalt  }
0x3f: {  	_ =	shalt  }
0x40: {  	_ =	shalt  }
0x41: {  	_ =	shalt  }
0x42: {  	_ =	shalt  }
0x43: {  	_ =	shalt  }
0x44: {  	_ =	shalt  }
0x45: {  	_ =	shalt  }
0x46: {  	_ =	shalt  }
0x47: {  	_ =	shalt  }
0x48: {  	_ =	shalt  }
0x49: {  	_ =	shalt  }
0x4a: {  	_ =	shalt  }
0x4b: {  	_ =	shalt  }
0x4c: {  	_ =	shalt  }
0x4d: {  	_ =	shalt  }
0x4e: {  	_ =	shalt  }
0x4f: {  	_ =	shalt  }
0x50: {  	_ =	shalt  }
0x51: {  	_ =	shalt  }
0x52: {  	_ =	shalt  }
0x53: {  	_ =	shalt  }
0x54: {  	_ =	shalt  }
0x55: {  	_ =	shalt  }
0x56: {  	_ =	shalt  }
0x57: {  	_ =	shalt  }
0x58: {  	_ =	shalt  }
0x59: {  	_ =	shalt  }
0x5a: {  	_ =	shalt  }
0x5b: {  	_ =	shalt  }
0x5c: {  	_ =	shalt  }
0x5d: {  	_ =	shalt  }
0x5e: {  	_ =	shalt  }
0x5f: {  	_ =	shalt  }
0x60: {  	_ =	shalt  }
0x61: {  	_ =	shalt  }
0x62: {  	_ =	shalt  }
0x63: {  	_ =	shalt  }
0x64: {  	_ =	shalt  }
0x65: {  	_ =	shalt  }
0x66: {  	_ =	shalt  }
0x67: {  	_ =	shalt  }
0x68: {  	_ =	shalt  }
0x69: {  	_ =	shalt  }
0x6a: {  	_ =	shalt  }
0x6b: {  	_ =	shalt  }
0x6c: {  	_ =	shalt  }
0x6d: {  	_ =	shalt  }
0x6e: {  	_ =	shalt  }
0x6f: {  	_ =	shalt  }
0x70: {  	_ =	shalt  }
0x71: {  	_ =	shalt  }
0x72: {  	_ =	shalt  }
0x73: {  	_ =	shalt  }
0x74: {  	_ =	shalt  }
0x75: {  	_ =	shalt  }
0x76: {  	_ =	shalt  }
0x77: {  	_ =	shalt  }
0x78: {  	_ =	shalt  }
0x79: {  	_ =	shalt  }
0x7a: {  	_ =	shalt  }
0x7b: {  	_ =	shalt  }
0x7c: {  	_ =	shalt  }
0x7d: {  	_ =	shalt  }
0x7e: {  	_ =	shalt  }
0x7f: {  	_ =	shalt  }
0x80: {  	_ =	shalt  }
0x81: {  	_ =	shalt  }
0x82: {  	_ =	shalt  }
0x83: {  	_ =	shalt  }
0x84: {  	_ =	shalt  }
0x85: {  	_ =	shalt  }
0x86: {  	_ =	shalt  }
0x87: {  	_ =	shalt  }
.Lfunc_end0:
.L_simem_size_0:
called_computation.3_lowered:
.L_overlay_start_0:
0x88: {  	s2 =	sld [smem:$0x3FD9]  }
0x89: {  	s3 =	sld [smem:$0x3FFE];
	_ =	sdelay $0x1  }
0x8a: {  	s1 =	srdreg.scid  }
0x8b: {  	s0 =	sand.u32 $0x1, s1  }
0x8c: {  	s16 =	sshll.u32 s0, $0xA;
	s2 =	sadd.s32 s3, s2  }
0x8d: {  	s2 =	sadd.s32 s2, s16  }
0x8e: {  	[smem:$0x3FBA] =	sst s2  }
0x8f: {  	_ = 	snop  }
0x90: {  	(tm) =	ssettm $0x1  }
0x91: {  	s17 =	sld [smem:$0x3FFB];
	_ =	sdelay $0x3  }
0x92: {  	_ =	strace s17  }
0x93: {  	s2 =	sld [smem:$0x3FFC];
	_ =	sdelay $0x3  }
0x94: {  	_ =	strace s2  }
0x95: {  	s2 =	sld [smem:$0x3FFD];
	_ =	sdelay $0x3  }
0x96: {  	_ =	strace s2  }
0x97: {  	_ =	strace $0x8FFFFFFF  }
0x98: {  	s18 =	sld [smem:$0x3FDB];
	_ =	sdelay $0x1  }
0x99: {  	s19 =	simm.s32 $_scs_section_size  }
0x9a: {  	s4 =	simm.s32 $_size__tile_overlayer_lowered;
	s5 =	simm.s32 $_tile_overlayer_lowered  }
0x9b: {  	s22 =	simm.s32 $0x1BFF;
	s21 =	sshll.u32 s5, $0x1;
	s2 =	sadd.s32 s19, s18  }
0x9c: {  	s6 =	simm.s32 $0x0;
	s20 =	sshll.u32 s4, $0x1;
	s4 =	sadd.s32 s21, s2  }
0x9d: {  	[timem:s6], [sflag:s22] =	dma.local [hbm:s4], s20  }
0x9e: {  	_ =	swait.ge [sflag:s22], s20  }
0x9f: {  	s3 =	ssub.s32 $0x0, s20;
	[sflag:s22] =	ssyncset.done $0x0  }
0xa0: {  	[sflag:s22] =	ssyncadd.s32 s3;
	_ =	sdelay $0x1  }
0xa1: {  	s23 =	simm.s32 $0x1B8B  }
0xa2: {  	_ =	swait.ge [sflag:s23], $0x1  }
0xa3: {  	[sflag:s23] =	ssyncset.done $0x0  }
0xa4: {  	s25 =	simm.s32 $0x1B8E;
	s24 =	sld [smem:$0x3FFE];
	[sflag:s23] =	ssyncadd.s32 $0xFFFFFFFF  }
0xa5: {  	s26 =	simm.s32 $execute0_lowered;
	[smem:$0x3FD2] =	sst s25  }
0xa6: {  	s4 =	sshll.u32 s26, $0x1;
	_ =	strace $0x8000004F;
	[dreg:$0x1] =	wrdreg $0xFFFFFFFF  }
0xa7: {  	s28 =	simm.s32 $_size_execute0_lowered;
	s2 =	sadd.s32 s2, s4;
	[dreg:$0x0] =	wrdreg $0x0  }
0xa8: {  	s4 =	sshll.u32 s28, $0x1;
	[dreg:$0x2] =	wrdreg s2  }
0xa9: {  	[dreg:$0x3] =	wrdreg s4  }
0xaa: {  	[dreg:$0x4] =	wrdreg $0xC0  }
0xab: {  	_ =	task [dreg:s6], $0x5FFFF  }
0xac: {  	[dreg:$0x1] =	wrdreg $0xFFFFFFFF  }
0xad: {  	[dreg:$0x0] =	wrdreg $0x60  }
0xae: {  	[dreg:$0x2] =	wrdreg s24  }
0xaf: {  	[dreg:$0x3] =	wrdreg $0x96000  }
0xb0: {  	[dreg:$0x4] =	wrdreg $0x9  }
0xb1: {  	_ =	task.clear_ibuf [dreg:s6], $0x5FFFF;
	_ =	strace $0x9000004F  }
0xb2: {  	s29 =	simm.s32 $0x9;
	_ =	strace $0x80000051  }
0xb3: {  	_ =	swait.ge [sflag:s29], $0x1  }
0xb4: {  	[sflag:s29] =	ssyncadd.s32 $0xFFFFFFFF  }
0xb5: {  	_ =	strace $0x90000051  }
0xb6: {  	_ =	sfence  }
0xb7: {  	s30 =	sld [smem:$0x0];
	_ =	sdelay $0x2  }
0xb8: {  	s31 =	sshll.u32 s1, $0xD;
	s1 =	sshrl.u32 s1, $0x2  }
0xb9: {  	s3 =	sand.u32 $0x4000, s31;
	s1 =	sadd.s32 s1, s30  }
0xba: {  	s0 =	sor.u32 s3, s0;
	s1 =	sshll.u32 s1, $0x11  }
0xbb: {  	s0 =	sor.u32 s1, s0  }
0xbc: {  	s0 =	sadd.s32 $0x8F2B, s0  }
0xbd: {  	[sflag:s0] =	ssyncadd.remote.s32 $0x1  }
0xbe: {  	_ =	sfence.sel $0xFFFF  }
0xbf: {  	[dreg:$0x0] =	wrdreg $0xFFFFFFFF;
	(pc) =	sbr.abs _section_cstart, $3  }
0xc0: {  	[dreg:$0x1] =	wrdreg $0xFFFFFFFF  }
0xc1: {  	_ =	task.clear_ibuf [dreg:s6], $0x2FFFF;
	_ =	strace $0x9FFFFFFF  }
0xc2: {  	(tm) =	ssettm $0x7FFFFFFF  }
0xc3: {  	_ =	shalt  }
tec
execute0_lowered:
.L_overlay_start_1:
0x0: {  	(tag) =	ssettag $0x1  }
0x1: {  	s6 =	rddreg [dreg:$0x0]  }
0x2: {  	s1 =	rddreg [dreg:$0x1]  }
0x3: {  	s0 =	srdreg.scid;
	s3 =	simm.s32 $0x0;
	s16 =	stileid.u32  }
0x4: {  	s11 =	simm.s32 $0x18;
	s13 =	simm.s32 $0x3600;
	s28 =	simm.s32 $0x400  }
0x5: {  	s30 =	simm.s32 $0x480;
	s31 =	simm.s32 $0x1;
	s29 =	simm.s32 $0x7  }
0x6: {  	s8 =	sand.u32 $0x1, s0;
	[smem:$0x7FF] =	sst s3;
	s2 =	smul.u32 $0x14000, s16  }
0x7: {  	s4 =	sadd.s32 $0x3400, s6;
	s5 =	sadd.s32 $0x61400, s6;
	s21 =	sadd.s32 $0x2A600, s6  }
0x8: {  	s9 =	smul.u32 $0x50000, s16;
	s24 =	sshll.u32 s16, $0x6;
	s15 =	sadd.s32 $0x6140C, s6  }
0x9: {  	s0 =	smul.u32 $0x140000, s8;
	_ =	strace $0x80000050;
	[dreg:$0x11] =	wrdreg s21  }
0xa: {  	s22 =	ssub.s32 $0x2, s8;
	p0 =	seq.s32 s8, $0x0;
	s23 =	sshll.u32 s8, $0x4  }
0xb: {  	s8 =	smul.u32 $0x6C000, s8;
	s7 =	sshrl.u32 s22, $0x1;
	s11 =	simm.s32 @!p0 $0xC  }
0xc: {  	s9 =	sshrl.u32 s9, $0x2;
	s10 =	sor.u32 s16, s23;
	s16 =	smul.u32 $0x6C00, s16  }
0xd: {  	s0 =	sadd.s32 s2, s0;
	s2 =	ssub.s32 s22, s7;
	s7 =	smul.u32 $0x6, s11  }
0xe: {  	s13 =	simm.s32 @!p0 $0x1B00;
	s9 =	sadd.s32 s9, s1;
	s12 =	smul.u32 $0x6C00, s10  }
0xf: {  	s10 =	simm.s32 $0x3600;
	s11 =	smul.u32 $0x48, s11;
	s0 =	sshrl.u32 s0, $0x3  }
0x10: {  	[dreg:$0x12] =	wrdreg s9;
	s9 =	sor.u32 $0x1C0D, s24;
	s2 =	smax.u32 s2, $0x1  }
0x11: {  	s0 =	sadd.s32 s0, s6;
	s14 =	sshrl.u32 s12, $0x3;
	[dreg:$0x3] =	wrdreg s11  }
0x12: {  	s6 =	sadd.s32 $0x61418, s6;
	[dreg:$0x1c] =	wrdreg s2;
	s19 =	sadd.s32 s14, s15  }
0x13: {  	s17 =	sadd.s32 s5, s14;
	s14 =	sadd.s32 s14, s6;
	[dreg:$0x15] =	wrdreg s19  }
0x14: {  	s8 =	sadd.s32 s16, s8;
	s12 =	sadd.s32 s13, s12;
	[dreg:$0x17] =	wrdreg s14  }
0x15: {  	s12 =	sshrl.u32 s12, $0x3;
	s0 =	sadd.s32 $0x7C400, s0;
	[dreg:$0x13] =	wrdreg s17  }
0x16: {  	s21 =	sor.u32 $0x300, s8;
	s15 =	sadd.s32 s12, s15;
	[dreg:$0x1b] =	wrdreg s0  }
0x17: {  	s2 =	simm.s32 $0x600;
	s6 =	sadd.s32 s12, s6;
	[dreg:$0x16] =	wrdreg s15  }
0x18: {  	s18 =	sadd.s32 s5, s12;
	s25 =	sadd.s32 $0x24, s17;
	[dreg:$0x18] =	wrdreg s6  }
0x19: {  	s0 =	simm.s32 $0x60;
	s6 =	sadd.s32 s13, s8;
	[dreg:$0x19] =	wrdreg s25  }
0x1a: {  	[dreg:$0x14] =	wrdreg s18;
	s14 =	sadd.s32 $0x24, s18;
	s15 =	sor.u32 $0x360, s8  }
0x1b: {  	s26 =	sadd.s32 $0x360, s6;
	[dreg:$0x1a] =	wrdreg s14;
	s17 =	sshrl.u32 s15, $0x3  }
0x1c: {  	s19 =	sadd.s32 $0x300, s6;
	s22 =	sadd.s32 $0x2A0, s6;
	s14 =	sor.u32 $0x240, s8  }
0x1d: {  	s15 =	sadd.s32 $0x1E0, s6;
	s12 =	sshrl.u32 s26, $0x3;
	s18 =	sadd.s32 s17, s5  }
0x1e: {  	s20 =	sshrl.u32 s19, $0x3;
	s24 =	sshrl.u32 s22, $0x3;
	s26 =	sor.u32 $0x2A0, s8  }
0x1f: {  	s17 =	sshrl.u32 s15, $0x3;
	s19 =	sor.u32 $0x1E0, s8;
	s8 =	sor.u32 $0x180, s8  }
0x20: {  	s16 =	sadd.s32 s12, s5;
	[dreg:$0x5] =	wrdreg s18;
	s11 =	sadd.s32 s20, s5  }
0x21: {  	s12 =	sshrl.u32 s21, $0x3;
	s25 =	sadd.s32 s24, s5;
	[dreg:$0x4] =	wrdreg s16  }
0x22: {  	s13 =	sshrl.u32 s26, $0x3;
	s18 =	sadd.s32 s17, s5;
	[dreg:$0x6] =	wrdreg s11  }
0x23: {  	s20 =	sshrl.u32 s19, $0x3;
	s21 =	sadd.s32 $0x180, s6;
	[dreg:$0x8] =	wrdreg s25  }
0x24: {  	s8 =	sshrl.u32 s8, $0x3;
	s24 =	sadd.s32 $0x240, s6;
	[dreg:$0xb] =	wrdreg s18  }
0x25: {  	s26 =	simm.s32 $0x580;
	s6 =	simm.s32 $0x8;
	[dreg:$0x1d] =	wrdreg s24  }
0x26: {  	s17 =	simm.s32 $0x0;
	s23 =	sadd.s32 s12, s5;
	[dreg:$0x10] =	wrdreg s26  }
0x27: {  	s11 =	sadd.s32 s13, s5;
	s12 =	sshrl.u32 s14, $0x3;
	[dreg:$0x7] =	wrdreg s23  }
0x28: {  	s25 =	simm.s32 $0x500;
	s26 =	simm.s32 $0x2;
	[dreg:$0x9] =	wrdreg s11  }
0x29: {  	s13 =	simm.s32 $0x6600;
	s16 =	sadd.s32 s12, s5;
	[dreg:$0xf] =	wrdreg s25  }
0x2a: {  	s11 =	sadd.s32 s20, s5;
	s12 =	sshrl.u32 s21, $0x3;
	[dreg:$0xa] =	wrdreg s16  }
0x2b: {  	s23 =	sadd.s32 s8, s5;
	s25 =	simm.s32 $0x380;
	[dreg:$0xc] =	wrdreg s11  }
0x2c: {  	s8 =	simm.s32 $0x9;
	s22 =	sadd.s32 s12, s5;
	[dreg:$0xe] =	wrdreg s23  }
0x2d: {  	s23 =	simm.s32 $0x300;
	[dreg:$0xd] =	wrdreg s22;
	s22 =	simm.s32 $0xD  }
.LBB2_1:
0x2e: {  	s11 =	rddreg [dreg:$0x12]  }
0x2f: {  	s12 =	rddreg [dreg:$0x11];
	s11 =	sshrl.u32 s11, $0x3  }
0x30: {  	[spmem:s11], [sflag:s9] =	dma.local [hbm:s12], $0x2800  }
0x31: {  	_ =	swait.ge [sflag:s22], $0x2800  }
0x32: {  	[sflag:s22] =	ssyncset.done $0x0  }
0x33: {  	[sflag:s22] =	ssyncadd.s32 $0xFFFFD800  }
0x34: {  	[bflag:$0x0] =	sbarrier.arrive $0xFFFF  }
0x35: {  	s24 =	rddreg [dreg:$0x13]  }
0x36: {  	[tilespmem:s3], [sflag:$0x1] =	stream.linear.gather [hbm4b:s24+s3], $0x60, $0x38;
	[tilespmem:$0x1D600] =	vst v63  }
0x37: {  	s14 =	rddreg [dreg:$0x14]  }
0x38: {  	[tilespmem:s23], [sflag:$0x1] =	stream.linear.gather [hbm4b:s14+s3], $0x60, $0x38;
	[tilespmem:$0x1D600] =	vst v63  }
0x39: {  	s15 =	rddreg [dreg:$0x15];
	s14 =	simm.s32 $0x80  }
0x3a: {  	[tilespmem:s14], [sflag:$0x2] =	stream.linear.gather [hbm4b:s15+s3], $0x60, $0x38;
	[tilespmem:$0x1D600] =	vst v63  }
0x3b: {  	s16 =	rddreg [dreg:$0x16]  }
0x3c: {  	[tilespmem:s25], [sflag:$0x2] =	stream.linear.gather [hbm4b:s16+s3], $0x60, $0x38;
	[tilespmem:$0x1D600] =	vst v63  }
0x3d: {  	s18 =	rddreg [dreg:$0x17];
	s15 =	simm.s32 $0x100  }
0x3e: {  	[tilespmem:s15], [sflag:$0x3] =	stream.linear.gather [hbm4b:s18+s3], $0x60, $0x38;
	[tilespmem:$0x1D600] =	vst v63  }
0x3f: {  	s19 =	rddreg [dreg:$0x18]  }
0x40: {  	[tilespmem:s28], [sflag:$0x3] =	stream.linear.gather [hbm4b:s19+s3], $0x60, $0x38;
	[tilespmem:$0x1D600] =	vst v63  }
0x41: {  	s21 =	simm.s32 $0x180;
	s20 =	rddreg [dreg:$0x19]  }
0x42: {  	[tilespmem:s21], [sflag:$0x4] =	stream.linear.gather [hbm4b:s20+s3], $0x60, $0x38;
	[tilespmem:$0x1D600] =	vst v63  }
0x43: {  	s24 =	rddreg [dreg:$0x1a]  }
0x44: {  	[tilespmem:s30], [sflag:$0x4] =	stream.linear.gather [hbm4b:s24+s3], $0x60, $0x38;
	[tilespmem:$0x1D600] =	vst v63  }
0x45: {  	_ =	swait.ge [sflag:s31], $0x60  }
0x46: {  	[sflag:s31] =	ssyncset.done $0x0  }
0x47: {  	[sflag:s31] =	ssyncadd.s32 $0xFFFFFFA0  }
0x48: {  	_ =	swait.ge [sflag:s31], $0x60  }
0x49: {  	[sflag:s31] =	ssyncset.done $0x0  }
0x4a: {  	[sflag:s31] =	ssyncadd.s32 $0xFFFFFFA0  }
0x4b: {  	[tilespmem:s2], [sflag:$0x7] =	stream.indirect.gather [hbm4b:s4+s0], $0x80, s3, s0, $0xb8;
	[tilespmem:$0x1D600] =	vst v63  }
0x4c: {  	_ =	swait.ge [sflag:s26], $0x60  }
0x4d: {  	[sflag:s26] =	ssyncset.done $0x0  }
0x4e: {  	[sflag:s26] =	ssyncadd.s32 $0xFFFFFFA0  }
0x4f: {  	_ =	swait.ge [sflag:s26], $0x60  }
0x50: {  	s18 =	simm.s32 $0x9;
	[sflag:s26] =	ssyncset.done $0x0  }
0x51: {  	s19 =	simm.s32 $0x0;
	s21 =	rddreg [dreg:$0x1d];
	[sflag:s26] =	ssyncadd.s32 $0xFFFFFFA0  }
0x52: {  	[tilespmem:s10], [sflag:$0x8] =	stream.indirect.gather [hbm4b:s4+s0], $0x80, s14, s0, $0xb8;
	[tilespmem:$0x1D600] =	vst v63  }
.LBB2_2:
0x53: {  	s20 =	sadd.s32 $0xFFFFFFFB, s18  }
0x54: {  	s12 =	rddreg [dreg:$0xe];
	s16 =	sadd.s32 $0xFFFFFFF9, s18;
	p0 =	sge.u32 s20, s7  }
0x55: {  	s24 =	rddreg [dreg:$0xd];
	p1 =	sge.u32 s16, s7;
	s12 =	sadd.s32 @!p0 s19, s12  }
0x56: {  	s14 =	simm.s32 @!p0 $0x0;
	s20 =	simm.s32 @!p0 $0x200;
	p2 =	seq.s32 @!p1 s19, $0x0  }
0x57: {  	[tilespmem:s20], [sflag:$0x5] =	stream.linear.gather @!p0 [hbm4b:s12+s14], $0x60, $0x38;
	[tilespmem:$0x1D600] =	vst v63  }
0x58: {  	s12 =	sadd.s32 @!p0 s19, s24;
	s24 =	simm.s32 @!p0 $0x500;
	p2 =	por p2, p1  }
0x59: {  	[tilespmem:s24], [sflag:$0x5] =	stream.linear.gather @!p0 [hbm4b:s12+s14], $0x60, $0x38;
	[tilespmem:$0x1D600] =	vst v63  }
0x5a: {  	s12 =	simm.s32 @!p2 $0xC  }
0x5b: {  	_ =	swait.ge @!p2 [sflag:s12], $0x3000  }
0x5c: {  	[sflag:s12] =	ssyncset.done @!p2 $0x0  }
0x5d: {  	[sflag:s12] =	ssyncadd.s32 @!p2 $0xFFFFD000;
	s12 =	simm.s32 @!p1 $0x3  }
0x5e: {  	_ =	swait.ge @!p1 [sflag:s12], $0x60  }
0x5f: {  	[sflag:s12] =	ssyncset.done @!p1 $0x0  }
0x60: {  	[sflag:s12] =	ssyncadd.s32 @!p1 $0xFFFFFFA0  }
0x61: {  	_ =	swait.ge @!p1 [sflag:s12], $0x60  }
0x62: {  	s14 =	simm.s32 @!p1 $0x100;
	[sflag:s12] =	ssyncset.done @!p1 $0x0  }
0x63: {  	s24 =	simm.s32 @!p1 $0x6600;
	[sflag:s12] =	ssyncadd.s32 @!p1 $0xFFFFFFA0;
	s12 =	simm.s32 @!p1 $0x60  }
0x64: {  	[tilespmem:s24], [sflag:$0x9] =	stream.indirect.gather @!p1 [hbm4b:s4+s12], $0x80, s14, s12, $0xb8;
	[tilespmem:$0x1D600] =	vst v63  }
0x65: {  	_ =	swait.ge [sflag:s29], $0x3000  }
0x66: {  	s24 =	sadd.s32 $0xFFFFFFFC, s18;
	[sflag:s29] =	ssyncset.done $0x0;
	s12 =	rddreg [dreg:$0xc]  }
0x67: {  	p1 =	sge.u32 s24, s7;
	s14 =	rddreg [dreg:$0xb];
	[sflag:s29] =	ssyncadd.s32 $0xFFFFD000  }
0x68: {  	[spmem:s1] =	stream.indirect.scatter.add.f32 [tilespmem:s2], [sflag:$0xA], $0x80, s23, s0, $0xb8;
	[tilespmem:$0x1D600] =	vst v63  }
0x69: {  	s15 =	simm.s32 @!p1 $0x0;
	s24 =	simm.s32 @!p1 $0x280;
	s12 =	sadd.s32 @!p1 s19, s12  }
0x6a: {  	[tilespmem:s24], [sflag:$0x6] =	stream.linear.gather @!p1 [hbm4b:s12+s15], $0x60, $0x38;
	[tilespmem:$0x1D600] =	vst v63  }
0x6b: {  	s12 =	sadd.s32 @!p1 s19, s14;
	s14 =	simm.s32 @!p1 $0x580  }
0x6c: {  	[tilespmem:s14], [sflag:$0x6] =	stream.linear.gather @!p1 [hbm4b:s12+s15], $0x60, $0x38;
	[tilespmem:$0x1D600] =	vst v63  }
0x6d: {  	s15 =	sadd.s32 $0xFFFFFFFA, s18  }
0x6e: {  	p2 =	sge.u32 s15, s7  }
0x6f: {  	s12 =	simm.s32 @!p2 $0xA  }
0x70: {  	_ =	swait.ge @!p2 [sflag:s12], $0x3000  }
0x71: {  	[sflag:s12] =	ssyncset.done @!p2 $0x0  }
0x72: {  	[sflag:s12] =	ssyncadd.s32 @!p2 $0xFFFFD000;
	s12 =	simm.s32 @!p2 $0x4  }
0x73: {  	_ =	swait.ge @!p2 [sflag:s12], $0x60  }
0x74: {  	[sflag:s12] =	ssyncset.done @!p2 $0x0  }
0x75: {  	[sflag:s12] =	ssyncadd.s32 @!p2 $0xFFFFFFA0  }
0x76: {  	_ =	swait.ge @!p2 [sflag:s12], $0x60  }
0x77: {  	s14 =	simm.s32 @!p2 $0x180;
	[sflag:s12] =	ssyncset.done @!p2 $0x0  }
0x78: {  	s15 =	simm.s32 @!p2 $0x600;
	[sflag:s12] =	ssyncadd.s32 @!p2 $0xFFFFFFA0;
	s12 =	simm.s32 @!p2 $0x60  }
0x79: {  	[tilespmem:s15], [sflag:$0x7] =	stream.indirect.gather @!p2 [hbm4b:s4+s12], $0x80, s14, s12, $0xb8;
	[tilespmem:$0x1D600] =	vst v63  }
0x7a: {  	_ =	swait.ge [sflag:s6], $0x3000  }
0x7b: {  	s16 =	sadd.s32 $0xFFFFFFFD, s18;
	[sflag:s6] =	ssyncset.done $0x0  }
0x7c: {  	p2 =	sge.u32 s16, s7;
	s12 =	rddreg [dreg:$0xa];
	[sflag:s6] =	ssyncadd.s32 $0xFFFFD000  }
0x7d: {  	[spmem:s1] =	stream.indirect.scatter.add.f32 [tilespmem:s10], [sflag:$0xB], $0x80, s25, s0, $0xb8;
	[tilespmem:$0x1D600] =	vst v63  }
0x7e: {  	s14 =	sadd.s32 @!p2 s19, s12;
	s12 =	simm.s32 @!p2 $0x0  }
0x7f: {  	[tilespmem:s12], [sflag:$0x1] =	stream.linear.gather @!p2 [hbm4b:s14+s12], $0x60, $0x38;
	[tilespmem:$0x1D600] =	vst v63  }
0x80: {  	s14 =	sshrl.u32 @!p2 s21, $0x3  }
0x81: {  	s15 =	simm.s32 @!p2 $0x300;
	s14 =	sadd.s32 @!p2 s5, s14  }
0x82: {  	[tilespmem:s15], [sflag:$0x1] =	stream.linear.gather @!p2 [hbm4b:s14+s12], $0x60, $0x38;
	[tilespmem:$0x1D600] =	vst v63  }
0x83: {  	s14 =	simm.s32 @!p0 $0xB  }
0x84: {  	_ =	swait.ge @!p0 [sflag:s14], $0x3000  }
0x85: {  	[sflag:s14] =	ssyncset.done @!p0 $0x0  }
0x86: {  	[sflag:s14] =	ssyncadd.s32 @!p0 $0xFFFFD000;
	s14 =	simm.s32 @!p0 $0x5  }
0x87: {  	_ =	swait.ge @!p0 [sflag:s14], $0x60  }
0x88: {  	[sflag:s14] =	ssyncset.done @!p0 $0x0  }
0x89: {  	[sflag:s14] =	ssyncadd.s32 @!p0 $0xFFFFFFA0  }
0x8a: {  	_ =	swait.ge @!p0 [sflag:s14], $0x60  }
0x8b: {  	[sflag:s14] =	ssyncset.done @!p0 $0x0  }
0x8c: {  	s15 =	simm.s32 @!p0 $0x3600;
	[sflag:s14] =	ssyncadd.s32 @!p0 $0xFFFFFFA0;
	s14 =	simm.s32 @!p0 $0x60  }
0x8d: {  	[tilespmem:s15], [sflag:$0x8] =	stream.indirect.gather @!p0 [hbm4b:s4+s14], $0x80, s20, s14, $0xb8;
	[tilespmem:$0x1D600] =	vst v63  }
0x8e: {  	_ =	swait.ge [sflag:s8], $0x3000  }
0x8f: {  	s20 =	sadd.s32 $0xFFFFFFFE, s18;
	[sflag:s8] =	ssyncset.done $0x0;
	s14 =	rddreg [dreg:$0x9]  }
0x90: {  	p0 =	sge.u32 s20, s7;
	s15 =	rddreg [dreg:$0x8];
	[sflag:s8] =	ssyncadd.s32 $0xFFFFD000  }
0x91: {  	[spmem:s1] =	stream.indirect.scatter.add.f32 [tilespmem:s13], [sflag:$0xC], $0x80, s28, s0, $0xb8;
	[tilespmem:$0x1D600] =	vst v63  }
0x92: {  	s16 =	simm.s32 @!p0 $0x0;
	s20 =	simm.s32 @!p0 $0x80;
	s14 =	sadd.s32 @!p0 s19, s14  }
0x93: {  	[tilespmem:s20], [sflag:$0x2] =	stream.linear.gather @!p0 [hbm4b:s14+s16], $0x60, $0x38;
	[tilespmem:$0x1D600] =	vst v63  }
0x94: {  	s14 =	sadd.s32 @!p0 s19, s15;
	s15 =	simm.s32 @!p0 $0x380  }
0x95: {  	[tilespmem:s15], [sflag:$0x2] =	stream.linear.gather @!p0 [hbm4b:s14+s16], $0x60, $0x38;
	[tilespmem:$0x1D600] =	vst v63  }
0x96: {  	s14 =	simm.s32 @!p1 $0xC  }
0x97: {  	_ =	swait.ge @!p1 [sflag:s14], $0x3000  }
0x98: {  	[sflag:s14] =	ssyncset.done @!p1 $0x0  }
0x99: {  	[sflag:s14] =	ssyncadd.s32 @!p1 $0xFFFFD000;
	s14 =	simm.s32 @!p1 $0x6  }
0x9a: {  	_ =	swait.ge @!p1 [sflag:s14], $0x60  }
0x9b: {  	[sflag:s14] =	ssyncset.done @!p1 $0x0  }
0x9c: {  	[sflag:s14] =	ssyncadd.s32 @!p1 $0xFFFFFFA0  }
0x9d: {  	_ =	swait.ge @!p1 [sflag:s14], $0x60  }
0x9e: {  	[sflag:s14] =	ssyncset.done @!p1 $0x0  }
0x9f: {  	s15 =	simm.s32 @!p1 $0x6600;
	[sflag:s14] =	ssyncadd.s32 @!p1 $0xFFFFFFA0;
	s14 =	simm.s32 @!p1 $0x60  }
0xa0: {  	[tilespmem:s15], [sflag:$0x9] =	stream.indirect.gather @!p1 [hbm4b:s4+s14], $0x80, s24, s14, $0xb8;
	[tilespmem:$0x1D600] =	vst v63  }
0xa1: {  	_ =	swait.ge [sflag:s29], $0x3000  }
0xa2: {  	s24 =	sadd.s32 $0xFFFFFFFF, s18;
	[sflag:s29] =	ssyncset.done $0x0;
	s14 =	rddreg [dreg:$0x7]  }
0xa3: {  	p1 =	sge.u32 s24, s7;
	s15 =	rddreg [dreg:$0x6];
	[sflag:s29] =	ssyncadd.s32 $0xFFFFD000  }
0xa4: {  	[spmem:s1] =	stream.indirect.scatter.add.f32 [tilespmem:s2], [sflag:$0xA], $0x80, s30, s0, $0xb8;
	[tilespmem:$0x1D600] =	vst v63  }
0xa5: {  	s16 =	simm.s32 @!p1 $0x0;
	s24 =	simm.s32 @!p1 $0x100;
	s14 =	sadd.s32 @!p1 s19, s14  }
0xa6: {  	[tilespmem:s24], [sflag:$0x3] =	stream.linear.gather @!p1 [hbm4b:s14+s16], $0x60, $0x38;
	[tilespmem:$0x1D600] =	vst v63  }
0xa7: {  	s14 =	sadd.s32 @!p1 s19, s15;
	s15 =	simm.s32 @!p1 $0x400  }
0xa8: {  	[tilespmem:s15], [sflag:$0x3] =	stream.linear.gather @!p1 [hbm4b:s14+s16], $0x60, $0x38;
	[tilespmem:$0x1D600] =	vst v63  }
0xa9: {  	s14 =	simm.s32 @!p2 $0xA  }
0xaa: {  	_ =	swait.ge @!p2 [sflag:s14], $0x3000  }
0xab: {  	[sflag:s14] =	ssyncset.done @!p2 $0x0  }
0xac: {  	[sflag:s14] =	ssyncadd.s32 @!p2 $0xFFFFD000;
	s14 =	simm.s32 @!p2 $0x1  }
0xad: {  	_ =	swait.ge @!p2 [sflag:s14], $0x60  }
0xae: {  	[sflag:s14] =	ssyncset.done @!p2 $0x0  }
0xaf: {  	[sflag:s14] =	ssyncadd.s32 @!p2 $0xFFFFFFA0  }
0xb0: {  	_ =	swait.ge @!p2 [sflag:s14], $0x60  }
0xb1: {  	[sflag:s14] =	ssyncset.done @!p2 $0x0  }
0xb2: {  	s15 =	simm.s32 @!p2 $0x600;
	[sflag:s14] =	ssyncadd.s32 @!p2 $0xFFFFFFA0;
	s14 =	simm.s32 @!p2 $0x60  }
0xb3: {  	[tilespmem:s15], [sflag:$0x7] =	stream.indirect.gather @!p2 [hbm4b:s4+s14], $0x80, s12, s14, $0xb8;
	[tilespmem:$0x1D600] =	vst v63  }
0xb4: {  	_ =	swait.ge [sflag:s6], $0x3000  }
0xb5: {  	p1 =	sge.u32 s18, s7;
	s16 =	rddreg [dreg:$0xf];
	[sflag:s6] =	ssyncset.done $0x0  }
0xb6: {  	s15 =	simm.s32 @!p1 $0x0;
	s14 =	rddreg [dreg:$0x5];
	[sflag:s6] =	ssyncadd.s32 $0xFFFFD000  }
0xb7: {  	[spmem:s1] =	stream.indirect.scatter.add.f32 [tilespmem:s10], [sflag:$0xB], $0x80, s16, s0, $0xb8;
	[tilespmem:$0x1D600] =	vst v63  }
0xb8: {  	s12 =	rddreg [dreg:$0x4];
	s14 =	sadd.s32 @!p1 s19, s14;
	s16 =	simm.s32 @!p1 $0x180  }
0xb9: {  	[tilespmem:s16], [sflag:$0x4] =	stream.linear.gather @!p1 [hbm4b:s14+s15], $0x60, $0x38;
	[tilespmem:$0x1D600] =	vst v63  }
0xba: {  	s12 =	sadd.s32 @!p1 s19, s12;
	s14 =	simm.s32 @!p1 $0x480  }
0xbb: {  	[tilespmem:s14], [sflag:$0x4] =	stream.linear.gather @!p1 [hbm4b:s12+s15], $0x60, $0x38;
	[tilespmem:$0x1D600] =	vst v63  }
0xbc: {  	s12 =	simm.s32 @!p0 $0xB  }
0xbd: {  	_ =	swait.ge @!p0 [sflag:s12], $0x3000  }
0xbe: {  	[sflag:s12] =	ssyncset.done @!p0 $0x0  }
0xbf: {  	[sflag:s12] =	ssyncadd.s32 @!p0 $0xFFFFD000;
	s12 =	simm.s32 @!p0 $0x2  }
0xc0: {  	_ =	swait.ge @!p0 [sflag:s12], $0x60  }
0xc1: {  	[sflag:s12] =	ssyncset.done @!p0 $0x0  }
0xc2: {  	[sflag:s12] =	ssyncadd.s32 @!p0 $0xFFFFFFA0  }
0xc3: {  	_ =	swait.ge @!p0 [sflag:s12], $0x60  }
0xc4: {  	[sflag:s12] =	ssyncset.done @!p0 $0x0  }
0xc5: {  	s14 =	simm.s32 @!p0 $0x3600;
	[sflag:s12] =	ssyncadd.s32 @!p0 $0xFFFFFFA0;
	s12 =	simm.s32 @!p0 $0x60  }
0xc6: {  	[tilespmem:s14], [sflag:$0x8] =	stream.indirect.gather @!p0 [hbm4b:s4+s12], $0x80, s20, s12, $0xb8;
	[tilespmem:$0x1D600] =	vst v63  }
0xc7: {  	_ =	swait.ge [sflag:s8], $0x3000  }
0xc8: {  	s19 =	sadd.s32 $0x48, s19;
	s24 =	rddreg [dreg:$0x3]  }
0xc9: {  	p0 =	sne.s32 s24, s19  }
.Ltmp0:
0xca: {  	_ = 	snop;
	(pc) =	sbr.rel @p0 .LBB2_2-.Ltmp0, $4  }
0xcb: {  	_ = 	snop  }
0xcc: {  	s21 =	sadd.s32 $0x240, s21;
	[sflag:s8] =	ssyncset.done $0x0  }
0xcd: {  	s18 =	sadd.s32 $0x6, s18;
	s20 =	rddreg [dreg:$0x10];
	[sflag:s8] =	ssyncadd.s32 $0xFFFFD000  }
0xce: {  	[spmem:s1] =	stream.indirect.scatter.add.f32 [tilespmem:s13], [sflag:$0xC], $0x80, s20, s0, $0xb8;
	[tilespmem:$0x1D600] =	vst v63  }
0xcf: {  	s12 =	simm.s32 $0xA  }
0xd0: {  	_ =	swait.ge [sflag:s12], $0x3000  }
0xd1: {  	[sflag:s12] =	ssyncset.done $0x0  }
0xd2: {  	s19 =	simm.s32 $0xB;
	[sflag:s12] =	ssyncadd.s32 $0xFFFFD000  }
0xd3: {  	_ =	swait.ge [sflag:s19], $0x3000  }
0xd4: {  	[sflag:s19] =	ssyncset.done $0x0  }
0xd5: {  	s20 =	simm.s32 $0xC;
	[sflag:s19] =	ssyncadd.s32 $0xFFFFD000  }
0xd6: {  	_ =	swait.ge [sflag:s20], $0x3000  }
0xd7: {  	[sflag:s20] =	ssyncset.done $0x0  }
0xd8: {  	[sflag:s20] =	ssyncadd.s32 $0xFFFFD000  }
0xd9: {  	[bflag:$0x0] =	sbarrier.arrive $0xFFFF  }
0xda: {  	s21 =	rddreg [dreg:$0x1b]  }
0xdb: {  	[hbm:s21], [sflag:s9] =	dma.local [spmem:s11], $0x2800  }
0xdc: {  	_ =	swait.ge [sflag:s22], $0x2800  }
0xdd: {  	s17 =	sadd.s32 $0x1, s17;
	s24 =	rddreg [dreg:$0x1c]  }
0xde: {  	p0 =	sne.s32 s17, s24  }
.Ltmp1:
0xdf: {  	_ = 	snop;
	(pc) =	sbr.rel @p0 .LBB2_1-.Ltmp1, $3  }
0xe0: {  	_ =	sdelay $0x1  }
0xe1: {  	[sflag:s22] =	ssyncset.done $0x0  }
0xe2: {  	[sflag:s22] =	ssyncadd.s32 $0xFFFFD800  }
0xe3: {  	_ =	sfence.sel $0x180000  }
0xe4: {  	[bflag:$0x0] =	sbarrier.arrive $0xFFFF  }
0xe5: {  	_ =	strace $0x90000050  }
0xe6: {  	s0 =	stileid.u32;
	[bflag:$0x2] =	sbarrier.arrive $0xFFFF  }
0xe7: {  	p0 =	sne.s32 s0, $0x0;
	s0 =	rddreg [dreg:$0x2]  }
0xe8: {  	s0 =	sadd.s32 @!p0 $0x100000, s0  }
0xe9: {  	[sflag:s0] =	ssyncadd.tile.s32 @!p0 $0x1;
	_ =	shalt  }
.Lfunc_end2:
_tile_overlayer_lowered:
.L_overlay_start_2:
0xea: {  	(tag) =	ssettag $0x2  }
0xeb: {  	s0 =	rddreg [dreg:$0x0];
	s2 =	stileid.u32  }
0xec: {  	s1 =	rddreg [dreg:$0x1];
	p0 =	sne.s32 s2, $0x0  }
0xed: {  	s3 =	rddreg [dreg:$0x2];
	[bflag:$0x3] =	sbarrier.arrive $0xFFFF;
	s2 =	simm.s32 @!p0 $0x1C0D  }
0xee: {  	[timem:s3], [sflag:s2] =	dma.local @!p0 [hbm:s0], s1  }
0xef: {  	s0 =	simm.s32 @!p0 $0xD  }
0xf0: {  	_ =	swait.ge @!p0 [sflag:s0], s1  }
0xf1: {  	s1 =	ssub.s32 @!p0 $0x0, s1;
	[sflag:s0] =	ssyncset.done @!p0 $0x0  }
0xf2: {  	[sflag:s0] =	ssyncadd.s32 @!p0 s1  }
0xf3: {  	[bflag:$0x3] =	sbarrier.arrive $0xFFFF  }
0xf4: {  	_ =	shalt  }

</sc_bundles>
